<compile_context>
chip_gen: v7x
topology: tpu7x:2x2x1
jax: 0.10.2.dev20260603
libtpu: 0.0.44.dev20260713+nightly
codegen_flags: <defaults>
</compile_context>

<pallas_src>
import functools

import jax
import jax.numpy as jnp
from jax import lax
from jax.experimental import pallas as pl
from jax.experimental.pallas import tpu as pltpu
from jax.experimental.pallas import tpu_sc as plsc

_info = plsc.get_sparse_core_info()
_NC, _NS = _info.num_cores, _info.num_subcores
_NW = _NC * _NS


def _make_gather(vocab: int, dim: int, hist: int, batch: int):
    assert dim == 64 and batch % 128 == 0
    nblk_n = batch // 128
    n_blocks = hist * nblk_n
    assert n_blocks % _NW == 0
    blk_per_w = n_blocks // _NW
    per_w = blk_per_w * 128
    mesh = plsc.VectorSubcoreMesh(core_axis_name="c", subcore_axis_name="s")

    @functools.partial(
        pl.kernel,
        mesh=mesh,
        out_type=jax.ShapeDtypeStruct((n_blocks * 8, 8, 128), jnp.float32),
        scratch_types=[
            pltpu.VMEM((per_w,), jnp.int32),
            pltpu.VMEM((128, dim), jnp.float32),
            pltpu.VMEM((128, dim), jnp.float32),
            pltpu.VMEM((dim, 129), jnp.float32),
            pltpu.VMEM((dim, 129), jnp.float32),
            pltpu.SemaphoreType.DMA,
            pltpu.SemaphoreType.DMA,
            pltpu.SemaphoreType.DMA,
            pltpu.SemaphoreType.DMA,
        ],
        compiler_params=pltpu.CompilerParams(
            use_tc_tiling_on_sc=False, needs_layout_passes=False
        ),
    )
    def gather_kernel(
        idx_hbm, tab_hbm, out_hbm,
        idx_v, row0, row1, blk0, blk1, gs0, gs1, ws0, ws1,
    ):
        wid = lax.axis_index("s") * _NC + lax.axis_index("c")
        base = wid * per_w
        pltpu.sync_copy(idx_hbm.at[pl.ds(base, per_w)], idx_v)

        rows = (row0, row1)
        blks = (blk0, blk1)
        gsems = (gs0, gs1)
        wsems = (ws0, ws1)

        lane = lax.iota(jnp.int32, 16)
        f_idx = [lane + j * 16 for j in range(4)]

        def start_gather(b, buf):
            pltpu.async_copy(
                tab_hbm.at[idx_v.at[pl.ds(b * 128, 128)]], rows[buf], gsems[buf]
            )

        def wait_gather(buf):
            pltpu.make_async_copy(
                tab_hbm.at[idx_v.at[pl.ds(0, 128)]], rows[buf], gsems[buf]
            ).wait()

        def assemble(buf):
            @pl.loop(0, 128, unroll=8)
            def _(n):
                n_splat = jnp.full((16,), 0, jnp.int32) + n
                for j in range(4):
                    v = rows[buf][n, pl.ds(j * 16, 16)]
                    plsc.store_scatter(blks[buf], [f_idx[j], n_splat], v)

        def start_write(b, buf):
            gb = base // 128 + b
            h = gb // nblk_n
            tn = gb - h * nblk_n
            for tf in range(8):
                r = (h * 8 + tf) * nblk_n + tn
                pltpu.async_copy(
                    blks[buf].at[pl.ds(tf * 8, 8), pl.ds(0, 128)],
                    out_hbm.at[r],
                    wsems[buf],
                )

        def wait_write(buf):
            for tf in range(8):
                pltpu.make_async_copy(
                    blks[buf].at[pl.ds(tf * 8, 8), pl.ds(0, 128)],
                    out_hbm.at[0],
                    wsems[buf],
                ).wait()

        start_gather(0, 0)
        start_gather(1, 1)
        wait_gather(0)
        start_write(0, 0)
        start_gather(2, 0)
        wait_gather(1)
        start_write(1, 1)

        @pl.loop(0, blk_per_w - 4, step=2)
        def _(o):
            for p in range(2):
                b = o + 2 + p
                start_gather(b + 1, 1 - p)
                wait_gather(p)
                wait_write(p)
                start_write(b, p)

        b = blk_per_w - 2
        start_gather(b + 1, (b + 1) % 2)
        wait_gather(b % 2)
        wait_write(b % 2)
        start_write(b, b % 2)

        b = blk_per_w - 1
        wait_gather(b % 2)
        wait_write(b % 2)
        start_write(b, b % 2)

        wait_write(0)
        wait_write(1)

    return gather_kernel


@jax.jit
def kernel(x, emb_t):
    batch, hist = x.shape
    vocab, dim = emb_t.shape
    idx_flat = jnp.transpose(x).reshape((batch * hist,)).astype(jnp.int32)
    out3 = _make_gather(vocab, dim, hist, batch)(idx_flat, emb_t)
    out5 = out3.reshape((hist, 8, batch // 128, 8, 128))
    return jnp.transpose(out5, (2, 4, 0, 1, 3)).reshape((batch, hist, dim))

# --- scband reference (transcript-rebuilt; emitter-appended) ---
"""Pipeline reference for scband-embed-38482906972799 (READ-ONLY COPY).

The authoritative reference and input builder live on the scoring server;
editing this copy changes nothing except your own understanding.
"""

import jax, jax.numpy as jnp
import numpy as np

VOCAB = 1000000
DIM = 64
BATCH = 16384
HIST = 50

def setup_inputs(seed: int = 0) -> dict:
    key = jax.random.key(seed)
    k1, k2 = jax.random.split(key)
    x = jax.random.randint(k1, (BATCH, HIST), 0, VOCAB, dtype=jnp.int64 if jax.config.jax_enable_x64 else jnp.int32)
    emb_t = jax.random.normal(k2, (VOCAB, DIM), dtype=jnp.float32)
    return {"x": x, "emb_t": emb_t}

def reference(x, emb_t):
    # tf.nn.embedding_lookup(emb_t, x) -> gather rows along axis 0
    y = jnp.take(emb_t, x, axis=0)
    # mask is None in this configuration
    return y

if __name__ == "__main__":
    import jax
    _d = setup_inputs()
    print(jax.jit(kernel)(*tuple(_d.values())))

</pallas_src>

<mosaic_0001>
#map = affine_map<(d0, d1) -> (0)>
#map1 = affine_map<(d0, d1) -> (0, 0)>
#map2 = affine_map<(d0, d1) -> (0, 0, 0)>
module attributes {stable_mosaic.version = 14 : i64} {
  func.func @gather_kernel(%arg0: i32, %arg1: i32, %arg2: memref<819200xi32, #tpu.memory_space<hbm>>, %arg3: memref<1000000x64xf32, #tpu.memory_space<hbm>>, %arg4: memref<51200x8x128xf32, #tpu.memory_space<hbm>>, %arg5: memref<25600xi32, #tpu.memory_space<vmem>>, %arg6: memref<128x64xf32, #tpu.memory_space<vmem>>, %arg7: memref<128x64xf32, #tpu.memory_space<vmem>>, %arg8: memref<64x129xf32, #tpu.memory_space<vmem>>, %arg9: memref<64x129xf32, #tpu.memory_space<vmem>>, %arg10: memref<!tpu.dma_semaphore, #tpu.memory_space<semaphore_mem>>, %arg11: memref<!tpu.dma_semaphore, #tpu.memory_space<semaphore_mem>>, %arg12: memref<!tpu.dma_semaphore, #tpu.memory_space<semaphore_mem>>, %arg13: memref<!tpu.dma_semaphore, #tpu.memory_space<semaphore_mem>>) attributes {dimension_semantics = [#tpu.dimension_semantics<core_parallel>, #tpu.dimension_semantics<subcore_parallel>], iteration_bounds = array<i64: 2, 16>, scalar_prefetch = 0 : i64, scratch_operands = 9 : i64, tpu.core_type = #tpu.core_type<sc_vector_subcore>, window_params = [{transform_indices = #map}, {transform_indices = #map1}, {transform_indices = #map2}]} {
    %mul3A = arith.constant 2 : i32
    %mul3A_0 = arith.muli %arg1, %mul3A : i32
    %add3A = arith.addi %mul3A_0, %arg0 : i32
    %mul3A_1 = arith.constant 25600 : i32
    %mul3A_2 = arith.muli %add3A, %mul3A_1 : i32
    "tpu.region"() ({
      %run_scoped3A = tpu.sem_alloc : memref<!tpu.dma_semaphore, #tpu.memory_space<semaphore_mem>>
      %dma_start3A_1413 = tpu.memref_slice %arg2[%mul3A_2] : memref<819200xi32, #tpu.memory_space<hbm>> -> memref<25600xi32, #tpu.memory_space<hbm>>
      %dma_start3A_1414 = tpu.memref_slice %arg2[%mul3A_2] : memref<819200xi32, #tpu.memory_space<hbm>> -> memref<25600xi32, #tpu.memory_space<hbm>>
      tpu.enqueue_dma source(%dma_start3A_1414 : memref<25600xi32, #tpu.memory_space<hbm>>) target(%arg5 : memref<25600xi32, #tpu.memory_space<vmem>>) target_semaphore(%run_scoped3A : memref<!tpu.dma_semaphore, #tpu.memory_space<semaphore_mem>>)
      %dma_wait3A_1415 = tpu.memref_slice %arg2[%mul3A_2] : memref<819200xi32, #tpu.memory_space<hbm>> -> memref<25600xi32, #tpu.memory_space<hbm>>
      %dma_wait3A_1416 = tpu.memref_slice %arg2[%mul3A_2] : memref<819200xi32, #tpu.memory_space<hbm>> -> memref<25600xi32, #tpu.memory_space<hbm>>
      tpu.wait_dma2 semaphore(%run_scoped3A : memref<!tpu.dma_semaphore, #tpu.memory_space<semaphore_mem>>) src(%dma_wait3A_1416 : memref<25600xi32, #tpu.memory_space<hbm>>) dst(%arg5 : memref<25600xi32, #tpu.memory_space<vmem>>)
      tpu.yield
    }) : () -> ()
    %iota3A = tpu.iota {dimensions = array<i32: 0>} : vector<16xi32>
    %add3A_3 = arith.constant 0 : i32
    %add3A_4 = vector.broadcast %add3A_3 : i32 to vector<16xi32>
    %add3A_5 = arith.addi %iota3A, %add3A_4 : vector<16xi32>
    %add3A_6 = arith.constant 16 : i32
    %add3A_7 = vector.broadcast %add3A_6 : i32 to vector<16xi32>
    %add3A_8 = arith.addi %iota3A, %add3A_7 : vector<16xi32>
    %add3A_9 = arith.constant 32 : i32
    %add3A_10 = vector.broadcast %add3A_9 : i32 to vector<16xi32>
    %add3A_11 = arith.addi %iota3A, %add3A_10 : vector<16xi32>
    %add3A_12 = arith.constant 48 : i32
    %add3A_13 = vector.broadcast %add3A_12 : i32 to vector<16xi32>
    %add3A_14 = arith.addi %iota3A, %add3A_13 : vector<16xi32>
    %dma_start3A = arith.constant 0 : i32
    %dma_start3A_15 = tpu.memref_slice %arg5[%dma_start3A] : memref<25600xi32, #tpu.memory_space<vmem>> -> memref<128xi32, #tpu.memory_space<vmem>>
    %dma_start3A_16 = arith.constant 0 : i32
    %dma_start3A_17 = arith.constant 0 : i32
    %dma_start3A_18 = tpu.memref_slice %arg3[%dma_start3A_16, %dma_start3A_17] : memref<1000000x64xf32, #tpu.memory_space<hbm>> -> memref<1000000x64xf32, #tpu.memory_space<hbm>>
    tpu.enqueue_indirect_dma source(%dma_start3A_18 : memref<1000000x64xf32, #tpu.memory_space<hbm>>) target(%arg6 : memref<128x64xf32, #tpu.memory_space<vmem>>) offsets(%dma_start3A_15 : memref<128xi32, #tpu.memory_space<vmem>>) semaphore(%arg10 : memref<!tpu.dma_semaphore, #tpu.memory_space<semaphore_mem>>)
    %dma_start3A_19 = arith.constant 128 : i32
    %dma_start3A_20 = tpu.memref_slice %arg5[%dma_start3A_19] : memref<25600xi32, #tpu.memory_space<vmem>> -> memref<128xi32, #tpu.memory_space<vmem>>
    %dma_start3A_21 = arith.constant 0 : i32
    %dma_start3A_22 = arith.constant 0 : i32
    %dma_start3A_23 = tpu.memref_slice %arg3[%dma_start3A_21, %dma_start3A_22] : memref<1000000x64xf32, #tpu.memory_space<hbm>> -> memref<1000000x64xf32, #tpu.memory_space<hbm>>
    tpu.enqueue_indirect_dma source(%dma_start3A_23 : memref<1000000x64xf32, #tpu.memory_space<hbm>>) target(%arg7 : memref<128x64xf32, #tpu.memory_space<vmem>>) offsets(%dma_start3A_20 : memref<128xi32, #tpu.memory_space<vmem>>) semaphore(%arg11 : memref<!tpu.dma_semaphore, #tpu.memory_space<semaphore_mem>>)
    %dma_wait3A = arith.constant 0 : i32
    %dma_wait3A_24 = tpu.memref_slice %arg5[%dma_wait3A] : memref<25600xi32, #tpu.memory_space<vmem>> -> memref<128xi32, #tpu.memory_space<vmem>>
    %dma_wait3A_25 = arith.constant 0 : i32
    %dma_wait3A_26 = arith.constant 0 : i32
    %dma_wait3A_27 = tpu.memref_slice %arg3[%dma_wait3A_25, %dma_wait3A_26] : memref<1000000x64xf32, #tpu.memory_space<hbm>> -> memref<1000000x64xf32, #tpu.memory_space<hbm>>
    tpu.wait_indirect_dma semaphore(%arg10 : memref<!tpu.dma_semaphore, #tpu.memory_space<semaphore_mem>>) src(%dma_wait3A_27 : memref<1000000x64xf32, #tpu.memory_space<hbm>>) dst(%arg6 : memref<128x64xf32, #tpu.memory_space<vmem>>)
    %jit3A = arith.constant 128 : i32
    %div3A = arith.divsi %mul3A_2, %jit3A : i32
    %sign3A = arith.constant 0 : i32
    %sign3A_28 = arith.cmpi sgt, %mul3A_2, %sign3A : i32
    %sign3A_29 = arith.extui %sign3A_28 : i1 to i32
    %sign3A_30 = arith.constant 0 : i32
    %sign3A_31 = arith.cmpi slt, %mul3A_2, %sign3A_30 : i32
    %sign3A_32 = arith.extui %sign3A_31 : i1 to i32
    %sign3A_33 = arith.subi %sign3A_29, %sign3A_32 : i32
    %sign3A_34 = arith.constant 0 : i32
    %sign3A_35 = arith.cmpi sgt, %jit3A, %sign3A_34 : i32
    %sign3A_36 = arith.extui %sign3A_35 : i1 to i32
    %sign3A_37 = arith.constant 0 : i32
    %sign3A_38 = arith.cmpi slt, %jit3A, %sign3A_37 : i32
    %sign3A_39 = arith.extui %sign3A_38 : i1 to i32
    %sign3A_40 = arith.subi %sign3A_36, %sign3A_39 : i32
    %ne3A = arith.cmpi ne, %sign3A_33, %sign3A_40 : i32
    %rem3A = arith.remsi %mul3A_2, %jit3A : i32
    %ne3A_41 = arith.constant 0 : i32
    %ne3A_42 = arith.cmpi ne, %rem3A, %ne3A_41 : i32
    %and3A = arith.andi %ne3A, %ne3A_42 : i1
    %sub3A = arith.constant 1 : i32
    %sub3A_43 = arith.subi %div3A, %sub3A : i32
    %select_n3A = arith.select %and3A, %sub3A_43, %div3A : i32
    %add3A_44 = arith.constant 0 : i32
    %add3A_45 = arith.addi %select_n3A, %add3A_44 : i32
    %jit3A_46 = arith.constant 128 : i32
    %div3A_47 = arith.divsi %add3A_45, %jit3A_46 : i32
    %sign3A_48 = arith.constant 0 : i32
    %sign3A_49 = arith.cmpi sgt, %add3A_45, %sign3A_48 : i32
    %sign3A_50 = arith.extui %sign3A_49 : i1 to i32
    %sign3A_51 = arith.constant 0 : i32
    %sign3A_52 = arith.cmpi slt, %add3A_45, %sign3A_51 : i32
    %sign3A_53 = arith.extui %sign3A_52 : i1 to i32
    %sign3A_54 = arith.subi %sign3A_50, %sign3A_53 : i32
    %sign3A_55 = arith.constant 0 : i32
    %sign3A_56 = arith.cmpi sgt, %jit3A_46, %sign3A_55 : i32
    %sign3A_57 = arith.extui %sign3A_56 : i1 to i32
    %sign3A_58 = arith.constant 0 : i32
    %sign3A_59 = arith.cmpi slt, %jit3A_46, %sign3A_58 : i32
    %sign3A_60 = arith.extui %sign3A_59 : i1 to i32
    %sign3A_61 = arith.subi %sign3A_57, %sign3A_60 : i32
    %ne3A_62 = arith.cmpi ne, %sign3A_54, %sign3A_61 : i32
    %rem3A_63 = arith.remsi %add3A_45, %jit3A_46 : i32
    %ne3A_64 = arith.constant 0 : i32
    %ne3A_65 = arith.cmpi ne, %rem3A_63, %ne3A_64 : i32
    %and3A_66 = arith.andi %ne3A_62, %ne3A_65 : i1
    %sub3A_67 = arith.constant 1 : i32
    %sub3A_68 = arith.subi %div3A_47, %sub3A_67 : i32
    %select_n3A_69 = arith.select %and3A_66, %sub3A_68, %div3A_47 : i32
    %mul3A_70 = arith.constant 128 : i32
    %mul3A_71 = arith.muli %select_n3A_69, %mul3A_70 : i32
    %sub3A_72 = arith.subi %add3A_45, %mul3A_71 : i32
    %mul3A_73 = arith.constant 8 : i32
    %mul3A_74 = arith.muli %select_n3A_69, %mul3A_73 : i32
    %add3A_75 = arith.constant 0 : i32
    %add3A_76 = arith.addi %mul3A_74, %add3A_75 : i32
    %mul3A_77 = arith.constant 128 : i32
    %mul3A_78 = arith.muli %add3A_76, %mul3A_77 : i32
    %add3A_79 = arith.addi %mul3A_78, %sub3A_72 : i32
    %dma_start3A_80 = arith.constant 0 : i32
    %dma_start3A_81 = arith.constant 0 : i32
    %dma_start3A_82 = tpu.memref_slice %arg8[%dma_start3A_80, %dma_start3A_81] : memref<64x129xf32, #tpu.memory_space<vmem>> -> memref<8x128xf32, #tpu.memory_space<vmem>>
    %dma_start3A_83 = arith.constant 0 : i32
    %dma_start3A_84 = arith.constant 0 : i32
    %dma_start3A_85 = tpu.memref_slice %arg4[%add3A_79, %dma_start3A_83, %dma_start3A_84] : memref<51200x8x128xf32, #tpu.memory_space<hbm>> -> memref<1x8x128xf32, #tpu.memory_space<hbm>>
    %dma_start3A_86 = tpu.memref_squeeze %dma_start3A_85 : memref<1x8x128xf32, #tpu.memory_space<hbm>> -> memref<8x128xf32, #tpu.memory_space<hbm>>
    %dma_start3A_87 = arith.constant 0 : i32
    %dma_start3A_88 = arith.constant 0 : i32
    %dma_start3A_89 = tpu.memref_slice %arg4[%add3A_79, %dma_start3A_87, %dma_start3A_88] : memref<51200x8x128xf32, #tpu.memory_space<hbm>> -> memref<1x8x128xf32, #tpu.memory_space<hbm>>
    %dma_start3A_90 = tpu.memref_squeeze %dma_start3A_89 : memref<1x8x128xf32, #tpu.memory_space<hbm>> -> memref<8x128xf32, #tpu.memory_space<hbm>>
    %dma_start3A_91 = arith.constant 0 : i32
    %dma_start3A_92 = arith.constant 0 : i32
    %dma_start3A_93 = tpu.memref_slice %arg8[%dma_start3A_91, %dma_start3A_92] : memref<64x129xf32, #tpu.memory_space<vmem>> -> memref<8x128xf32, #tpu.memory_space<vmem>>
    tpu.enqueue_dma source(%dma_start3A_93 : memref<8x128xf32, #tpu.memory_space<vmem>>) target(%dma_start3A_90 : memref<8x128xf32, #tpu.memory_space<hbm>>) target_semaphore(%arg12 : memref<!tpu.dma_semaphore, #tpu.memory_space<semaphore_mem>>)
    %mul3A_94 = arith.constant 8 : i32
    %mul3A_95 = arith.muli %select_n3A_69, %mul3A_94 : i32
    %add3A_96 = arith.constant 1 : i32
    %add3A_97 = arith.addi %mul3A_95, %add3A_96 : i32
    %mul3A_98 = arith.constant 128 : i32
    %mul3A_99 = arith.muli %add3A_97, %mul3A_98 : i32
    %add3A_100 = arith.addi %mul3A_99, %sub3A_72 : i32
    %dma_start3A_101 = arith.constant 8 : i32
    %dma_start3A_102 = arith.constant 0 : i32
    %dma_start3A_103 = tpu.memref_slice %arg8[%dma_start3A_101, %dma_start3A_102] : memref<64x129xf32, #tpu.memory_space<vmem>> -> memref<8x128xf32, #tpu.memory_space<vmem>>
    %dma_start3A_104 = arith.constant 0 : i32
    %dma_start3A_105 = arith.constant 0 : i32
    %dma_start3A_106 = tpu.memref_slice %arg4[%add3A_100, %dma_start3A_104, %dma_start3A_105] : memref<51200x8x128xf32, #tpu.memory_space<hbm>> -> memref<1x8x128xf32, #tpu.memory_space<hbm>>
    %dma_start3A_107 = tpu.memref_squeeze %dma_start3A_106 : memref<1x8x128xf32, #tpu.memory_space<hbm>> -> memref<8x128xf32, #tpu.memory_space<hbm>>
    %dma_start3A_108 = arith.constant 0 : i32
    %dma_start3A_109 = arith.constant 0 : i32
    %dma_start3A_110 = tpu.memref_slice %arg4[%add3A_100, %dma_start3A_108, %dma_start3A_109] : memref<51200x8x128xf32, #tpu.memory_space<hbm>> -> memref<1x8x128xf32, #tpu.memory_space<hbm>>
    %dma_start3A_111 = tpu.memref_squeeze %dma_start3A_110 : memref<1x8x128xf32, #tpu.memory_space<hbm>> -> memref<8x128xf32, #tpu.memory_space<hbm>>
    %dma_start3A_112 = arith.constant 8 : i32
    %dma_start3A_113 = arith.constant 0 : i32
    %dma_start3A_114 = tpu.memref_slice %arg8[%dma_start3A_112, %dma_start3A_113] : memref<64x129xf32, #tpu.memory_space<vmem>> -> memref<8x128xf32, #tpu.memory_space<vmem>>
    tpu.enqueue_dma source(%dma_start3A_114 : memref<8x128xf32, #tpu.memory_space<vmem>>) target(%dma_start3A_111 : memref<8x128xf32, #tpu.memory_space<hbm>>) target_semaphore(%arg12 : memref<!tpu.dma_semaphore, #tpu.memory_space<semaphore_mem>>)
    %mul3A_115 = arith.constant 8 : i32
    %mul3A_116 = arith.muli %select_n3A_69, %mul3A_115 : i32
    %add3A_117 = arith.constant 2 : i32
    %add3A_118 = arith.addi %mul3A_116, %add3A_117 : i32
    %mul3A_119 = arith.constant 128 : i32
    %mul3A_120 = arith.muli %add3A_118, %mul3A_119 : i32
    %add3A_121 = arith.addi %mul3A_120, %sub3A_72 : i32
    %dma_start3A_122 = arith.constant 16 : i32
    %dma_start3A_123 = arith.constant 0 : i32
    %dma_start3A_124 = tpu.memref_slice %arg8[%dma_start3A_122, %dma_start3A_123] : memref<64x129xf32, #tpu.memory_space<vmem>> -> memref<8x128xf32, #tpu.memory_space<vmem>>
    %dma_start3A_125 = arith.constant 0 : i32
    %dma_start3A_126 = arith.constant 0 : i32
    %dma_start3A_127 = tpu.memref_slice %arg4[%add3A_121, %dma_start3A_125, %dma_start3A_126] : memref<51200x8x128xf32, #tpu.memory_space<hbm>> -> memref<1x8x128xf32, #tpu.memory_space<hbm>>
    %dma_start3A_128 = tpu.memref_squeeze %dma_start3A_127 : memref<1x8x128xf32, #tpu.memory_space<hbm>> -> memref<8x128xf32, #tpu.memory_space<hbm>>
    %dma_start3A_129 = arith.constant 0 : i32
    %dma_start3A_130 = arith.constant 0 : i32
    %dma_start3A_131 = tpu.memref_slice %arg4[%add3A_121, %dma_start3A_129, %dma_start3A_130] : memref<51200x8x128xf32, #tpu.memory_space<hbm>> -> memref<1x8x128xf32, #tpu.memory_space<hbm>>
    %dma_start3A_132 = tpu.memref_squeeze %dma_start3A_131 : memref<1x8x128xf32, #tpu.memory_space<hbm>> -> memref<8x128xf32, #tpu.memory_space<hbm>>
    %dma_start3A_133 = arith.constant 16 : i32
    %dma_start3A_134 = arith.constant 0 : i32
    %dma_start3A_135 = tpu.memref_slice %arg8[%dma_start3A_133, %dma_start3A_134] : memref<64x129xf32, #tpu.memory_space<vmem>> -> memref<8x128xf32, #tpu.memory_space<vmem>>
    tpu.enqueue_dma source(%dma_start3A_135 : memref<8x128xf32, #tpu.memory_space<vmem>>) target(%dma_start3A_132 : memref<8x128xf32, #tpu.memory_space<hbm>>) target_semaphore(%arg12 : memref<!tpu.dma_semaphore, #tpu.memory_space<semaphore_mem>>)
    %mul3A_136 = arith.constant 8 : i32
    %mul3A_137 = arith.muli %select_n3A_69, %mul3A_136 : i32
    %add3A_138 = arith.constant 3 : i32
    %add3A_139 = arith.addi %mul3A_137, %add3A_138 : i32
    %mul3A_140 = arith.constant 128 : i32
    %mul3A_141 = arith.muli %add3A_139, %mul3A_140 : i32
    %add3A_142 = arith.addi %mul3A_141, %sub3A_72 : i32
    %dma_start3A_143 = arith.constant 24 : i32
    %dma_start3A_144 = arith.constant 0 : i32
    %dma_start3A_145 = tpu.memref_slice %arg8[%dma_start3A_143, %dma_start3A_144] : memref<64x129xf32, #tpu.memory_space<vmem>> -> memref<8x128xf32, #tpu.memory_space<vmem>>
    %dma_start3A_146 = arith.constant 0 : i32
    %dma_start3A_147 = arith.constant 0 : i32
    %dma_start3A_148 = tpu.memref_slice %arg4[%add3A_142, %dma_start3A_146, %dma_start3A_147] : memref<51200x8x128xf32, #tpu.memory_space<hbm>> -> memref<1x8x128xf32, #tpu.memory_space<hbm>>
    %dma_start3A_149 = tpu.memref_squeeze %dma_start3A_148 : memref<1x8x128xf32, #tpu.memory_space<hbm>> -> memref<8x128xf32, #tpu.memory_space<hbm>>
    %dma_start3A_150 = arith.constant 0 : i32
    %dma_start3A_151 = arith.constant 0 : i32
    %dma_start3A_152 = tpu.memref_slice %arg4[%add3A_142, %dma_start3A_150, %dma_start3A_151] : memref<51200x8x128xf32, #tpu.memory_space<hbm>> -> memref<1x8x128xf32, #tpu.memory_space<hbm>>
    %dma_start3A_153 = tpu.memref_squeeze %dma_start3A_152 : memref<1x8x128xf32, #tpu.memory_space<hbm>> -> memref<8x128xf32, #tpu.memory_space<hbm>>
    %dma_start3A_154 = arith.constant 24 : i32
    %dma_start3A_155 = arith.constant 0 : i32
    %dma_start3A_156 = tpu.memref_slice %arg8[%dma_start3A_154, %dma_start3A_155] : memref<64x129xf32, #tpu.memory_space<vmem>> -> memref<8x128xf32, #tpu.memory_space<vmem>>
    tpu.enqueue_dma source(%dma_start3A_156 : memref<8x128xf32, #tpu.memory_space<vmem>>) target(%dma_start3A_153 : memref<8x128xf32, #tpu.memory_space<hbm>>) target_semaphore(%arg12 : memref<!tpu.dma_semaphore, #tpu.memory_space<semaphore_mem>>)
    %mul3A_157 = arith.constant 8 : i32
    %mul3A_158 = arith.muli %select_n3A_69, %mul3A_157 : i32
    %add3A_159 = arith.constant 4 : i32
    %add3A_160 = arith.addi %mul3A_158, %add3A_159 : i32
    %mul3A_161 = arith.constant 128 : i32
    %mul3A_162 = arith.muli %add3A_160, %mul3A_161 : i32
    %add3A_163 = arith.addi %mul3A_162, %sub3A_72 : i32
    %dma_start3A_164 = arith.constant 32 : i32
    %dma_start3A_165 = arith.constant 0 : i32
    %dma_start3A_166 = tpu.memref_slice %arg8[%dma_start3A_164, %dma_start3A_165] : memref<64x129xf32, #tpu.memory_space<vmem>> -> memref<8x128xf32, #tpu.memory_space<vmem>>
    %dma_start3A_167 = arith.constant 0 : i32
    %dma_start3A_168 = arith.constant 0 : i32
    %dma_start3A_169 = tpu.memref_slice %arg4[%add3A_163, %dma_start3A_167, %dma_start3A_168] : memref<51200x8x128xf32, #tpu.memory_space<hbm>> -> memref<1x8x128xf32, #tpu.memory_space<hbm>>
    %dma_start3A_170 = tpu.memref_squeeze %dma_start3A_169 : memref<1x8x128xf32, #tpu.memory_space<hbm>> -> memref<8x128xf32, #tpu.memory_space<hbm>>
    %dma_start3A_171 = arith.constant 0 : i32
    %dma_start3A_172 = arith.constant 0 : i32
    %dma_start3A_173 = tpu.memref_slice %arg4[%add3A_163, %dma_start3A_171, %dma_start3A_172] : memref<51200x8x128xf32, #tpu.memory_space<hbm>> -> memref<1x8x128xf32, #tpu.memory_space<hbm>>
    %dma_start3A_174 = tpu.memref_squeeze %dma_start3A_173 : memref<1x8x128xf32, #tpu.memory_space<hbm>> -> memref<8x128xf32, #tpu.memory_space<hbm>>
    %dma_start3A_175 = arith.constant 32 : i32
    %dma_start3A_176 = arith.constant 0 : i32
    %dma_start3A_177 = tpu.memref_slice %arg8[%dma_start3A_175, %dma_start3A_176] : memref<64x129xf32, #tpu.memory_space<vmem>> -> memref<8x128xf32, #tpu.memory_space<vmem>>
    tpu.enqueue_dma source(%dma_start3A_177 : memref<8x128xf32, #tpu.memory_space<vmem>>) target(%dma_start3A_174 : memref<8x128xf32, #tpu.memory_space<hbm>>) target_semaphore(%arg12 : memref<!tpu.dma_semaphore, #tpu.memory_space<semaphore_mem>>)
    %mul3A_178 = arith.constant 8 : i32
    %mul3A_179 = arith.muli %select_n3A_69, %mul3A_178 : i32
    %add3A_180 = arith.constant 5 : i32
    %add3A_181 = arith.addi %mul3A_179, %add3A_180 : i32
    %mul3A_182 = arith.constant 128 : i32
    %mul3A_183 = arith.muli %add3A_181, %mul3A_182 : i32
    %add3A_184 = arith.addi %mul3A_183, %sub3A_72 : i32
    %dma_start3A_185 = arith.constant 40 : i32
    %dma_start3A_186 = arith.constant 0 : i32
    %dma_start3A_187 = tpu.memref_slice %arg8[%dma_start3A_185, %dma_start3A_186] : memref<64x129xf32, #tpu.memory_space<vmem>> -> memref<8x128xf32, #tpu.memory_space<vmem>>
    %dma_start3A_188 = arith.constant 0 : i32
    %dma_start3A_189 = arith.constant 0 : i32
    %dma_start3A_190 = tpu.memref_slice %arg4[%add3A_184, %dma_start3A_188, %dma_start3A_189] : memref<51200x8x128xf32, #tpu.memory_space<hbm>> -> memref<1x8x128xf32, #tpu.memory_space<hbm>>
    %dma_start3A_191 = tpu.memref_squeeze %dma_start3A_190 : memref<1x8x128xf32, #tpu.memory_space<hbm>> -> memref<8x128xf32, #tpu.memory_space<hbm>>
    %dma_start3A_192 = arith.constant 0 : i32
    %dma_start3A_193 = arith.constant 0 : i32
    %dma_start3A_194 = tpu.memref_slice %arg4[%add3A_184, %dma_start3A_192, %dma_start3A_193] : memref<51200x8x128xf32, #tpu.memory_space<hbm>> -> memref<1x8x128xf32, #tpu.memory_space<hbm>>
    %dma_start3A_195 = tpu.memref_squeeze %dma_start3A_194 : memref<1x8x128xf32, #tpu.memory_space<hbm>> -> memref<8x128xf32, #tpu.memory_space<hbm>>
    %dma_start3A_196 = arith.constant 40 : i32
    %dma_start3A_197 = arith.constant 0 : i32
    %dma_start3A_198 = tpu.memref_slice %arg8[%dma_start3A_196, %dma_start3A_197] : memref<64x129xf32, #tpu.memory_space<vmem>> -> memref<8x128xf32, #tpu.memory_space<vmem>>
    tpu.enqueue_dma source(%dma_start3A_198 : memref<8x128xf32, #tpu.memory_space<vmem>>) target(%dma_start3A_195 : memref<8x128xf32, #tpu.memory_space<hbm>>) target_semaphore(%arg12 : memref<!tpu.dma_semaphore, #tpu.memory_space<semaphore_mem>>)
    %mul3A_199 = arith.constant 8 : i32
    %mul3A_200 = arith.muli %select_n3A_69, %mul3A_199 : i32
    %add3A_201 = arith.constant 6 : i32
    %add3A_202 = arith.addi %mul3A_200, %add3A_201 : i32
    %mul3A_203 = arith.constant 128 : i32
    %mul3A_204 = arith.muli %add3A_202, %mul3A_203 : i32
    %add3A_205 = arith.addi %mul3A_204, %sub3A_72 : i32
    %dma_start3A_206 = arith.constant 48 : i32
    %dma_start3A_207 = arith.constant 0 : i32
    %dma_start3A_208 = tpu.memref_slice %arg8[%dma_start3A_206, %dma_start3A_207] : memref<64x129xf32, #tpu.memory_space<vmem>> -> memref<8x128xf32, #tpu.memory_space<vmem>>
    %dma_start3A_209 = arith.constant 0 : i32
    %dma_start3A_210 = arith.constant 0 : i32
    %dma_start3A_211 = tpu.memref_slice %arg4[%add3A_205, %dma_start3A_209, %dma_start3A_210] : memref<51200x8x128xf32, #tpu.memory_space<hbm>> -> memref<1x8x128xf32, #tpu.memory_space<hbm>>
    %dma_start3A_212 = tpu.memref_squeeze %dma_start3A_211 : memref<1x8x128xf32, #tpu.memory_space<hbm>> -> memref<8x128xf32, #tpu.memory_space<hbm>>
    %dma_start3A_213 = arith.constant 0 : i32
    %dma_start3A_214 = arith.constant 0 : i32
    %dma_start3A_215 = tpu.memref_slice %arg4[%add3A_205, %dma_start3A_213, %dma_start3A_214] : memref<51200x8x128xf32, #tpu.memory_space<hbm>> -> memref<1x8x128xf32, #tpu.memory_space<hbm>>
    %dma_start3A_216 = tpu.memref_squeeze %dma_start3A_215 : memref<1x8x128xf32, #tpu.memory_space<hbm>> -> memref<8x128xf32, #tpu.memory_space<hbm>>
    %dma_start3A_217 = arith.constant 48 : i32
    %dma_start3A_218 = arith.constant 0 : i32
    %dma_start3A_219 = tpu.memref_slice %arg8[%dma_start3A_217, %dma_start3A_218] : memref<64x129xf32, #tpu.memory_space<vmem>> -> memref<8x128xf32, #tpu.memory_space<vmem>>
    tpu.enqueue_dma source(%dma_start3A_219 : memref<8x128xf32, #tpu.memory_space<vmem>>) target(%dma_start3A_216 : memref<8x128xf32, #tpu.memory_space<hbm>>) target_semaphore(%arg12 : memref<!tpu.dma_semaphore, #tpu.memory_space<semaphore_mem>>)
    %mul3A_220 = arith.constant 8 : i32
    %mul3A_221 = arith.muli %select_n3A_69, %mul3A_220 : i32
    %add3A_222 = arith.constant 7 : i32
    %add3A_223 = arith.addi %mul3A_221, %add3A_222 : i32
    %mul3A_224 = arith.constant 128 : i32
    %mul3A_225 = arith.muli %add3A_223, %mul3A_224 : i32
    %add3A_226 = arith.addi %mul3A_225, %sub3A_72 : i32
    %dma_start3A_227 = arith.constant 56 : i32
    %dma_start3A_228 = arith.constant 0 : i32
    %dma_start3A_229 = tpu.memref_slice %arg8[%dma_start3A_227, %dma_start3A_228] : memref<64x129xf32, #tpu.memory_space<vmem>> -> memref<8x128xf32, #tpu.memory_space<vmem>>
    %dma_start3A_230 = arith.constant 0 : i32
    %dma_start3A_231 = arith.constant 0 : i32
    %dma_start3A_232 = tpu.memref_slice %arg4[%add3A_226, %dma_start3A_230, %dma_start3A_231] : memref<51200x8x128xf32, #tpu.memory_space<hbm>> -> memref<1x8x128xf32, #tpu.memory_space<hbm>>
    %dma_start3A_233 = tpu.memref_squeeze %dma_start3A_232 : memref<1x8x128xf32, #tpu.memory_space<hbm>> -> memref<8x128xf32, #tpu.memory_space<hbm>>
    %dma_start3A_234 = arith.constant 0 : i32
    %dma_start3A_235 = arith.constant 0 : i32
    %dma_start3A_236 = tpu.memref_slice %arg4[%add3A_226, %dma_start3A_234, %dma_start3A_235] : memref<51200x8x128xf32, #tpu.memory_space<hbm>> -> memref<1x8x128xf32, #tpu.memory_space<hbm>>
    %dma_start3A_237 = tpu.memref_squeeze %dma_start3A_236 : memref<1x8x128xf32, #tpu.memory_space<hbm>> -> memref<8x128xf32, #tpu.memory_space<hbm>>
    %dma_start3A_238 = arith.constant 56 : i32
    %dma_start3A_239 = arith.constant 0 : i32
    %dma_start3A_240 = tpu.memref_slice %arg8[%dma_start3A_238, %dma_start3A_239] : memref<64x129xf32, #tpu.memory_space<vmem>> -> memref<8x128xf32, #tpu.memory_space<vmem>>
    tpu.enqueue_dma source(%dma_start3A_240 : memref<8x128xf32, #tpu.memory_space<vmem>>) target(%dma_start3A_237 : memref<8x128xf32, #tpu.memory_space<hbm>>) target_semaphore(%arg12 : memref<!tpu.dma_semaphore, #tpu.memory_space<semaphore_mem>>)
    %dma_start3A_241 = arith.constant 256 : i32
    %dma_start3A_242 = tpu.memref_slice %arg5[%dma_start3A_241] : memref<25600xi32, #tpu.memory_space<vmem>> -> memref<128xi32, #tpu.memory_space<vmem>>
    %dma_start3A_243 = arith.constant 0 : i32
    %dma_start3A_244 = arith.constant 0 : i32
    %dma_start3A_245 = tpu.memref_slice %arg3[%dma_start3A_243, %dma_start3A_244] : memref<1000000x64xf32, #tpu.memory_space<hbm>> -> memref<1000000x64xf32, #tpu.memory_space<hbm>>
    tpu.enqueue_indirect_dma source(%dma_start3A_245 : memref<1000000x64xf32, #tpu.memory_space<hbm>>) target(%arg6 : memref<128x64xf32, #tpu.memory_space<vmem>>) offsets(%dma_start3A_242 : memref<128xi32, #tpu.memory_space<vmem>>) semaphore(%arg10 : memref<!tpu.dma_semaphore, #tpu.memory_space<semaphore_mem>>)
    %dma_wait3A_246 = arith.constant 0 : i32
    %dma_wait3A_247 = tpu.memref_slice %arg5[%dma_wait3A_246] : memref<25600xi32, #tpu.memory_space<vmem>> -> memref<128xi32, #tpu.memory_space<vmem>>
    %dma_wait3A_248 = arith.constant 0 : i32
    %dma_wait3A_249 = arith.constant 0 : i32
    %dma_wait3A_250 = tpu.memref_slice %arg3[%dma_wait3A_248, %dma_wait3A_249] : memref<1000000x64xf32, #tpu.memory_space<hbm>> -> memref<1000000x64xf32, #tpu.memory_space<hbm>>
    tpu.wait_indirect_dma semaphore(%arg11 : memref<!tpu.dma_semaphore, #tpu.memory_space<semaphore_mem>>) src(%dma_wait3A_250 : memref<1000000x64xf32, #tpu.memory_space<hbm>>) dst(%arg7 : memref<128x64xf32, #tpu.memory_space<vmem>>)
    %jit3A_251 = arith.constant 128 : i32
    %div3A_252 = arith.divsi %mul3A_2, %jit3A_251 : i32
    %sign3A_253 = arith.constant 0 : i32
    %sign3A_254 = arith.cmpi sgt, %mul3A_2, %sign3A_253 : i32
    %sign3A_255 = arith.extui %sign3A_254 : i1 to i32
    %sign3A_256 = arith.constant 0 : i32
    %sign3A_257 = arith.cmpi slt, %mul3A_2, %sign3A_256 : i32
    %sign3A_258 = arith.extui %sign3A_257 : i1 to i32
    %sign3A_259 = arith.subi %sign3A_255, %sign3A_258 : i32
    %sign3A_260 = arith.constant 0 : i32
    %sign3A_261 = arith.cmpi sgt, %jit3A_251, %sign3A_260 : i32
    %sign3A_262 = arith.extui %sign3A_261 : i1 to i32
    %sign3A_263 = arith.constant 0 : i32
    %sign3A_264 = arith.cmpi slt, %jit3A_251, %sign3A_263 : i32
    %sign3A_265 = arith.extui %sign3A_264 : i1 to i32
    %sign3A_266 = arith.subi %sign3A_262, %sign3A_265 : i32
    %ne3A_267 = arith.cmpi ne, %sign3A_259, %sign3A_266 : i32
    %rem3A_268 = arith.remsi %mul3A_2, %jit3A_251 : i32
    %ne3A_269 = arith.constant 0 : i32
    %ne3A_270 = arith.cmpi ne, %rem3A_268, %ne3A_269 : i32
    %and3A_271 = arith.andi %ne3A_267, %ne3A_270 : i1
    %sub3A_272 = arith.constant 1 : i32
    %sub3A_273 = arith.subi %div3A_252, %sub3A_272 : i32
    %select_n3A_274 = arith.select %and3A_271, %sub3A_273, %div3A_252 : i32
    %add3A_275 = arith.constant 1 : i32
    %add3A_276 = arith.addi %select_n3A_274, %add3A_275 : i32
    %jit3A_277 = arith.constant 128 : i32
    %div3A_278 = arith.divsi %add3A_276, %jit3A_277 : i32
    %sign3A_279 = arith.constant 0 : i32
    %sign3A_280 = arith.cmpi sgt, %add3A_276, %sign3A_279 : i32
    %sign3A_281 = arith.extui %sign3A_280 : i1 to i32
    %sign3A_282 = arith.constant 0 : i32
    %sign3A_283 = arith.cmpi slt, %add3A_276, %sign3A_282 : i32
    %sign3A_284 = arith.extui %sign3A_283 : i1 to i32
    %sign3A_285 = arith.subi %sign3A_281, %sign3A_284 : i32
    %sign3A_286 = arith.constant 0 : i32
    %sign3A_287 = arith.cmpi sgt, %jit3A_277, %sign3A_286 : i32
    %sign3A_288 = arith.extui %sign3A_287 : i1 to i32
    %sign3A_289 = arith.constant 0 : i32
    %sign3A_290 = arith.cmpi slt, %jit3A_277, %sign3A_289 : i32
    %sign3A_291 = arith.extui %sign3A_290 : i1 to i32
    %sign3A_292 = arith.subi %sign3A_288, %sign3A_291 : i32
    %ne3A_293 = arith.cmpi ne, %sign3A_285, %sign3A_292 : i32
    %rem3A_294 = arith.remsi %add3A_276, %jit3A_277 : i32
    %ne3A_295 = arith.constant 0 : i32
    %ne3A_296 = arith.cmpi ne, %rem3A_294, %ne3A_295 : i32
    %and3A_297 = arith.andi %ne3A_293, %ne3A_296 : i1
    %sub3A_298 = arith.constant 1 : i32
    %sub3A_299 = arith.subi %div3A_278, %sub3A_298 : i32
    %select_n3A_300 = arith.select %and3A_297, %sub3A_299, %div3A_278 : i32
    %mul3A_301 = arith.constant 128 : i32
    %mul3A_302 = arith.muli %select_n3A_300, %mul3A_301 : i32
    %sub3A_303 = arith.subi %add3A_276, %mul3A_302 : i32
    %mul3A_304 = arith.constant 8 : i32
    %mul3A_305 = arith.muli %select_n3A_300, %mul3A_304 : i32
    %add3A_306 = arith.constant 0 : i32
    %add3A_307 = arith.addi %mul3A_305, %add3A_306 : i32
    %mul3A_308 = arith.constant 128 : i32
    %mul3A_309 = arith.muli %add3A_307, %mul3A_308 : i32
    %add3A_310 = arith.addi %mul3A_309, %sub3A_303 : i32
    %dma_start3A_311 = arith.constant 0 : i32
    %dma_start3A_312 = arith.constant 0 : i32
    %dma_start3A_313 = tpu.memref_slice %arg9[%dma_start3A_311, %dma_start3A_312] : memref<64x129xf32, #tpu.memory_space<vmem>> -> memref<8x128xf32, #tpu.memory_space<vmem>>
    %dma_start3A_314 = arith.constant 0 : i32
    %dma_start3A_315 = arith.constant 0 : i32
    %dma_start3A_316 = tpu.memref_slice %arg4[%add3A_310, %dma_start3A_314, %dma_start3A_315] : memref<51200x8x128xf32, #tpu.memory_space<hbm>> -> memref<1x8x128xf32, #tpu.memory_space<hbm>>
    %dma_start3A_317 = tpu.memref_squeeze %dma_start3A_316 : memref<1x8x128xf32, #tpu.memory_space<hbm>> -> memref<8x128xf32, #tpu.memory_space<hbm>>
    %dma_start3A_318 = arith.constant 0 : i32
    %dma_start3A_319 = arith.constant 0 : i32
    %dma_start3A_320 = tpu.memref_slice %arg4[%add3A_310, %dma_start3A_318, %dma_start3A_319] : memref<51200x8x128xf32, #tpu.memory_space<hbm>> -> memref<1x8x128xf32, #tpu.memory_space<hbm>>
    %dma_start3A_321 = tpu.memref_squeeze %dma_start3A_320 : memref<1x8x128xf32, #tpu.memory_space<hbm>> -> memref<8x128xf32, #tpu.memory_space<hbm>>
    %dma_start3A_322 = arith.constant 0 : i32
    %dma_start3A_323 = arith.constant 0 : i32
    %dma_start3A_324 = tpu.memref_slice %arg9[%dma_start3A_322, %dma_start3A_323] : memref<64x129xf32, #tpu.memory_space<vmem>> -> memref<8x128xf32, #tpu.memory_space<vmem>>
    tpu.enqueue_dma source(%dma_start3A_324 : memref<8x128xf32, #tpu.memory_space<vmem>>) target(%dma_start3A_321 : memref<8x128xf32, #tpu.memory_space<hbm>>) target_semaphore(%arg13 : memref<!tpu.dma_semaphore, #tpu.memory_space<semaphore_mem>>)
    %mul3A_325 = arith.constant 8 : i32
    %mul3A_326 = arith.muli %select_n3A_300, %mul3A_325 : i32
    %add3A_327 = arith.constant 1 : i32
    %add3A_328 = arith.addi %mul3A_326, %add3A_327 : i32
    %mul3A_329 = arith.constant 128 : i32
    %mul3A_330 = arith.muli %add3A_328, %mul3A_329 : i32
    %add3A_331 = arith.addi %mul3A_330, %sub3A_303 : i32
    %dma_start3A_332 = arith.constant 8 : i32
    %dma_start3A_333 = arith.constant 0 : i32
    %dma_start3A_334 = tpu.memref_slice %arg9[%dma_start3A_332, %dma_start3A_333] : memref<64x129xf32, #tpu.memory_space<vmem>> -> memref<8x128xf32, #tpu.memory_space<vmem>>
    %dma_start3A_335 = arith.constant 0 : i32
    %dma_start3A_336 = arith.constant 0 : i32
    %dma_start3A_337 = tpu.memref_slice %arg4[%add3A_331, %dma_start3A_335, %dma_start3A_336] : memref<51200x8x128xf32, #tpu.memory_space<hbm>> -> memref<1x8x128xf32, #tpu.memory_space<hbm>>
    %dma_start3A_338 = tpu.memref_squeeze %dma_start3A_337 : memref<1x8x128xf32, #tpu.memory_space<hbm>> -> memref<8x128xf32, #tpu.memory_space<hbm>>
    %dma_start3A_339 = arith.constant 0 : i32
    %dma_start3A_340 = arith.constant 0 : i32
    %dma_start3A_341 = tpu.memref_slice %arg4[%add3A_331, %dma_start3A_339, %dma_start3A_340] : memref<51200x8x128xf32, #tpu.memory_space<hbm>> -> memref<1x8x128xf32, #tpu.memory_space<hbm>>
    %dma_start3A_342 = tpu.memref_squeeze %dma_start3A_341 : memref<1x8x128xf32, #tpu.memory_space<hbm>> -> memref<8x128xf32, #tpu.memory_space<hbm>>
    %dma_start3A_343 = arith.constant 8 : i32
    %dma_start3A_344 = arith.constant 0 : i32
    %dma_start3A_345 = tpu.memref_slice %arg9[%dma_start3A_343, %dma_start3A_344] : memref<64x129xf32, #tpu.memory_space<vmem>> -> memref<8x128xf32, #tpu.memory_space<vmem>>
    tpu.enqueue_dma source(%dma_start3A_345 : memref<8x128xf32, #tpu.memory_space<vmem>>) target(%dma_start3A_342 : memref<8x128xf32, #tpu.memory_space<hbm>>) target_semaphore(%arg13 : memref<!tpu.dma_semaphore, #tpu.memory_space<semaphore_mem>>)
    %mul3A_346 = arith.constant 8 : i32
    %mul3A_347 = arith.muli %select_n3A_300, %mul3A_346 : i32
    %add3A_348 = arith.constant 2 : i32
    %add3A_349 = arith.addi %mul3A_347, %add3A_348 : i32
    %mul3A_350 = arith.constant 128 : i32
    %mul3A_351 = arith.muli %add3A_349, %mul3A_350 : i32
    %add3A_352 = arith.addi %mul3A_351, %sub3A_303 : i32
    %dma_start3A_353 = arith.constant 16 : i32
    %dma_start3A_354 = arith.constant 0 : i32
    %dma_start3A_355 = tpu.memref_slice %arg9[%dma_start3A_353, %dma_start3A_354] : memref<64x129xf32, #tpu.memory_space<vmem>> -> memref<8x128xf32, #tpu.memory_space<vmem>>
    %dma_start3A_356 = arith.constant 0 : i32
    %dma_start3A_357 = arith.constant 0 : i32
    %dma_start3A_358 = tpu.memref_slice %arg4[%add3A_352, %dma_start3A_356, %dma_start3A_357] : memref<51200x8x128xf32, #tpu.memory_space<hbm>> -> memref<1x8x128xf32, #tpu.memory_space<hbm>>
    %dma_start3A_359 = tpu.memref_squeeze %dma_start3A_358 : memref<1x8x128xf32, #tpu.memory_space<hbm>> -> memref<8x128xf32, #tpu.memory_space<hbm>>
    %dma_start3A_360 = arith.constant 0 : i32
    %dma_start3A_361 = arith.constant 0 : i32
    %dma_start3A_362 = tpu.memref_slice %arg4[%add3A_352, %dma_start3A_360, %dma_start3A_361] : memref<51200x8x128xf32, #tpu.memory_space<hbm>> -> memref<1x8x128xf32, #tpu.memory_space<hbm>>
    %dma_start3A_363 = tpu.memref_squeeze %dma_start3A_362 : memref<1x8x128xf32, #tpu.memory_space<hbm>> -> memref<8x128xf32, #tpu.memory_space<hbm>>
    %dma_start3A_364 = arith.constant 16 : i32
    %dma_start3A_365 = arith.constant 0 : i32
    %dma_start3A_366 = tpu.memref_slice %arg9[%dma_start3A_364, %dma_start3A_365] : memref<64x129xf32, #tpu.memory_space<vmem>> -> memref<8x128xf32, #tpu.memory_space<vmem>>
    tpu.enqueue_dma source(%dma_start3A_366 : memref<8x128xf32, #tpu.memory_space<vmem>>) target(%dma_start3A_363 : memref<8x128xf32, #tpu.memory_space<hbm>>) target_semaphore(%arg13 : memref<!tpu.dma_semaphore, #tpu.memory_space<semaphore_mem>>)
    %mul3A_367 = arith.constant 8 : i32
    %mul3A_368 = arith.muli %select_n3A_300, %mul3A_367 : i32
    %add3A_369 = arith.constant 3 : i32
    %add3A_370 = arith.addi %mul3A_368, %add3A_369 : i32
    %mul3A_371 = arith.constant 128 : i32
    %mul3A_372 = arith.muli %add3A_370, %mul3A_371 : i32
    %add3A_373 = arith.addi %mul3A_372, %sub3A_303 : i32
    %dma_start3A_374 = arith.constant 24 : i32
    %dma_start3A_375 = arith.constant 0 : i32
    %dma_start3A_376 = tpu.memref_slice %arg9[%dma_start3A_374, %dma_start3A_375] : memref<64x129xf32, #tpu.memory_space<vmem>> -> memref<8x128xf32, #tpu.memory_space<vmem>>
    %dma_start3A_377 = arith.constant 0 : i32
    %dma_start3A_378 = arith.constant 0 : i32
    %dma_start3A_379 = tpu.memref_slice %arg4[%add3A_373, %dma_start3A_377, %dma_start3A_378] : memref<51200x8x128xf32, #tpu.memory_space<hbm>> -> memref<1x8x128xf32, #tpu.memory_space<hbm>>
    %dma_start3A_380 = tpu.memref_squeeze %dma_start3A_379 : memref<1x8x128xf32, #tpu.memory_space<hbm>> -> memref<8x128xf32, #tpu.memory_space<hbm>>
    %dma_start3A_381 = arith.constant 0 : i32
    %dma_start3A_382 = arith.constant 0 : i32
    %dma_start3A_383 = tpu.memref_slice %arg4[%add3A_373, %dma_start3A_381, %dma_start3A_382] : memref<51200x8x128xf32, #tpu.memory_space<hbm>> -> memref<1x8x128xf32, #tpu.memory_space<hbm>>
    %dma_start3A_384 = tpu.memref_squeeze %dma_start3A_383 : memref<1x8x128xf32, #tpu.memory_space<hbm>> -> memref<8x128xf32, #tpu.memory_space<hbm>>
    %dma_start3A_385 = arith.constant 24 : i32
    %dma_start3A_386 = arith.constant 0 : i32
    %dma_start3A_387 = tpu.memref_slice %arg9[%dma_start3A_385, %dma_start3A_386] : memref<64x129xf32, #tpu.memory_space<vmem>> -> memref<8x128xf32, #tpu.memory_space<vmem>>
    tpu.enqueue_dma source(%dma_start3A_387 : memref<8x128xf32, #tpu.memory_space<vmem>>) target(%dma_start3A_384 : memref<8x128xf32, #tpu.memory_space<hbm>>) target_semaphore(%arg13 : memref<!tpu.dma_semaphore, #tpu.memory_space<semaphore_mem>>)
    %mul3A_388 = arith.constant 8 : i32
    %mul3A_389 = arith.muli %select_n3A_300, %mul3A_388 : i32
    %add3A_390 = arith.constant 4 : i32
    %add3A_391 = arith.addi %mul3A_389, %add3A_390 : i32
    %mul3A_392 = arith.constant 128 : i32
    %mul3A_393 = arith.muli %add3A_391, %mul3A_392 : i32
    %add3A_394 = arith.addi %mul3A_393, %sub3A_303 : i32
    %dma_start3A_395 = arith.constant 32 : i32
    %dma_start3A_396 = arith.constant 0 : i32
    %dma_start3A_397 = tpu.memref_slice %arg9[%dma_start3A_395, %dma_start3A_396] : memref<64x129xf32, #tpu.memory_space<vmem>> -> memref<8x128xf32, #tpu.memory_space<vmem>>
    %dma_start3A_398 = arith.constant 0 : i32
    %dma_start3A_399 = arith.constant 0 : i32
    %dma_start3A_400 = tpu.memref_slice %arg4[%add3A_394, %dma_start3A_398, %dma_start3A_399] : memref<51200x8x128xf32, #tpu.memory_space<hbm>> -> memref<1x8x128xf32, #tpu.memory_space<hbm>>
    %dma_start3A_401 = tpu.memref_squeeze %dma_start3A_400 : memref<1x8x128xf32, #tpu.memory_space<hbm>> -> memref<8x128xf32, #tpu.memory_space<hbm>>
    %dma_start3A_402 = arith.constant 0 : i32
    %dma_start3A_403 = arith.constant 0 : i32
    %dma_start3A_404 = tpu.memref_slice %arg4[%add3A_394, %dma_start3A_402, %dma_start3A_403] : memref<51200x8x128xf32, #tpu.memory_space<hbm>> -> memref<1x8x128xf32, #tpu.memory_space<hbm>>
    %dma_start3A_405 = tpu.memref_squeeze %dma_start3A_404 : memref<1x8x128xf32, #tpu.memory_space<hbm>> -> memref<8x128xf32, #tpu.memory_space<hbm>>
    %dma_start3A_406 = arith.constant 32 : i32
    %dma_start3A_407 = arith.constant 0 : i32
    %dma_start3A_408 = tpu.memref_slice %arg9[%dma_start3A_406, %dma_start3A_407] : memref<64x129xf32, #tpu.memory_space<vmem>> -> memref<8x128xf32, #tpu.memory_space<vmem>>
    tpu.enqueue_dma source(%dma_start3A_408 : memref<8x128xf32, #tpu.memory_space<vmem>>) target(%dma_start3A_405 : memref<8x128xf32, #tpu.memory_space<hbm>>) target_semaphore(%arg13 : memref<!tpu.dma_semaphore, #tpu.memory_space<semaphore_mem>>)
    %mul3A_409 = arith.constant 8 : i32
    %mul3A_410 = arith.muli %select_n3A_300, %mul3A_409 : i32
    %add3A_411 = arith.constant 5 : i32
    %add3A_412 = arith.addi %mul3A_410, %add3A_411 : i32
    %mul3A_413 = arith.constant 128 : i32
    %mul3A_414 = arith.muli %add3A_412, %mul3A_413 : i32
    %add3A_415 = arith.addi %mul3A_414, %sub3A_303 : i32
    %dma_start3A_416 = arith.constant 40 : i32
    %dma_start3A_417 = arith.constant 0 : i32
    %dma_start3A_418 = tpu.memref_slice %arg9[%dma_start3A_416, %dma_start3A_417] : memref<64x129xf32, #tpu.memory_space<vmem>> -> memref<8x128xf32, #tpu.memory_space<vmem>>
    %dma_start3A_419 = arith.constant 0 : i32
    %dma_start3A_420 = arith.constant 0 : i32
    %dma_start3A_421 = tpu.memref_slice %arg4[%add3A_415, %dma_start3A_419, %dma_start3A_420] : memref<51200x8x128xf32, #tpu.memory_space<hbm>> -> memref<1x8x128xf32, #tpu.memory_space<hbm>>
    %dma_start3A_422 = tpu.memref_squeeze %dma_start3A_421 : memref<1x8x128xf32, #tpu.memory_space<hbm>> -> memref<8x128xf32, #tpu.memory_space<hbm>>
    %dma_start3A_423 = arith.constant 0 : i32
    %dma_start3A_424 = arith.constant 0 : i32
    %dma_start3A_425 = tpu.memref_slice %arg4[%add3A_415, %dma_start3A_423, %dma_start3A_424] : memref<51200x8x128xf32, #tpu.memory_space<hbm>> -> memref<1x8x128xf32, #tpu.memory_space<hbm>>
    %dma_start3A_426 = tpu.memref_squeeze %dma_start3A_425 : memref<1x8x128xf32, #tpu.memory_space<hbm>> -> memref<8x128xf32, #tpu.memory_space<hbm>>
    %dma_start3A_427 = arith.constant 40 : i32
    %dma_start3A_428 = arith.constant 0 : i32
    %dma_start3A_429 = tpu.memref_slice %arg9[%dma_start3A_427, %dma_start3A_428] : memref<64x129xf32, #tpu.memory_space<vmem>> -> memref<8x128xf32, #tpu.memory_space<vmem>>
    tpu.enqueue_dma source(%dma_start3A_429 : memref<8x128xf32, #tpu.memory_space<vmem>>) target(%dma_start3A_426 : memref<8x128xf32, #tpu.memory_space<hbm>>) target_semaphore(%arg13 : memref<!tpu.dma_semaphore, #tpu.memory_space<semaphore_mem>>)
    %mul3A_430 = arith.constant 8 : i32
    %mul3A_431 = arith.muli %select_n3A_300, %mul3A_430 : i32
    %add3A_432 = arith.constant 6 : i32
    %add3A_433 = arith.addi %mul3A_431, %add3A_432 : i32
    %mul3A_434 = arith.constant 128 : i32
    %mul3A_435 = arith.muli %add3A_433, %mul3A_434 : i32
    %add3A_436 = arith.addi %mul3A_435, %sub3A_303 : i32
    %dma_start3A_437 = arith.constant 48 : i32
    %dma_start3A_438 = arith.constant 0 : i32
    %dma_start3A_439 = tpu.memref_slice %arg9[%dma_start3A_437, %dma_start3A_438] : memref<64x129xf32, #tpu.memory_space<vmem>> -> memref<8x128xf32, #tpu.memory_space<vmem>>
    %dma_start3A_440 = arith.constant 0 : i32
    %dma_start3A_441 = arith.constant 0 : i32
    %dma_start3A_442 = tpu.memref_slice %arg4[%add3A_436, %dma_start3A_440, %dma_start3A_441] : memref<51200x8x128xf32, #tpu.memory_space<hbm>> -> memref<1x8x128xf32, #tpu.memory_space<hbm>>
    %dma_start3A_443 = tpu.memref_squeeze %dma_start3A_442 : memref<1x8x128xf32, #tpu.memory_space<hbm>> -> memref<8x128xf32, #tpu.memory_space<hbm>>
    %dma_start3A_444 = arith.constant 0 : i32
    %dma_start3A_445 = arith.constant 0 : i32
    %dma_start3A_446 = tpu.memref_slice %arg4[%add3A_436, %dma_start3A_444, %dma_start3A_445] : memref<51200x8x128xf32, #tpu.memory_space<hbm>> -> memref<1x8x128xf32, #tpu.memory_space<hbm>>
    %dma_start3A_447 = tpu.memref_squeeze %dma_start3A_446 : memref<1x8x128xf32, #tpu.memory_space<hbm>> -> memref<8x128xf32, #tpu.memory_space<hbm>>
    %dma_start3A_448 = arith.constant 48 : i32
    %dma_start3A_449 = arith.constant 0 : i32
    %dma_start3A_450 = tpu.memref_slice %arg9[%dma_start3A_448, %dma_start3A_449] : memref<64x129xf32, #tpu.memory_space<vmem>> -> memref<8x128xf32, #tpu.memory_space<vmem>>
    tpu.enqueue_dma source(%dma_start3A_450 : memref<8x128xf32, #tpu.memory_space<vmem>>) target(%dma_start3A_447 : memref<8x128xf32, #tpu.memory_space<hbm>>) target_semaphore(%arg13 : memref<!tpu.dma_semaphore, #tpu.memory_space<semaphore_mem>>)
    %mul3A_451 = arith.constant 8 : i32
    %mul3A_452 = arith.muli %select_n3A_300, %mul3A_451 : i32
    %add3A_453 = arith.constant 7 : i32
    %add3A_454 = arith.addi %mul3A_452, %add3A_453 : i32
    %mul3A_455 = arith.constant 128 : i32
    %mul3A_456 = arith.muli %add3A_454, %mul3A_455 : i32
    %add3A_457 = arith.addi %mul3A_456, %sub3A_303 : i32
    %dma_start3A_458 = arith.constant 56 : i32
    %dma_start3A_459 = arith.constant 0 : i32
    %dma_start3A_460 = tpu.memref_slice %arg9[%dma_start3A_458, %dma_start3A_459] : memref<64x129xf32, #tpu.memory_space<vmem>> -> memref<8x128xf32, #tpu.memory_space<vmem>>
    %dma_start3A_461 = arith.constant 0 : i32
    %dma_start3A_462 = arith.constant 0 : i32
    %dma_start3A_463 = tpu.memref_slice %arg4[%add3A_457, %dma_start3A_461, %dma_start3A_462] : memref<51200x8x128xf32, #tpu.memory_space<hbm>> -> memref<1x8x128xf32, #tpu.memory_space<hbm>>
    %dma_start3A_464 = tpu.memref_squeeze %dma_start3A_463 : memref<1x8x128xf32, #tpu.memory_space<hbm>> -> memref<8x128xf32, #tpu.memory_space<hbm>>
    %dma_start3A_465 = arith.constant 0 : i32
    %dma_start3A_466 = arith.constant 0 : i32
    %dma_start3A_467 = tpu.memref_slice %arg4[%add3A_457, %dma_start3A_465, %dma_start3A_466] : memref<51200x8x128xf32, #tpu.memory_space<hbm>> -> memref<1x8x128xf32, #tpu.memory_space<hbm>>
    %dma_start3A_468 = tpu.memref_squeeze %dma_start3A_467 : memref<1x8x128xf32, #tpu.memory_space<hbm>> -> memref<8x128xf32, #tpu.memory_space<hbm>>
    %dma_start3A_469 = arith.constant 56 : i32
    %dma_start3A_470 = arith.constant 0 : i32
    %dma_start3A_471 = tpu.memref_slice %arg9[%dma_start3A_469, %dma_start3A_470] : memref<64x129xf32, #tpu.memory_space<vmem>> -> memref<8x128xf32, #tpu.memory_space<vmem>>
    tpu.enqueue_dma source(%dma_start3A_471 : memref<8x128xf32, #tpu.memory_space<vmem>>) target(%dma_start3A_468 : memref<8x128xf32, #tpu.memory_space<hbm>>) target_semaphore(%arg13 : memref<!tpu.dma_semaphore, #tpu.memory_space<semaphore_mem>>)
    %scan3A = arith.constant 0 : i32
    %scan3A_472 = arith.constant 98 : i32
    %scan3A_473 = arith.addi %scan3A, %scan3A_472 : i32
    %scan3A_474 = arith.constant 1 : i32
    scf.for %scan3A_1413 = %scan3A to %scan3A_473 step %scan3A_474  : i32 {
      %mul3A_1414 = arith.constant 2 : i32
      %mul3A_1415 = arith.muli %scan3A_1413, %mul3A_1414 : i32
      %add3A_1416 = arith.constant 0 : i32
      %add3A_1417 = arith.addi %add3A_1416, %mul3A_1415 : i32
      %add3A_1418 = arith.constant 2 : i32
      %add3A_1419 = arith.addi %add3A_1417, %add3A_1418 : i32
      %add3A_1420 = arith.constant 0 : i32
      %add3A_1421 = arith.addi %add3A_1419, %add3A_1420 : i32
      %add3A_1422 = arith.constant 1 : i32
      %add3A_1423 = arith.addi %add3A_1421, %add3A_1422 : i32
      %mul3A_1424 = arith.constant 128 : i32
      %mul3A_1425 = arith.muli %add3A_1423, %mul3A_1424 : i32
      %dma_start3A_1426 = tpu.memref_slice %arg5[%mul3A_1425] : memref<25600xi32, #tpu.memory_space<vmem>> -> memref<128xi32, #tpu.memory_space<vmem>>
      %dma_start3A_1427 = arith.constant 0 : i32
      %dma_start3A_1428 = arith.constant 0 : i32
      %dma_start3A_1429 = tpu.memref_slice %arg3[%dma_start3A_1427, %dma_start3A_1428] : memref<1000000x64xf32, #tpu.memory_space<hbm>> -> memref<1000000x64xf32, #tpu.memory_space<hbm>>
      tpu.enqueue_indirect_dma source(%dma_start3A_1429 : memref<1000000x64xf32, #tpu.memory_space<hbm>>) target(%arg7 : memref<128x64xf32, #tpu.memory_space<vmem>>) offsets(%dma_start3A_1426 : memref<128xi32, #tpu.memory_space<vmem>>) semaphore(%arg11 : memref<!tpu.dma_semaphore, #tpu.memory_space<semaphore_mem>>)
      %dma_wait3A_1430 = arith.constant 0 : i32
      %dma_wait3A_1431 = tpu.memref_slice %arg5[%dma_wait3A_1430] : memref<25600xi32, #tpu.memory_space<vmem>> -> memref<128xi32, #tpu.memory_space<vmem>>
      %dma_wait3A_1432 = arith.constant 0 : i32
      %dma_wait3A_1433 = arith.constant 0 : i32
      %dma_wait3A_1434 = tpu.memref_slice %arg3[%dma_wait3A_1432, %dma_wait3A_1433] : memref<1000000x64xf32, #tpu.memory_space<hbm>> -> memref<1000000x64xf32, #tpu.memory_space<hbm>>
      tpu.wait_indirect_dma semaphore(%arg10 : memref<!tpu.dma_semaphore, #tpu.memory_space<semaphore_mem>>) src(%dma_wait3A_1434 : memref<1000000x64xf32, #tpu.memory_space<hbm>>) dst(%arg6 : memref<128x64xf32, #tpu.memory_space<vmem>>)
      %dma_wait3A_1435 = arith.constant 0 : i32
      %dma_wait3A_1436 = arith.constant 0 : i32
      %dma_wait3A_1437 = arith.constant 0 : i32
      %dma_wait3A_1438 = tpu.memref_slice %arg8[%dma_wait3A_1436, %dma_wait3A_1437] : memref<64x129xf32, #tpu.memory_space<vmem>> -> memref<8x128xf32, #tpu.memory_space<vmem>>
      %dma_wait3A_1439 = arith.constant 0 : i32
      %dma_wait3A_1440 = arith.constant 0 : i32
      %dma_wait3A_1441 = tpu.memref_slice %arg4[%dma_wait3A_1435, %dma_wait3A_1439, %dma_wait3A_1440] : memref<51200x8x128xf32, #tpu.memory_space<hbm>> -> memref<1x8x128xf32, #tpu.memory_space<hbm>>
      %dma_wait3A_1442 = tpu.memref_squeeze %dma_wait3A_1441 : memref<1x8x128xf32, #tpu.memory_space<hbm>> -> memref<8x128xf32, #tpu.memory_space<hbm>>
      %dma_wait3A_1443 = arith.constant 0 : i32
      %dma_wait3A_1444 = arith.constant 0 : i32
      %dma_wait3A_1445 = tpu.memref_slice %arg4[%dma_wait3A_1435, %dma_wait3A_1443, %dma_wait3A_1444] : memref<51200x8x128xf32, #tpu.memory_space<hbm>> -> memref<1x8x128xf32, #tpu.memory_space<hbm>>
      %dma_wait3A_1446 = tpu.memref_squeeze %dma_wait3A_1445 : memref<1x8x128xf32, #tpu.memory_space<hbm>> -> memref<8x128xf32, #tpu.memory_space<hbm>>
      %dma_wait3A_1447 = arith.constant 0 : i32
      %dma_wait3A_1448 = arith.constant 0 : i32
      %dma_wait3A_1449 = tpu.memref_slice %arg8[%dma_wait3A_1447, %dma_wait3A_1448] : memref<64x129xf32, #tpu.memory_space<vmem>> -> memref<8x128xf32, #tpu.memory_space<vmem>>
      tpu.wait_dma2 semaphore(%arg12 : memref<!tpu.dma_semaphore, #tpu.memory_space<semaphore_mem>>) src(%dma_wait3A_1449 : memref<8x128xf32, #tpu.memory_space<vmem>>) dst(%dma_wait3A_1446 : memref<8x128xf32, #tpu.memory_space<hbm>>)
      %dma_wait3A_1450 = arith.constant 0 : i32
      %dma_wait3A_1451 = arith.constant 8 : i32
      %dma_wait3A_1452 = arith.constant 0 : i32
      %dma_wait3A_1453 = tpu.memref_slice %arg8[%dma_wait3A_1451, %dma_wait3A_1452] : memref<64x129xf32, #tpu.memory_space<vmem>> -> memref<8x128xf32, #tpu.memory_space<vmem>>
      %dma_wait3A_1454 = arith.constant 0 : i32
      %dma_wait3A_1455 = arith.constant 0 : i32
      %dma_wait3A_1456 = tpu.memref_slice %arg4[%dma_wait3A_1450, %dma_wait3A_1454, %dma_wait3A_1455] : memref<51200x8x128xf32, #tpu.memory_space<hbm>> -> memref<1x8x128xf32, #tpu.memory_space<hbm>>
      %dma_wait3A_1457 = tpu.memref_squeeze %dma_wait3A_1456 : memref<1x8x128xf32, #tpu.memory_space<hbm>> -> memref<8x128xf32, #tpu.memory_space<hbm>>
      %dma_wait3A_1458 = arith.constant 0 : i32
      %dma_wait3A_1459 = arith.constant 0 : i32
      %dma_wait3A_1460 = tpu.memref_slice %arg4[%dma_wait3A_1450, %dma_wait3A_1458, %dma_wait3A_1459] : memref<51200x8x128xf32, #tpu.memory_space<hbm>> -> memref<1x8x128xf32, #tpu.memory_space<hbm>>
      %dma_wait3A_1461 = tpu.memref_squeeze %dma_wait3A_1460 : memref<1x8x128xf32, #tpu.memory_space<hbm>> -> memref<8x128xf32, #tpu.memory_space<hbm>>
      %dma_wait3A_1462 = arith.constant 8 : i32
      %dma_wait3A_1463 = arith.constant 0 : i32
      %dma_wait3A_1464 = tpu.memref_slice %arg8[%dma_wait3A_1462, %dma_wait3A_1463] : memref<64x129xf32, #tpu.memory_space<vmem>> -> memref<8x128xf32, #tpu.memory_space<vmem>>
      tpu.wait_dma2 semaphore(%arg12 : memref<!tpu.dma_semaphore, #tpu.memory_space<semaphore_mem>>) src(%dma_wait3A_1464 : memref<8x128xf32, #tpu.memory_space<vmem>>) dst(%dma_wait3A_1461 : memref<8x128xf32, #tpu.memory_space<hbm>>)
      %dma_wait3A_1465 = arith.constant 0 : i32
      %dma_wait3A_1466 = arith.constant 16 : i32
      %dma_wait3A_1467 = arith.constant 0 : i32
      %dma_wait3A_1468 = tpu.memref_slice %arg8[%dma_wait3A_1466, %dma_wait3A_1467] : memref<64x129xf32, #tpu.memory_space<vmem>> -> memref<8x128xf32, #tpu.memory_space<vmem>>
      %dma_wait3A_1469 = arith.constant 0 : i32
      %dma_wait3A_1470 = arith.constant 0 : i32
      %dma_wait3A_1471 = tpu.memref_slice %arg4[%dma_wait3A_1465, %dma_wait3A_1469, %dma_wait3A_1470] : memref<51200x8x128xf32, #tpu.memory_space<hbm>> -> memref<1x8x128xf32, #tpu.memory_space<hbm>>
      %dma_wait3A_1472 = tpu.memref_squeeze %dma_wait3A_1471 : memref<1x8x128xf32, #tpu.memory_space<hbm>> -> memref<8x128xf32, #tpu.memory_space<hbm>>
      %dma_wait3A_1473 = arith.constant 0 : i32
      %dma_wait3A_1474 = arith.constant 0 : i32
      %dma_wait3A_1475 = tpu.memref_slice %arg4[%dma_wait3A_1465, %dma_wait3A_1473, %dma_wait3A_1474] : memref<51200x8x128xf32, #tpu.memory_space<hbm>> -> memref<1x8x128xf32, #tpu.memory_space<hbm>>
      %dma_wait3A_1476 = tpu.memref_squeeze %dma_wait3A_1475 : memref<1x8x128xf32, #tpu.memory_space<hbm>> -> memref<8x128xf32, #tpu.memory_space<hbm>>
      %dma_wait3A_1477 = arith.constant 16 : i32
      %dma_wait3A_1478 = arith.constant 0 : i32
      %dma_wait3A_1479 = tpu.memref_slice %arg8[%dma_wait3A_1477, %dma_wait3A_1478] : memref<64x129xf32, #tpu.memory_space<vmem>> -> memref<8x128xf32, #tpu.memory_space<vmem>>
      tpu.wait_dma2 semaphore(%arg12 : memref<!tpu.dma_semaphore, #tpu.memory_space<semaphore_mem>>) src(%dma_wait3A_1479 : memref<8x128xf32, #tpu.memory_space<vmem>>) dst(%dma_wait3A_1476 : memref<8x128xf32, #tpu.memory_space<hbm>>)
      %dma_wait3A_1480 = arith.constant 0 : i32
      %dma_wait3A_1481 = arith.constant 24 : i32
      %dma_wait3A_1482 = arith.constant 0 : i32
      %dma_wait3A_1483 = tpu.memref_slice %arg8[%dma_wait3A_1481, %dma_wait3A_1482] : memref<64x129xf32, #tpu.memory_space<vmem>> -> memref<8x128xf32, #tpu.memory_space<vmem>>
      %dma_wait3A_1484 = arith.constant 0 : i32
      %dma_wait3A_1485 = arith.constant 0 : i32
      %dma_wait3A_1486 = tpu.memref_slice %arg4[%dma_wait3A_1480, %dma_wait3A_1484, %dma_wait3A_1485] : memref<51200x8x128xf32, #tpu.memory_space<hbm>> -> memref<1x8x128xf32, #tpu.memory_space<hbm>>
      %dma_wait3A_1487 = tpu.memref_squeeze %dma_wait3A_1486 : memref<1x8x128xf32, #tpu.memory_space<hbm>> -> memref<8x128xf32, #tpu.memory_space<hbm>>
      %dma_wait3A_1488 = arith.constant 0 : i32
      %dma_wait3A_1489 = arith.constant 0 : i32
      %dma_wait3A_1490 = tpu.memref_slice %arg4[%dma_wait3A_1480, %dma_wait3A_1488, %dma_wait3A_1489] : memref<51200x8x128xf32, #tpu.memory_space<hbm>> -> memref<1x8x128xf32, #tpu.memory_space<hbm>>
      %dma_wait3A_1491 = tpu.memref_squeeze %dma_wait3A_1490 : memref<1x8x128xf32, #tpu.memory_space<hbm>> -> memref<8x128xf32, #tpu.memory_space<hbm>>
      %dma_wait3A_1492 = arith.constant 24 : i32
      %dma_wait3A_1493 = arith.constant 0 : i32
      %dma_wait3A_1494 = tpu.memref_slice %arg8[%dma_wait3A_1492, %dma_wait3A_1493] : memref<64x129xf32, #tpu.memory_space<vmem>> -> memref<8x128xf32, #tpu.memory_space<vmem>>
      tpu.wait_dma2 semaphore(%arg12 : memref<!tpu.dma_semaphore, #tpu.memory_space<semaphore_mem>>) src(%dma_wait3A_1494 : memref<8x128xf32, #tpu.memory_space<vmem>>) dst(%dma_wait3A_1491 : memref<8x128xf32, #tpu.memory_space<hbm>>)
      %dma_wait3A_1495 = arith.constant 0 : i32
      %dma_wait3A_1496 = arith.constant 32 : i32
      %dma_wait3A_1497 = arith.constant 0 : i32
      %dma_wait3A_1498 = tpu.memref_slice %arg8[%dma_wait3A_1496, %dma_wait3A_1497] : memref<64x129xf32, #tpu.memory_space<vmem>> -> memref<8x128xf32, #tpu.memory_space<vmem>>
      %dma_wait3A_1499 = arith.constant 0 : i32
      %dma_wait3A_1500 = arith.constant 0 : i32
      %dma_wait3A_1501 = tpu.memref_slice %arg4[%dma_wait3A_1495, %dma_wait3A_1499, %dma_wait3A_1500] : memref<51200x8x128xf32, #tpu.memory_space<hbm>> -> memref<1x8x128xf32, #tpu.memory_space<hbm>>
      %dma_wait3A_1502 = tpu.memref_squeeze %dma_wait3A_1501 : memref<1x8x128xf32, #tpu.memory_space<hbm>> -> memref<8x128xf32, #tpu.memory_space<hbm>>
      %dma_wait3A_1503 = arith.constant 0 : i32
      %dma_wait3A_1504 = arith.constant 0 : i32
      %dma_wait3A_1505 = tpu.memref_slice %arg4[%dma_wait3A_1495, %dma_wait3A_1503, %dma_wait3A_1504] : memref<51200x8x128xf32, #tpu.memory_space<hbm>> -> memref<1x8x128xf32, #tpu.memory_space<hbm>>
      %dma_wait3A_1506 = tpu.memref_squeeze %dma_wait3A_1505 : memref<1x8x128xf32, #tpu.memory_space<hbm>> -> memref<8x128xf32, #tpu.memory_space<hbm>>
      %dma_wait3A_1507 = arith.constant 32 : i32
      %dma_wait3A_1508 = arith.constant 0 : i32
      %dma_wait3A_1509 = tpu.memref_slice %arg8[%dma_wait3A_1507, %dma_wait3A_1508] : memref<64x129xf32, #tpu.memory_space<vmem>> -> memref<8x128xf32, #tpu.memory_space<vmem>>
      tpu.wait_dma2 semaphore(%arg12 : memref<!tpu.dma_semaphore, #tpu.memory_space<semaphore_mem>>) src(%dma_wait3A_1509 : memref<8x128xf32, #tpu.memory_space<vmem>>) dst(%dma_wait3A_1506 : memref<8x128xf32, #tpu.memory_space<hbm>>)
      %dma_wait3A_1510 = arith.constant 0 : i32
      %dma_wait3A_1511 = arith.constant 40 : i32
      %dma_wait3A_1512 = arith.constant 0 : i32
      %dma_wait3A_1513 = tpu.memref_slice %arg8[%dma_wait3A_1511, %dma_wait3A_1512] : memref<64x129xf32, #tpu.memory_space<vmem>> -> memref<8x128xf32, #tpu.memory_space<vmem>>
      %dma_wait3A_1514 = arith.constant 0 : i32
      %dma_wait3A_1515 = arith.constant 0 : i32
      %dma_wait3A_1516 = tpu.memref_slice %arg4[%dma_wait3A_1510, %dma_wait3A_1514, %dma_wait3A_1515] : memref<51200x8x128xf32, #tpu.memory_space<hbm>> -> memref<1x8x128xf32, #tpu.memory_space<hbm>>
      %dma_wait3A_1517 = tpu.memref_squeeze %dma_wait3A_1516 : memref<1x8x128xf32, #tpu.memory_space<hbm>> -> memref<8x128xf32, #tpu.memory_space<hbm>>
      %dma_wait3A_1518 = arith.constant 0 : i32
      %dma_wait3A_1519 = arith.constant 0 : i32
      %dma_wait3A_1520 = tpu.memref_slice %arg4[%dma_wait3A_1510, %dma_wait3A_1518, %dma_wait3A_1519] : memref<51200x8x128xf32, #tpu.memory_space<hbm>> -> memref<1x8x128xf32, #tpu.memory_space<hbm>>
      %dma_wait3A_1521 = tpu.memref_squeeze %dma_wait3A_1520 : memref<1x8x128xf32, #tpu.memory_space<hbm>> -> memref<8x128xf32, #tpu.memory_space<hbm>>
      %dma_wait3A_1522 = arith.constant 40 : i32
      %dma_wait3A_1523 = arith.constant 0 : i32
      %dma_wait3A_1524 = tpu.memref_slice %arg8[%dma_wait3A_1522, %dma_wait3A_1523] : memref<64x129xf32, #tpu.memory_space<vmem>> -> memref<8x128xf32, #tpu.memory_space<vmem>>
      tpu.wait_dma2 semaphore(%arg12 : memref<!tpu.dma_semaphore, #tpu.memory_space<semaphore_mem>>) src(%dma_wait3A_1524 : memref<8x128xf32, #tpu.memory_space<vmem>>) dst(%dma_wait3A_1521 : memref<8x128xf32, #tpu.memory_space<hbm>>)
      %dma_wait3A_1525 = arith.constant 0 : i32
      %dma_wait3A_1526 = arith.constant 48 : i32
      %dma_wait3A_1527 = arith.constant 0 : i32
      %dma_wait3A_1528 = tpu.memref_slice %arg8[%dma_wait3A_1526, %dma_wait3A_1527] : memref<64x129xf32, #tpu.memory_space<vmem>> -> memref<8x128xf32, #tpu.memory_space<vmem>>
      %dma_wait3A_1529 = arith.constant 0 : i32
      %dma_wait3A_1530 = arith.constant 0 : i32
      %dma_wait3A_1531 = tpu.memref_slice %arg4[%dma_wait3A_1525, %dma_wait3A_1529, %dma_wait3A_1530] : memref<51200x8x128xf32, #tpu.memory_space<hbm>> -> memref<1x8x128xf32, #tpu.memory_space<hbm>>
      %dma_wait3A_1532 = tpu.memref_squeeze %dma_wait3A_1531 : memref<1x8x128xf32, #tpu.memory_space<hbm>> -> memref<8x128xf32, #tpu.memory_space<hbm>>
      %dma_wait3A_1533 = arith.constant 0 : i32
      %dma_wait3A_1534 = arith.constant 0 : i32
      %dma_wait3A_1535 = tpu.memref_slice %arg4[%dma_wait3A_1525, %dma_wait3A_1533, %dma_wait3A_1534] : memref<51200x8x128xf32, #tpu.memory_space<hbm>> -> memref<1x8x128xf32, #tpu.memory_space<hbm>>
      %dma_wait3A_1536 = tpu.memref_squeeze %dma_wait3A_1535 : memref<1x8x128xf32, #tpu.memory_space<hbm>> -> memref<8x128xf32, #tpu.memory_space<hbm>>
      %dma_wait3A_1537 = arith.constant 48 : i32
      %dma_wait3A_1538 = arith.constant 0 : i32
      %dma_wait3A_1539 = tpu.memref_slice %arg8[%dma_wait3A_1537, %dma_wait3A_1538] : memref<64x129xf32, #tpu.memory_space<vmem>> -> memref<8x128xf32, #tpu.memory_space<vmem>>
      tpu.wait_dma2 semaphore(%arg12 : memref<!tpu.dma_semaphore, #tpu.memory_space<semaphore_mem>>) src(%dma_wait3A_1539 : memref<8x128xf32, #tpu.memory_space<vmem>>) dst(%dma_wait3A_1536 : memref<8x128xf32, #tpu.memory_space<hbm>>)
      %dma_wait3A_1540 = arith.constant 0 : i32
      %dma_wait3A_1541 = arith.constant 56 : i32
      %dma_wait3A_1542 = arith.constant 0 : i32
      %dma_wait3A_1543 = tpu.memref_slice %arg8[%dma_wait3A_1541, %dma_wait3A_1542] : memref<64x129xf32, #tpu.memory_space<vmem>> -> memref<8x128xf32, #tpu.memory_space<vmem>>
      %dma_wait3A_1544 = arith.constant 0 : i32
      %dma_wait3A_1545 = arith.constant 0 : i32
      %dma_wait3A_1546 = tpu.memref_slice %arg4[%dma_wait3A_1540, %dma_wait3A_1544, %dma_wait3A_1545] : memref<51200x8x128xf32, #tpu.memory_space<hbm>> -> memref<1x8x128xf32, #tpu.memory_space<hbm>>
      %dma_wait3A_1547 = tpu.memref_squeeze %dma_wait3A_1546 : memref<1x8x128xf32, #tpu.memory_space<hbm>> -> memref<8x128xf32, #tpu.memory_space<hbm>>
      %dma_wait3A_1548 = arith.constant 0 : i32
      %dma_wait3A_1549 = arith.constant 0 : i32
      %dma_wait3A_1550 = tpu.memref_slice %arg4[%dma_wait3A_1540, %dma_wait3A_1548, %dma_wait3A_1549] : memref<51200x8x128xf32, #tpu.memory_space<hbm>> -> memref<1x8x128xf32, #tpu.memory_space<hbm>>
      %dma_wait3A_1551 = tpu.memref_squeeze %dma_wait3A_1550 : memref<1x8x128xf32, #tpu.memory_space<hbm>> -> memref<8x128xf32, #tpu.memory_space<hbm>>
      %dma_wait3A_1552 = arith.constant 56 : i32
      %dma_wait3A_1553 = arith.constant 0 : i32
      %dma_wait3A_1554 = tpu.memref_slice %arg8[%dma_wait3A_1552, %dma_wait3A_1553] : memref<64x129xf32, #tpu.memory_space<vmem>> -> memref<8x128xf32, #tpu.memory_space<vmem>>
      tpu.wait_dma2 semaphore(%arg12 : memref<!tpu.dma_semaphore, #tpu.memory_space<semaphore_mem>>) src(%dma_wait3A_1554 : memref<8x128xf32, #tpu.memory_space<vmem>>) dst(%dma_wait3A_1551 : memref<8x128xf32, #tpu.memory_space<hbm>>)
      %jit3A_1555 = arith.constant 128 : i32
      %div3A_1556 = arith.divsi %mul3A_2, %jit3A_1555 : i32
      %sign3A_1557 = arith.constant 0 : i32
      %sign3A_1558 = arith.cmpi sgt, %mul3A_2, %sign3A_1557 : i32
      %sign3A_1559 = arith.extui %sign3A_1558 : i1 to i32
      %sign3A_1560 = arith.constant 0 : i32
      %sign3A_1561 = arith.cmpi slt, %mul3A_2, %sign3A_1560 : i32
      %sign3A_1562 = arith.extui %sign3A_1561 : i1 to i32
      %sign3A_1563 = arith.subi %sign3A_1559, %sign3A_1562 : i32
      %sign3A_1564 = arith.constant 0 : i32
      %sign3A_1565 = arith.cmpi sgt, %jit3A_1555, %sign3A_1564 : i32
      %sign3A_1566 = arith.extui %sign3A_1565 : i1 to i32
      %sign3A_1567 = arith.constant 0 : i32
      %sign3A_1568 = arith.cmpi slt, %jit3A_1555, %sign3A_1567 : i32
      %sign3A_1569 = arith.extui %sign3A_1568 : i1 to i32
      %sign3A_1570 = arith.subi %sign3A_1566, %sign3A_1569 : i32
      %ne3A_1571 = arith.cmpi ne, %sign3A_1563, %sign3A_1570 : i32
      %rem3A_1572 = arith.remsi %mul3A_2, %jit3A_1555 : i32
      %ne3A_1573 = arith.constant 0 : i32
      %ne3A_1574 = arith.cmpi ne, %rem3A_1572, %ne3A_1573 : i32
      %and3A_1575 = arith.andi %ne3A_1571, %ne3A_1574 : i1
      %sub3A_1576 = arith.constant 1 : i32
      %sub3A_1577 = arith.subi %div3A_1556, %sub3A_1576 : i32
      %select_n3A_1578 = arith.select %and3A_1575, %sub3A_1577, %div3A_1556 : i32
      %add3A_1579 = arith.addi %select_n3A_1578, %add3A_1421 : i32
      %jit3A_1580 = arith.constant 128 : i32
      %div3A_1581 = arith.divsi %add3A_1579, %jit3A_1580 : i32
      %sign3A_1582 = arith.constant 0 : i32
      %sign3A_1583 = arith.cmpi sgt, %add3A_1579, %sign3A_1582 : i32
      %sign3A_1584 = arith.extui %sign3A_1583 : i1 to i32
      %sign3A_1585 = arith.constant 0 : i32
      %sign3A_1586 = arith.cmpi slt, %add3A_1579, %sign3A_1585 : i32
      %sign3A_1587 = arith.extui %sign3A_1586 : i1 to i32
      %sign3A_1588 = arith.subi %sign3A_1584, %sign3A_1587 : i32
      %sign3A_1589 = arith.constant 0 : i32
      %sign3A_1590 = arith.cmpi sgt, %jit3A_1580, %sign3A_1589 : i32
      %sign3A_1591 = arith.extui %sign3A_1590 : i1 to i32
      %sign3A_1592 = arith.constant 0 : i32
      %sign3A_1593 = arith.cmpi slt, %jit3A_1580, %sign3A_1592 : i32
      %sign3A_1594 = arith.extui %sign3A_1593 : i1 to i32
      %sign3A_1595 = arith.subi %sign3A_1591, %sign3A_1594 : i32
      %ne3A_1596 = arith.cmpi ne, %sign3A_1588, %sign3A_1595 : i32
      %rem3A_1597 = arith.remsi %add3A_1579, %jit3A_1580 : i32
      %ne3A_1598 = arith.constant 0 : i32
      %ne3A_1599 = arith.cmpi ne, %rem3A_1597, %ne3A_1598 : i32
      %and3A_1600 = arith.andi %ne3A_1596, %ne3A_1599 : i1
      %sub3A_1601 = arith.constant 1 : i32
      %sub3A_1602 = arith.subi %div3A_1581, %sub3A_1601 : i32
      %select_n3A_1603 = arith.select %and3A_1600, %sub3A_1602, %div3A_1581 : i32
      %mul3A_1604 = arith.constant 128 : i32
      %mul3A_1605 = arith.muli %select_n3A_1603, %mul3A_1604 : i32
      %sub3A_1606 = arith.subi %add3A_1579, %mul3A_1605 : i32
      %mul3A_1607 = arith.constant 8 : i32
      %mul3A_1608 = arith.muli %select_n3A_1603, %mul3A_1607 : i32
      %add3A_1609 = arith.constant 0 : i32
      %add3A_1610 = arith.addi %mul3A_1608, %add3A_1609 : i32
      %mul3A_1611 = arith.constant 128 : i32
      %mul3A_1612 = arith.muli %add3A_1610, %mul3A_1611 : i32
      %add3A_1613 = arith.addi %mul3A_1612, %sub3A_1606 : i32
      %dma_start3A_1614 = arith.constant 0 : i32
      %dma_start3A_1615 = arith.constant 0 : i32
      %dma_start3A_1616 = tpu.memref_slice %arg8[%dma_start3A_1614, %dma_start3A_1615] : memref<64x129xf32, #tpu.memory_space<vmem>> -> memref<8x128xf32, #tpu.memory_space<vmem>>
      %dma_start3A_1617 = arith.constant 0 : i32
      %dma_start3A_1618 = arith.constant 0 : i32
      %dma_start3A_1619 = tpu.memref_slice %arg4[%add3A_1613, %dma_start3A_1617, %dma_start3A_1618] : memref<51200x8x128xf32, #tpu.memory_space<hbm>> -> memref<1x8x128xf32, #tpu.memory_space<hbm>>
      %dma_start3A_1620 = tpu.memref_squeeze %dma_start3A_1619 : memref<1x8x128xf32, #tpu.memory_space<hbm>> -> memref<8x128xf32, #tpu.memory_space<hbm>>
      %dma_start3A_1621 = arith.constant 0 : i32
      %dma_start3A_1622 = arith.constant 0 : i32
      %dma_start3A_1623 = tpu.memref_slice %arg4[%add3A_1613, %dma_start3A_1621, %dma_start3A_1622] : memref<51200x8x128xf32, #tpu.memory_space<hbm>> -> memref<1x8x128xf32, #tpu.memory_space<hbm>>
      %dma_start3A_1624 = tpu.memref_squeeze %dma_start3A_1623 : memref<1x8x128xf32, #tpu.memory_space<hbm>> -> memref<8x128xf32, #tpu.memory_space<hbm>>
      %dma_start3A_1625 = arith.constant 0 : i32
      %dma_start3A_1626 = arith.constant 0 : i32
      %dma_start3A_1627 = tpu.memref_slice %arg8[%dma_start3A_1625, %dma_start3A_1626] : memref<64x129xf32, #tpu.memory_space<vmem>> -> memref<8x128xf32, #tpu.memory_space<vmem>>
      tpu.enqueue_dma source(%dma_start3A_1627 : memref<8x128xf32, #tpu.memory_space<vmem>>) target(%dma_start3A_1624 : memref<8x128xf32, #tpu.memory_space<hbm>>) target_semaphore(%arg12 : memref<!tpu.dma_semaphore, #tpu.memory_space<semaphore_mem>>)
      %mul3A_1628 = arith.constant 8 : i32
      %mul3A_1629 = arith.muli %select_n3A_1603, %mul3A_1628 : i32
      %add3A_1630 = arith.constant 1 : i32
      %add3A_1631 = arith.addi %mul3A_1629, %add3A_1630 : i32
      %mul3A_1632 = arith.constant 128 : i32
      %mul3A_1633 = arith.muli %add3A_1631, %mul3A_1632 : i32
      %add3A_1634 = arith.addi %mul3A_1633, %sub3A_1606 : i32
      %dma_start3A_1635 = arith.constant 8 : i32
      %dma_start3A_1636 = arith.constant 0 : i32
      %dma_start3A_1637 = tpu.memref_slice %arg8[%dma_start3A_1635, %dma_start3A_1636] : memref<64x129xf32, #tpu.memory_space<vmem>> -> memref<8x128xf32, #tpu.memory_space<vmem>>
      %dma_start3A_1638 = arith.constant 0 : i32
      %dma_start3A_1639 = arith.constant 0 : i32
      %dma_start3A_1640 = tpu.memref_slice %arg4[%add3A_1634, %dma_start3A_1638, %dma_start3A_1639] : memref<51200x8x128xf32, #tpu.memory_space<hbm>> -> memref<1x8x128xf32, #tpu.memory_space<hbm>>
      %dma_start3A_1641 = tpu.memref_squeeze %dma_start3A_1640 : memref<1x8x128xf32, #tpu.memory_space<hbm>> -> memref<8x128xf32, #tpu.memory_space<hbm>>
      %dma_start3A_1642 = arith.constant 0 : i32
      %dma_start3A_1643 = arith.constant 0 : i32
      %dma_start3A_1644 = tpu.memref_slice %arg4[%add3A_1634, %dma_start3A_1642, %dma_start3A_1643] : memref<51200x8x128xf32, #tpu.memory_space<hbm>> -> memref<1x8x128xf32, #tpu.memory_space<hbm>>
      %dma_start3A_1645 = tpu.memref_squeeze %dma_start3A_1644 : memref<1x8x128xf32, #tpu.memory_space<hbm>> -> memref<8x128xf32, #tpu.memory_space<hbm>>
      %dma_start3A_1646 = arith.constant 8 : i32
      %dma_start3A_1647 = arith.constant 0 : i32
      %dma_start3A_1648 = tpu.memref_slice %arg8[%dma_start3A_1646, %dma_start3A_1647] : memref<64x129xf32, #tpu.memory_space<vmem>> -> memref<8x128xf32, #tpu.memory_space<vmem>>
      tpu.enqueue_dma source(%dma_start3A_1648 : memref<8x128xf32, #tpu.memory_space<vmem>>) target(%dma_start3A_1645 : memref<8x128xf32, #tpu.memory_space<hbm>>) target_semaphore(%arg12 : memref<!tpu.dma_semaphore, #tpu.memory_space<semaphore_mem>>)
      %mul3A_1649 = arith.constant 8 : i32
      %mul3A_1650 = arith.muli %select_n3A_1603, %mul3A_1649 : i32
      %add3A_1651 = arith.constant 2 : i32
      %add3A_1652 = arith.addi %mul3A_1650, %add3A_1651 : i32
      %mul3A_1653 = arith.constant 128 : i32
      %mul3A_1654 = arith.muli %add3A_1652, %mul3A_1653 : i32
      %add3A_1655 = arith.addi %mul3A_1654, %sub3A_1606 : i32
      %dma_start3A_1656 = arith.constant 16 : i32
      %dma_start3A_1657 = arith.constant 0 : i32
      %dma_start3A_1658 = tpu.memref_slice %arg8[%dma_start3A_1656, %dma_start3A_1657] : memref<64x129xf32, #tpu.memory_space<vmem>> -> memref<8x128xf32, #tpu.memory_space<vmem>>
      %dma_start3A_1659 = arith.constant 0 : i32
      %dma_start3A_1660 = arith.constant 0 : i32
      %dma_start3A_1661 = tpu.memref_slice %arg4[%add3A_1655, %dma_start3A_1659, %dma_start3A_1660] : memref<51200x8x128xf32, #tpu.memory_space<hbm>> -> memref<1x8x128xf32, #tpu.memory_space<hbm>>
      %dma_start3A_1662 = tpu.memref_squeeze %dma_start3A_1661 : memref<1x8x128xf32, #tpu.memory_space<hbm>> -> memref<8x128xf32, #tpu.memory_space<hbm>>
      %dma_start3A_1663 = arith.constant 0 : i32
      %dma_start3A_1664 = arith.constant 0 : i32
      %dma_start3A_1665 = tpu.memref_slice %arg4[%add3A_1655, %dma_start3A_1663, %dma_start3A_1664] : memref<51200x8x128xf32, #tpu.memory_space<hbm>> -> memref<1x8x128xf32, #tpu.memory_space<hbm>>
      %dma_start3A_1666 = tpu.memref_squeeze %dma_start3A_1665 : memref<1x8x128xf32, #tpu.memory_space<hbm>> -> memref<8x128xf32, #tpu.memory_space<hbm>>
      %dma_start3A_1667 = arith.constant 16 : i32
      %dma_start3A_1668 = arith.constant 0 : i32
      %dma_start3A_1669 = tpu.memref_slice %arg8[%dma_start3A_1667, %dma_start3A_1668] : memref<64x129xf32, #tpu.memory_space<vmem>> -> memref<8x128xf32, #tpu.memory_space<vmem>>
      tpu.enqueue_dma source(%dma_start3A_1669 : memref<8x128xf32, #tpu.memory_space<vmem>>) target(%dma_start3A_1666 : memref<8x128xf32, #tpu.memory_space<hbm>>) target_semaphore(%arg12 : memref<!tpu.dma_semaphore, #tpu.memory_space<semaphore_mem>>)
      %mul3A_1670 = arith.constant 8 : i32
      %mul3A_1671 = arith.muli %select_n3A_1603, %mul3A_1670 : i32
      %add3A_1672 = arith.constant 3 : i32
      %add3A_1673 = arith.addi %mul3A_1671, %add3A_1672 : i32
      %mul3A_1674 = arith.constant 128 : i32
      %mul3A_1675 = arith.muli %add3A_1673, %mul3A_1674 : i32
      %add3A_1676 = arith.addi %mul3A_1675, %sub3A_1606 : i32
      %dma_start3A_1677 = arith.constant 24 : i32
      %dma_start3A_1678 = arith.constant 0 : i32
      %dma_start3A_1679 = tpu.memref_slice %arg8[%dma_start3A_1677, %dma_start3A_1678] : memref<64x129xf32, #tpu.memory_space<vmem>> -> memref<8x128xf32, #tpu.memory_space<vmem>>
      %dma_start3A_1680 = arith.constant 0 : i32
      %dma_start3A_1681 = arith.constant 0 : i32
      %dma_start3A_1682 = tpu.memref_slice %arg4[%add3A_1676, %dma_start3A_1680, %dma_start3A_1681] : memref<51200x8x128xf32, #tpu.memory_space<hbm>> -> memref<1x8x128xf32, #tpu.memory_space<hbm>>
      %dma_start3A_1683 = tpu.memref_squeeze %dma_start3A_1682 : memref<1x8x128xf32, #tpu.memory_space<hbm>> -> memref<8x128xf32, #tpu.memory_space<hbm>>
      %dma_start3A_1684 = arith.constant 0 : i32
      %dma_start3A_1685 = arith.constant 0 : i32
      %dma_start3A_1686 = tpu.memref_slice %arg4[%add3A_1676, %dma_start3A_1684, %dma_start3A_1685] : memref<51200x8x128xf32, #tpu.memory_space<hbm>> -> memref<1x8x128xf32, #tpu.memory_space<hbm>>
      %dma_start3A_1687 = tpu.memref_squeeze %dma_start3A_1686 : memref<1x8x128xf32, #tpu.memory_space<hbm>> -> memref<8x128xf32, #tpu.memory_space<hbm>>
      %dma_start3A_1688 = arith.constant 24 : i32
      %dma_start3A_1689 = arith.constant 0 : i32
      %dma_start3A_1690 = tpu.memref_slice %arg8[%dma_start3A_1688, %dma_start3A_1689] : memref<64x129xf32, #tpu.memory_space<vmem>> -> memref<8x128xf32, #tpu.memory_space<vmem>>
      tpu.enqueue_dma source(%dma_start3A_1690 : memref<8x128xf32, #tpu.memory_space<vmem>>) target(%dma_start3A_1687 : memref<8x128xf32, #tpu.memory_space<hbm>>) target_semaphore(%arg12 : memref<!tpu.dma_semaphore, #tpu.memory_space<semaphore_mem>>)
      %mul3A_1691 = arith.constant 8 : i32
      %mul3A_1692 = arith.muli %select_n3A_1603, %mul3A_1691 : i32
      %add3A_1693 = arith.constant 4 : i32
      %add3A_1694 = arith.addi %mul3A_1692, %add3A_1693 : i32
      %mul3A_1695 = arith.constant 128 : i32
      %mul3A_1696 = arith.muli %add3A_1694, %mul3A_1695 : i32
      %add3A_1697 = arith.addi %mul3A_1696, %sub3A_1606 : i32
      %dma_start3A_1698 = arith.constant 32 : i32
      %dma_start3A_1699 = arith.constant 0 : i32
      %dma_start3A_1700 = tpu.memref_slice %arg8[%dma_start3A_1698, %dma_start3A_1699] : memref<64x129xf32, #tpu.memory_space<vmem>> -> memref<8x128xf32, #tpu.memory_space<vmem>>
      %dma_start3A_1701 = arith.constant 0 : i32
      %dma_start3A_1702 = arith.constant 0 : i32
      %dma_start3A_1703 = tpu.memref_slice %arg4[%add3A_1697, %dma_start3A_1701, %dma_start3A_1702] : memref<51200x8x128xf32, #tpu.memory_space<hbm>> -> memref<1x8x128xf32, #tpu.memory_space<hbm>>
      %dma_start3A_1704 = tpu.memref_squeeze %dma_start3A_1703 : memref<1x8x128xf32, #tpu.memory_space<hbm>> -> memref<8x128xf32, #tpu.memory_space<hbm>>
      %dma_start3A_1705 = arith.constant 0 : i32
      %dma_start3A_1706 = arith.constant 0 : i32
      %dma_start3A_1707 = tpu.memref_slice %arg4[%add3A_1697, %dma_start3A_1705, %dma_start3A_1706] : memref<51200x8x128xf32, #tpu.memory_space<hbm>> -> memref<1x8x128xf32, #tpu.memory_space<hbm>>
      %dma_start3A_1708 = tpu.memref_squeeze %dma_start3A_1707 : memref<1x8x128xf32, #tpu.memory_space<hbm>> -> memref<8x128xf32, #tpu.memory_space<hbm>>
      %dma_start3A_1709 = arith.constant 32 : i32
      %dma_start3A_1710 = arith.constant 0 : i32
      %dma_start3A_1711 = tpu.memref_slice %arg8[%dma_start3A_1709, %dma_start3A_1710] : memref<64x129xf32, #tpu.memory_space<vmem>> -> memref<8x128xf32, #tpu.memory_space<vmem>>
      tpu.enqueue_dma source(%dma_start3A_1711 : memref<8x128xf32, #tpu.memory_space<vmem>>) target(%dma_start3A_1708 : memref<8x128xf32, #tpu.memory_space<hbm>>) target_semaphore(%arg12 : memref<!tpu.dma_semaphore, #tpu.memory_space<semaphore_mem>>)
      %mul3A_1712 = arith.constant 8 : i32
      %mul3A_1713 = arith.muli %select_n3A_1603, %mul3A_1712 : i32
      %add3A_1714 = arith.constant 5 : i32
      %add3A_1715 = arith.addi %mul3A_1713, %add3A_1714 : i32
      %mul3A_1716 = arith.constant 128 : i32
      %mul3A_1717 = arith.muli %add3A_1715, %mul3A_1716 : i32
      %add3A_1718 = arith.addi %mul3A_1717, %sub3A_1606 : i32
      %dma_start3A_1719 = arith.constant 40 : i32
      %dma_start3A_1720 = arith.constant 0 : i32
      %dma_start3A_1721 = tpu.memref_slice %arg8[%dma_start3A_1719, %dma_start3A_1720] : memref<64x129xf32, #tpu.memory_space<vmem>> -> memref<8x128xf32, #tpu.memory_space<vmem>>
      %dma_start3A_1722 = arith.constant 0 : i32
      %dma_start3A_1723 = arith.constant 0 : i32
      %dma_start3A_1724 = tpu.memref_slice %arg4[%add3A_1718, %dma_start3A_1722, %dma_start3A_1723] : memref<51200x8x128xf32, #tpu.memory_space<hbm>> -> memref<1x8x128xf32, #tpu.memory_space<hbm>>
      %dma_start3A_1725 = tpu.memref_squeeze %dma_start3A_1724 : memref<1x8x128xf32, #tpu.memory_space<hbm>> -> memref<8x128xf32, #tpu.memory_space<hbm>>
      %dma_start3A_1726 = arith.constant 0 : i32
      %dma_start3A_1727 = arith.constant 0 : i32
      %dma_start3A_1728 = tpu.memref_slice %arg4[%add3A_1718, %dma_start3A_1726, %dma_start3A_1727] : memref<51200x8x128xf32, #tpu.memory_space<hbm>> -> memref<1x8x128xf32, #tpu.memory_space<hbm>>
      %dma_start3A_1729 = tpu.memref_squeeze %dma_start3A_1728 : memref<1x8x128xf32, #tpu.memory_space<hbm>> -> memref<8x128xf32, #tpu.memory_space<hbm>>
      %dma_start3A_1730 = arith.constant 40 : i32
      %dma_start3A_1731 = arith.constant 0 : i32
      %dma_start3A_1732 = tpu.memref_slice %arg8[%dma_start3A_1730, %dma_start3A_1731] : memref<64x129xf32, #tpu.memory_space<vmem>> -> memref<8x128xf32, #tpu.memory_space<vmem>>
      tpu.enqueue_dma source(%dma_start3A_1732 : memref<8x128xf32, #tpu.memory_space<vmem>>) target(%dma_start3A_1729 : memref<8x128xf32, #tpu.memory_space<hbm>>) target_semaphore(%arg12 : memref<!tpu.dma_semaphore, #tpu.memory_space<semaphore_mem>>)
      %mul3A_1733 = arith.constant 8 : i32
      %mul3A_1734 = arith.muli %select_n3A_1603, %mul3A_1733 : i32
      %add3A_1735 = arith.constant 6 : i32
      %add3A_1736 = arith.addi %mul3A_1734, %add3A_1735 : i32
      %mul3A_1737 = arith.constant 128 : i32
      %mul3A_1738 = arith.muli %add3A_1736, %mul3A_1737 : i32
      %add3A_1739 = arith.addi %mul3A_1738, %sub3A_1606 : i32
      %dma_start3A_1740 = arith.constant 48 : i32
      %dma_start3A_1741 = arith.constant 0 : i32
      %dma_start3A_1742 = tpu.memref_slice %arg8[%dma_start3A_1740, %dma_start3A_1741] : memref<64x129xf32, #tpu.memory_space<vmem>> -> memref<8x128xf32, #tpu.memory_space<vmem>>
      %dma_start3A_1743 = arith.constant 0 : i32
      %dma_start3A_1744 = arith.constant 0 : i32
      %dma_start3A_1745 = tpu.memref_slice %arg4[%add3A_1739, %dma_start3A_1743, %dma_start3A_1744] : memref<51200x8x128xf32, #tpu.memory_space<hbm>> -> memref<1x8x128xf32, #tpu.memory_space<hbm>>
      %dma_start3A_1746 = tpu.memref_squeeze %dma_start3A_1745 : memref<1x8x128xf32, #tpu.memory_space<hbm>> -> memref<8x128xf32, #tpu.memory_space<hbm>>
      %dma_start3A_1747 = arith.constant 0 : i32
      %dma_start3A_1748 = arith.constant 0 : i32
      %dma_start3A_1749 = tpu.memref_slice %arg4[%add3A_1739, %dma_start3A_1747, %dma_start3A_1748] : memref<51200x8x128xf32, #tpu.memory_space<hbm>> -> memref<1x8x128xf32, #tpu.memory_space<hbm>>
      %dma_start3A_1750 = tpu.memref_squeeze %dma_start3A_1749 : memref<1x8x128xf32, #tpu.memory_space<hbm>> -> memref<8x128xf32, #tpu.memory_space<hbm>>
      %dma_start3A_1751 = arith.constant 48 : i32
      %dma_start3A_1752 = arith.constant 0 : i32
      %dma_start3A_1753 = tpu.memref_slice %arg8[%dma_start3A_1751, %dma_start3A_1752] : memref<64x129xf32, #tpu.memory_space<vmem>> -> memref<8x128xf32, #tpu.memory_space<vmem>>
      tpu.enqueue_dma source(%dma_start3A_1753 : memref<8x128xf32, #tpu.memory_space<vmem>>) target(%dma_start3A_1750 : memref<8x128xf32, #tpu.memory_space<hbm>>) target_semaphore(%arg12 : memref<!tpu.dma_semaphore, #tpu.memory_space<semaphore_mem>>)
      %mul3A_1754 = arith.constant 8 : i32
      %mul3A_1755 = arith.muli %select_n3A_1603, %mul3A_1754 : i32
      %add3A_1756 = arith.constant 7 : i32
      %add3A_1757 = arith.addi %mul3A_1755, %add3A_1756 : i32
      %mul3A_1758 = arith.constant 128 : i32
      %mul3A_1759 = arith.muli %add3A_1757, %mul3A_1758 : i32
      %add3A_1760 = arith.addi %mul3A_1759, %sub3A_1606 : i32
      %dma_start3A_1761 = arith.constant 56 : i32
      %dma_start3A_1762 = arith.constant 0 : i32
      %dma_start3A_1763 = tpu.memref_slice %arg8[%dma_start3A_1761, %dma_start3A_1762] : memref<64x129xf32, #tpu.memory_space<vmem>> -> memref<8x128xf32, #tpu.memory_space<vmem>>
      %dma_start3A_1764 = arith.constant 0 : i32
      %dma_start3A_1765 = arith.constant 0 : i32
      %dma_start3A_1766 = tpu.memref_slice %arg4[%add3A_1760, %dma_start3A_1764, %dma_start3A_1765] : memref<51200x8x128xf32, #tpu.memory_space<hbm>> -> memref<1x8x128xf32, #tpu.memory_space<hbm>>
      %dma_start3A_1767 = tpu.memref_squeeze %dma_start3A_1766 : memref<1x8x128xf32, #tpu.memory_space<hbm>> -> memref<8x128xf32, #tpu.memory_space<hbm>>
      %dma_start3A_1768 = arith.constant 0 : i32
      %dma_start3A_1769 = arith.constant 0 : i32
      %dma_start3A_1770 = tpu.memref_slice %arg4[%add3A_1760, %dma_start3A_1768, %dma_start3A_1769] : memref<51200x8x128xf32, #tpu.memory_space<hbm>> -> memref<1x8x128xf32, #tpu.memory_space<hbm>>
      %dma_start3A_1771 = tpu.memref_squeeze %dma_start3A_1770 : memref<1x8x128xf32, #tpu.memory_space<hbm>> -> memref<8x128xf32, #tpu.memory_space<hbm>>
      %dma_start3A_1772 = arith.constant 56 : i32
      %dma_start3A_1773 = arith.constant 0 : i32
      %dma_start3A_1774 = tpu.memref_slice %arg8[%dma_start3A_1772, %dma_start3A_1773] : memref<64x129xf32, #tpu.memory_space<vmem>> -> memref<8x128xf32, #tpu.memory_space<vmem>>
      tpu.enqueue_dma source(%dma_start3A_1774 : memref<8x128xf32, #tpu.memory_space<vmem>>) target(%dma_start3A_1771 : memref<8x128xf32, #tpu.memory_space<hbm>>) target_semaphore(%arg12 : memref<!tpu.dma_semaphore, #tpu.memory_space<semaphore_mem>>)
      %add3A_1775 = arith.constant 2 : i32
      %add3A_1776 = arith.addi %add3A_1417, %add3A_1775 : i32
      %add3A_1777 = arith.constant 1 : i32
      %add3A_1778 = arith.addi %add3A_1776, %add3A_1777 : i32
      %add3A_1779 = arith.constant 1 : i32
      %add3A_1780 = arith.addi %add3A_1778, %add3A_1779 : i32
      %mul3A_1781 = arith.constant 128 : i32
      %mul3A_1782 = arith.muli %add3A_1780, %mul3A_1781 : i32
      %dma_start3A_1783 = tpu.memref_slice %arg5[%mul3A_1782] : memref<25600xi32, #tpu.memory_space<vmem>> -> memref<128xi32, #tpu.memory_space<vmem>>
      %dma_start3A_1784 = arith.constant 0 : i32
      %dma_start3A_1785 = arith.constant 0 : i32
      %dma_start3A_1786 = tpu.memref_slice %arg3[%dma_start3A_1784, %dma_start3A_1785] : memref<1000000x64xf32, #tpu.memory_space<hbm>> -> memref<1000000x64xf32, #tpu.memory_space<hbm>>
      tpu.enqueue_indirect_dma source(%dma_start3A_1786 : memref<1000000x64xf32, #tpu.memory_space<hbm>>) target(%arg6 : memref<128x64xf32, #tpu.memory_space<vmem>>) offsets(%dma_start3A_1783 : memref<128xi32, #tpu.memory_space<vmem>>) semaphore(%arg10 : memref<!tpu.dma_semaphore, #tpu.memory_space<semaphore_mem>>)
      %dma_wait3A_1787 = arith.constant 0 : i32
      %dma_wait3A_1788 = tpu.memref_slice %arg5[%dma_wait3A_1787] : memref<25600xi32, #tpu.memory_space<vmem>> -> memref<128xi32, #tpu.memory_space<vmem>>
      %dma_wait3A_1789 = arith.constant 0 : i32
      %dma_wait3A_1790 = arith.constant 0 : i32
      %dma_wait3A_1791 = tpu.memref_slice %arg3[%dma_wait3A_1789, %dma_wait3A_1790] : memref<1000000x64xf32, #tpu.memory_space<hbm>> -> memref<1000000x64xf32, #tpu.memory_space<hbm>>
      tpu.wait_indirect_dma semaphore(%arg11 : memref<!tpu.dma_semaphore, #tpu.memory_space<semaphore_mem>>) src(%dma_wait3A_1791 : memref<1000000x64xf32, #tpu.memory_space<hbm>>) dst(%arg7 : memref<128x64xf32, #tpu.memory_space<vmem>>)
      %dma_wait3A_1792 = arith.constant 0 : i32
      %dma_wait3A_1793 = arith.constant 0 : i32
      %dma_wait3A_1794 = arith.constant 0 : i32
      %dma_wait3A_1795 = tpu.memref_slice %arg9[%dma_wait3A_1793, %dma_wait3A_1794] : memref<64x129xf32, #tpu.memory_space<vmem>> -> memref<8x128xf32, #tpu.memory_space<vmem>>
      %dma_wait3A_1796 = arith.constant 0 : i32
      %dma_wait3A_1797 = arith.constant 0 : i32
      %dma_wait3A_1798 = tpu.memref_slice %arg4[%dma_wait3A_1792, %dma_wait3A_1796, %dma_wait3A_1797] : memref<51200x8x128xf32, #tpu.memory_space<hbm>> -> memref<1x8x128xf32, #tpu.memory_space<hbm>>
      %dma_wait3A_1799 = tpu.memref_squeeze %dma_wait3A_1798 : memref<1x8x128xf32, #tpu.memory_space<hbm>> -> memref<8x128xf32, #tpu.memory_space<hbm>>
      %dma_wait3A_1800 = arith.constant 0 : i32
      %dma_wait3A_1801 = arith.constant 0 : i32
      %dma_wait3A_1802 = tpu.memref_slice %arg4[%dma_wait3A_1792, %dma_wait3A_1800, %dma_wait3A_1801] : memref<51200x8x128xf32, #tpu.memory_space<hbm>> -> memref<1x8x128xf32, #tpu.memory_space<hbm>>
      %dma_wait3A_1803 = tpu.memref_squeeze %dma_wait3A_1802 : memref<1x8x128xf32, #tpu.memory_space<hbm>> -> memref<8x128xf32, #tpu.memory_space<hbm>>
      %dma_wait3A_1804 = arith.constant 0 : i32
      %dma_wait3A_1805 = arith.constant 0 : i32
      %dma_wait3A_1806 = tpu.memref_slice %arg9[%dma_wait3A_1804, %dma_wait3A_1805] : memref<64x129xf32, #tpu.memory_space<vmem>> -> memref<8x128xf32, #tpu.memory_space<vmem>>
      tpu.wait_dma2 semaphore(%arg13 : memref<!tpu.dma_semaphore, #tpu.memory_space<semaphore_mem>>) src(%dma_wait3A_1806 : memref<8x128xf32, #tpu.memory_space<vmem>>) dst(%dma_wait3A_1803 : memref<8x128xf32, #tpu.memory_space<hbm>>)
      %dma_wait3A_1807 = arith.constant 0 : i32
      %dma_wait3A_1808 = arith.constant 8 : i32
      %dma_wait3A_1809 = arith.constant 0 : i32
      %dma_wait3A_1810 = tpu.memref_slice %arg9[%dma_wait3A_1808, %dma_wait3A_1809] : memref<64x129xf32, #tpu.memory_space<vmem>> -> memref<8x128xf32, #tpu.memory_space<vmem>>
      %dma_wait3A_1811 = arith.constant 0 : i32
      %dma_wait3A_1812 = arith.constant 0 : i32
      %dma_wait3A_1813 = tpu.memref_slice %arg4[%dma_wait3A_1807, %dma_wait3A_1811, %dma_wait3A_1812] : memref<51200x8x128xf32, #tpu.memory_space<hbm>> -> memref<1x8x128xf32, #tpu.memory_space<hbm>>
      %dma_wait3A_1814 = tpu.memref_squeeze %dma_wait3A_1813 : memref<1x8x128xf32, #tpu.memory_space<hbm>> -> memref<8x128xf32, #tpu.memory_space<hbm>>
      %dma_wait3A_1815 = arith.constant 0 : i32
      %dma_wait3A_1816 = arith.constant 0 : i32
      %dma_wait3A_1817 = tpu.memref_slice %arg4[%dma_wait3A_1807, %dma_wait3A_1815, %dma_wait3A_1816] : memref<51200x8x128xf32, #tpu.memory_space<hbm>> -> memref<1x8x128xf32, #tpu.memory_space<hbm>>
      %dma_wait3A_1818 = tpu.memref_squeeze %dma_wait3A_1817 : memref<1x8x128xf32, #tpu.memory_space<hbm>> -> memref<8x128xf32, #tpu.memory_space<hbm>>
      %dma_wait3A_1819 = arith.constant 8 : i32
      %dma_wait3A_1820 = arith.constant 0 : i32
      %dma_wait3A_1821 = tpu.memref_slice %arg9[%dma_wait3A_1819, %dma_wait3A_1820] : memref<64x129xf32, #tpu.memory_space<vmem>> -> memref<8x128xf32, #tpu.memory_space<vmem>>
      tpu.wait_dma2 semaphore(%arg13 : memref<!tpu.dma_semaphore, #tpu.memory_space<semaphore_mem>>) src(%dma_wait3A_1821 : memref<8x128xf32, #tpu.memory_space<vmem>>) dst(%dma_wait3A_1818 : memref<8x128xf32, #tpu.memory_space<hbm>>)
      %dma_wait3A_1822 = arith.constant 0 : i32
      %dma_wait3A_1823 = arith.constant 16 : i32
      %dma_wait3A_1824 = arith.constant 0 : i32
      %dma_wait3A_1825 = tpu.memref_slice %arg9[%dma_wait3A_1823, %dma_wait3A_1824] : memref<64x129xf32, #tpu.memory_space<vmem>> -> memref<8x128xf32, #tpu.memory_space<vmem>>
      %dma_wait3A_1826 = arith.constant 0 : i32
      %dma_wait3A_1827 = arith.constant 0 : i32
      %dma_wait3A_1828 = tpu.memref_slice %arg4[%dma_wait3A_1822, %dma_wait3A_1826, %dma_wait3A_1827] : memref<51200x8x128xf32, #tpu.memory_space<hbm>> -> memref<1x8x128xf32, #tpu.memory_space<hbm>>
      %dma_wait3A_1829 = tpu.memref_squeeze %dma_wait3A_1828 : memref<1x8x128xf32, #tpu.memory_space<hbm>> -> memref<8x128xf32, #tpu.memory_space<hbm>>
      %dma_wait3A_1830 = arith.constant 0 : i32
      %dma_wait3A_1831 = arith.constant 0 : i32
      %dma_wait3A_1832 = tpu.memref_slice %arg4[%dma_wait3A_1822, %dma_wait3A_1830, %dma_wait3A_1831] : memref<51200x8x128xf32, #tpu.memory_space<hbm>> -> memref<1x8x128xf32, #tpu.memory_space<hbm>>
      %dma_wait3A_1833 = tpu.memref_squeeze %dma_wait3A_1832 : memref<1x8x128xf32, #tpu.memory_space<hbm>> -> memref<8x128xf32, #tpu.memory_space<hbm>>
      %dma_wait3A_1834 = arith.constant 16 : i32
      %dma_wait3A_1835 = arith.constant 0 : i32
      %dma_wait3A_1836 = tpu.memref_slice %arg9[%dma_wait3A_1834, %dma_wait3A_1835] : memref<64x129xf32, #tpu.memory_space<vmem>> -> memref<8x128xf32, #tpu.memory_space<vmem>>
      tpu.wait_dma2 semaphore(%arg13 : memref<!tpu.dma_semaphore, #tpu.memory_space<semaphore_mem>>) src(%dma_wait3A_1836 : memref<8x128xf32, #tpu.memory_space<vmem>>) dst(%dma_wait3A_1833 : memref<8x128xf32, #tpu.memory_space<hbm>>)
      %dma_wait3A_1837 = arith.constant 0 : i32
      %dma_wait3A_1838 = arith.constant 24 : i32
      %dma_wait3A_1839 = arith.constant 0 : i32
      %dma_wait3A_1840 = tpu.memref_slice %arg9[%dma_wait3A_1838, %dma_wait3A_1839] : memref<64x129xf32, #tpu.memory_space<vmem>> -> memref<8x128xf32, #tpu.memory_space<vmem>>
      %dma_wait3A_1841 = arith.constant 0 : i32
      %dma_wait3A_1842 = arith.constant 0 : i32
      %dma_wait3A_1843 = tpu.memref_slice %arg4[%dma_wait3A_1837, %dma_wait3A_1841, %dma_wait3A_1842] : memref<51200x8x128xf32, #tpu.memory_space<hbm>> -> memref<1x8x128xf32, #tpu.memory_space<hbm>>
      %dma_wait3A_1844 = tpu.memref_squeeze %dma_wait3A_1843 : memref<1x8x128xf32, #tpu.memory_space<hbm>> -> memref<8x128xf32, #tpu.memory_space<hbm>>
      %dma_wait3A_1845 = arith.constant 0 : i32
      %dma_wait3A_1846 = arith.constant 0 : i32
      %dma_wait3A_1847 = tpu.memref_slice %arg4[%dma_wait3A_1837, %dma_wait3A_1845, %dma_wait3A_1846] : memref<51200x8x128xf32, #tpu.memory_space<hbm>> -> memref<1x8x128xf32, #tpu.memory_space<hbm>>
      %dma_wait3A_1848 = tpu.memref_squeeze %dma_wait3A_1847 : memref<1x8x128xf32, #tpu.memory_space<hbm>> -> memref<8x128xf32, #tpu.memory_space<hbm>>
      %dma_wait3A_1849 = arith.constant 24 : i32
      %dma_wait3A_1850 = arith.constant 0 : i32
      %dma_wait3A_1851 = tpu.memref_slice %arg9[%dma_wait3A_1849, %dma_wait3A_1850] : memref<64x129xf32, #tpu.memory_space<vmem>> -> memref<8x128xf32, #tpu.memory_space<vmem>>
      tpu.wait_dma2 semaphore(%arg13 : memref<!tpu.dma_semaphore, #tpu.memory_space<semaphore_mem>>) src(%dma_wait3A_1851 : memref<8x128xf32, #tpu.memory_space<vmem>>) dst(%dma_wait3A_1848 : memref<8x128xf32, #tpu.memory_space<hbm>>)
      %dma_wait3A_1852 = arith.constant 0 : i32
      %dma_wait3A_1853 = arith.constant 32 : i32
      %dma_wait3A_1854 = arith.constant 0 : i32
      %dma_wait3A_1855 = tpu.memref_slice %arg9[%dma_wait3A_1853, %dma_wait3A_1854] : memref<64x129xf32, #tpu.memory_space<vmem>> -> memref<8x128xf32, #tpu.memory_space<vmem>>
      %dma_wait3A_1856 = arith.constant 0 : i32
      %dma_wait3A_1857 = arith.constant 0 : i32
      %dma_wait3A_1858 = tpu.memref_slice %arg4[%dma_wait3A_1852, %dma_wait3A_1856, %dma_wait3A_1857] : memref<51200x8x128xf32, #tpu.memory_space<hbm>> -> memref<1x8x128xf32, #tpu.memory_space<hbm>>
      %dma_wait3A_1859 = tpu.memref_squeeze %dma_wait3A_1858 : memref<1x8x128xf32, #tpu.memory_space<hbm>> -> memref<8x128xf32, #tpu.memory_space<hbm>>
      %dma_wait3A_1860 = arith.constant 0 : i32
      %dma_wait3A_1861 = arith.constant 0 : i32
      %dma_wait3A_1862 = tpu.memref_slice %arg4[%dma_wait3A_1852, %dma_wait3A_1860, %dma_wait3A_1861] : memref<51200x8x128xf32, #tpu.memory_space<hbm>> -> memref<1x8x128xf32, #tpu.memory_space<hbm>>
      %dma_wait3A_1863 = tpu.memref_squeeze %dma_wait3A_1862 : memref<1x8x128xf32, #tpu.memory_space<hbm>> -> memref<8x128xf32, #tpu.memory_space<hbm>>
      %dma_wait3A_1864 = arith.constant 32 : i32
      %dma_wait3A_1865 = arith.constant 0 : i32
      %dma_wait3A_1866 = tpu.memref_slice %arg9[%dma_wait3A_1864, %dma_wait3A_1865] : memref<64x129xf32, #tpu.memory_space<vmem>> -> memref<8x128xf32, #tpu.memory_space<vmem>>
      tpu.wait_dma2 semaphore(%arg13 : memref<!tpu.dma_semaphore, #tpu.memory_space<semaphore_mem>>) src(%dma_wait3A_1866 : memref<8x128xf32, #tpu.memory_space<vmem>>) dst(%dma_wait3A_1863 : memref<8x128xf32, #tpu.memory_space<hbm>>)
      %dma_wait3A_1867 = arith.constant 0 : i32
      %dma_wait3A_1868 = arith.constant 40 : i32
      %dma_wait3A_1869 = arith.constant 0 : i32
      %dma_wait3A_1870 = tpu.memref_slice %arg9[%dma_wait3A_1868, %dma_wait3A_1869] : memref<64x129xf32, #tpu.memory_space<vmem>> -> memref<8x128xf32, #tpu.memory_space<vmem>>
      %dma_wait3A_1871 = arith.constant 0 : i32
      %dma_wait3A_1872 = arith.constant 0 : i32
      %dma_wait3A_1873 = tpu.memref_slice %arg4[%dma_wait3A_1867, %dma_wait3A_1871, %dma_wait3A_1872] : memref<51200x8x128xf32, #tpu.memory_space<hbm>> -> memref<1x8x128xf32, #tpu.memory_space<hbm>>
      %dma_wait3A_1874 = tpu.memref_squeeze %dma_wait3A_1873 : memref<1x8x128xf32, #tpu.memory_space<hbm>> -> memref<8x128xf32, #tpu.memory_space<hbm>>
      %dma_wait3A_1875 = arith.constant 0 : i32
      %dma_wait3A_1876 = arith.constant 0 : i32
      %dma_wait3A_1877 = tpu.memref_slice %arg4[%dma_wait3A_1867, %dma_wait3A_1875, %dma_wait3A_1876] : memref<51200x8x128xf32, #tpu.memory_space<hbm>> -> memref<1x8x128xf32, #tpu.memory_space<hbm>>
      %dma_wait3A_1878 = tpu.memref_squeeze %dma_wait3A_1877 : memref<1x8x128xf32, #tpu.memory_space<hbm>> -> memref<8x128xf32, #tpu.memory_space<hbm>>
      %dma_wait3A_1879 = arith.constant 40 : i32
      %dma_wait3A_1880 = arith.constant 0 : i32
      %dma_wait3A_1881 = tpu.memref_slice %arg9[%dma_wait3A_1879, %dma_wait3A_1880] : memref<64x129xf32, #tpu.memory_space<vmem>> -> memref<8x128xf32, #tpu.memory_space<vmem>>
      tpu.wait_dma2 semaphore(%arg13 : memref<!tpu.dma_semaphore, #tpu.memory_space<semaphore_mem>>) src(%dma_wait3A_1881 : memref<8x128xf32, #tpu.memory_space<vmem>>) dst(%dma_wait3A_1878 : memref<8x128xf32, #tpu.memory_space<hbm>>)
      %dma_wait3A_1882 = arith.constant 0 : i32
      %dma_wait3A_1883 = arith.constant 48 : i32
      %dma_wait3A_1884 = arith.constant 0 : i32
      %dma_wait3A_1885 = tpu.memref_slice %arg9[%dma_wait3A_1883, %dma_wait3A_1884] : memref<64x129xf32, #tpu.memory_space<vmem>> -> memref<8x128xf32, #tpu.memory_space<vmem>>
      %dma_wait3A_1886 = arith.constant 0 : i32
      %dma_wait3A_1887 = arith.constant 0 : i32
      %dma_wait3A_1888 = tpu.memref_slice %arg4[%dma_wait3A_1882, %dma_wait3A_1886, %dma_wait3A_1887] : memref<51200x8x128xf32, #tpu.memory_space<hbm>> -> memref<1x8x128xf32, #tpu.memory_space<hbm>>
      %dma_wait3A_1889 = tpu.memref_squeeze %dma_wait3A_1888 : memref<1x8x128xf32, #tpu.memory_space<hbm>> -> memref<8x128xf32, #tpu.memory_space<hbm>>
      %dma_wait3A_1890 = arith.constant 0 : i32
      %dma_wait3A_1891 = arith.constant 0 : i32
      %dma_wait3A_1892 = tpu.memref_slice %arg4[%dma_wait3A_1882, %dma_wait3A_1890, %dma_wait3A_1891] : memref<51200x8x128xf32, #tpu.memory_space<hbm>> -> memref<1x8x128xf32, #tpu.memory_space<hbm>>
      %dma_wait3A_1893 = tpu.memref_squeeze %dma_wait3A_1892 : memref<1x8x128xf32, #tpu.memory_space<hbm>> -> memref<8x128xf32, #tpu.memory_space<hbm>>
      %dma_wait3A_1894 = arith.constant 48 : i32
      %dma_wait3A_1895 = arith.constant 0 : i32
      %dma_wait3A_1896 = tpu.memref_slice %arg9[%dma_wait3A_1894, %dma_wait3A_1895] : memref<64x129xf32, #tpu.memory_space<vmem>> -> memref<8x128xf32, #tpu.memory_space<vmem>>
      tpu.wait_dma2 semaphore(%arg13 : memref<!tpu.dma_semaphore, #tpu.memory_space<semaphore_mem>>) src(%dma_wait3A_1896 : memref<8x128xf32, #tpu.memory_space<vmem>>) dst(%dma_wait3A_1893 : memref<8x128xf32, #tpu.memory_space<hbm>>)
      %dma_wait3A_1897 = arith.constant 0 : i32
      %dma_wait3A_1898 = arith.constant 56 : i32
      %dma_wait3A_1899 = arith.constant 0 : i32
      %dma_wait3A_1900 = tpu.memref_slice %arg9[%dma_wait3A_1898, %dma_wait3A_1899] : memref<64x129xf32, #tpu.memory_space<vmem>> -> memref<8x128xf32, #tpu.memory_space<vmem>>
      %dma_wait3A_1901 = arith.constant 0 : i32
      %dma_wait3A_1902 = arith.constant 0 : i32
      %dma_wait3A_1903 = tpu.memref_slice %arg4[%dma_wait3A_1897, %dma_wait3A_1901, %dma_wait3A_1902] : memref<51200x8x128xf32, #tpu.memory_space<hbm>> -> memref<1x8x128xf32, #tpu.memory_space<hbm>>
      %dma_wait3A_1904 = tpu.memref_squeeze %dma_wait3A_1903 : memref<1x8x128xf32, #tpu.memory_space<hbm>> -> memref<8x128xf32, #tpu.memory_space<hbm>>
      %dma_wait3A_1905 = arith.constant 0 : i32
      %dma_wait3A_1906 = arith.constant 0 : i32
      %dma_wait3A_1907 = tpu.memref_slice %arg4[%dma_wait3A_1897, %dma_wait3A_1905, %dma_wait3A_1906] : memref<51200x8x128xf32, #tpu.memory_space<hbm>> -> memref<1x8x128xf32, #tpu.memory_space<hbm>>
      %dma_wait3A_1908 = tpu.memref_squeeze %dma_wait3A_1907 : memref<1x8x128xf32, #tpu.memory_space<hbm>> -> memref<8x128xf32, #tpu.memory_space<hbm>>
      %dma_wait3A_1909 = arith.constant 56 : i32
      %dma_wait3A_1910 = arith.constant 0 : i32
      %dma_wait3A_1911 = tpu.memref_slice %arg9[%dma_wait3A_1909, %dma_wait3A_1910] : memref<64x129xf32, #tpu.memory_space<vmem>> -> memref<8x128xf32, #tpu.memory_space<vmem>>
      tpu.wait_dma2 semaphore(%arg13 : memref<!tpu.dma_semaphore, #tpu.memory_space<semaphore_mem>>) src(%dma_wait3A_1911 : memref<8x128xf32, #tpu.memory_space<vmem>>) dst(%dma_wait3A_1908 : memref<8x128xf32, #tpu.memory_space<hbm>>)
      %jit3A_1912 = arith.constant 128 : i32
      %div3A_1913 = arith.divsi %mul3A_2, %jit3A_1912 : i32
      %sign3A_1914 = arith.constant 0 : i32
      %sign3A_1915 = arith.cmpi sgt, %mul3A_2, %sign3A_1914 : i32
      %sign3A_1916 = arith.extui %sign3A_1915 : i1 to i32
      %sign3A_1917 = arith.constant 0 : i32
      %sign3A_1918 = arith.cmpi slt, %mul3A_2, %sign3A_1917 : i32
      %sign3A_1919 = arith.extui %sign3A_1918 : i1 to i32
      %sign3A_1920 = arith.subi %sign3A_1916, %sign3A_1919 : i32
      %sign3A_1921 = arith.constant 0 : i32
      %sign3A_1922 = arith.cmpi sgt, %jit3A_1912, %sign3A_1921 : i32
      %sign3A_1923 = arith.extui %sign3A_1922 : i1 to i32
      %sign3A_1924 = arith.constant 0 : i32
      %sign3A_1925 = arith.cmpi slt, %jit3A_1912, %sign3A_1924 : i32
      %sign3A_1926 = arith.extui %sign3A_1925 : i1 to i32
      %sign3A_1927 = arith.subi %sign3A_1923, %sign3A_1926 : i32
      %ne3A_1928 = arith.cmpi ne, %sign3A_1920, %sign3A_1927 : i32
      %rem3A_1929 = arith.remsi %mul3A_2, %jit3A_1912 : i32
      %ne3A_1930 = arith.constant 0 : i32
      %ne3A_1931 = arith.cmpi ne, %rem3A_1929, %ne3A_1930 : i32
      %and3A_1932 = arith.andi %ne3A_1928, %ne3A_1931 : i1
      %sub3A_1933 = arith.constant 1 : i32
      %sub3A_1934 = arith.subi %div3A_1913, %sub3A_1933 : i32
      %select_n3A_1935 = arith.select %and3A_1932, %sub3A_1934, %div3A_1913 : i32
      %add3A_1936 = arith.addi %select_n3A_1935, %add3A_1778 : i32
      %jit3A_1937 = arith.constant 128 : i32
      %div3A_1938 = arith.divsi %add3A_1936, %jit3A_1937 : i32
      %sign3A_1939 = arith.constant 0 : i32
      %sign3A_1940 = arith.cmpi sgt, %add3A_1936, %sign3A_1939 : i32
      %sign3A_1941 = arith.extui %sign3A_1940 : i1 to i32
      %sign3A_1942 = arith.constant 0 : i32
      %sign3A_1943 = arith.cmpi slt, %add3A_1936, %sign3A_1942 : i32
      %sign3A_1944 = arith.extui %sign3A_1943 : i1 to i32
      %sign3A_1945 = arith.subi %sign3A_1941, %sign3A_1944 : i32
      %sign3A_1946 = arith.constant 0 : i32
      %sign3A_1947 = arith.cmpi sgt, %jit3A_1937, %sign3A_1946 : i32
      %sign3A_1948 = arith.extui %sign3A_1947 : i1 to i32
      %sign3A_1949 = arith.constant 0 : i32
      %sign3A_1950 = arith.cmpi slt, %jit3A_1937, %sign3A_1949 : i32
      %sign3A_1951 = arith.extui %sign3A_1950 : i1 to i32
      %sign3A_1952 = arith.subi %sign3A_1948, %sign3A_1951 : i32
      %ne3A_1953 = arith.cmpi ne, %sign3A_1945, %sign3A_1952 : i32
      %rem3A_1954 = arith.remsi %add3A_1936, %jit3A_1937 : i32
      %ne3A_1955 = arith.constant 0 : i32
      %ne3A_1956 = arith.cmpi ne, %rem3A_1954, %ne3A_1955 : i32
      %and3A_1957 = arith.andi %ne3A_1953, %ne3A_1956 : i1
      %sub3A_1958 = arith.constant 1 : i32
      %sub3A_1959 = arith.subi %div3A_1938, %sub3A_1958 : i32
      %select_n3A_1960 = arith.select %and3A_1957, %sub3A_1959, %div3A_1938 : i32
      %mul3A_1961 = arith.constant 128 : i32
      %mul3A_1962 = arith.muli %select_n3A_1960, %mul3A_1961 : i32
      %sub3A_1963 = arith.subi %add3A_1936, %mul3A_1962 : i32
      %mul3A_1964 = arith.constant 8 : i32
      %mul3A_1965 = arith.muli %select_n3A_1960, %mul3A_1964 : i32
      %add3A_1966 = arith.constant 0 : i32
      %add3A_1967 = arith.addi %mul3A_1965, %add3A_1966 : i32
      %mul3A_1968 = arith.constant 128 : i32
      %mul3A_1969 = arith.muli %add3A_1967, %mul3A_1968 : i32
      %add3A_1970 = arith.addi %mul3A_1969, %sub3A_1963 : i32
      %dma_start3A_1971 = arith.constant 0 : i32
      %dma_start3A_1972 = arith.constant 0 : i32
      %dma_start3A_1973 = tpu.memref_slice %arg9[%dma_start3A_1971, %dma_start3A_1972] : memref<64x129xf32, #tpu.memory_space<vmem>> -> memref<8x128xf32, #tpu.memory_space<vmem>>
      %dma_start3A_1974 = arith.constant 0 : i32
      %dma_start3A_1975 = arith.constant 0 : i32
      %dma_start3A_1976 = tpu.memref_slice %arg4[%add3A_1970, %dma_start3A_1974, %dma_start3A_1975] : memref<51200x8x128xf32, #tpu.memory_space<hbm>> -> memref<1x8x128xf32, #tpu.memory_space<hbm>>
      %dma_start3A_1977 = tpu.memref_squeeze %dma_start3A_1976 : memref<1x8x128xf32, #tpu.memory_space<hbm>> -> memref<8x128xf32, #tpu.memory_space<hbm>>
      %dma_start3A_1978 = arith.constant 0 : i32
      %dma_start3A_1979 = arith.constant 0 : i32
      %dma_start3A_1980 = tpu.memref_slice %arg4[%add3A_1970, %dma_start3A_1978, %dma_start3A_1979] : memref<51200x8x128xf32, #tpu.memory_space<hbm>> -> memref<1x8x128xf32, #tpu.memory_space<hbm>>
      %dma_start3A_1981 = tpu.memref_squeeze %dma_start3A_1980 : memref<1x8x128xf32, #tpu.memory_space<hbm>> -> memref<8x128xf32, #tpu.memory_space<hbm>>
      %dma_start3A_1982 = arith.constant 0 : i32
      %dma_start3A_1983 = arith.constant 0 : i32
      %dma_start3A_1984 = tpu.memref_slice %arg9[%dma_start3A_1982, %dma_start3A_1983] : memref<64x129xf32, #tpu.memory_space<vmem>> -> memref<8x128xf32, #tpu.memory_space<vmem>>
      tpu.enqueue_dma source(%dma_start3A_1984 : memref<8x128xf32, #tpu.memory_space<vmem>>) target(%dma_start3A_1981 : memref<8x128xf32, #tpu.memory_space<hbm>>) target_semaphore(%arg13 : memref<!tpu.dma_semaphore, #tpu.memory_space<semaphore_mem>>)
      %mul3A_1985 = arith.constant 8 : i32
      %mul3A_1986 = arith.muli %select_n3A_1960, %mul3A_1985 : i32
      %add3A_1987 = arith.constant 1 : i32
      %add3A_1988 = arith.addi %mul3A_1986, %add3A_1987 : i32
      %mul3A_1989 = arith.constant 128 : i32
      %mul3A_1990 = arith.muli %add3A_1988, %mul3A_1989 : i32
      %add3A_1991 = arith.addi %mul3A_1990, %sub3A_1963 : i32
      %dma_start3A_1992 = arith.constant 8 : i32
      %dma_start3A_1993 = arith.constant 0 : i32
      %dma_start3A_1994 = tpu.memref_slice %arg9[%dma_start3A_1992, %dma_start3A_1993] : memref<64x129xf32, #tpu.memory_space<vmem>> -> memref<8x128xf32, #tpu.memory_space<vmem>>
      %dma_start3A_1995 = arith.constant 0 : i32
      %dma_start3A_1996 = arith.constant 0 : i32
      %dma_start3A_1997 = tpu.memref_slice %arg4[%add3A_1991, %dma_start3A_1995, %dma_start3A_1996] : memref<51200x8x128xf32, #tpu.memory_space<hbm>> -> memref<1x8x128xf32, #tpu.memory_space<hbm>>
      %dma_start3A_1998 = tpu.memref_squeeze %dma_start3A_1997 : memref<1x8x128xf32, #tpu.memory_space<hbm>> -> memref<8x128xf32, #tpu.memory_space<hbm>>
      %dma_start3A_1999 = arith.constant 0 : i32
      %dma_start3A_2000 = arith.constant 0 : i32
      %dma_start3A_2001 = tpu.memref_slice %arg4[%add3A_1991, %dma_start3A_1999, %dma_start3A_2000] : memref<51200x8x128xf32, #tpu.memory_space<hbm>> -> memref<1x8x128xf32, #tpu.memory_space<hbm>>
      %dma_start3A_2002 = tpu.memref_squeeze %dma_start3A_2001 : memref<1x8x128xf32, #tpu.memory_space<hbm>> -> memref<8x128xf32, #tpu.memory_space<hbm>>
      %dma_start3A_2003 = arith.constant 8 : i32
      %dma_start3A_2004 = arith.constant 0 : i32
      %dma_start3A_2005 = tpu.memref_slice %arg9[%dma_start3A_2003, %dma_start3A_2004] : memref<64x129xf32, #tpu.memory_space<vmem>> -> memref<8x128xf32, #tpu.memory_space<vmem>>
      tpu.enqueue_dma source(%dma_start3A_2005 : memref<8x128xf32, #tpu.memory_space<vmem>>) target(%dma_start3A_2002 : memref<8x128xf32, #tpu.memory_space<hbm>>) target_semaphore(%arg13 : memref<!tpu.dma_semaphore, #tpu.memory_space<semaphore_mem>>)
      %mul3A_2006 = arith.constant 8 : i32
      %mul3A_2007 = arith.muli %select_n3A_1960, %mul3A_2006 : i32
      %add3A_2008 = arith.constant 2 : i32
      %add3A_2009 = arith.addi %mul3A_2007, %add3A_2008 : i32
      %mul3A_2010 = arith.constant 128 : i32
      %mul3A_2011 = arith.muli %add3A_2009, %mul3A_2010 : i32
      %add3A_2012 = arith.addi %mul3A_2011, %sub3A_1963 : i32
      %dma_start3A_2013 = arith.constant 16 : i32
      %dma_start3A_2014 = arith.constant 0 : i32
      %dma_start3A_2015 = tpu.memref_slice %arg9[%dma_start3A_2013, %dma_start3A_2014] : memref<64x129xf32, #tpu.memory_space<vmem>> -> memref<8x128xf32, #tpu.memory_space<vmem>>
      %dma_start3A_2016 = arith.constant 0 : i32
      %dma_start3A_2017 = arith.constant 0 : i32
      %dma_start3A_2018 = tpu.memref_slice %arg4[%add3A_2012, %dma_start3A_2016, %dma_start3A_2017] : memref<51200x8x128xf32, #tpu.memory_space<hbm>> -> memref<1x8x128xf32, #tpu.memory_space<hbm>>
      %dma_start3A_2019 = tpu.memref_squeeze %dma_start3A_2018 : memref<1x8x128xf32, #tpu.memory_space<hbm>> -> memref<8x128xf32, #tpu.memory_space<hbm>>
      %dma_start3A_2020 = arith.constant 0 : i32
      %dma_start3A_2021 = arith.constant 0 : i32
      %dma_start3A_2022 = tpu.memref_slice %arg4[%add3A_2012, %dma_start3A_2020, %dma_start3A_2021] : memref<51200x8x128xf32, #tpu.memory_space<hbm>> -> memref<1x8x128xf32, #tpu.memory_space<hbm>>
      %dma_start3A_2023 = tpu.memref_squeeze %dma_start3A_2022 : memref<1x8x128xf32, #tpu.memory_space<hbm>> -> memref<8x128xf32, #tpu.memory_space<hbm>>
      %dma_start3A_2024 = arith.constant 16 : i32
      %dma_start3A_2025 = arith.constant 0 : i32
      %dma_start3A_2026 = tpu.memref_slice %arg9[%dma_start3A_2024, %dma_start3A_2025] : memref<64x129xf32, #tpu.memory_space<vmem>> -> memref<8x128xf32, #tpu.memory_space<vmem>>
      tpu.enqueue_dma source(%dma_start3A_2026 : memref<8x128xf32, #tpu.memory_space<vmem>>) target(%dma_start3A_2023 : memref<8x128xf32, #tpu.memory_space<hbm>>) target_semaphore(%arg13 : memref<!tpu.dma_semaphore, #tpu.memory_space<semaphore_mem>>)
      %mul3A_2027 = arith.constant 8 : i32
      %mul3A_2028 = arith.muli %select_n3A_1960, %mul3A_2027 : i32
      %add3A_2029 = arith.constant 3 : i32
      %add3A_2030 = arith.addi %mul3A_2028, %add3A_2029 : i32
      %mul3A_2031 = arith.constant 128 : i32
      %mul3A_2032 = arith.muli %add3A_2030, %mul3A_2031 : i32
      %add3A_2033 = arith.addi %mul3A_2032, %sub3A_1963 : i32
      %dma_start3A_2034 = arith.constant 24 : i32
      %dma_start3A_2035 = arith.constant 0 : i32
      %dma_start3A_2036 = tpu.memref_slice %arg9[%dma_start3A_2034, %dma_start3A_2035] : memref<64x129xf32, #tpu.memory_space<vmem>> -> memref<8x128xf32, #tpu.memory_space<vmem>>
      %dma_start3A_2037 = arith.constant 0 : i32
      %dma_start3A_2038 = arith.constant 0 : i32
      %dma_start3A_2039 = tpu.memref_slice %arg4[%add3A_2033, %dma_start3A_2037, %dma_start3A_2038] : memref<51200x8x128xf32, #tpu.memory_space<hbm>> -> memref<1x8x128xf32, #tpu.memory_space<hbm>>
      %dma_start3A_2040 = tpu.memref_squeeze %dma_start3A_2039 : memref<1x8x128xf32, #tpu.memory_space<hbm>> -> memref<8x128xf32, #tpu.memory_space<hbm>>
      %dma_start3A_2041 = arith.constant 0 : i32
      %dma_start3A_2042 = arith.constant 0 : i32
      %dma_start3A_2043 = tpu.memref_slice %arg4[%add3A_2033, %dma_start3A_2041, %dma_start3A_2042] : memref<51200x8x128xf32, #tpu.memory_space<hbm>> -> memref<1x8x128xf32, #tpu.memory_space<hbm>>
      %dma_start3A_2044 = tpu.memref_squeeze %dma_start3A_2043 : memref<1x8x128xf32, #tpu.memory_space<hbm>> -> memref<8x128xf32, #tpu.memory_space<hbm>>
      %dma_start3A_2045 = arith.constant 24 : i32
      %dma_start3A_2046 = arith.constant 0 : i32
      %dma_start3A_2047 = tpu.memref_slice %arg9[%dma_start3A_2045, %dma_start3A_2046] : memref<64x129xf32, #tpu.memory_space<vmem>> -> memref<8x128xf32, #tpu.memory_space<vmem>>
      tpu.enqueue_dma source(%dma_start3A_2047 : memref<8x128xf32, #tpu.memory_space<vmem>>) target(%dma_start3A_2044 : memref<8x128xf32, #tpu.memory_space<hbm>>) target_semaphore(%arg13 : memref<!tpu.dma_semaphore, #tpu.memory_space<semaphore_mem>>)
      %mul3A_2048 = arith.constant 8 : i32
      %mul3A_2049 = arith.muli %select_n3A_1960, %mul3A_2048 : i32
      %add3A_2050 = arith.constant 4 : i32
      %add3A_2051 = arith.addi %mul3A_2049, %add3A_2050 : i32
      %mul3A_2052 = arith.constant 128 : i32
      %mul3A_2053 = arith.muli %add3A_2051, %mul3A_2052 : i32
      %add3A_2054 = arith.addi %mul3A_2053, %sub3A_1963 : i32
      %dma_start3A_2055 = arith.constant 32 : i32
      %dma_start3A_2056 = arith.constant 0 : i32
      %dma_start3A_2057 = tpu.memref_slice %arg9[%dma_start3A_2055, %dma_start3A_2056] : memref<64x129xf32, #tpu.memory_space<vmem>> -> memref<8x128xf32, #tpu.memory_space<vmem>>
      %dma_start3A_2058 = arith.constant 0 : i32
      %dma_start3A_2059 = arith.constant 0 : i32
      %dma_start3A_2060 = tpu.memref_slice %arg4[%add3A_2054, %dma_start3A_2058, %dma_start3A_2059] : memref<51200x8x128xf32, #tpu.memory_space<hbm>> -> memref<1x8x128xf32, #tpu.memory_space<hbm>>
      %dma_start3A_2061 = tpu.memref_squeeze %dma_start3A_2060 : memref<1x8x128xf32, #tpu.memory_space<hbm>> -> memref<8x128xf32, #tpu.memory_space<hbm>>
      %dma_start3A_2062 = arith.constant 0 : i32
      %dma_start3A_2063 = arith.constant 0 : i32
      %dma_start3A_2064 = tpu.memref_slice %arg4[%add3A_2054, %dma_start3A_2062, %dma_start3A_2063] : memref<51200x8x128xf32, #tpu.memory_space<hbm>> -> memref<1x8x128xf32, #tpu.memory_space<hbm>>
      %dma_start3A_2065 = tpu.memref_squeeze %dma_start3A_2064 : memref<1x8x128xf32, #tpu.memory_space<hbm>> -> memref<8x128xf32, #tpu.memory_space<hbm>>
      %dma_start3A_2066 = arith.constant 32 : i32
      %dma_start3A_2067 = arith.constant 0 : i32
      %dma_start3A_2068 = tpu.memref_slice %arg9[%dma_start3A_2066, %dma_start3A_2067] : memref<64x129xf32, #tpu.memory_space<vmem>> -> memref<8x128xf32, #tpu.memory_space<vmem>>
      tpu.enqueue_dma source(%dma_start3A_2068 : memref<8x128xf32, #tpu.memory_space<vmem>>) target(%dma_start3A_2065 : memref<8x128xf32, #tpu.memory_space<hbm>>) target_semaphore(%arg13 : memref<!tpu.dma_semaphore, #tpu.memory_space<semaphore_mem>>)
      %mul3A_2069 = arith.constant 8 : i32
      %mul3A_2070 = arith.muli %select_n3A_1960, %mul3A_2069 : i32
      %add3A_2071 = arith.constant 5 : i32
      %add3A_2072 = arith.addi %mul3A_2070, %add3A_2071 : i32
      %mul3A_2073 = arith.constant 128 : i32
      %mul3A_2074 = arith.muli %add3A_2072, %mul3A_2073 : i32
      %add3A_2075 = arith.addi %mul3A_2074, %sub3A_1963 : i32
      %dma_start3A_2076 = arith.constant 40 : i32
      %dma_start3A_2077 = arith.constant 0 : i32
      %dma_start3A_2078 = tpu.memref_slice %arg9[%dma_start3A_2076, %dma_start3A_2077] : memref<64x129xf32, #tpu.memory_space<vmem>> -> memref<8x128xf32, #tpu.memory_space<vmem>>
      %dma_start3A_2079 = arith.constant 0 : i32
      %dma_start3A_2080 = arith.constant 0 : i32
      %dma_start3A_2081 = tpu.memref_slice %arg4[%add3A_2075, %dma_start3A_2079, %dma_start3A_2080] : memref<51200x8x128xf32, #tpu.memory_space<hbm>> -> memref<1x8x128xf32, #tpu.memory_space<hbm>>
      %dma_start3A_2082 = tpu.memref_squeeze %dma_start3A_2081 : memref<1x8x128xf32, #tpu.memory_space<hbm>> -> memref<8x128xf32, #tpu.memory_space<hbm>>
      %dma_start3A_2083 = arith.constant 0 : i32
      %dma_start3A_2084 = arith.constant 0 : i32
      %dma_start3A_2085 = tpu.memref_slice %arg4[%add3A_2075, %dma_start3A_2083, %dma_start3A_2084] : memref<51200x8x128xf32, #tpu.memory_space<hbm>> -> memref<1x8x128xf32, #tpu.memory_space<hbm>>
      %dma_start3A_2086 = tpu.memref_squeeze %dma_start3A_2085 : memref<1x8x128xf32, #tpu.memory_space<hbm>> -> memref<8x128xf32, #tpu.memory_space<hbm>>
      %dma_start3A_2087 = arith.constant 40 : i32
      %dma_start3A_2088 = arith.constant 0 : i32
      %dma_start3A_2089 = tpu.memref_slice %arg9[%dma_start3A_2087, %dma_start3A_2088] : memref<64x129xf32, #tpu.memory_space<vmem>> -> memref<8x128xf32, #tpu.memory_space<vmem>>
      tpu.enqueue_dma source(%dma_start3A_2089 : memref<8x128xf32, #tpu.memory_space<vmem>>) target(%dma_start3A_2086 : memref<8x128xf32, #tpu.memory_space<hbm>>) target_semaphore(%arg13 : memref<!tpu.dma_semaphore, #tpu.memory_space<semaphore_mem>>)
      %mul3A_2090 = arith.constant 8 : i32
      %mul3A_2091 = arith.muli %select_n3A_1960, %mul3A_2090 : i32
      %add3A_2092 = arith.constant 6 : i32
      %add3A_2093 = arith.addi %mul3A_2091, %add3A_2092 : i32
      %mul3A_2094 = arith.constant 128 : i32
      %mul3A_2095 = arith.muli %add3A_2093, %mul3A_2094 : i32
      %add3A_2096 = arith.addi %mul3A_2095, %sub3A_1963 : i32
      %dma_start3A_2097 = arith.constant 48 : i32
      %dma_start3A_2098 = arith.constant 0 : i32
      %dma_start3A_2099 = tpu.memref_slice %arg9[%dma_start3A_2097, %dma_start3A_2098] : memref<64x129xf32, #tpu.memory_space<vmem>> -> memref<8x128xf32, #tpu.memory_space<vmem>>
      %dma_start3A_2100 = arith.constant 0 : i32
      %dma_start3A_2101 = arith.constant 0 : i32
      %dma_start3A_2102 = tpu.memref_slice %arg4[%add3A_2096, %dma_start3A_2100, %dma_start3A_2101] : memref<51200x8x128xf32, #tpu.memory_space<hbm>> -> memref<1x8x128xf32, #tpu.memory_space<hbm>>
      %dma_start3A_2103 = tpu.memref_squeeze %dma_start3A_2102 : memref<1x8x128xf32, #tpu.memory_space<hbm>> -> memref<8x128xf32, #tpu.memory_space<hbm>>
      %dma_start3A_2104 = arith.constant 0 : i32
      %dma_start3A_2105 = arith.constant 0 : i32
      %dma_start3A_2106 = tpu.memref_slice %arg4[%add3A_2096, %dma_start3A_2104, %dma_start3A_2105] : memref<51200x8x128xf32, #tpu.memory_space<hbm>> -> memref<1x8x128xf32, #tpu.memory_space<hbm>>
      %dma_start3A_2107 = tpu.memref_squeeze %dma_start3A_2106 : memref<1x8x128xf32, #tpu.memory_space<hbm>> -> memref<8x128xf32, #tpu.memory_space<hbm>>
      %dma_start3A_2108 = arith.constant 48 : i32
      %dma_start3A_2109 = arith.constant 0 : i32
      %dma_start3A_2110 = tpu.memref_slice %arg9[%dma_start3A_2108, %dma_start3A_2109] : memref<64x129xf32, #tpu.memory_space<vmem>> -> memref<8x128xf32, #tpu.memory_space<vmem>>
      tpu.enqueue_dma source(%dma_start3A_2110 : memref<8x128xf32, #tpu.memory_space<vmem>>) target(%dma_start3A_2107 : memref<8x128xf32, #tpu.memory_space<hbm>>) target_semaphore(%arg13 : memref<!tpu.dma_semaphore, #tpu.memory_space<semaphore_mem>>)
      %mul3A_2111 = arith.constant 8 : i32
      %mul3A_2112 = arith.muli %select_n3A_1960, %mul3A_2111 : i32
      %add3A_2113 = arith.constant 7 : i32
      %add3A_2114 = arith.addi %mul3A_2112, %add3A_2113 : i32
      %mul3A_2115 = arith.constant 128 : i32
      %mul3A_2116 = arith.muli %add3A_2114, %mul3A_2115 : i32
      %add3A_2117 = arith.addi %mul3A_2116, %sub3A_1963 : i32
      %dma_start3A_2118 = arith.constant 56 : i32
      %dma_start3A_2119 = arith.constant 0 : i32
      %dma_start3A_2120 = tpu.memref_slice %arg9[%dma_start3A_2118, %dma_start3A_2119] : memref<64x129xf32, #tpu.memory_space<vmem>> -> memref<8x128xf32, #tpu.memory_space<vmem>>
      %dma_start3A_2121 = arith.constant 0 : i32
      %dma_start3A_2122 = arith.constant 0 : i32
      %dma_start3A_2123 = tpu.memref_slice %arg4[%add3A_2117, %dma_start3A_2121, %dma_start3A_2122] : memref<51200x8x128xf32, #tpu.memory_space<hbm>> -> memref<1x8x128xf32, #tpu.memory_space<hbm>>
      %dma_start3A_2124 = tpu.memref_squeeze %dma_start3A_2123 : memref<1x8x128xf32, #tpu.memory_space<hbm>> -> memref<8x128xf32, #tpu.memory_space<hbm>>
      %dma_start3A_2125 = arith.constant 0 : i32
      %dma_start3A_2126 = arith.constant 0 : i32
      %dma_start3A_2127 = tpu.memref_slice %arg4[%add3A_2117, %dma_start3A_2125, %dma_start3A_2126] : memref<51200x8x128xf32, #tpu.memory_space<hbm>> -> memref<1x8x128xf32, #tpu.memory_space<hbm>>
      %dma_start3A_2128 = tpu.memref_squeeze %dma_start3A_2127 : memref<1x8x128xf32, #tpu.memory_space<hbm>> -> memref<8x128xf32, #tpu.memory_space<hbm>>
      %dma_start3A_2129 = arith.constant 56 : i32
      %dma_start3A_2130 = arith.constant 0 : i32
      %dma_start3A_2131 = tpu.memref_slice %arg9[%dma_start3A_2129, %dma_start3A_2130] : memref<64x129xf32, #tpu.memory_space<vmem>> -> memref<8x128xf32, #tpu.memory_space<vmem>>
      tpu.enqueue_dma source(%dma_start3A_2131 : memref<8x128xf32, #tpu.memory_space<vmem>>) target(%dma_start3A_2128 : memref<8x128xf32, #tpu.memory_space<hbm>>) target_semaphore(%arg13 : memref<!tpu.dma_semaphore, #tpu.memory_space<semaphore_mem>>)
    }
    %scan3A_475 = arith.constant 98 : i32
    %dma_start3A_476 = arith.constant 25472 : i32
    %dma_start3A_477 = tpu.memref_slice %arg5[%dma_start3A_476] : memref<25600xi32, #tpu.memory_space<vmem>> -> memref<128xi32, #tpu.memory_space<vmem>>
    %dma_start3A_478 = arith.constant 0 : i32
    %dma_start3A_479 = arith.constant 0 : i32
    %dma_start3A_480 = tpu.memref_slice %arg3[%dma_start3A_478, %dma_start3A_479] : memref<1000000x64xf32, #tpu.memory_space<hbm>> -> memref<1000000x64xf32, #tpu.memory_space<hbm>>
    tpu.enqueue_indirect_dma source(%dma_start3A_480 : memref<1000000x64xf32, #tpu.memory_space<hbm>>) target(%arg7 : memref<128x64xf32, #tpu.memory_space<vmem>>) offsets(%dma_start3A_477 : memref<128xi32, #tpu.memory_space<vmem>>) semaphore(%arg11 : memref<!tpu.dma_semaphore, #tpu.memory_space<semaphore_mem>>)
    %dma_wait3A_481 = arith.constant 0 : i32
    %dma_wait3A_482 = tpu.memref_slice %arg5[%dma_wait3A_481] : memref<25600xi32, #tpu.memory_space<vmem>> -> memref<128xi32, #tpu.memory_space<vmem>>
    %dma_wait3A_483 = arith.constant 0 : i32
    %dma_wait3A_484 = arith.constant 0 : i32
    %dma_wait3A_485 = tpu.memref_slice %arg3[%dma_wait3A_483, %dma_wait3A_484] : memref<1000000x64xf32, #tpu.memory_space<hbm>> -> memref<1000000x64xf32, #tpu.memory_space<hbm>>
    tpu.wait_indirect_dma semaphore(%arg10 : memref<!tpu.dma_semaphore, #tpu.memory_space<semaphore_mem>>) src(%dma_wait3A_485 : memref<1000000x64xf32, #tpu.memory_space<hbm>>) dst(%arg6 : memref<128x64xf32, #tpu.memory_space<vmem>>)
    %dma_wait3A_486 = arith.constant 0 : i32
    %dma_wait3A_487 = arith.constant 0 : i32
    %dma_wait3A_488 = arith.constant 0 : i32
    %dma_wait3A_489 = tpu.memref_slice %arg8[%dma_wait3A_487, %dma_wait3A_488] : memref<64x129xf32, #tpu.memory_space<vmem>> -> memref<8x128xf32, #tpu.memory_space<vmem>>
    %dma_wait3A_490 = arith.constant 0 : i32
    %dma_wait3A_491 = arith.constant 0 : i32
    %dma_wait3A_492 = tpu.memref_slice %arg4[%dma_wait3A_486, %dma_wait3A_490, %dma_wait3A_491] : memref<51200x8x128xf32, #tpu.memory_space<hbm>> -> memref<1x8x128xf32, #tpu.memory_space<hbm>>
    %dma_wait3A_493 = tpu.memref_squeeze %dma_wait3A_492 : memref<1x8x128xf32, #tpu.memory_space<hbm>> -> memref<8x128xf32, #tpu.memory_space<hbm>>
    %dma_wait3A_494 = arith.constant 0 : i32
    %dma_wait3A_495 = arith.constant 0 : i32
    %dma_wait3A_496 = tpu.memref_slice %arg4[%dma_wait3A_486, %dma_wait3A_494, %dma_wait3A_495] : memref<51200x8x128xf32, #tpu.memory_space<hbm>> -> memref<1x8x128xf32, #tpu.memory_space<hbm>>
    %dma_wait3A_497 = tpu.memref_squeeze %dma_wait3A_496 : memref<1x8x128xf32, #tpu.memory_space<hbm>> -> memref<8x128xf32, #tpu.memory_space<hbm>>
    %dma_wait3A_498 = arith.constant 0 : i32
    %dma_wait3A_499 = arith.constant 0 : i32
    %dma_wait3A_500 = tpu.memref_slice %arg8[%dma_wait3A_498, %dma_wait3A_499] : memref<64x129xf32, #tpu.memory_space<vmem>> -> memref<8x128xf32, #tpu.memory_space<vmem>>
    tpu.wait_dma2 semaphore(%arg12 : memref<!tpu.dma_semaphore, #tpu.memory_space<semaphore_mem>>) src(%dma_wait3A_500 : memref<8x128xf32, #tpu.memory_space<vmem>>) dst(%dma_wait3A_497 : memref<8x128xf32, #tpu.memory_space<hbm>>)
    %dma_wait3A_501 = arith.constant 0 : i32
    %dma_wait3A_502 = arith.constant 8 : i32
    %dma_wait3A_503 = arith.constant 0 : i32
    %dma_wait3A_504 = tpu.memref_slice %arg8[%dma_wait3A_502, %dma_wait3A_503] : memref<64x129xf32, #tpu.memory_space<vmem>> -> memref<8x128xf32, #tpu.memory_space<vmem>>
    %dma_wait3A_505 = arith.constant 0 : i32
    %dma_wait3A_506 = arith.constant 0 : i32
    %dma_wait3A_507 = tpu.memref_slice %arg4[%dma_wait3A_501, %dma_wait3A_505, %dma_wait3A_506] : memref<51200x8x128xf32, #tpu.memory_space<hbm>> -> memref<1x8x128xf32, #tpu.memory_space<hbm>>
    %dma_wait3A_508 = tpu.memref_squeeze %dma_wait3A_507 : memref<1x8x128xf32, #tpu.memory_space<hbm>> -> memref<8x128xf32, #tpu.memory_space<hbm>>
    %dma_wait3A_509 = arith.constant 0 : i32
    %dma_wait3A_510 = arith.constant 0 : i32
    %dma_wait3A_511 = tpu.memref_slice %arg4[%dma_wait3A_501, %dma_wait3A_509, %dma_wait3A_510] : memref<51200x8x128xf32, #tpu.memory_space<hbm>> -> memref<1x8x128xf32, #tpu.memory_space<hbm>>
    %dma_wait3A_512 = tpu.memref_squeeze %dma_wait3A_511 : memref<1x8x128xf32, #tpu.memory_space<hbm>> -> memref<8x128xf32, #tpu.memory_space<hbm>>
    %dma_wait3A_513 = arith.constant 8 : i32
    %dma_wait3A_514 = arith.constant 0 : i32
    %dma_wait3A_515 = tpu.memref_slice %arg8[%dma_wait3A_513, %dma_wait3A_514] : memref<64x129xf32, #tpu.memory_space<vmem>> -> memref<8x128xf32, #tpu.memory_space<vmem>>
    tpu.wait_dma2 semaphore(%arg12 : memref<!tpu.dma_semaphore, #tpu.memory_space<semaphore_mem>>) src(%dma_wait3A_515 : memref<8x128xf32, #tpu.memory_space<vmem>>) dst(%dma_wait3A_512 : memref<8x128xf32, #tpu.memory_space<hbm>>)
    %dma_wait3A_516 = arith.constant 0 : i32
    %dma_wait3A_517 = arith.constant 16 : i32
    %dma_wait3A_518 = arith.constant 0 : i32
    %dma_wait3A_519 = tpu.memref_slice %arg8[%dma_wait3A_517, %dma_wait3A_518] : memref<64x129xf32, #tpu.memory_space<vmem>> -> memref<8x128xf32, #tpu.memory_space<vmem>>
    %dma_wait3A_520 = arith.constant 0 : i32
    %dma_wait3A_521 = arith.constant 0 : i32
    %dma_wait3A_522 = tpu.memref_slice %arg4[%dma_wait3A_516, %dma_wait3A_520, %dma_wait3A_521] : memref<51200x8x128xf32, #tpu.memory_space<hbm>> -> memref<1x8x128xf32, #tpu.memory_space<hbm>>
    %dma_wait3A_523 = tpu.memref_squeeze %dma_wait3A_522 : memref<1x8x128xf32, #tpu.memory_space<hbm>> -> memref<8x128xf32, #tpu.memory_space<hbm>>
    %dma_wait3A_524 = arith.constant 0 : i32
    %dma_wait3A_525 = arith.constant 0 : i32
    %dma_wait3A_526 = tpu.memref_slice %arg4[%dma_wait3A_516, %dma_wait3A_524, %dma_wait3A_525] : memref<51200x8x128xf32, #tpu.memory_space<hbm>> -> memref<1x8x128xf32, #tpu.memory_space<hbm>>
    %dma_wait3A_527 = tpu.memref_squeeze %dma_wait3A_526 : memref<1x8x128xf32, #tpu.memory_space<hbm>> -> memref<8x128xf32, #tpu.memory_space<hbm>>
    %dma_wait3A_528 = arith.constant 16 : i32
    %dma_wait3A_529 = arith.constant 0 : i32
    %dma_wait3A_530 = tpu.memref_slice %arg8[%dma_wait3A_528, %dma_wait3A_529] : memref<64x129xf32, #tpu.memory_space<vmem>> -> memref<8x128xf32, #tpu.memory_space<vmem>>
    tpu.wait_dma2 semaphore(%arg12 : memref<!tpu.dma_semaphore, #tpu.memory_space<semaphore_mem>>) src(%dma_wait3A_530 : memref<8x128xf32, #tpu.memory_space<vmem>>) dst(%dma_wait3A_527 : memref<8x128xf32, #tpu.memory_space<hbm>>)
    %dma_wait3A_531 = arith.constant 0 : i32
    %dma_wait3A_532 = arith.constant 24 : i32
    %dma_wait3A_533 = arith.constant 0 : i32
    %dma_wait3A_534 = tpu.memref_slice %arg8[%dma_wait3A_532, %dma_wait3A_533] : memref<64x129xf32, #tpu.memory_space<vmem>> -> memref<8x128xf32, #tpu.memory_space<vmem>>
    %dma_wait3A_535 = arith.constant 0 : i32
    %dma_wait3A_536 = arith.constant 0 : i32
    %dma_wait3A_537 = tpu.memref_slice %arg4[%dma_wait3A_531, %dma_wait3A_535, %dma_wait3A_536] : memref<51200x8x128xf32, #tpu.memory_space<hbm>> -> memref<1x8x128xf32, #tpu.memory_space<hbm>>
    %dma_wait3A_538 = tpu.memref_squeeze %dma_wait3A_537 : memref<1x8x128xf32, #tpu.memory_space<hbm>> -> memref<8x128xf32, #tpu.memory_space<hbm>>
    %dma_wait3A_539 = arith.constant 0 : i32
    %dma_wait3A_540 = arith.constant 0 : i32
    %dma_wait3A_541 = tpu.memref_slice %arg4[%dma_wait3A_531, %dma_wait3A_539, %dma_wait3A_540] : memref<51200x8x128xf32, #tpu.memory_space<hbm>> -> memref<1x8x128xf32, #tpu.memory_space<hbm>>
    %dma_wait3A_542 = tpu.memref_squeeze %dma_wait3A_541 : memref<1x8x128xf32, #tpu.memory_space<hbm>> -> memref<8x128xf32, #tpu.memory_space<hbm>>
    %dma_wait3A_543 = arith.constant 24 : i32
    %dma_wait3A_544 = arith.constant 0 : i32
    %dma_wait3A_545 = tpu.memref_slice %arg8[%dma_wait3A_543, %dma_wait3A_544] : memref<64x129xf32, #tpu.memory_space<vmem>> -> memref<8x128xf32, #tpu.memory_space<vmem>>
    tpu.wait_dma2 semaphore(%arg12 : memref<!tpu.dma_semaphore, #tpu.memory_space<semaphore_mem>>) src(%dma_wait3A_545 : memref<8x128xf32, #tpu.memory_space<vmem>>) dst(%dma_wait3A_542 : memref<8x128xf32, #tpu.memory_space<hbm>>)
    %dma_wait3A_546 = arith.constant 0 : i32
    %dma_wait3A_547 = arith.constant 32 : i32
    %dma_wait3A_548 = arith.constant 0 : i32
    %dma_wait3A_549 = tpu.memref_slice %arg8[%dma_wait3A_547, %dma_wait3A_548] : memref<64x129xf32, #tpu.memory_space<vmem>> -> memref<8x128xf32, #tpu.memory_space<vmem>>
    %dma_wait3A_550 = arith.constant 0 : i32
    %dma_wait3A_551 = arith.constant 0 : i32
    %dma_wait3A_552 = tpu.memref_slice %arg4[%dma_wait3A_546, %dma_wait3A_550, %dma_wait3A_551] : memref<51200x8x128xf32, #tpu.memory_space<hbm>> -> memref<1x8x128xf32, #tpu.memory_space<hbm>>
    %dma_wait3A_553 = tpu.memref_squeeze %dma_wait3A_552 : memref<1x8x128xf32, #tpu.memory_space<hbm>> -> memref<8x128xf32, #tpu.memory_space<hbm>>
    %dma_wait3A_554 = arith.constant 0 : i32
    %dma_wait3A_555 = arith.constant 0 : i32
    %dma_wait3A_556 = tpu.memref_slice %arg4[%dma_wait3A_546, %dma_wait3A_554, %dma_wait3A_555] : memref<51200x8x128xf32, #tpu.memory_space<hbm>> -> memref<1x8x128xf32, #tpu.memory_space<hbm>>
    %dma_wait3A_557 = tpu.memref_squeeze %dma_wait3A_556 : memref<1x8x128xf32, #tpu.memory_space<hbm>> -> memref<8x128xf32, #tpu.memory_space<hbm>>
    %dma_wait3A_558 = arith.constant 32 : i32
    %dma_wait3A_559 = arith.constant 0 : i32
    %dma_wait3A_560 = tpu.memref_slice %arg8[%dma_wait3A_558, %dma_wait3A_559] : memref<64x129xf32, #tpu.memory_space<vmem>> -> memref<8x128xf32, #tpu.memory_space<vmem>>
    tpu.wait_dma2 semaphore(%arg12 : memref<!tpu.dma_semaphore, #tpu.memory_space<semaphore_mem>>) src(%dma_wait3A_560 : memref<8x128xf32, #tpu.memory_space<vmem>>) dst(%dma_wait3A_557 : memref<8x128xf32, #tpu.memory_space<hbm>>)
    %dma_wait3A_561 = arith.constant 0 : i32
    %dma_wait3A_562 = arith.constant 40 : i32
    %dma_wait3A_563 = arith.constant 0 : i32
    %dma_wait3A_564 = tpu.memref_slice %arg8[%dma_wait3A_562, %dma_wait3A_563] : memref<64x129xf32, #tpu.memory_space<vmem>> -> memref<8x128xf32, #tpu.memory_space<vmem>>
    %dma_wait3A_565 = arith.constant 0 : i32
    %dma_wait3A_566 = arith.constant 0 : i32
    %dma_wait3A_567 = tpu.memref_slice %arg4[%dma_wait3A_561, %dma_wait3A_565, %dma_wait3A_566] : memref<51200x8x128xf32, #tpu.memory_space<hbm>> -> memref<1x8x128xf32, #tpu.memory_space<hbm>>
    %dma_wait3A_568 = tpu.memref_squeeze %dma_wait3A_567 : memref<1x8x128xf32, #tpu.memory_space<hbm>> -> memref<8x128xf32, #tpu.memory_space<hbm>>
    %dma_wait3A_569 = arith.constant 0 : i32
    %dma_wait3A_570 = arith.constant 0 : i32
    %dma_wait3A_571 = tpu.memref_slice %arg4[%dma_wait3A_561, %dma_wait3A_569, %dma_wait3A_570] : memref<51200x8x128xf32, #tpu.memory_space<hbm>> -> memref<1x8x128xf32, #tpu.memory_space<hbm>>
    %dma_wait3A_572 = tpu.memref_squeeze %dma_wait3A_571 : memref<1x8x128xf32, #tpu.memory_space<hbm>> -> memref<8x128xf32, #tpu.memory_space<hbm>>
    %dma_wait3A_573 = arith.constant 40 : i32
    %dma_wait3A_574 = arith.constant 0 : i32
    %dma_wait3A_575 = tpu.memref_slice %arg8[%dma_wait3A_573, %dma_wait3A_574] : memref<64x129xf32, #tpu.memory_space<vmem>> -> memref<8x128xf32, #tpu.memory_space<vmem>>
    tpu.wait_dma2 semaphore(%arg12 : memref<!tpu.dma_semaphore, #tpu.memory_space<semaphore_mem>>) src(%dma_wait3A_575 : memref<8x128xf32, #tpu.memory_space<vmem>>) dst(%dma_wait3A_572 : memref<8x128xf32, #tpu.memory_space<hbm>>)
    %dma_wait3A_576 = arith.constant 0 : i32
    %dma_wait3A_577 = arith.constant 48 : i32
    %dma_wait3A_578 = arith.constant 0 : i32
    %dma_wait3A_579 = tpu.memref_slice %arg8[%dma_wait3A_577, %dma_wait3A_578] : memref<64x129xf32, #tpu.memory_space<vmem>> -> memref<8x128xf32, #tpu.memory_space<vmem>>
    %dma_wait3A_580 = arith.constant 0 : i32
    %dma_wait3A_581 = arith.constant 0 : i32
    %dma_wait3A_582 = tpu.memref_slice %arg4[%dma_wait3A_576, %dma_wait3A_580, %dma_wait3A_581] : memref<51200x8x128xf32, #tpu.memory_space<hbm>> -> memref<1x8x128xf32, #tpu.memory_space<hbm>>
    %dma_wait3A_583 = tpu.memref_squeeze %dma_wait3A_582 : memref<1x8x128xf32, #tpu.memory_space<hbm>> -> memref<8x128xf32, #tpu.memory_space<hbm>>
    %dma_wait3A_584 = arith.constant 0 : i32
    %dma_wait3A_585 = arith.constant 0 : i32
    %dma_wait3A_586 = tpu.memref_slice %arg4[%dma_wait3A_576, %dma_wait3A_584, %dma_wait3A_585] : memref<51200x8x128xf32, #tpu.memory_space<hbm>> -> memref<1x8x128xf32, #tpu.memory_space<hbm>>
    %dma_wait3A_587 = tpu.memref_squeeze %dma_wait3A_586 : memref<1x8x128xf32, #tpu.memory_space<hbm>> -> memref<8x128xf32, #tpu.memory_space<hbm>>
    %dma_wait3A_588 = arith.constant 48 : i32
    %dma_wait3A_589 = arith.constant 0 : i32
    %dma_wait3A_590 = tpu.memref_slice %arg8[%dma_wait3A_588, %dma_wait3A_589] : memref<64x129xf32, #tpu.memory_space<vmem>> -> memref<8x128xf32, #tpu.memory_space<vmem>>
    tpu.wait_dma2 semaphore(%arg12 : memref<!tpu.dma_semaphore, #tpu.memory_space<semaphore_mem>>) src(%dma_wait3A_590 : memref<8x128xf32, #tpu.memory_space<vmem>>) dst(%dma_wait3A_587 : memref<8x128xf32, #tpu.memory_space<hbm>>)
    %dma_wait3A_591 = arith.constant 0 : i32
    %dma_wait3A_592 = arith.constant 56 : i32
    %dma_wait3A_593 = arith.constant 0 : i32
    %dma_wait3A_594 = tpu.memref_slice %arg8[%dma_wait3A_592, %dma_wait3A_593] : memref<64x129xf32, #tpu.memory_space<vmem>> -> memref<8x128xf32, #tpu.memory_space<vmem>>
    %dma_wait3A_595 = arith.constant 0 : i32
    %dma_wait3A_596 = arith.constant 0 : i32
    %dma_wait3A_597 = tpu.memref_slice %arg4[%dma_wait3A_591, %dma_wait3A_595, %dma_wait3A_596] : memref<51200x8x128xf32, #tpu.memory_space<hbm>> -> memref<1x8x128xf32, #tpu.memory_space<hbm>>
    %dma_wait3A_598 = tpu.memref_squeeze %dma_wait3A_597 : memref<1x8x128xf32, #tpu.memory_space<hbm>> -> memref<8x128xf32, #tpu.memory_space<hbm>>
    %dma_wait3A_599 = arith.constant 0 : i32
    %dma_wait3A_600 = arith.constant 0 : i32
    %dma_wait3A_601 = tpu.memref_slice %arg4[%dma_wait3A_591, %dma_wait3A_599, %dma_wait3A_600] : memref<51200x8x128xf32, #tpu.memory_space<hbm>> -> memref<1x8x128xf32, #tpu.memory_space<hbm>>
    %dma_wait3A_602 = tpu.memref_squeeze %dma_wait3A_601 : memref<1x8x128xf32, #tpu.memory_space<hbm>> -> memref<8x128xf32, #tpu.memory_space<hbm>>
    %dma_wait3A_603 = arith.constant 56 : i32
    %dma_wait3A_604 = arith.constant 0 : i32
    %dma_wait3A_605 = tpu.memref_slice %arg8[%dma_wait3A_603, %dma_wait3A_604] : memref<64x129xf32, #tpu.memory_space<vmem>> -> memref<8x128xf32, #tpu.memory_space<vmem>>
    tpu.wait_dma2 semaphore(%arg12 : memref<!tpu.dma_semaphore, #tpu.memory_space<semaphore_mem>>) src(%dma_wait3A_605 : memref<8x128xf32, #tpu.memory_space<vmem>>) dst(%dma_wait3A_602 : memref<8x128xf32, #tpu.memory_space<hbm>>)
    %jit3A_606 = arith.constant 128 : i32
    %div3A_607 = arith.divsi %mul3A_2, %jit3A_606 : i32
    %sign3A_608 = arith.constant 0 : i32
    %sign3A_609 = arith.cmpi sgt, %mul3A_2, %sign3A_608 : i32
    %sign3A_610 = arith.extui %sign3A_609 : i1 to i32
    %sign3A_611 = arith.constant 0 : i32
    %sign3A_612 = arith.cmpi slt, %mul3A_2, %sign3A_611 : i32
    %sign3A_613 = arith.extui %sign3A_612 : i1 to i32
    %sign3A_614 = arith.subi %sign3A_610, %sign3A_613 : i32
    %sign3A_615 = arith.constant 0 : i32
    %sign3A_616 = arith.cmpi sgt, %jit3A_606, %sign3A_615 : i32
    %sign3A_617 = arith.extui %sign3A_616 : i1 to i32
    %sign3A_618 = arith.constant 0 : i32
    %sign3A_619 = arith.cmpi slt, %jit3A_606, %sign3A_618 : i32
    %sign3A_620 = arith.extui %sign3A_619 : i1 to i32
    %sign3A_621 = arith.subi %sign3A_617, %sign3A_620 : i32
    %ne3A_622 = arith.cmpi ne, %sign3A_614, %sign3A_621 : i32
    %rem3A_623 = arith.remsi %mul3A_2, %jit3A_606 : i32
    %ne3A_624 = arith.constant 0 : i32
    %ne3A_625 = arith.cmpi ne, %rem3A_623, %ne3A_624 : i32
    %and3A_626 = arith.andi %ne3A_622, %ne3A_625 : i1
    %sub3A_627 = arith.constant 1 : i32
    %sub3A_628 = arith.subi %div3A_607, %sub3A_627 : i32
    %select_n3A_629 = arith.select %and3A_626, %sub3A_628, %div3A_607 : i32
    %add3A_630 = arith.constant 198 : i32
    %add3A_631 = arith.addi %select_n3A_629, %add3A_630 : i32
    %jit3A_632 = arith.constant 128 : i32
    %div3A_633 = arith.divsi %add3A_631, %jit3A_632 : i32
    %sign3A_634 = arith.constant 0 : i32
    %sign3A_635 = arith.cmpi sgt, %add3A_631, %sign3A_634 : i32
    %sign3A_636 = arith.extui %sign3A_635 : i1 to i32
    %sign3A_637 = arith.constant 0 : i32
    %sign3A_638 = arith.cmpi slt, %add3A_631, %sign3A_637 : i32
    %sign3A_639 = arith.extui %sign3A_638 : i1 to i32
    %sign3A_640 = arith.subi %sign3A_636, %sign3A_639 : i32
    %sign3A_641 = arith.constant 0 : i32
    %sign3A_642 = arith.cmpi sgt, %jit3A_632, %sign3A_641 : i32
    %sign3A_643 = arith.extui %sign3A_642 : i1 to i32
    %sign3A_644 = arith.constant 0 : i32
    %sign3A_645 = arith.cmpi slt, %jit3A_632, %sign3A_644 : i32
    %sign3A_646 = arith.extui %sign3A_645 : i1 to i32
    %sign3A_647 = arith.subi %sign3A_643, %sign3A_646 : i32
    %ne3A_648 = arith.cmpi ne, %sign3A_640, %sign3A_647 : i32
    %rem3A_649 = arith.remsi %add3A_631, %jit3A_632 : i32
    %ne3A_650 = arith.constant 0 : i32
    %ne3A_651 = arith.cmpi ne, %rem3A_649, %ne3A_650 : i32
    %and3A_652 = arith.andi %ne3A_648, %ne3A_651 : i1
    %sub3A_653 = arith.constant 1 : i32
    %sub3A_654 = arith.subi %div3A_633, %sub3A_653 : i32
    %select_n3A_655 = arith.select %and3A_652, %sub3A_654, %div3A_633 : i32
    %mul3A_656 = arith.constant 128 : i32
    %mul3A_657 = arith.muli %select_n3A_655, %mul3A_656 : i32
    %sub3A_658 = arith.subi %add3A_631, %mul3A_657 : i32
    %mul3A_659 = arith.constant 8 : i32
    %mul3A_660 = arith.muli %select_n3A_655, %mul3A_659 : i32
    %add3A_661 = arith.constant 0 : i32
    %add3A_662 = arith.addi %mul3A_660, %add3A_661 : i32
    %mul3A_663 = arith.constant 128 : i32
    %mul3A_664 = arith.muli %add3A_662, %mul3A_663 : i32
    %add3A_665 = arith.addi %mul3A_664, %sub3A_658 : i32
    %dma_start3A_666 = arith.constant 0 : i32
    %dma_start3A_667 = arith.constant 0 : i32
    %dma_start3A_668 = tpu.memref_slice %arg8[%dma_start3A_666, %dma_start3A_667] : memref<64x129xf32, #tpu.memory_space<vmem>> -> memref<8x128xf32, #tpu.memory_space<vmem>>
    %dma_start3A_669 = arith.constant 0 : i32
    %dma_start3A_670 = arith.constant 0 : i32
    %dma_start3A_671 = tpu.memref_slice %arg4[%add3A_665, %dma_start3A_669, %dma_start3A_670] : memref<51200x8x128xf32, #tpu.memory_space<hbm>> -> memref<1x8x128xf32, #tpu.memory_space<hbm>>
    %dma_start3A_672 = tpu.memref_squeeze %dma_start3A_671 : memref<1x8x128xf32, #tpu.memory_space<hbm>> -> memref<8x128xf32, #tpu.memory_space<hbm>>
    %dma_start3A_673 = arith.constant 0 : i32
    %dma_start3A_674 = arith.constant 0 : i32
    %dma_start3A_675 = tpu.memref_slice %arg4[%add3A_665, %dma_start3A_673, %dma_start3A_674] : memref<51200x8x128xf32, #tpu.memory_space<hbm>> -> memref<1x8x128xf32, #tpu.memory_space<hbm>>
    %dma_start3A_676 = tpu.memref_squeeze %dma_start3A_675 : memref<1x8x128xf32, #tpu.memory_space<hbm>> -> memref<8x128xf32, #tpu.memory_space<hbm>>
    %dma_start3A_677 = arith.constant 0 : i32
    %dma_start3A_678 = arith.constant 0 : i32
    %dma_start3A_679 = tpu.memref_slice %arg8[%dma_start3A_677, %dma_start3A_678] : memref<64x129xf32, #tpu.memory_space<vmem>> -> memref<8x128xf32, #tpu.memory_space<vmem>>
    tpu.enqueue_dma source(%dma_start3A_679 : memref<8x128xf32, #tpu.memory_space<vmem>>) target(%dma_start3A_676 : memref<8x128xf32, #tpu.memory_space<hbm>>) target_semaphore(%arg12 : memref<!tpu.dma_semaphore, #tpu.memory_space<semaphore_mem>>)
    %mul3A_680 = arith.constant 8 : i32
    %mul3A_681 = arith.muli %select_n3A_655, %mul3A_680 : i32
    %add3A_682 = arith.constant 1 : i32
    %add3A_683 = arith.addi %mul3A_681, %add3A_682 : i32
    %mul3A_684 = arith.constant 128 : i32
    %mul3A_685 = arith.muli %add3A_683, %mul3A_684 : i32
    %add3A_686 = arith.addi %mul3A_685, %sub3A_658 : i32
    %dma_start3A_687 = arith.constant 8 : i32
    %dma_start3A_688 = arith.constant 0 : i32
    %dma_start3A_689 = tpu.memref_slice %arg8[%dma_start3A_687, %dma_start3A_688] : memref<64x129xf32, #tpu.memory_space<vmem>> -> memref<8x128xf32, #tpu.memory_space<vmem>>
    %dma_start3A_690 = arith.constant 0 : i32
    %dma_start3A_691 = arith.constant 0 : i32
    %dma_start3A_692 = tpu.memref_slice %arg4[%add3A_686, %dma_start3A_690, %dma_start3A_691] : memref<51200x8x128xf32, #tpu.memory_space<hbm>> -> memref<1x8x128xf32, #tpu.memory_space<hbm>>
    %dma_start3A_693 = tpu.memref_squeeze %dma_start3A_692 : memref<1x8x128xf32, #tpu.memory_space<hbm>> -> memref<8x128xf32, #tpu.memory_space<hbm>>
    %dma_start3A_694 = arith.constant 0 : i32
    %dma_start3A_695 = arith.constant 0 : i32
    %dma_start3A_696 = tpu.memref_slice %arg4[%add3A_686, %dma_start3A_694, %dma_start3A_695] : memref<51200x8x128xf32, #tpu.memory_space<hbm>> -> memref<1x8x128xf32, #tpu.memory_space<hbm>>
    %dma_start3A_697 = tpu.memref_squeeze %dma_start3A_696 : memref<1x8x128xf32, #tpu.memory_space<hbm>> -> memref<8x128xf32, #tpu.memory_space<hbm>>
    %dma_start3A_698 = arith.constant 8 : i32
    %dma_start3A_699 = arith.constant 0 : i32
    %dma_start3A_700 = tpu.memref_slice %arg8[%dma_start3A_698, %dma_start3A_699] : memref<64x129xf32, #tpu.memory_space<vmem>> -> memref<8x128xf32, #tpu.memory_space<vmem>>
    tpu.enqueue_dma source(%dma_start3A_700 : memref<8x128xf32, #tpu.memory_space<vmem>>) target(%dma_start3A_697 : memref<8x128xf32, #tpu.memory_space<hbm>>) target_semaphore(%arg12 : memref<!tpu.dma_semaphore, #tpu.memory_space<semaphore_mem>>)
    %mul3A_701 = arith.constant 8 : i32
    %mul3A_702 = arith.muli %select_n3A_655, %mul3A_701 : i32
    %add3A_703 = arith.constant 2 : i32
    %add3A_704 = arith.addi %mul3A_702, %add3A_703 : i32
    %mul3A_705 = arith.constant 128 : i32
    %mul3A_706 = arith.muli %add3A_704, %mul3A_705 : i32
    %add3A_707 = arith.addi %mul3A_706, %sub3A_658 : i32
    %dma_start3A_708 = arith.constant 16 : i32
    %dma_start3A_709 = arith.constant 0 : i32
    %dma_start3A_710 = tpu.memref_slice %arg8[%dma_start3A_708, %dma_start3A_709] : memref<64x129xf32, #tpu.memory_space<vmem>> -> memref<8x128xf32, #tpu.memory_space<vmem>>
    %dma_start3A_711 = arith.constant 0 : i32
    %dma_start3A_712 = arith.constant 0 : i32
    %dma_start3A_713 = tpu.memref_slice %arg4[%add3A_707, %dma_start3A_711, %dma_start3A_712] : memref<51200x8x128xf32, #tpu.memory_space<hbm>> -> memref<1x8x128xf32, #tpu.memory_space<hbm>>
    %dma_start3A_714 = tpu.memref_squeeze %dma_start3A_713 : memref<1x8x128xf32, #tpu.memory_space<hbm>> -> memref<8x128xf32, #tpu.memory_space<hbm>>
    %dma_start3A_715 = arith.constant 0 : i32
    %dma_start3A_716 = arith.constant 0 : i32
    %dma_start3A_717 = tpu.memref_slice %arg4[%add3A_707, %dma_start3A_715, %dma_start3A_716] : memref<51200x8x128xf32, #tpu.memory_space<hbm>> -> memref<1x8x128xf32, #tpu.memory_space<hbm>>
    %dma_start3A_718 = tpu.memref_squeeze %dma_start3A_717 : memref<1x8x128xf32, #tpu.memory_space<hbm>> -> memref<8x128xf32, #tpu.memory_space<hbm>>
    %dma_start3A_719 = arith.constant 16 : i32
    %dma_start3A_720 = arith.constant 0 : i32
    %dma_start3A_721 = tpu.memref_slice %arg8[%dma_start3A_719, %dma_start3A_720] : memref<64x129xf32, #tpu.memory_space<vmem>> -> memref<8x128xf32, #tpu.memory_space<vmem>>
    tpu.enqueue_dma source(%dma_start3A_721 : memref<8x128xf32, #tpu.memory_space<vmem>>) target(%dma_start3A_718 : memref<8x128xf32, #tpu.memory_space<hbm>>) target_semaphore(%arg12 : memref<!tpu.dma_semaphore, #tpu.memory_space<semaphore_mem>>)
    %mul3A_722 = arith.constant 8 : i32
    %mul3A_723 = arith.muli %select_n3A_655, %mul3A_722 : i32
    %add3A_724 = arith.constant 3 : i32
    %add3A_725 = arith.addi %mul3A_723, %add3A_724 : i32
    %mul3A_726 = arith.constant 128 : i32
    %mul3A_727 = arith.muli %add3A_725, %mul3A_726 : i32
    %add3A_728 = arith.addi %mul3A_727, %sub3A_658 : i32
    %dma_start3A_729 = arith.constant 24 : i32
    %dma_start3A_730 = arith.constant 0 : i32
    %dma_start3A_731 = tpu.memref_slice %arg8[%dma_start3A_729, %dma_start3A_730] : memref<64x129xf32, #tpu.memory_space<vmem>> -> memref<8x128xf32, #tpu.memory_space<vmem>>
    %dma_start3A_732 = arith.constant 0 : i32
    %dma_start3A_733 = arith.constant 0 : i32
    %dma_start3A_734 = tpu.memref_slice %arg4[%add3A_728, %dma_start3A_732, %dma_start3A_733] : memref<51200x8x128xf32, #tpu.memory_space<hbm>> -> memref<1x8x128xf32, #tpu.memory_space<hbm>>
    %dma_start3A_735 = tpu.memref_squeeze %dma_start3A_734 : memref<1x8x128xf32, #tpu.memory_space<hbm>> -> memref<8x128xf32, #tpu.memory_space<hbm>>
    %dma_start3A_736 = arith.constant 0 : i32
    %dma_start3A_737 = arith.constant 0 : i32
    %dma_start3A_738 = tpu.memref_slice %arg4[%add3A_728, %dma_start3A_736, %dma_start3A_737] : memref<51200x8x128xf32, #tpu.memory_space<hbm>> -> memref<1x8x128xf32, #tpu.memory_space<hbm>>
    %dma_start3A_739 = tpu.memref_squeeze %dma_start3A_738 : memref<1x8x128xf32, #tpu.memory_space<hbm>> -> memref<8x128xf32, #tpu.memory_space<hbm>>
    %dma_start3A_740 = arith.constant 24 : i32
    %dma_start3A_741 = arith.constant 0 : i32
    %dma_start3A_742 = tpu.memref_slice %arg8[%dma_start3A_740, %dma_start3A_741] : memref<64x129xf32, #tpu.memory_space<vmem>> -> memref<8x128xf32, #tpu.memory_space<vmem>>
    tpu.enqueue_dma source(%dma_start3A_742 : memref<8x128xf32, #tpu.memory_space<vmem>>) target(%dma_start3A_739 : memref<8x128xf32, #tpu.memory_space<hbm>>) target_semaphore(%arg12 : memref<!tpu.dma_semaphore, #tpu.memory_space<semaphore_mem>>)
    %mul3A_743 = arith.constant 8 : i32
    %mul3A_744 = arith.muli %select_n3A_655, %mul3A_743 : i32
    %add3A_745 = arith.constant 4 : i32
    %add3A_746 = arith.addi %mul3A_744, %add3A_745 : i32
    %mul3A_747 = arith.constant 128 : i32
    %mul3A_748 = arith.muli %add3A_746, %mul3A_747 : i32
    %add3A_749 = arith.addi %mul3A_748, %sub3A_658 : i32
    %dma_start3A_750 = arith.constant 32 : i32
    %dma_start3A_751 = arith.constant 0 : i32
    %dma_start3A_752 = tpu.memref_slice %arg8[%dma_start3A_750, %dma_start3A_751] : memref<64x129xf32, #tpu.memory_space<vmem>> -> memref<8x128xf32, #tpu.memory_space<vmem>>
    %dma_start3A_753 = arith.constant 0 : i32
    %dma_start3A_754 = arith.constant 0 : i32
    %dma_start3A_755 = tpu.memref_slice %arg4[%add3A_749, %dma_start3A_753, %dma_start3A_754] : memref<51200x8x128xf32, #tpu.memory_space<hbm>> -> memref<1x8x128xf32, #tpu.memory_space<hbm>>
    %dma_start3A_756 = tpu.memref_squeeze %dma_start3A_755 : memref<1x8x128xf32, #tpu.memory_space<hbm>> -> memref<8x128xf32, #tpu.memory_space<hbm>>
    %dma_start3A_757 = arith.constant 0 : i32
    %dma_start3A_758 = arith.constant 0 : i32
    %dma_start3A_759 = tpu.memref_slice %arg4[%add3A_749, %dma_start3A_757, %dma_start3A_758] : memref<51200x8x128xf32, #tpu.memory_space<hbm>> -> memref<1x8x128xf32, #tpu.memory_space<hbm>>
    %dma_start3A_760 = tpu.memref_squeeze %dma_start3A_759 : memref<1x8x128xf32, #tpu.memory_space<hbm>> -> memref<8x128xf32, #tpu.memory_space<hbm>>
    %dma_start3A_761 = arith.constant 32 : i32
    %dma_start3A_762 = arith.constant 0 : i32
    %dma_start3A_763 = tpu.memref_slice %arg8[%dma_start3A_761, %dma_start3A_762] : memref<64x129xf32, #tpu.memory_space<vmem>> -> memref<8x128xf32, #tpu.memory_space<vmem>>
    tpu.enqueue_dma source(%dma_start3A_763 : memref<8x128xf32, #tpu.memory_space<vmem>>) target(%dma_start3A_760 : memref<8x128xf32, #tpu.memory_space<hbm>>) target_semaphore(%arg12 : memref<!tpu.dma_semaphore, #tpu.memory_space<semaphore_mem>>)
    %mul3A_764 = arith.constant 8 : i32
    %mul3A_765 = arith.muli %select_n3A_655, %mul3A_764 : i32
    %add3A_766 = arith.constant 5 : i32
    %add3A_767 = arith.addi %mul3A_765, %add3A_766 : i32
    %mul3A_768 = arith.constant 128 : i32
    %mul3A_769 = arith.muli %add3A_767, %mul3A_768 : i32
    %add3A_770 = arith.addi %mul3A_769, %sub3A_658 : i32
    %dma_start3A_771 = arith.constant 40 : i32
    %dma_start3A_772 = arith.constant 0 : i32
    %dma_start3A_773 = tpu.memref_slice %arg8[%dma_start3A_771, %dma_start3A_772] : memref<64x129xf32, #tpu.memory_space<vmem>> -> memref<8x128xf32, #tpu.memory_space<vmem>>
    %dma_start3A_774 = arith.constant 0 : i32
    %dma_start3A_775 = arith.constant 0 : i32
    %dma_start3A_776 = tpu.memref_slice %arg4[%add3A_770, %dma_start3A_774, %dma_start3A_775] : memref<51200x8x128xf32, #tpu.memory_space<hbm>> -> memref<1x8x128xf32, #tpu.memory_space<hbm>>
    %dma_start3A_777 = tpu.memref_squeeze %dma_start3A_776 : memref<1x8x128xf32, #tpu.memory_space<hbm>> -> memref<8x128xf32, #tpu.memory_space<hbm>>
    %dma_start3A_778 = arith.constant 0 : i32
    %dma_start3A_779 = arith.constant 0 : i32
    %dma_start3A_780 = tpu.memref_slice %arg4[%add3A_770, %dma_start3A_778, %dma_start3A_779] : memref<51200x8x128xf32, #tpu.memory_space<hbm>> -> memref<1x8x128xf32, #tpu.memory_space<hbm>>
    %dma_start3A_781 = tpu.memref_squeeze %dma_start3A_780 : memref<1x8x128xf32, #tpu.memory_space<hbm>> -> memref<8x128xf32, #tpu.memory_space<hbm>>
    %dma_start3A_782 = arith.constant 40 : i32
    %dma_start3A_783 = arith.constant 0 : i32
    %dma_start3A_784 = tpu.memref_slice %arg8[%dma_start3A_782, %dma_start3A_783] : memref<64x129xf32, #tpu.memory_space<vmem>> -> memref<8x128xf32, #tpu.memory_space<vmem>>
    tpu.enqueue_dma source(%dma_start3A_784 : memref<8x128xf32, #tpu.memory_space<vmem>>) target(%dma_start3A_781 : memref<8x128xf32, #tpu.memory_space<hbm>>) target_semaphore(%arg12 : memref<!tpu.dma_semaphore, #tpu.memory_space<semaphore_mem>>)
    %mul3A_785 = arith.constant 8 : i32
    %mul3A_786 = arith.muli %select_n3A_655, %mul3A_785 : i32
    %add3A_787 = arith.constant 6 : i32
    %add3A_788 = arith.addi %mul3A_786, %add3A_787 : i32
    %mul3A_789 = arith.constant 128 : i32
    %mul3A_790 = arith.muli %add3A_788, %mul3A_789 : i32
    %add3A_791 = arith.addi %mul3A_790, %sub3A_658 : i32
    %dma_start3A_792 = arith.constant 48 : i32
    %dma_start3A_793 = arith.constant 0 : i32
    %dma_start3A_794 = tpu.memref_slice %arg8[%dma_start3A_792, %dma_start3A_793] : memref<64x129xf32, #tpu.memory_space<vmem>> -> memref<8x128xf32, #tpu.memory_space<vmem>>
    %dma_start3A_795 = arith.constant 0 : i32
    %dma_start3A_796 = arith.constant 0 : i32
    %dma_start3A_797 = tpu.memref_slice %arg4[%add3A_791, %dma_start3A_795, %dma_start3A_796] : memref<51200x8x128xf32, #tpu.memory_space<hbm>> -> memref<1x8x128xf32, #tpu.memory_space<hbm>>
    %dma_start3A_798 = tpu.memref_squeeze %dma_start3A_797 : memref<1x8x128xf32, #tpu.memory_space<hbm>> -> memref<8x128xf32, #tpu.memory_space<hbm>>
    %dma_start3A_799 = arith.constant 0 : i32
    %dma_start3A_800 = arith.constant 0 : i32
    %dma_start3A_801 = tpu.memref_slice %arg4[%add3A_791, %dma_start3A_799, %dma_start3A_800] : memref<51200x8x128xf32, #tpu.memory_space<hbm>> -> memref<1x8x128xf32, #tpu.memory_space<hbm>>
    %dma_start3A_802 = tpu.memref_squeeze %dma_start3A_801 : memref<1x8x128xf32, #tpu.memory_space<hbm>> -> memref<8x128xf32, #tpu.memory_space<hbm>>
    %dma_start3A_803 = arith.constant 48 : i32
    %dma_start3A_804 = arith.constant 0 : i32
    %dma_start3A_805 = tpu.memref_slice %arg8[%dma_start3A_803, %dma_start3A_804] : memref<64x129xf32, #tpu.memory_space<vmem>> -> memref<8x128xf32, #tpu.memory_space<vmem>>
    tpu.enqueue_dma source(%dma_start3A_805 : memref<8x128xf32, #tpu.memory_space<vmem>>) target(%dma_start3A_802 : memref<8x128xf32, #tpu.memory_space<hbm>>) target_semaphore(%arg12 : memref<!tpu.dma_semaphore, #tpu.memory_space<semaphore_mem>>)
    %mul3A_806 = arith.constant 8 : i32
    %mul3A_807 = arith.muli %select_n3A_655, %mul3A_806 : i32
    %add3A_808 = arith.constant 7 : i32
    %add3A_809 = arith.addi %mul3A_807, %add3A_808 : i32
    %mul3A_810 = arith.constant 128 : i32
    %mul3A_811 = arith.muli %add3A_809, %mul3A_810 : i32
    %add3A_812 = arith.addi %mul3A_811, %sub3A_658 : i32
    %dma_start3A_813 = arith.constant 56 : i32
    %dma_start3A_814 = arith.constant 0 : i32
    %dma_start3A_815 = tpu.memref_slice %arg8[%dma_start3A_813, %dma_start3A_814] : memref<64x129xf32, #tpu.memory_space<vmem>> -> memref<8x128xf32, #tpu.memory_space<vmem>>
    %dma_start3A_816 = arith.constant 0 : i32
    %dma_start3A_817 = arith.constant 0 : i32
    %dma_start3A_818 = tpu.memref_slice %arg4[%add3A_812, %dma_start3A_816, %dma_start3A_817] : memref<51200x8x128xf32, #tpu.memory_space<hbm>> -> memref<1x8x128xf32, #tpu.memory_space<hbm>>
    %dma_start3A_819 = tpu.memref_squeeze %dma_start3A_818 : memref<1x8x128xf32, #tpu.memory_space<hbm>> -> memref<8x128xf32, #tpu.memory_space<hbm>>
    %dma_start3A_820 = arith.constant 0 : i32
    %dma_start3A_821 = arith.constant 0 : i32
    %dma_start3A_822 = tpu.memref_slice %arg4[%add3A_812, %dma_start3A_820, %dma_start3A_821] : memref<51200x8x128xf32, #tpu.memory_space<hbm>> -> memref<1x8x128xf32, #tpu.memory_space<hbm>>
    %dma_start3A_823 = tpu.memref_squeeze %dma_start3A_822 : memref<1x8x128xf32, #tpu.memory_space<hbm>> -> memref<8x128xf32, #tpu.memory_space<hbm>>
    %dma_start3A_824 = arith.constant 56 : i32
    %dma_start3A_825 = arith.constant 0 : i32
    %dma_start3A_826 = tpu.memref_slice %arg8[%dma_start3A_824, %dma_start3A_825] : memref<64x129xf32, #tpu.memory_space<vmem>> -> memref<8x128xf32, #tpu.memory_space<vmem>>
    tpu.enqueue_dma source(%dma_start3A_826 : memref<8x128xf32, #tpu.memory_space<vmem>>) target(%dma_start3A_823 : memref<8x128xf32, #tpu.memory_space<hbm>>) target_semaphore(%arg12 : memref<!tpu.dma_semaphore, #tpu.memory_space<semaphore_mem>>)
    %dma_wait3A_827 = arith.constant 0 : i32
    %dma_wait3A_828 = tpu.memref_slice %arg5[%dma_wait3A_827] : memref<25600xi32, #tpu.memory_space<vmem>> -> memref<128xi32, #tpu.memory_space<vmem>>
    %dma_wait3A_829 = arith.constant 0 : i32
    %dma_wait3A_830 = arith.constant 0 : i32
    %dma_wait3A_831 = tpu.memref_slice %arg3[%dma_wait3A_829, %dma_wait3A_830] : memref<1000000x64xf32, #tpu.memory_space<hbm>> -> memref<1000000x64xf32, #tpu.memory_space<hbm>>
    tpu.wait_indirect_dma semaphore(%arg11 : memref<!tpu.dma_semaphore, #tpu.memory_space<semaphore_mem>>) src(%dma_wait3A_831 : memref<1000000x64xf32, #tpu.memory_space<hbm>>) dst(%arg7 : memref<128x64xf32, #tpu.memory_space<vmem>>)
    %dma_wait3A_832 = arith.constant 0 : i32
    %dma_wait3A_833 = arith.constant 0 : i32
    %dma_wait3A_834 = arith.constant 0 : i32
    %dma_wait3A_835 = tpu.memref_slice %arg9[%dma_wait3A_833, %dma_wait3A_834] : memref<64x129xf32, #tpu.memory_space<vmem>> -> memref<8x128xf32, #tpu.memory_space<vmem>>
    %dma_wait3A_836 = arith.constant 0 : i32
    %dma_wait3A_837 = arith.constant 0 : i32
    %dma_wait3A_838 = tpu.memref_slice %arg4[%dma_wait3A_832, %dma_wait3A_836, %dma_wait3A_837] : memref<51200x8x128xf32, #tpu.memory_space<hbm>> -> memref<1x8x128xf32, #tpu.memory_space<hbm>>
    %dma_wait3A_839 = tpu.memref_squeeze %dma_wait3A_838 : memref<1x8x128xf32, #tpu.memory_space<hbm>> -> memref<8x128xf32, #tpu.memory_space<hbm>>
    %dma_wait3A_840 = arith.constant 0 : i32
    %dma_wait3A_841 = arith.constant 0 : i32
    %dma_wait3A_842 = tpu.memref_slice %arg4[%dma_wait3A_832, %dma_wait3A_840, %dma_wait3A_841] : memref<51200x8x128xf32, #tpu.memory_space<hbm>> -> memref<1x8x128xf32, #tpu.memory_space<hbm>>
    %dma_wait3A_843 = tpu.memref_squeeze %dma_wait3A_842 : memref<1x8x128xf32, #tpu.memory_space<hbm>> -> memref<8x128xf32, #tpu.memory_space<hbm>>
    %dma_wait3A_844 = arith.constant 0 : i32
    %dma_wait3A_845 = arith.constant 0 : i32
    %dma_wait3A_846 = tpu.memref_slice %arg9[%dma_wait3A_844, %dma_wait3A_845] : memref<64x129xf32, #tpu.memory_space<vmem>> -> memref<8x128xf32, #tpu.memory_space<vmem>>
    tpu.wait_dma2 semaphore(%arg13 : memref<!tpu.dma_semaphore, #tpu.memory_space<semaphore_mem>>) src(%dma_wait3A_846 : memref<8x128xf32, #tpu.memory_space<vmem>>) dst(%dma_wait3A_843 : memref<8x128xf32, #tpu.memory_space<hbm>>)
    %dma_wait3A_847 = arith.constant 0 : i32
    %dma_wait3A_848 = arith.constant 8 : i32
    %dma_wait3A_849 = arith.constant 0 : i32
    %dma_wait3A_850 = tpu.memref_slice %arg9[%dma_wait3A_848, %dma_wait3A_849] : memref<64x129xf32, #tpu.memory_space<vmem>> -> memref<8x128xf32, #tpu.memory_space<vmem>>
    %dma_wait3A_851 = arith.constant 0 : i32
    %dma_wait3A_852 = arith.constant 0 : i32
    %dma_wait3A_853 = tpu.memref_slice %arg4[%dma_wait3A_847, %dma_wait3A_851, %dma_wait3A_852] : memref<51200x8x128xf32, #tpu.memory_space<hbm>> -> memref<1x8x128xf32, #tpu.memory_space<hbm>>
    %dma_wait3A_854 = tpu.memref_squeeze %dma_wait3A_853 : memref<1x8x128xf32, #tpu.memory_space<hbm>> -> memref<8x128xf32, #tpu.memory_space<hbm>>
    %dma_wait3A_855 = arith.constant 0 : i32
    %dma_wait3A_856 = arith.constant 0 : i32
    %dma_wait3A_857 = tpu.memref_slice %arg4[%dma_wait3A_847, %dma_wait3A_855, %dma_wait3A_856] : memref<51200x8x128xf32, #tpu.memory_space<hbm>> -> memref<1x8x128xf32, #tpu.memory_space<hbm>>
    %dma_wait3A_858 = tpu.memref_squeeze %dma_wait3A_857 : memref<1x8x128xf32, #tpu.memory_space<hbm>> -> memref<8x128xf32, #tpu.memory_space<hbm>>
    %dma_wait3A_859 = arith.constant 8 : i32
    %dma_wait3A_860 = arith.constant 0 : i32
    %dma_wait3A_861 = tpu.memref_slice %arg9[%dma_wait3A_859, %dma_wait3A_860] : memref<64x129xf32, #tpu.memory_space<vmem>> -> memref<8x128xf32, #tpu.memory_space<vmem>>
    tpu.wait_dma2 semaphore(%arg13 : memref<!tpu.dma_semaphore, #tpu.memory_space<semaphore_mem>>) src(%dma_wait3A_861 : memref<8x128xf32, #tpu.memory_space<vmem>>) dst(%dma_wait3A_858 : memref<8x128xf32, #tpu.memory_space<hbm>>)
    %dma_wait3A_862 = arith.constant 0 : i32
    %dma_wait3A_863 = arith.constant 16 : i32
    %dma_wait3A_864 = arith.constant 0 : i32
    %dma_wait3A_865 = tpu.memref_slice %arg9[%dma_wait3A_863, %dma_wait3A_864] : memref<64x129xf32, #tpu.memory_space<vmem>> -> memref<8x128xf32, #tpu.memory_space<vmem>>
    %dma_wait3A_866 = arith.constant 0 : i32
    %dma_wait3A_867 = arith.constant 0 : i32
    %dma_wait3A_868 = tpu.memref_slice %arg4[%dma_wait3A_862, %dma_wait3A_866, %dma_wait3A_867] : memref<51200x8x128xf32, #tpu.memory_space<hbm>> -> memref<1x8x128xf32, #tpu.memory_space<hbm>>
    %dma_wait3A_869 = tpu.memref_squeeze %dma_wait3A_868 : memref<1x8x128xf32, #tpu.memory_space<hbm>> -> memref<8x128xf32, #tpu.memory_space<hbm>>
    %dma_wait3A_870 = arith.constant 0 : i32
    %dma_wait3A_871 = arith.constant 0 : i32
    %dma_wait3A_872 = tpu.memref_slice %arg4[%dma_wait3A_862, %dma_wait3A_870, %dma_wait3A_871] : memref<51200x8x128xf32, #tpu.memory_space<hbm>> -> memref<1x8x128xf32, #tpu.memory_space<hbm>>
    %dma_wait3A_873 = tpu.memref_squeeze %dma_wait3A_872 : memref<1x8x128xf32, #tpu.memory_space<hbm>> -> memref<8x128xf32, #tpu.memory_space<hbm>>
    %dma_wait3A_874 = arith.constant 16 : i32
    %dma_wait3A_875 = arith.constant 0 : i32
    %dma_wait3A_876 = tpu.memref_slice %arg9[%dma_wait3A_874, %dma_wait3A_875] : memref<64x129xf32, #tpu.memory_space<vmem>> -> memref<8x128xf32, #tpu.memory_space<vmem>>
    tpu.wait_dma2 semaphore(%arg13 : memref<!tpu.dma_semaphore, #tpu.memory_space<semaphore_mem>>) src(%dma_wait3A_876 : memref<8x128xf32, #tpu.memory_space<vmem>>) dst(%dma_wait3A_873 : memref<8x128xf32, #tpu.memory_space<hbm>>)
    %dma_wait3A_877 = arith.constant 0 : i32
    %dma_wait3A_878 = arith.constant 24 : i32
    %dma_wait3A_879 = arith.constant 0 : i32
    %dma_wait3A_880 = tpu.memref_slice %arg9[%dma_wait3A_878, %dma_wait3A_879] : memref<64x129xf32, #tpu.memory_space<vmem>> -> memref<8x128xf32, #tpu.memory_space<vmem>>
    %dma_wait3A_881 = arith.constant 0 : i32
    %dma_wait3A_882 = arith.constant 0 : i32
    %dma_wait3A_883 = tpu.memref_slice %arg4[%dma_wait3A_877, %dma_wait3A_881, %dma_wait3A_882] : memref<51200x8x128xf32, #tpu.memory_space<hbm>> -> memref<1x8x128xf32, #tpu.memory_space<hbm>>
    %dma_wait3A_884 = tpu.memref_squeeze %dma_wait3A_883 : memref<1x8x128xf32, #tpu.memory_space<hbm>> -> memref<8x128xf32, #tpu.memory_space<hbm>>
    %dma_wait3A_885 = arith.constant 0 : i32
    %dma_wait3A_886 = arith.constant 0 : i32
    %dma_wait3A_887 = tpu.memref_slice %arg4[%dma_wait3A_877, %dma_wait3A_885, %dma_wait3A_886] : memref<51200x8x128xf32, #tpu.memory_space<hbm>> -> memref<1x8x128xf32, #tpu.memory_space<hbm>>
    %dma_wait3A_888 = tpu.memref_squeeze %dma_wait3A_887 : memref<1x8x128xf32, #tpu.memory_space<hbm>> -> memref<8x128xf32, #tpu.memory_space<hbm>>
    %dma_wait3A_889 = arith.constant 24 : i32
    %dma_wait3A_890 = arith.constant 0 : i32
    %dma_wait3A_891 = tpu.memref_slice %arg9[%dma_wait3A_889, %dma_wait3A_890] : memref<64x129xf32, #tpu.memory_space<vmem>> -> memref<8x128xf32, #tpu.memory_space<vmem>>
    tpu.wait_dma2 semaphore(%arg13 : memref<!tpu.dma_semaphore, #tpu.memory_space<semaphore_mem>>) src(%dma_wait3A_891 : memref<8x128xf32, #tpu.memory_space<vmem>>) dst(%dma_wait3A_888 : memref<8x128xf32, #tpu.memory_space<hbm>>)
    %dma_wait3A_892 = arith.constant 0 : i32
    %dma_wait3A_893 = arith.constant 32 : i32
    %dma_wait3A_894 = arith.constant 0 : i32
    %dma_wait3A_895 = tpu.memref_slice %arg9[%dma_wait3A_893, %dma_wait3A_894] : memref<64x129xf32, #tpu.memory_space<vmem>> -> memref<8x128xf32, #tpu.memory_space<vmem>>
    %dma_wait3A_896 = arith.constant 0 : i32
    %dma_wait3A_897 = arith.constant 0 : i32
    %dma_wait3A_898 = tpu.memref_slice %arg4[%dma_wait3A_892, %dma_wait3A_896, %dma_wait3A_897] : memref<51200x8x128xf32, #tpu.memory_space<hbm>> -> memref<1x8x128xf32, #tpu.memory_space<hbm>>
    %dma_wait3A_899 = tpu.memref_squeeze %dma_wait3A_898 : memref<1x8x128xf32, #tpu.memory_space<hbm>> -> memref<8x128xf32, #tpu.memory_space<hbm>>
    %dma_wait3A_900 = arith.constant 0 : i32
    %dma_wait3A_901 = arith.constant 0 : i32
    %dma_wait3A_902 = tpu.memref_slice %arg4[%dma_wait3A_892, %dma_wait3A_900, %dma_wait3A_901] : memref<51200x8x128xf32, #tpu.memory_space<hbm>> -> memref<1x8x128xf32, #tpu.memory_space<hbm>>
    %dma_wait3A_903 = tpu.memref_squeeze %dma_wait3A_902 : memref<1x8x128xf32, #tpu.memory_space<hbm>> -> memref<8x128xf32, #tpu.memory_space<hbm>>
    %dma_wait3A_904 = arith.constant 32 : i32
    %dma_wait3A_905 = arith.constant 0 : i32
    %dma_wait3A_906 = tpu.memref_slice %arg9[%dma_wait3A_904, %dma_wait3A_905] : memref<64x129xf32, #tpu.memory_space<vmem>> -> memref<8x128xf32, #tpu.memory_space<vmem>>
    tpu.wait_dma2 semaphore(%arg13 : memref<!tpu.dma_semaphore, #tpu.memory_space<semaphore_mem>>) src(%dma_wait3A_906 : memref<8x128xf32, #tpu.memory_space<vmem>>) dst(%dma_wait3A_903 : memref<8x128xf32, #tpu.memory_space<hbm>>)
    %dma_wait3A_907 = arith.constant 0 : i32
    %dma_wait3A_908 = arith.constant 40 : i32
    %dma_wait3A_909 = arith.constant 0 : i32
    %dma_wait3A_910 = tpu.memref_slice %arg9[%dma_wait3A_908, %dma_wait3A_909] : memref<64x129xf32, #tpu.memory_space<vmem>> -> memref<8x128xf32, #tpu.memory_space<vmem>>
    %dma_wait3A_911 = arith.constant 0 : i32
    %dma_wait3A_912 = arith.constant 0 : i32
    %dma_wait3A_913 = tpu.memref_slice %arg4[%dma_wait3A_907, %dma_wait3A_911, %dma_wait3A_912] : memref<51200x8x128xf32, #tpu.memory_space<hbm>> -> memref<1x8x128xf32, #tpu.memory_space<hbm>>
    %dma_wait3A_914 = tpu.memref_squeeze %dma_wait3A_913 : memref<1x8x128xf32, #tpu.memory_space<hbm>> -> memref<8x128xf32, #tpu.memory_space<hbm>>
    %dma_wait3A_915 = arith.constant 0 : i32
    %dma_wait3A_916 = arith.constant 0 : i32
    %dma_wait3A_917 = tpu.memref_slice %arg4[%dma_wait3A_907, %dma_wait3A_915, %dma_wait3A_916] : memref<51200x8x128xf32, #tpu.memory_space<hbm>> -> memref<1x8x128xf32, #tpu.memory_space<hbm>>
    %dma_wait3A_918 = tpu.memref_squeeze %dma_wait3A_917 : memref<1x8x128xf32, #tpu.memory_space<hbm>> -> memref<8x128xf32, #tpu.memory_space<hbm>>
    %dma_wait3A_919 = arith.constant 40 : i32
    %dma_wait3A_920 = arith.constant 0 : i32
    %dma_wait3A_921 = tpu.memref_slice %arg9[%dma_wait3A_919, %dma_wait3A_920] : memref<64x129xf32, #tpu.memory_space<vmem>> -> memref<8x128xf32, #tpu.memory_space<vmem>>
    tpu.wait_dma2 semaphore(%arg13 : memref<!tpu.dma_semaphore, #tpu.memory_space<semaphore_mem>>) src(%dma_wait3A_921 : memref<8x128xf32, #tpu.memory_space<vmem>>) dst(%dma_wait3A_918 : memref<8x128xf32, #tpu.memory_space<hbm>>)
    %dma_wait3A_922 = arith.constant 0 : i32
    %dma_wait3A_923 = arith.constant 48 : i32
    %dma_wait3A_924 = arith.constant 0 : i32
    %dma_wait3A_925 = tpu.memref_slice %arg9[%dma_wait3A_923, %dma_wait3A_924] : memref<64x129xf32, #tpu.memory_space<vmem>> -> memref<8x128xf32, #tpu.memory_space<vmem>>
    %dma_wait3A_926 = arith.constant 0 : i32
    %dma_wait3A_927 = arith.constant 0 : i32
    %dma_wait3A_928 = tpu.memref_slice %arg4[%dma_wait3A_922, %dma_wait3A_926, %dma_wait3A_927] : memref<51200x8x128xf32, #tpu.memory_space<hbm>> -> memref<1x8x128xf32, #tpu.memory_space<hbm>>
    %dma_wait3A_929 = tpu.memref_squeeze %dma_wait3A_928 : memref<1x8x128xf32, #tpu.memory_space<hbm>> -> memref<8x128xf32, #tpu.memory_space<hbm>>
    %dma_wait3A_930 = arith.constant 0 : i32
    %dma_wait3A_931 = arith.constant 0 : i32
    %dma_wait3A_932 = tpu.memref_slice %arg4[%dma_wait3A_922, %dma_wait3A_930, %dma_wait3A_931] : memref<51200x8x128xf32, #tpu.memory_space<hbm>> -> memref<1x8x128xf32, #tpu.memory_space<hbm>>
    %dma_wait3A_933 = tpu.memref_squeeze %dma_wait3A_932 : memref<1x8x128xf32, #tpu.memory_space<hbm>> -> memref<8x128xf32, #tpu.memory_space<hbm>>
    %dma_wait3A_934 = arith.constant 48 : i32
    %dma_wait3A_935 = arith.constant 0 : i32
    %dma_wait3A_936 = tpu.memref_slice %arg9[%dma_wait3A_934, %dma_wait3A_935] : memref<64x129xf32, #tpu.memory_space<vmem>> -> memref<8x128xf32, #tpu.memory_space<vmem>>
    tpu.wait_dma2 semaphore(%arg13 : memref<!tpu.dma_semaphore, #tpu.memory_space<semaphore_mem>>) src(%dma_wait3A_936 : memref<8x128xf32, #tpu.memory_space<vmem>>) dst(%dma_wait3A_933 : memref<8x128xf32, #tpu.memory_space<hbm>>)
    %dma_wait3A_937 = arith.constant 0 : i32
    %dma_wait3A_938 = arith.constant 56 : i32
    %dma_wait3A_939 = arith.constant 0 : i32
    %dma_wait3A_940 = tpu.memref_slice %arg9[%dma_wait3A_938, %dma_wait3A_939] : memref<64x129xf32, #tpu.memory_space<vmem>> -> memref<8x128xf32, #tpu.memory_space<vmem>>
    %dma_wait3A_941 = arith.constant 0 : i32
    %dma_wait3A_942 = arith.constant 0 : i32
    %dma_wait3A_943 = tpu.memref_slice %arg4[%dma_wait3A_937, %dma_wait3A_941, %dma_wait3A_942] : memref<51200x8x128xf32, #tpu.memory_space<hbm>> -> memref<1x8x128xf32, #tpu.memory_space<hbm>>
    %dma_wait3A_944 = tpu.memref_squeeze %dma_wait3A_943 : memref<1x8x128xf32, #tpu.memory_space<hbm>> -> memref<8x128xf32, #tpu.memory_space<hbm>>
    %dma_wait3A_945 = arith.constant 0 : i32
    %dma_wait3A_946 = arith.constant 0 : i32
    %dma_wait3A_947 = tpu.memref_slice %arg4[%dma_wait3A_937, %dma_wait3A_945, %dma_wait3A_946] : memref<51200x8x128xf32, #tpu.memory_space<hbm>> -> memref<1x8x128xf32, #tpu.memory_space<hbm>>
    %dma_wait3A_948 = tpu.memref_squeeze %dma_wait3A_947 : memref<1x8x128xf32, #tpu.memory_space<hbm>> -> memref<8x128xf32, #tpu.memory_space<hbm>>
    %dma_wait3A_949 = arith.constant 56 : i32
    %dma_wait3A_950 = arith.constant 0 : i32
    %dma_wait3A_951 = tpu.memref_slice %arg9[%dma_wait3A_949, %dma_wait3A_950] : memref<64x129xf32, #tpu.memory_space<vmem>> -> memref<8x128xf32, #tpu.memory_space<vmem>>
    tpu.wait_dma2 semaphore(%arg13 : memref<!tpu.dma_semaphore, #tpu.memory_space<semaphore_mem>>) src(%dma_wait3A_951 : memref<8x128xf32, #tpu.memory_space<vmem>>) dst(%dma_wait3A_948 : memref<8x128xf32, #tpu.memory_space<hbm>>)
    %jit3A_952 = arith.constant 128 : i32
    %div3A_953 = arith.divsi %mul3A_2, %jit3A_952 : i32
    %sign3A_954 = arith.constant 0 : i32
    %sign3A_955 = arith.cmpi sgt, %mul3A_2, %sign3A_954 : i32
    %sign3A_956 = arith.extui %sign3A_955 : i1 to i32
    %sign3A_957 = arith.constant 0 : i32
    %sign3A_958 = arith.cmpi slt, %mul3A_2, %sign3A_957 : i32
    %sign3A_959 = arith.extui %sign3A_958 : i1 to i32
    %sign3A_960 = arith.subi %sign3A_956, %sign3A_959 : i32
    %sign3A_961 = arith.constant 0 : i32
    %sign3A_962 = arith.cmpi sgt, %jit3A_952, %sign3A_961 : i32
    %sign3A_963 = arith.extui %sign3A_962 : i1 to i32
    %sign3A_964 = arith.constant 0 : i32
    %sign3A_965 = arith.cmpi slt, %jit3A_952, %sign3A_964 : i32
    %sign3A_966 = arith.extui %sign3A_965 : i1 to i32
    %sign3A_967 = arith.subi %sign3A_963, %sign3A_966 : i32
    %ne3A_968 = arith.cmpi ne, %sign3A_960, %sign3A_967 : i32
    %rem3A_969 = arith.remsi %mul3A_2, %jit3A_952 : i32
    %ne3A_970 = arith.constant 0 : i32
    %ne3A_971 = arith.cmpi ne, %rem3A_969, %ne3A_970 : i32
    %and3A_972 = arith.andi %ne3A_968, %ne3A_971 : i1
    %sub3A_973 = arith.constant 1 : i32
    %sub3A_974 = arith.subi %div3A_953, %sub3A_973 : i32
    %select_n3A_975 = arith.select %and3A_972, %sub3A_974, %div3A_953 : i32
    %add3A_976 = arith.constant 199 : i32
    %add3A_977 = arith.addi %select_n3A_975, %add3A_976 : i32
    %jit3A_978 = arith.constant 128 : i32
    %div3A_979 = arith.divsi %add3A_977, %jit3A_978 : i32
    %sign3A_980 = arith.constant 0 : i32
    %sign3A_981 = arith.cmpi sgt, %add3A_977, %sign3A_980 : i32
    %sign3A_982 = arith.extui %sign3A_981 : i1 to i32
    %sign3A_983 = arith.constant 0 : i32
    %sign3A_984 = arith.cmpi slt, %add3A_977, %sign3A_983 : i32
    %sign3A_985 = arith.extui %sign3A_984 : i1 to i32
    %sign3A_986 = arith.subi %sign3A_982, %sign3A_985 : i32
    %sign3A_987 = arith.constant 0 : i32
    %sign3A_988 = arith.cmpi sgt, %jit3A_978, %sign3A_987 : i32
    %sign3A_989 = arith.extui %sign3A_988 : i1 to i32
    %sign3A_990 = arith.constant 0 : i32
    %sign3A_991 = arith.cmpi slt, %jit3A_978, %sign3A_990 : i32
    %sign3A_992 = arith.extui %sign3A_991 : i1 to i32
    %sign3A_993 = arith.subi %sign3A_989, %sign3A_992 : i32
    %ne3A_994 = arith.cmpi ne, %sign3A_986, %sign3A_993 : i32
    %rem3A_995 = arith.remsi %add3A_977, %jit3A_978 : i32
    %ne3A_996 = arith.constant 0 : i32
    %ne3A_997 = arith.cmpi ne, %rem3A_995, %ne3A_996 : i32
    %and3A_998 = arith.andi %ne3A_994, %ne3A_997 : i1
    %sub3A_999 = arith.constant 1 : i32
    %sub3A_1000 = arith.subi %div3A_979, %sub3A_999 : i32
    %select_n3A_1001 = arith.select %and3A_998, %sub3A_1000, %div3A_979 : i32
    %mul3A_1002 = arith.constant 128 : i32
    %mul3A_1003 = arith.muli %select_n3A_1001, %mul3A_1002 : i32
    %sub3A_1004 = arith.subi %add3A_977, %mul3A_1003 : i32
    %mul3A_1005 = arith.constant 8 : i32
    %mul3A_1006 = arith.muli %select_n3A_1001, %mul3A_1005 : i32
    %add3A_1007 = arith.constant 0 : i32
    %add3A_1008 = arith.addi %mul3A_1006, %add3A_1007 : i32
    %mul3A_1009 = arith.constant 128 : i32
    %mul3A_1010 = arith.muli %add3A_1008, %mul3A_1009 : i32
    %add3A_1011 = arith.addi %mul3A_1010, %sub3A_1004 : i32
    %dma_start3A_1012 = arith.constant 0 : i32
    %dma_start3A_1013 = arith.constant 0 : i32
    %dma_start3A_1014 = tpu.memref_slice %arg9[%dma_start3A_1012, %dma_start3A_1013] : memref<64x129xf32, #tpu.memory_space<vmem>> -> memref<8x128xf32, #tpu.memory_space<vmem>>
    %dma_start3A_1015 = arith.constant 0 : i32
    %dma_start3A_1016 = arith.constant 0 : i32
    %dma_start3A_1017 = tpu.memref_slice %arg4[%add3A_1011, %dma_start3A_1015, %dma_start3A_1016] : memref<51200x8x128xf32, #tpu.memory_space<hbm>> -> memref<1x8x128xf32, #tpu.memory_space<hbm>>
    %dma_start3A_1018 = tpu.memref_squeeze %dma_start3A_1017 : memref<1x8x128xf32, #tpu.memory_space<hbm>> -> memref<8x128xf32, #tpu.memory_space<hbm>>
    %dma_start3A_1019 = arith.constant 0 : i32
    %dma_start3A_1020 = arith.constant 0 : i32
    %dma_start3A_1021 = tpu.memref_slice %arg4[%add3A_1011, %dma_start3A_1019, %dma_start3A_1020] : memref<51200x8x128xf32, #tpu.memory_space<hbm>> -> memref<1x8x128xf32, #tpu.memory_space<hbm>>
    %dma_start3A_1022 = tpu.memref_squeeze %dma_start3A_1021 : memref<1x8x128xf32, #tpu.memory_space<hbm>> -> memref<8x128xf32, #tpu.memory_space<hbm>>
    %dma_start3A_1023 = arith.constant 0 : i32
    %dma_start3A_1024 = arith.constant 0 : i32
    %dma_start3A_1025 = tpu.memref_slice %arg9[%dma_start3A_1023, %dma_start3A_1024] : memref<64x129xf32, #tpu.memory_space<vmem>> -> memref<8x128xf32, #tpu.memory_space<vmem>>
    tpu.enqueue_dma source(%dma_start3A_1025 : memref<8x128xf32, #tpu.memory_space<vmem>>) target(%dma_start3A_1022 : memref<8x128xf32, #tpu.memory_space<hbm>>) target_semaphore(%arg13 : memref<!tpu.dma_semaphore, #tpu.memory_space<semaphore_mem>>)
    %mul3A_1026 = arith.constant 8 : i32
    %mul3A_1027 = arith.muli %select_n3A_1001, %mul3A_1026 : i32
    %add3A_1028 = arith.constant 1 : i32
    %add3A_1029 = arith.addi %mul3A_1027, %add3A_1028 : i32
    %mul3A_1030 = arith.constant 128 : i32
    %mul3A_1031 = arith.muli %add3A_1029, %mul3A_1030 : i32
    %add3A_1032 = arith.addi %mul3A_1031, %sub3A_1004 : i32
    %dma_start3A_1033 = arith.constant 8 : i32
    %dma_start3A_1034 = arith.constant 0 : i32
    %dma_start3A_1035 = tpu.memref_slice %arg9[%dma_start3A_1033, %dma_start3A_1034] : memref<64x129xf32, #tpu.memory_space<vmem>> -> memref<8x128xf32, #tpu.memory_space<vmem>>
    %dma_start3A_1036 = arith.constant 0 : i32
    %dma_start3A_1037 = arith.constant 0 : i32
    %dma_start3A_1038 = tpu.memref_slice %arg4[%add3A_1032, %dma_start3A_1036, %dma_start3A_1037] : memref<51200x8x128xf32, #tpu.memory_space<hbm>> -> memref<1x8x128xf32, #tpu.memory_space<hbm>>
    %dma_start3A_1039 = tpu.memref_squeeze %dma_start3A_1038 : memref<1x8x128xf32, #tpu.memory_space<hbm>> -> memref<8x128xf32, #tpu.memory_space<hbm>>
    %dma_start3A_1040 = arith.constant 0 : i32
    %dma_start3A_1041 = arith.constant 0 : i32
    %dma_start3A_1042 = tpu.memref_slice %arg4[%add3A_1032, %dma_start3A_1040, %dma_start3A_1041] : memref<51200x8x128xf32, #tpu.memory_space<hbm>> -> memref<1x8x128xf32, #tpu.memory_space<hbm>>
    %dma_start3A_1043 = tpu.memref_squeeze %dma_start3A_1042 : memref<1x8x128xf32, #tpu.memory_space<hbm>> -> memref<8x128xf32, #tpu.memory_space<hbm>>
    %dma_start3A_1044 = arith.constant 8 : i32
    %dma_start3A_1045 = arith.constant 0 : i32
    %dma_start3A_1046 = tpu.memref_slice %arg9[%dma_start3A_1044, %dma_start3A_1045] : memref<64x129xf32, #tpu.memory_space<vmem>> -> memref<8x128xf32, #tpu.memory_space<vmem>>
    tpu.enqueue_dma source(%dma_start3A_1046 : memref<8x128xf32, #tpu.memory_space<vmem>>) target(%dma_start3A_1043 : memref<8x128xf32, #tpu.memory_space<hbm>>) target_semaphore(%arg13 : memref<!tpu.dma_semaphore, #tpu.memory_space<semaphore_mem>>)
    %mul3A_1047 = arith.constant 8 : i32
    %mul3A_1048 = arith.muli %select_n3A_1001, %mul3A_1047 : i32
    %add3A_1049 = arith.constant 2 : i32
    %add3A_1050 = arith.addi %mul3A_1048, %add3A_1049 : i32
    %mul3A_1051 = arith.constant 128 : i32
    %mul3A_1052 = arith.muli %add3A_1050, %mul3A_1051 : i32
    %add3A_1053 = arith.addi %mul3A_1052, %sub3A_1004 : i32
    %dma_start3A_1054 = arith.constant 16 : i32
    %dma_start3A_1055 = arith.constant 0 : i32
    %dma_start3A_1056 = tpu.memref_slice %arg9[%dma_start3A_1054, %dma_start3A_1055] : memref<64x129xf32, #tpu.memory_space<vmem>> -> memref<8x128xf32, #tpu.memory_space<vmem>>
    %dma_start3A_1057 = arith.constant 0 : i32
    %dma_start3A_1058 = arith.constant 0 : i32
    %dma_start3A_1059 = tpu.memref_slice %arg4[%add3A_1053, %dma_start3A_1057, %dma_start3A_1058] : memref<51200x8x128xf32, #tpu.memory_space<hbm>> -> memref<1x8x128xf32, #tpu.memory_space<hbm>>
    %dma_start3A_1060 = tpu.memref_squeeze %dma_start3A_1059 : memref<1x8x128xf32, #tpu.memory_space<hbm>> -> memref<8x128xf32, #tpu.memory_space<hbm>>
    %dma_start3A_1061 = arith.constant 0 : i32
    %dma_start3A_1062 = arith.constant 0 : i32
    %dma_start3A_1063 = tpu.memref_slice %arg4[%add3A_1053, %dma_start3A_1061, %dma_start3A_1062] : memref<51200x8x128xf32, #tpu.memory_space<hbm>> -> memref<1x8x128xf32, #tpu.memory_space<hbm>>
    %dma_start3A_1064 = tpu.memref_squeeze %dma_start3A_1063 : memref<1x8x128xf32, #tpu.memory_space<hbm>> -> memref<8x128xf32, #tpu.memory_space<hbm>>
    %dma_start3A_1065 = arith.constant 16 : i32
    %dma_start3A_1066 = arith.constant 0 : i32
    %dma_start3A_1067 = tpu.memref_slice %arg9[%dma_start3A_1065, %dma_start3A_1066] : memref<64x129xf32, #tpu.memory_space<vmem>> -> memref<8x128xf32, #tpu.memory_space<vmem>>
    tpu.enqueue_dma source(%dma_start3A_1067 : memref<8x128xf32, #tpu.memory_space<vmem>>) target(%dma_start3A_1064 : memref<8x128xf32, #tpu.memory_space<hbm>>) target_semaphore(%arg13 : memref<!tpu.dma_semaphore, #tpu.memory_space<semaphore_mem>>)
    %mul3A_1068 = arith.constant 8 : i32
    %mul3A_1069 = arith.muli %select_n3A_1001, %mul3A_1068 : i32
    %add3A_1070 = arith.constant 3 : i32
    %add3A_1071 = arith.addi %mul3A_1069, %add3A_1070 : i32
    %mul3A_1072 = arith.constant 128 : i32
    %mul3A_1073 = arith.muli %add3A_1071, %mul3A_1072 : i32
    %add3A_1074 = arith.addi %mul3A_1073, %sub3A_1004 : i32
    %dma_start3A_1075 = arith.constant 24 : i32
    %dma_start3A_1076 = arith.constant 0 : i32
    %dma_start3A_1077 = tpu.memref_slice %arg9[%dma_start3A_1075, %dma_start3A_1076] : memref<64x129xf32, #tpu.memory_space<vmem>> -> memref<8x128xf32, #tpu.memory_space<vmem>>
    %dma_start3A_1078 = arith.constant 0 : i32
    %dma_start3A_1079 = arith.constant 0 : i32
    %dma_start3A_1080 = tpu.memref_slice %arg4[%add3A_1074, %dma_start3A_1078, %dma_start3A_1079] : memref<51200x8x128xf32, #tpu.memory_space<hbm>> -> memref<1x8x128xf32, #tpu.memory_space<hbm>>
    %dma_start3A_1081 = tpu.memref_squeeze %dma_start3A_1080 : memref<1x8x128xf32, #tpu.memory_space<hbm>> -> memref<8x128xf32, #tpu.memory_space<hbm>>
    %dma_start3A_1082 = arith.constant 0 : i32
    %dma_start3A_1083 = arith.constant 0 : i32
    %dma_start3A_1084 = tpu.memref_slice %arg4[%add3A_1074, %dma_start3A_1082, %dma_start3A_1083] : memref<51200x8x128xf32, #tpu.memory_space<hbm>> -> memref<1x8x128xf32, #tpu.memory_space<hbm>>
    %dma_start3A_1085 = tpu.memref_squeeze %dma_start3A_1084 : memref<1x8x128xf32, #tpu.memory_space<hbm>> -> memref<8x128xf32, #tpu.memory_space<hbm>>
    %dma_start3A_1086 = arith.constant 24 : i32
    %dma_start3A_1087 = arith.constant 0 : i32
    %dma_start3A_1088 = tpu.memref_slice %arg9[%dma_start3A_1086, %dma_start3A_1087] : memref<64x129xf32, #tpu.memory_space<vmem>> -> memref<8x128xf32, #tpu.memory_space<vmem>>
    tpu.enqueue_dma source(%dma_start3A_1088 : memref<8x128xf32, #tpu.memory_space<vmem>>) target(%dma_start3A_1085 : memref<8x128xf32, #tpu.memory_space<hbm>>) target_semaphore(%arg13 : memref<!tpu.dma_semaphore, #tpu.memory_space<semaphore_mem>>)
    %mul3A_1089 = arith.constant 8 : i32
    %mul3A_1090 = arith.muli %select_n3A_1001, %mul3A_1089 : i32
    %add3A_1091 = arith.constant 4 : i32
    %add3A_1092 = arith.addi %mul3A_1090, %add3A_1091 : i32
    %mul3A_1093 = arith.constant 128 : i32
    %mul3A_1094 = arith.muli %add3A_1092, %mul3A_1093 : i32
    %add3A_1095 = arith.addi %mul3A_1094, %sub3A_1004 : i32
    %dma_start3A_1096 = arith.constant 32 : i32
    %dma_start3A_1097 = arith.constant 0 : i32
    %dma_start3A_1098 = tpu.memref_slice %arg9[%dma_start3A_1096, %dma_start3A_1097] : memref<64x129xf32, #tpu.memory_space<vmem>> -> memref<8x128xf32, #tpu.memory_space<vmem>>
    %dma_start3A_1099 = arith.constant 0 : i32
    %dma_start3A_1100 = arith.constant 0 : i32
    %dma_start3A_1101 = tpu.memref_slice %arg4[%add3A_1095, %dma_start3A_1099, %dma_start3A_1100] : memref<51200x8x128xf32, #tpu.memory_space<hbm>> -> memref<1x8x128xf32, #tpu.memory_space<hbm>>
    %dma_start3A_1102 = tpu.memref_squeeze %dma_start3A_1101 : memref<1x8x128xf32, #tpu.memory_space<hbm>> -> memref<8x128xf32, #tpu.memory_space<hbm>>
    %dma_start3A_1103 = arith.constant 0 : i32
    %dma_start3A_1104 = arith.constant 0 : i32
    %dma_start3A_1105 = tpu.memref_slice %arg4[%add3A_1095, %dma_start3A_1103, %dma_start3A_1104] : memref<51200x8x128xf32, #tpu.memory_space<hbm>> -> memref<1x8x128xf32, #tpu.memory_space<hbm>>
    %dma_start3A_1106 = tpu.memref_squeeze %dma_start3A_1105 : memref<1x8x128xf32, #tpu.memory_space<hbm>> -> memref<8x128xf32, #tpu.memory_space<hbm>>
    %dma_start3A_1107 = arith.constant 32 : i32
    %dma_start3A_1108 = arith.constant 0 : i32
    %dma_start3A_1109 = tpu.memref_slice %arg9[%dma_start3A_1107, %dma_start3A_1108] : memref<64x129xf32, #tpu.memory_space<vmem>> -> memref<8x128xf32, #tpu.memory_space<vmem>>
    tpu.enqueue_dma source(%dma_start3A_1109 : memref<8x128xf32, #tpu.memory_space<vmem>>) target(%dma_start3A_1106 : memref<8x128xf32, #tpu.memory_space<hbm>>) target_semaphore(%arg13 : memref<!tpu.dma_semaphore, #tpu.memory_space<semaphore_mem>>)
    %mul3A_1110 = arith.constant 8 : i32
    %mul3A_1111 = arith.muli %select_n3A_1001, %mul3A_1110 : i32
    %add3A_1112 = arith.constant 5 : i32
    %add3A_1113 = arith.addi %mul3A_1111, %add3A_1112 : i32
    %mul3A_1114 = arith.constant 128 : i32
    %mul3A_1115 = arith.muli %add3A_1113, %mul3A_1114 : i32
    %add3A_1116 = arith.addi %mul3A_1115, %sub3A_1004 : i32
    %dma_start3A_1117 = arith.constant 40 : i32
    %dma_start3A_1118 = arith.constant 0 : i32
    %dma_start3A_1119 = tpu.memref_slice %arg9[%dma_start3A_1117, %dma_start3A_1118] : memref<64x129xf32, #tpu.memory_space<vmem>> -> memref<8x128xf32, #tpu.memory_space<vmem>>
    %dma_start3A_1120 = arith.constant 0 : i32
    %dma_start3A_1121 = arith.constant 0 : i32
    %dma_start3A_1122 = tpu.memref_slice %arg4[%add3A_1116, %dma_start3A_1120, %dma_start3A_1121] : memref<51200x8x128xf32, #tpu.memory_space<hbm>> -> memref<1x8x128xf32, #tpu.memory_space<hbm>>
    %dma_start3A_1123 = tpu.memref_squeeze %dma_start3A_1122 : memref<1x8x128xf32, #tpu.memory_space<hbm>> -> memref<8x128xf32, #tpu.memory_space<hbm>>
    %dma_start3A_1124 = arith.constant 0 : i32
    %dma_start3A_1125 = arith.constant 0 : i32
    %dma_start3A_1126 = tpu.memref_slice %arg4[%add3A_1116, %dma_start3A_1124, %dma_start3A_1125] : memref<51200x8x128xf32, #tpu.memory_space<hbm>> -> memref<1x8x128xf32, #tpu.memory_space<hbm>>
    %dma_start3A_1127 = tpu.memref_squeeze %dma_start3A_1126 : memref<1x8x128xf32, #tpu.memory_space<hbm>> -> memref<8x128xf32, #tpu.memory_space<hbm>>
    %dma_start3A_1128 = arith.constant 40 : i32
    %dma_start3A_1129 = arith.constant 0 : i32
    %dma_start3A_1130 = tpu.memref_slice %arg9[%dma_start3A_1128, %dma_start3A_1129] : memref<64x129xf32, #tpu.memory_space<vmem>> -> memref<8x128xf32, #tpu.memory_space<vmem>>
    tpu.enqueue_dma source(%dma_start3A_1130 : memref<8x128xf32, #tpu.memory_space<vmem>>) target(%dma_start3A_1127 : memref<8x128xf32, #tpu.memory_space<hbm>>) target_semaphore(%arg13 : memref<!tpu.dma_semaphore, #tpu.memory_space<semaphore_mem>>)
    %mul3A_1131 = arith.constant 8 : i32
    %mul3A_1132 = arith.muli %select_n3A_1001, %mul3A_1131 : i32
    %add3A_1133 = arith.constant 6 : i32
    %add3A_1134 = arith.addi %mul3A_1132, %add3A_1133 : i32
    %mul3A_1135 = arith.constant 128 : i32
    %mul3A_1136 = arith.muli %add3A_1134, %mul3A_1135 : i32
    %add3A_1137 = arith.addi %mul3A_1136, %sub3A_1004 : i32
    %dma_start3A_1138 = arith.constant 48 : i32
    %dma_start3A_1139 = arith.constant 0 : i32
    %dma_start3A_1140 = tpu.memref_slice %arg9[%dma_start3A_1138, %dma_start3A_1139] : memref<64x129xf32, #tpu.memory_space<vmem>> -> memref<8x128xf32, #tpu.memory_space<vmem>>
    %dma_start3A_1141 = arith.constant 0 : i32
    %dma_start3A_1142 = arith.constant 0 : i32
    %dma_start3A_1143 = tpu.memref_slice %arg4[%add3A_1137, %dma_start3A_1141, %dma_start3A_1142] : memref<51200x8x128xf32, #tpu.memory_space<hbm>> -> memref<1x8x128xf32, #tpu.memory_space<hbm>>
    %dma_start3A_1144 = tpu.memref_squeeze %dma_start3A_1143 : memref<1x8x128xf32, #tpu.memory_space<hbm>> -> memref<8x128xf32, #tpu.memory_space<hbm>>
    %dma_start3A_1145 = arith.constant 0 : i32
    %dma_start3A_1146 = arith.constant 0 : i32
    %dma_start3A_1147 = tpu.memref_slice %arg4[%add3A_1137, %dma_start3A_1145, %dma_start3A_1146] : memref<51200x8x128xf32, #tpu.memory_space<hbm>> -> memref<1x8x128xf32, #tpu.memory_space<hbm>>
    %dma_start3A_1148 = tpu.memref_squeeze %dma_start3A_1147 : memref<1x8x128xf32, #tpu.memory_space<hbm>> -> memref<8x128xf32, #tpu.memory_space<hbm>>
    %dma_start3A_1149 = arith.constant 48 : i32
    %dma_start3A_1150 = arith.constant 0 : i32
    %dma_start3A_1151 = tpu.memref_slice %arg9[%dma_start3A_1149, %dma_start3A_1150] : memref<64x129xf32, #tpu.memory_space<vmem>> -> memref<8x128xf32, #tpu.memory_space<vmem>>
    tpu.enqueue_dma source(%dma_start3A_1151 : memref<8x128xf32, #tpu.memory_space<vmem>>) target(%dma_start3A_1148 : memref<8x128xf32, #tpu.memory_space<hbm>>) target_semaphore(%arg13 : memref<!tpu.dma_semaphore, #tpu.memory_space<semaphore_mem>>)
    %mul3A_1152 = arith.constant 8 : i32
    %mul3A_1153 = arith.muli %select_n3A_1001, %mul3A_1152 : i32
    %add3A_1154 = arith.constant 7 : i32
    %add3A_1155 = arith.addi %mul3A_1153, %add3A_1154 : i32
    %mul3A_1156 = arith.constant 128 : i32
    %mul3A_1157 = arith.muli %add3A_1155, %mul3A_1156 : i32
    %add3A_1158 = arith.addi %mul3A_1157, %sub3A_1004 : i32
    %dma_start3A_1159 = arith.constant 56 : i32
    %dma_start3A_1160 = arith.constant 0 : i32
    %dma_start3A_1161 = tpu.memref_slice %arg9[%dma_start3A_1159, %dma_start3A_1160] : memref<64x129xf32, #tpu.memory_space<vmem>> -> memref<8x128xf32, #tpu.memory_space<vmem>>
    %dma_start3A_1162 = arith.constant 0 : i32
    %dma_start3A_1163 = arith.constant 0 : i32
    %dma_start3A_1164 = tpu.memref_slice %arg4[%add3A_1158, %dma_start3A_1162, %dma_start3A_1163] : memref<51200x8x128xf32, #tpu.memory_space<hbm>> -> memref<1x8x128xf32, #tpu.memory_space<hbm>>
    %dma_start3A_1165 = tpu.memref_squeeze %dma_start3A_1164 : memref<1x8x128xf32, #tpu.memory_space<hbm>> -> memref<8x128xf32, #tpu.memory_space<hbm>>
    %dma_start3A_1166 = arith.constant 0 : i32
    %dma_start3A_1167 = arith.constant 0 : i32
    %dma_start3A_1168 = tpu.memref_slice %arg4[%add3A_1158, %dma_start3A_1166, %dma_start3A_1167] : memref<51200x8x128xf32, #tpu.memory_space<hbm>> -> memref<1x8x128xf32, #tpu.memory_space<hbm>>
    %dma_start3A_1169 = tpu.memref_squeeze %dma_start3A_1168 : memref<1x8x128xf32, #tpu.memory_space<hbm>> -> memref<8x128xf32, #tpu.memory_space<hbm>>
    %dma_start3A_1170 = arith.constant 56 : i32
    %dma_start3A_1171 = arith.constant 0 : i32
    %dma_start3A_1172 = tpu.memref_slice %arg9[%dma_start3A_1170, %dma_start3A_1171] : memref<64x129xf32, #tpu.memory_space<vmem>> -> memref<8x128xf32, #tpu.memory_space<vmem>>
    tpu.enqueue_dma source(%dma_start3A_1172 : memref<8x128xf32, #tpu.memory_space<vmem>>) target(%dma_start3A_1169 : memref<8x128xf32, #tpu.memory_space<hbm>>) target_semaphore(%arg13 : memref<!tpu.dma_semaphore, #tpu.memory_space<semaphore_mem>>)
    %dma_wait3A_1173 = arith.constant 0 : i32
    %dma_wait3A_1174 = arith.constant 0 : i32
    %dma_wait3A_1175 = arith.constant 0 : i32
    %dma_wait3A_1176 = tpu.memref_slice %arg8[%dma_wait3A_1174, %dma_wait3A_1175] : memref<64x129xf32, #tpu.memory_space<vmem>> -> memref<8x128xf32, #tpu.memory_space<vmem>>
    %dma_wait3A_1177 = arith.constant 0 : i32
    %dma_wait3A_1178 = arith.constant 0 : i32
    %dma_wait3A_1179 = tpu.memref_slice %arg4[%dma_wait3A_1173, %dma_wait3A_1177, %dma_wait3A_1178] : memref<51200x8x128xf32, #tpu.memory_space<hbm>> -> memref<1x8x128xf32, #tpu.memory_space<hbm>>
    %dma_wait3A_1180 = tpu.memref_squeeze %dma_wait3A_1179 : memref<1x8x128xf32, #tpu.memory_space<hbm>> -> memref<8x128xf32, #tpu.memory_space<hbm>>
    %dma_wait3A_1181 = arith.constant 0 : i32
    %dma_wait3A_1182 = arith.constant 0 : i32
    %dma_wait3A_1183 = tpu.memref_slice %arg4[%dma_wait3A_1173, %dma_wait3A_1181, %dma_wait3A_1182] : memref<51200x8x128xf32, #tpu.memory_space<hbm>> -> memref<1x8x128xf32, #tpu.memory_space<hbm>>
    %dma_wait3A_1184 = tpu.memref_squeeze %dma_wait3A_1183 : memref<1x8x128xf32, #tpu.memory_space<hbm>> -> memref<8x128xf32, #tpu.memory_space<hbm>>
    %dma_wait3A_1185 = arith.constant 0 : i32
    %dma_wait3A_1186 = arith.constant 0 : i32
    %dma_wait3A_1187 = tpu.memref_slice %arg8[%dma_wait3A_1185, %dma_wait3A_1186] : memref<64x129xf32, #tpu.memory_space<vmem>> -> memref<8x128xf32, #tpu.memory_space<vmem>>
    tpu.wait_dma2 semaphore(%arg12 : memref<!tpu.dma_semaphore, #tpu.memory_space<semaphore_mem>>) src(%dma_wait3A_1187 : memref<8x128xf32, #tpu.memory_space<vmem>>) dst(%dma_wait3A_1184 : memref<8x128xf32, #tpu.memory_space<hbm>>)
    %dma_wait3A_1188 = arith.constant 0 : i32
    %dma_wait3A_1189 = arith.constant 8 : i32
    %dma_wait3A_1190 = arith.constant 0 : i32
    %dma_wait3A_1191 = tpu.memref_slice %arg8[%dma_wait3A_1189, %dma_wait3A_1190] : memref<64x129xf32, #tpu.memory_space<vmem>> -> memref<8x128xf32, #tpu.memory_space<vmem>>
    %dma_wait3A_1192 = arith.constant 0 : i32
    %dma_wait3A_1193 = arith.constant 0 : i32
    %dma_wait3A_1194 = tpu.memref_slice %arg4[%dma_wait3A_1188, %dma_wait3A_1192, %dma_wait3A_1193] : memref<51200x8x128xf32, #tpu.memory_space<hbm>> -> memref<1x8x128xf32, #tpu.memory_space<hbm>>
    %dma_wait3A_1195 = tpu.memref_squeeze %dma_wait3A_1194 : memref<1x8x128xf32, #tpu.memory_space<hbm>> -> memref<8x128xf32, #tpu.memory_space<hbm>>
    %dma_wait3A_1196 = arith.constant 0 : i32
    %dma_wait3A_1197 = arith.constant 0 : i32
    %dma_wait3A_1198 = tpu.memref_slice %arg4[%dma_wait3A_1188, %dma_wait3A_1196, %dma_wait3A_1197] : memref<51200x8x128xf32, #tpu.memory_space<hbm>> -> memref<1x8x128xf32, #tpu.memory_space<hbm>>
    %dma_wait3A_1199 = tpu.memref_squeeze %dma_wait3A_1198 : memref<1x8x128xf32, #tpu.memory_space<hbm>> -> memref<8x128xf32, #tpu.memory_space<hbm>>
    %dma_wait3A_1200 = arith.constant 8 : i32
    %dma_wait3A_1201 = arith.constant 0 : i32
    %dma_wait3A_1202 = tpu.memref_slice %arg8[%dma_wait3A_1200, %dma_wait3A_1201] : memref<64x129xf32, #tpu.memory_space<vmem>> -> memref<8x128xf32, #tpu.memory_space<vmem>>
    tpu.wait_dma2 semaphore(%arg12 : memref<!tpu.dma_semaphore, #tpu.memory_space<semaphore_mem>>) src(%dma_wait3A_1202 : memref<8x128xf32, #tpu.memory_space<vmem>>) dst(%dma_wait3A_1199 : memref<8x128xf32, #tpu.memory_space<hbm>>)
    %dma_wait3A_1203 = arith.constant 0 : i32
    %dma_wait3A_1204 = arith.constant 16 : i32
    %dma_wait3A_1205 = arith.constant 0 : i32
    %dma_wait3A_1206 = tpu.memref_slice %arg8[%dma_wait3A_1204, %dma_wait3A_1205] : memref<64x129xf32, #tpu.memory_space<vmem>> -> memref<8x128xf32, #tpu.memory_space<vmem>>
    %dma_wait3A_1207 = arith.constant 0 : i32
    %dma_wait3A_1208 = arith.constant 0 : i32
    %dma_wait3A_1209 = tpu.memref_slice %arg4[%dma_wait3A_1203, %dma_wait3A_1207, %dma_wait3A_1208] : memref<51200x8x128xf32, #tpu.memory_space<hbm>> -> memref<1x8x128xf32, #tpu.memory_space<hbm>>
    %dma_wait3A_1210 = tpu.memref_squeeze %dma_wait3A_1209 : memref<1x8x128xf32, #tpu.memory_space<hbm>> -> memref<8x128xf32, #tpu.memory_space<hbm>>
    %dma_wait3A_1211 = arith.constant 0 : i32
    %dma_wait3A_1212 = arith.constant 0 : i32
    %dma_wait3A_1213 = tpu.memref_slice %arg4[%dma_wait3A_1203, %dma_wait3A_1211, %dma_wait3A_1212] : memref<51200x8x128xf32, #tpu.memory_space<hbm>> -> memref<1x8x128xf32, #tpu.memory_space<hbm>>
    %dma_wait3A_1214 = tpu.memref_squeeze %dma_wait3A_1213 : memref<1x8x128xf32, #tpu.memory_space<hbm>> -> memref<8x128xf32, #tpu.memory_space<hbm>>
    %dma_wait3A_1215 = arith.constant 16 : i32
    %dma_wait3A_1216 = arith.constant 0 : i32
    %dma_wait3A_1217 = tpu.memref_slice %arg8[%dma_wait3A_1215, %dma_wait3A_1216] : memref<64x129xf32, #tpu.memory_space<vmem>> -> memref<8x128xf32, #tpu.memory_space<vmem>>
    tpu.wait_dma2 semaphore(%arg12 : memref<!tpu.dma_semaphore, #tpu.memory_space<semaphore_mem>>) src(%dma_wait3A_1217 : memref<8x128xf32, #tpu.memory_space<vmem>>) dst(%dma_wait3A_1214 : memref<8x128xf32, #tpu.memory_space<hbm>>)
    %dma_wait3A_1218 = arith.constant 0 : i32
    %dma_wait3A_1219 = arith.constant 24 : i32
    %dma_wait3A_1220 = arith.constant 0 : i32
    %dma_wait3A_1221 = tpu.memref_slice %arg8[%dma_wait3A_1219, %dma_wait3A_1220] : memref<64x129xf32, #tpu.memory_space<vmem>> -> memref<8x128xf32, #tpu.memory_space<vmem>>
    %dma_wait3A_1222 = arith.constant 0 : i32
    %dma_wait3A_1223 = arith.constant 0 : i32
    %dma_wait3A_1224 = tpu.memref_slice %arg4[%dma_wait3A_1218, %dma_wait3A_1222, %dma_wait3A_1223] : memref<51200x8x128xf32, #tpu.memory_space<hbm>> -> memref<1x8x128xf32, #tpu.memory_space<hbm>>
    %dma_wait3A_1225 = tpu.memref_squeeze %dma_wait3A_1224 : memref<1x8x128xf32, #tpu.memory_space<hbm>> -> memref<8x128xf32, #tpu.memory_space<hbm>>
    %dma_wait3A_1226 = arith.constant 0 : i32
    %dma_wait3A_1227 = arith.constant 0 : i32
    %dma_wait3A_1228 = tpu.memref_slice %arg4[%dma_wait3A_1218, %dma_wait3A_1226, %dma_wait3A_1227] : memref<51200x8x128xf32, #tpu.memory_space<hbm>> -> memref<1x8x128xf32, #tpu.memory_space<hbm>>
    %dma_wait3A_1229 = tpu.memref_squeeze %dma_wait3A_1228 : memref<1x8x128xf32, #tpu.memory_space<hbm>> -> memref<8x128xf32, #tpu.memory_space<hbm>>
    %dma_wait3A_1230 = arith.constant 24 : i32
    %dma_wait3A_1231 = arith.constant 0 : i32
    %dma_wait3A_1232 = tpu.memref_slice %arg8[%dma_wait3A_1230, %dma_wait3A_1231] : memref<64x129xf32, #tpu.memory_space<vmem>> -> memref<8x128xf32, #tpu.memory_space<vmem>>
    tpu.wait_dma2 semaphore(%arg12 : memref<!tpu.dma_semaphore, #tpu.memory_space<semaphore_mem>>) src(%dma_wait3A_1232 : memref<8x128xf32, #tpu.memory_space<vmem>>) dst(%dma_wait3A_1229 : memref<8x128xf32, #tpu.memory_space<hbm>>)
    %dma_wait3A_1233 = arith.constant 0 : i32
    %dma_wait3A_1234 = arith.constant 32 : i32
    %dma_wait3A_1235 = arith.constant 0 : i32
    %dma_wait3A_1236 = tpu.memref_slice %arg8[%dma_wait3A_1234, %dma_wait3A_1235] : memref<64x129xf32, #tpu.memory_space<vmem>> -> memref<8x128xf32, #tpu.memory_space<vmem>>
    %dma_wait3A_1237 = arith.constant 0 : i32
    %dma_wait3A_1238 = arith.constant 0 : i32
    %dma_wait3A_1239 = tpu.memref_slice %arg4[%dma_wait3A_1233, %dma_wait3A_1237, %dma_wait3A_1238] : memref<51200x8x128xf32, #tpu.memory_space<hbm>> -> memref<1x8x128xf32, #tpu.memory_space<hbm>>
    %dma_wait3A_1240 = tpu.memref_squeeze %dma_wait3A_1239 : memref<1x8x128xf32, #tpu.memory_space<hbm>> -> memref<8x128xf32, #tpu.memory_space<hbm>>
    %dma_wait3A_1241 = arith.constant 0 : i32
    %dma_wait3A_1242 = arith.constant 0 : i32
    %dma_wait3A_1243 = tpu.memref_slice %arg4[%dma_wait3A_1233, %dma_wait3A_1241, %dma_wait3A_1242] : memref<51200x8x128xf32, #tpu.memory_space<hbm>> -> memref<1x8x128xf32, #tpu.memory_space<hbm>>
    %dma_wait3A_1244 = tpu.memref_squeeze %dma_wait3A_1243 : memref<1x8x128xf32, #tpu.memory_space<hbm>> -> memref<8x128xf32, #tpu.memory_space<hbm>>
    %dma_wait3A_1245 = arith.constant 32 : i32
    %dma_wait3A_1246 = arith.constant 0 : i32
    %dma_wait3A_1247 = tpu.memref_slice %arg8[%dma_wait3A_1245, %dma_wait3A_1246] : memref<64x129xf32, #tpu.memory_space<vmem>> -> memref<8x128xf32, #tpu.memory_space<vmem>>
    tpu.wait_dma2 semaphore(%arg12 : memref<!tpu.dma_semaphore, #tpu.memory_space<semaphore_mem>>) src(%dma_wait3A_1247 : memref<8x128xf32, #tpu.memory_space<vmem>>) dst(%dma_wait3A_1244 : memref<8x128xf32, #tpu.memory_space<hbm>>)
    %dma_wait3A_1248 = arith.constant 0 : i32
    %dma_wait3A_1249 = arith.constant 40 : i32
    %dma_wait3A_1250 = arith.constant 0 : i32
    %dma_wait3A_1251 = tpu.memref_slice %arg8[%dma_wait3A_1249, %dma_wait3A_1250] : memref<64x129xf32, #tpu.memory_space<vmem>> -> memref<8x128xf32, #tpu.memory_space<vmem>>
    %dma_wait3A_1252 = arith.constant 0 : i32
    %dma_wait3A_1253 = arith.constant 0 : i32
    %dma_wait3A_1254 = tpu.memref_slice %arg4[%dma_wait3A_1248, %dma_wait3A_1252, %dma_wait3A_1253] : memref<51200x8x128xf32, #tpu.memory_space<hbm>> -> memref<1x8x128xf32, #tpu.memory_space<hbm>>
    %dma_wait3A_1255 = tpu.memref_squeeze %dma_wait3A_1254 : memref<1x8x128xf32, #tpu.memory_space<hbm>> -> memref<8x128xf32, #tpu.memory_space<hbm>>
    %dma_wait3A_1256 = arith.constant 0 : i32
    %dma_wait3A_1257 = arith.constant 0 : i32
    %dma_wait3A_1258 = tpu.memref_slice %arg4[%dma_wait3A_1248, %dma_wait3A_1256, %dma_wait3A_1257] : memref<51200x8x128xf32, #tpu.memory_space<hbm>> -> memref<1x8x128xf32, #tpu.memory_space<hbm>>
    %dma_wait3A_1259 = tpu.memref_squeeze %dma_wait3A_1258 : memref<1x8x128xf32, #tpu.memory_space<hbm>> -> memref<8x128xf32, #tpu.memory_space<hbm>>
    %dma_wait3A_1260 = arith.constant 40 : i32
    %dma_wait3A_1261 = arith.constant 0 : i32
    %dma_wait3A_1262 = tpu.memref_slice %arg8[%dma_wait3A_1260, %dma_wait3A_1261] : memref<64x129xf32, #tpu.memory_space<vmem>> -> memref<8x128xf32, #tpu.memory_space<vmem>>
    tpu.wait_dma2 semaphore(%arg12 : memref<!tpu.dma_semaphore, #tpu.memory_space<semaphore_mem>>) src(%dma_wait3A_1262 : memref<8x128xf32, #tpu.memory_space<vmem>>) dst(%dma_wait3A_1259 : memref<8x128xf32, #tpu.memory_space<hbm>>)
    %dma_wait3A_1263 = arith.constant 0 : i32
    %dma_wait3A_1264 = arith.constant 48 : i32
    %dma_wait3A_1265 = arith.constant 0 : i32
    %dma_wait3A_1266 = tpu.memref_slice %arg8[%dma_wait3A_1264, %dma_wait3A_1265] : memref<64x129xf32, #tpu.memory_space<vmem>> -> memref<8x128xf32, #tpu.memory_space<vmem>>
    %dma_wait3A_1267 = arith.constant 0 : i32
    %dma_wait3A_1268 = arith.constant 0 : i32
    %dma_wait3A_1269 = tpu.memref_slice %arg4[%dma_wait3A_1263, %dma_wait3A_1267, %dma_wait3A_1268] : memref<51200x8x128xf32, #tpu.memory_space<hbm>> -> memref<1x8x128xf32, #tpu.memory_space<hbm>>
    %dma_wait3A_1270 = tpu.memref_squeeze %dma_wait3A_1269 : memref<1x8x128xf32, #tpu.memory_space<hbm>> -> memref<8x128xf32, #tpu.memory_space<hbm>>
    %dma_wait3A_1271 = arith.constant 0 : i32
    %dma_wait3A_1272 = arith.constant 0 : i32
    %dma_wait3A_1273 = tpu.memref_slice %arg4[%dma_wait3A_1263, %dma_wait3A_1271, %dma_wait3A_1272] : memref<51200x8x128xf32, #tpu.memory_space<hbm>> -> memref<1x8x128xf32, #tpu.memory_space<hbm>>
    %dma_wait3A_1274 = tpu.memref_squeeze %dma_wait3A_1273 : memref<1x8x128xf32, #tpu.memory_space<hbm>> -> memref<8x128xf32, #tpu.memory_space<hbm>>
    %dma_wait3A_1275 = arith.constant 48 : i32
    %dma_wait3A_1276 = arith.constant 0 : i32
    %dma_wait3A_1277 = tpu.memref_slice %arg8[%dma_wait3A_1275, %dma_wait3A_1276] : memref<64x129xf32, #tpu.memory_space<vmem>> -> memref<8x128xf32, #tpu.memory_space<vmem>>
    tpu.wait_dma2 semaphore(%arg12 : memref<!tpu.dma_semaphore, #tpu.memory_space<semaphore_mem>>) src(%dma_wait3A_1277 : memref<8x128xf32, #tpu.memory_space<vmem>>) dst(%dma_wait3A_1274 : memref<8x128xf32, #tpu.memory_space<hbm>>)
    %dma_wait3A_1278 = arith.constant 0 : i32
    %dma_wait3A_1279 = arith.constant 56 : i32
    %dma_wait3A_1280 = arith.constant 0 : i32
    %dma_wait3A_1281 = tpu.memref_slice %arg8[%dma_wait3A_1279, %dma_wait3A_1280] : memref<64x129xf32, #tpu.memory_space<vmem>> -> memref<8x128xf32, #tpu.memory_space<vmem>>
    %dma_wait3A_1282 = arith.constant 0 : i32
    %dma_wait3A_1283 = arith.constant 0 : i32
    %dma_wait3A_1284 = tpu.memref_slice %arg4[%dma_wait3A_1278, %dma_wait3A_1282, %dma_wait3A_1283] : memref<51200x8x128xf32, #tpu.memory_space<hbm>> -> memref<1x8x128xf32, #tpu.memory_space<hbm>>
    %dma_wait3A_1285 = tpu.memref_squeeze %dma_wait3A_1284 : memref<1x8x128xf32, #tpu.memory_space<hbm>> -> memref<8x128xf32, #tpu.memory_space<hbm>>
    %dma_wait3A_1286 = arith.constant 0 : i32
    %dma_wait3A_1287 = arith.constant 0 : i32
    %dma_wait3A_1288 = tpu.memref_slice %arg4[%dma_wait3A_1278, %dma_wait3A_1286, %dma_wait3A_1287] : memref<51200x8x128xf32, #tpu.memory_space<hbm>> -> memref<1x8x128xf32, #tpu.memory_space<hbm>>
    %dma_wait3A_1289 = tpu.memref_squeeze %dma_wait3A_1288 : memref<1x8x128xf32, #tpu.memory_space<hbm>> -> memref<8x128xf32, #tpu.memory_space<hbm>>
    %dma_wait3A_1290 = arith.constant 56 : i32
    %dma_wait3A_1291 = arith.constant 0 : i32
    %dma_wait3A_1292 = tpu.memref_slice %arg8[%dma_wait3A_1290, %dma_wait3A_1291] : memref<64x129xf32, #tpu.memory_space<vmem>> -> memref<8x128xf32, #tpu.memory_space<vmem>>
    tpu.wait_dma2 semaphore(%arg12 : memref<!tpu.dma_semaphore, #tpu.memory_space<semaphore_mem>>) src(%dma_wait3A_1292 : memref<8x128xf32, #tpu.memory_space<vmem>>) dst(%dma_wait3A_1289 : memref<8x128xf32, #tpu.memory_space<hbm>>)
    %dma_wait3A_1293 = arith.constant 0 : i32
    %dma_wait3A_1294 = arith.constant 0 : i32
    %dma_wait3A_1295 = arith.constant 0 : i32
    %dma_wait3A_1296 = tpu.memref_slice %arg9[%dma_wait3A_1294, %dma_wait3A_1295] : memref<64x129xf32, #tpu.memory_space<vmem>> -> memref<8x128xf32, #tpu.memory_space<vmem>>
    %dma_wait3A_1297 = arith.constant 0 : i32
    %dma_wait3A_1298 = arith.constant 0 : i32
    %dma_wait3A_1299 = tpu.memref_slice %arg4[%dma_wait3A_1293, %dma_wait3A_1297, %dma_wait3A_1298] : memref<51200x8x128xf32, #tpu.memory_space<hbm>> -> memref<1x8x128xf32, #tpu.memory_space<hbm>>
    %dma_wait3A_1300 = tpu.memref_squeeze %dma_wait3A_1299 : memref<1x8x128xf32, #tpu.memory_space<hbm>> -> memref<8x128xf32, #tpu.memory_space<hbm>>
    %dma_wait3A_1301 = arith.constant 0 : i32
    %dma_wait3A_1302 = arith.constant 0 : i32
    %dma_wait3A_1303 = tpu.memref_slice %arg4[%dma_wait3A_1293, %dma_wait3A_1301, %dma_wait3A_1302] : memref<51200x8x128xf32, #tpu.memory_space<hbm>> -> memref<1x8x128xf32, #tpu.memory_space<hbm>>
    %dma_wait3A_1304 = tpu.memref_squeeze %dma_wait3A_1303 : memref<1x8x128xf32, #tpu.memory_space<hbm>> -> memref<8x128xf32, #tpu.memory_space<hbm>>
    %dma_wait3A_1305 = arith.constant 0 : i32
    %dma_wait3A_1306 = arith.constant 0 : i32
    %dma_wait3A_1307 = tpu.memref_slice %arg9[%dma_wait3A_1305, %dma_wait3A_1306] : memref<64x129xf32, #tpu.memory_space<vmem>> -> memref<8x128xf32, #tpu.memory_space<vmem>>
    tpu.wait_dma2 semaphore(%arg13 : memref<!tpu.dma_semaphore, #tpu.memory_space<semaphore_mem>>) src(%dma_wait3A_1307 : memref<8x128xf32, #tpu.memory_space<vmem>>) dst(%dma_wait3A_1304 : memref<8x128xf32, #tpu.memory_space<hbm>>)
    %dma_wait3A_1308 = arith.constant 0 : i32
    %dma_wait3A_1309 = arith.constant 8 : i32
    %dma_wait3A_1310 = arith.constant 0 : i32
    %dma_wait3A_1311 = tpu.memref_slice %arg9[%dma_wait3A_1309, %dma_wait3A_1310] : memref<64x129xf32, #tpu.memory_space<vmem>> -> memref<8x128xf32, #tpu.memory_space<vmem>>
    %dma_wait3A_1312 = arith.constant 0 : i32
    %dma_wait3A_1313 = arith.constant 0 : i32
    %dma_wait3A_1314 = tpu.memref_slice %arg4[%dma_wait3A_1308, %dma_wait3A_1312, %dma_wait3A_1313] : memref<51200x8x128xf32, #tpu.memory_space<hbm>> -> memref<1x8x128xf32, #tpu.memory_space<hbm>>
    %dma_wait3A_1315 = tpu.memref_squeeze %dma_wait3A_1314 : memref<1x8x128xf32, #tpu.memory_space<hbm>> -> memref<8x128xf32, #tpu.memory_space<hbm>>
    %dma_wait3A_1316 = arith.constant 0 : i32
    %dma_wait3A_1317 = arith.constant 0 : i32
    %dma_wait3A_1318 = tpu.memref_slice %arg4[%dma_wait3A_1308, %dma_wait3A_1316, %dma_wait3A_1317] : memref<51200x8x128xf32, #tpu.memory_space<hbm>> -> memref<1x8x128xf32, #tpu.memory_space<hbm>>
    %dma_wait3A_1319 = tpu.memref_squeeze %dma_wait3A_1318 : memref<1x8x128xf32, #tpu.memory_space<hbm>> -> memref<8x128xf32, #tpu.memory_space<hbm>>
    %dma_wait3A_1320 = arith.constant 8 : i32
    %dma_wait3A_1321 = arith.constant 0 : i32
    %dma_wait3A_1322 = tpu.memref_slice %arg9[%dma_wait3A_1320, %dma_wait3A_1321] : memref<64x129xf32, #tpu.memory_space<vmem>> -> memref<8x128xf32, #tpu.memory_space<vmem>>
    tpu.wait_dma2 semaphore(%arg13 : memref<!tpu.dma_semaphore, #tpu.memory_space<semaphore_mem>>) src(%dma_wait3A_1322 : memref<8x128xf32, #tpu.memory_space<vmem>>) dst(%dma_wait3A_1319 : memref<8x128xf32, #tpu.memory_space<hbm>>)
    %dma_wait3A_1323 = arith.constant 0 : i32
    %dma_wait3A_1324 = arith.constant 16 : i32
    %dma_wait3A_1325 = arith.constant 0 : i32
    %dma_wait3A_1326 = tpu.memref_slice %arg9[%dma_wait3A_1324, %dma_wait3A_1325] : memref<64x129xf32, #tpu.memory_space<vmem>> -> memref<8x128xf32, #tpu.memory_space<vmem>>
    %dma_wait3A_1327 = arith.constant 0 : i32
    %dma_wait3A_1328 = arith.constant 0 : i32
    %dma_wait3A_1329 = tpu.memref_slice %arg4[%dma_wait3A_1323, %dma_wait3A_1327, %dma_wait3A_1328] : memref<51200x8x128xf32, #tpu.memory_space<hbm>> -> memref<1x8x128xf32, #tpu.memory_space<hbm>>
    %dma_wait3A_1330 = tpu.memref_squeeze %dma_wait3A_1329 : memref<1x8x128xf32, #tpu.memory_space<hbm>> -> memref<8x128xf32, #tpu.memory_space<hbm>>
    %dma_wait3A_1331 = arith.constant 0 : i32
    %dma_wait3A_1332 = arith.constant 0 : i32
    %dma_wait3A_1333 = tpu.memref_slice %arg4[%dma_wait3A_1323, %dma_wait3A_1331, %dma_wait3A_1332] : memref<51200x8x128xf32, #tpu.memory_space<hbm>> -> memref<1x8x128xf32, #tpu.memory_space<hbm>>
    %dma_wait3A_1334 = tpu.memref_squeeze %dma_wait3A_1333 : memref<1x8x128xf32, #tpu.memory_space<hbm>> -> memref<8x128xf32, #tpu.memory_space<hbm>>
    %dma_wait3A_1335 = arith.constant 16 : i32
    %dma_wait3A_1336 = arith.constant 0 : i32
    %dma_wait3A_1337 = tpu.memref_slice %arg9[%dma_wait3A_1335, %dma_wait3A_1336] : memref<64x129xf32, #tpu.memory_space<vmem>> -> memref<8x128xf32, #tpu.memory_space<vmem>>
    tpu.wait_dma2 semaphore(%arg13 : memref<!tpu.dma_semaphore, #tpu.memory_space<semaphore_mem>>) src(%dma_wait3A_1337 : memref<8x128xf32, #tpu.memory_space<vmem>>) dst(%dma_wait3A_1334 : memref<8x128xf32, #tpu.memory_space<hbm>>)
    %dma_wait3A_1338 = arith.constant 0 : i32
    %dma_wait3A_1339 = arith.constant 24 : i32
    %dma_wait3A_1340 = arith.constant 0 : i32
    %dma_wait3A_1341 = tpu.memref_slice %arg9[%dma_wait3A_1339, %dma_wait3A_1340] : memref<64x129xf32, #tpu.memory_space<vmem>> -> memref<8x128xf32, #tpu.memory_space<vmem>>
    %dma_wait3A_1342 = arith.constant 0 : i32
    %dma_wait3A_1343 = arith.constant 0 : i32
    %dma_wait3A_1344 = tpu.memref_slice %arg4[%dma_wait3A_1338, %dma_wait3A_1342, %dma_wait3A_1343] : memref<51200x8x128xf32, #tpu.memory_space<hbm>> -> memref<1x8x128xf32, #tpu.memory_space<hbm>>
    %dma_wait3A_1345 = tpu.memref_squeeze %dma_wait3A_1344 : memref<1x8x128xf32, #tpu.memory_space<hbm>> -> memref<8x128xf32, #tpu.memory_space<hbm>>
    %dma_wait3A_1346 = arith.constant 0 : i32
    %dma_wait3A_1347 = arith.constant 0 : i32
    %dma_wait3A_1348 = tpu.memref_slice %arg4[%dma_wait3A_1338, %dma_wait3A_1346, %dma_wait3A_1347] : memref<51200x8x128xf32, #tpu.memory_space<hbm>> -> memref<1x8x128xf32, #tpu.memory_space<hbm>>
    %dma_wait3A_1349 = tpu.memref_squeeze %dma_wait3A_1348 : memref<1x8x128xf32, #tpu.memory_space<hbm>> -> memref<8x128xf32, #tpu.memory_space<hbm>>
    %dma_wait3A_1350 = arith.constant 24 : i32
    %dma_wait3A_1351 = arith.constant 0 : i32
    %dma_wait3A_1352 = tpu.memref_slice %arg9[%dma_wait3A_1350, %dma_wait3A_1351] : memref<64x129xf32, #tpu.memory_space<vmem>> -> memref<8x128xf32, #tpu.memory_space<vmem>>
    tpu.wait_dma2 semaphore(%arg13 : memref<!tpu.dma_semaphore, #tpu.memory_space<semaphore_mem>>) src(%dma_wait3A_1352 : memref<8x128xf32, #tpu.memory_space<vmem>>) dst(%dma_wait3A_1349 : memref<8x128xf32, #tpu.memory_space<hbm>>)
    %dma_wait3A_1353 = arith.constant 0 : i32
    %dma_wait3A_1354 = arith.constant 32 : i32
    %dma_wait3A_1355 = arith.constant 0 : i32
    %dma_wait3A_1356 = tpu.memref_slice %arg9[%dma_wait3A_1354, %dma_wait3A_1355] : memref<64x129xf32, #tpu.memory_space<vmem>> -> memref<8x128xf32, #tpu.memory_space<vmem>>
    %dma_wait3A_1357 = arith.constant 0 : i32
    %dma_wait3A_1358 = arith.constant 0 : i32
    %dma_wait3A_1359 = tpu.memref_slice %arg4[%dma_wait3A_1353, %dma_wait3A_1357, %dma_wait3A_1358] : memref<51200x8x128xf32, #tpu.memory_space<hbm>> -> memref<1x8x128xf32, #tpu.memory_space<hbm>>
    %dma_wait3A_1360 = tpu.memref_squeeze %dma_wait3A_1359 : memref<1x8x128xf32, #tpu.memory_space<hbm>> -> memref<8x128xf32, #tpu.memory_space<hbm>>
    %dma_wait3A_1361 = arith.constant 0 : i32
    %dma_wait3A_1362 = arith.constant 0 : i32
    %dma_wait3A_1363 = tpu.memref_slice %arg4[%dma_wait3A_1353, %dma_wait3A_1361, %dma_wait3A_1362] : memref<51200x8x128xf32, #tpu.memory_space<hbm>> -> memref<1x8x128xf32, #tpu.memory_space<hbm>>
    %dma_wait3A_1364 = tpu.memref_squeeze %dma_wait3A_1363 : memref<1x8x128xf32, #tpu.memory_space<hbm>> -> memref<8x128xf32, #tpu.memory_space<hbm>>
    %dma_wait3A_1365 = arith.constant 32 : i32
    %dma_wait3A_1366 = arith.constant 0 : i32
    %dma_wait3A_1367 = tpu.memref_slice %arg9[%dma_wait3A_1365, %dma_wait3A_1366] : memref<64x129xf32, #tpu.memory_space<vmem>> -> memref<8x128xf32, #tpu.memory_space<vmem>>
    tpu.wait_dma2 semaphore(%arg13 : memref<!tpu.dma_semaphore, #tpu.memory_space<semaphore_mem>>) src(%dma_wait3A_1367 : memref<8x128xf32, #tpu.memory_space<vmem>>) dst(%dma_wait3A_1364 : memref<8x128xf32, #tpu.memory_space<hbm>>)
    %dma_wait3A_1368 = arith.constant 0 : i32
    %dma_wait3A_1369 = arith.constant 40 : i32
    %dma_wait3A_1370 = arith.constant 0 : i32
    %dma_wait3A_1371 = tpu.memref_slice %arg9[%dma_wait3A_1369, %dma_wait3A_1370] : memref<64x129xf32, #tpu.memory_space<vmem>> -> memref<8x128xf32, #tpu.memory_space<vmem>>
    %dma_wait3A_1372 = arith.constant 0 : i32
    %dma_wait3A_1373 = arith.constant 0 : i32
    %dma_wait3A_1374 = tpu.memref_slice %arg4[%dma_wait3A_1368, %dma_wait3A_1372, %dma_wait3A_1373] : memref<51200x8x128xf32, #tpu.memory_space<hbm>> -> memref<1x8x128xf32, #tpu.memory_space<hbm>>
    %dma_wait3A_1375 = tpu.memref_squeeze %dma_wait3A_1374 : memref<1x8x128xf32, #tpu.memory_space<hbm>> -> memref<8x128xf32, #tpu.memory_space<hbm>>
    %dma_wait3A_1376 = arith.constant 0 : i32
    %dma_wait3A_1377 = arith.constant 0 : i32
    %dma_wait3A_1378 = tpu.memref_slice %arg4[%dma_wait3A_1368, %dma_wait3A_1376, %dma_wait3A_1377] : memref<51200x8x128xf32, #tpu.memory_space<hbm>> -> memref<1x8x128xf32, #tpu.memory_space<hbm>>
    %dma_wait3A_1379 = tpu.memref_squeeze %dma_wait3A_1378 : memref<1x8x128xf32, #tpu.memory_space<hbm>> -> memref<8x128xf32, #tpu.memory_space<hbm>>
    %dma_wait3A_1380 = arith.constant 40 : i32
    %dma_wait3A_1381 = arith.constant 0 : i32
    %dma_wait3A_1382 = tpu.memref_slice %arg9[%dma_wait3A_1380, %dma_wait3A_1381] : memref<64x129xf32, #tpu.memory_space<vmem>> -> memref<8x128xf32, #tpu.memory_space<vmem>>
    tpu.wait_dma2 semaphore(%arg13 : memref<!tpu.dma_semaphore, #tpu.memory_space<semaphore_mem>>) src(%dma_wait3A_1382 : memref<8x128xf32, #tpu.memory_space<vmem>>) dst(%dma_wait3A_1379 : memref<8x128xf32, #tpu.memory_space<hbm>>)
    %dma_wait3A_1383 = arith.constant 0 : i32
    %dma_wait3A_1384 = arith.constant 48 : i32
    %dma_wait3A_1385 = arith.constant 0 : i32
    %dma_wait3A_1386 = tpu.memref_slice %arg9[%dma_wait3A_1384, %dma_wait3A_1385] : memref<64x129xf32, #tpu.memory_space<vmem>> -> memref<8x128xf32, #tpu.memory_space<vmem>>
    %dma_wait3A_1387 = arith.constant 0 : i32
    %dma_wait3A_1388 = arith.constant 0 : i32
    %dma_wait3A_1389 = tpu.memref_slice %arg4[%dma_wait3A_1383, %dma_wait3A_1387, %dma_wait3A_1388] : memref<51200x8x128xf32, #tpu.memory_space<hbm>> -> memref<1x8x128xf32, #tpu.memory_space<hbm>>
    %dma_wait3A_1390 = tpu.memref_squeeze %dma_wait3A_1389 : memref<1x8x128xf32, #tpu.memory_space<hbm>> -> memref<8x128xf32, #tpu.memory_space<hbm>>
    %dma_wait3A_1391 = arith.constant 0 : i32
    %dma_wait3A_1392 = arith.constant 0 : i32
    %dma_wait3A_1393 = tpu.memref_slice %arg4[%dma_wait3A_1383, %dma_wait3A_1391, %dma_wait3A_1392] : memref<51200x8x128xf32, #tpu.memory_space<hbm>> -> memref<1x8x128xf32, #tpu.memory_space<hbm>>
    %dma_wait3A_1394 = tpu.memref_squeeze %dma_wait3A_1393 : memref<1x8x128xf32, #tpu.memory_space<hbm>> -> memref<8x128xf32, #tpu.memory_space<hbm>>
    %dma_wait3A_1395 = arith.constant 48 : i32
    %dma_wait3A_1396 = arith.constant 0 : i32
    %dma_wait3A_1397 = tpu.memref_slice %arg9[%dma_wait3A_1395, %dma_wait3A_1396] : memref<64x129xf32, #tpu.memory_space<vmem>> -> memref<8x128xf32, #tpu.memory_space<vmem>>
    tpu.wait_dma2 semaphore(%arg13 : memref<!tpu.dma_semaphore, #tpu.memory_space<semaphore_mem>>) src(%dma_wait3A_1397 : memref<8x128xf32, #tpu.memory_space<vmem>>) dst(%dma_wait3A_1394 : memref<8x128xf32, #tpu.memory_space<hbm>>)
    %dma_wait3A_1398 = arith.constant 0 : i32
    %dma_wait3A_1399 = arith.constant 56 : i32
    %dma_wait3A_1400 = arith.constant 0 : i32
    %dma_wait3A_1401 = tpu.memref_slice %arg9[%dma_wait3A_1399, %dma_wait3A_1400] : memref<64x129xf32, #tpu.memory_space<vmem>> -> memref<8x128xf32, #tpu.memory_space<vmem>>
    %dma_wait3A_1402 = arith.constant 0 : i32
    %dma_wait3A_1403 = arith.constant 0 : i32
    %dma_wait3A_1404 = tpu.memref_slice %arg4[%dma_wait3A_1398, %dma_wait3A_1402, %dma_wait3A_1403] : memref<51200x8x128xf32, #tpu.memory_space<hbm>> -> memref<1x8x128xf32, #tpu.memory_space<hbm>>
    %dma_wait3A_1405 = tpu.memref_squeeze %dma_wait3A_1404 : memref<1x8x128xf32, #tpu.memory_space<hbm>> -> memref<8x128xf32, #tpu.memory_space<hbm>>
    %dma_wait3A_1406 = arith.constant 0 : i32
    %dma_wait3A_1407 = arith.constant 0 : i32
    %dma_wait3A_1408 = tpu.memref_slice %arg4[%dma_wait3A_1398, %dma_wait3A_1406, %dma_wait3A_1407] : memref<51200x8x128xf32, #tpu.memory_space<hbm>> -> memref<1x8x128xf32, #tpu.memory_space<hbm>>
    %dma_wait3A_1409 = tpu.memref_squeeze %dma_wait3A_1408 : memref<1x8x128xf32, #tpu.memory_space<hbm>> -> memref<8x128xf32, #tpu.memory_space<hbm>>
    %dma_wait3A_1410 = arith.constant 56 : i32
    %dma_wait3A_1411 = arith.constant 0 : i32
    %dma_wait3A_1412 = tpu.memref_slice %arg9[%dma_wait3A_1410, %dma_wait3A_1411] : memref<64x129xf32, #tpu.memory_space<vmem>> -> memref<8x128xf32, #tpu.memory_space<vmem>>
    tpu.wait_dma2 semaphore(%arg13 : memref<!tpu.dma_semaphore, #tpu.memory_space<semaphore_mem>>) src(%dma_wait3A_1412 : memref<8x128xf32, #tpu.memory_space<vmem>>) dst(%dma_wait3A_1409 : memref<8x128xf32, #tpu.memory_space<hbm>>)
    return
  }
}

</mosaic_0001>

<sc_bundles>
// kernel: kernel.3.cloned.1.call-start
scs
__scs_entry_jumppad:
0x0: {  	(pc) =	sbr.rel $0x88, $3  }
0x1: {  	(tag) =	ssettag $0x0;
	lr =	simm.s32 $0x1  }
0x2: {  	[smem:$0x3F9F] =	sst lr;
	_ =	strace $0xD0000000  }
0x3: {  	_ = 	snop  }
0x4: {  	_ = 	snop  }
0x5: {  	_ = 	snop  }
0x6: {  	_ = 	snop  }
0x7: {  	_ = 	snop  }
__scs_overlays_trampoline_lowered:
0x8: {  	[smem:$0x3FAE] =	sst s0  }
0x9: {  	[smem:$0x3FAF] =	sst s1  }
0xa: {  	[smem:$0x3FB0] =	sst s2  }
0xb: {  	[smem:$0x3FB1] =	sst s3  }
0xc: {  	[smem:$0x3FB2] =	sst s4  }
0xd: {  	[smem:$0x3FB3] =	sst s5  }
0xe: {  	[smem:$0x3FB4] =	sst s6  }
0xf: {  	[smem:$0x3FB5] =	sst s7  }
0x10: {  	[smem:$0x3FB6] =	sst s8  }
0x11: {  	[smem:$0x3FB7] =	sst s9;
	s0 =	simm.s32 @!p0 $0x0  }
0x12: {  	s1 =	sld [smem:$0x3F9D];
	s0 =	simm.s32 @p0 $0x1  }
0x13: {  	[smem:$0x3FB8] =	sst s0;
	s0 =	simm.s32 @!p1 $0x0  }
0x14: {  	s2 =	sld [smem:$0x3F9C];
	s0 =	simm.s32 @p1 $0x1  }
0x15: {  	[smem:$0x3FB9] =	sst s0;
	s0 =	simm.s32 @!p2 $0x0  }
0x16: {  	s3 =	sld [smem:$0x3FDB];
	s0 =	simm.s32 @p2 $0x1  }
0x17: {  	s4 =	simm.s32 $0x1BF5;
	[smem:$0x3FBB] =	sst s0  }
0x18: {  	s0 =	sld [smem:$0x3F9E];
	_ =	swait.ge [sflag:s4], $0x0  }
0x19: {  	s7 =	sld [smem:$0x3F9F]  }
0x1a: {  	s8 =	sadd.s32 $0xFFFFE003, lr  }
0x1b: {  	s9 =	sadd.s32 $0xFFFFFEF7, lr;
	s5 =	simm.s32 $0xFFFFFFFF;
	p2 =	slt.u32 s8, $0xFFFFF086  }
0x1c: {  	p1 =	slt.u32 s9, $0xF7A;
	s5 =	simm.s32 @!p2 $0x0  }
0x1d: {  	s5 =	simm.s32 @p1 $0x1;
	p0 =	seq.s32 s7, s2  }
0x1e: {  	s7 =	smul.u32 @!p0 $0xF7A, s2;
	p2 =	seq.s32 @!p0 s5, $0x0  }
0x1f: {  	s9 =	smul.u32 $0xF7A, s1;
	s8 =	simm.s32 @!p0 $0x1BF5;
	p2 =	por !p2, p0  }
0x20: {  	[sflag:s8] =	ssyncset.s32 @!p0 $0xFFFFF086;
	s6 =	sadd.s32 @!p0 s3, s7;
	s7 =	simm.s32 @!p0 $0x108  }
0x21: {  	s3 =	sadd.s32 s3, s9;
	s6 =	sadd.s32 @!p0 $0x88, s6;
	s7 =	simm.s32 @p2 $0x1082  }
0x22: {  	[simem:s7], [sflag:s8] =	dma.local @!p0 [hbm:s6], $0xF7A  }
0x23: {  	s9 =	sor.u32 $0xD0000000, s2;
	s6 =	simm.s32 $0x108;
	_ =	swait.ge @!p0 [sflag:s8], $0x0  }
0x24: {  	s3 =	sadd.s32 $0x88, s3;
	s6 =	simm.s32 @!p1 $0x1082;
	[sflag:s4] =	ssyncset.s32 $0xFFFFF086  }
0x25: {  	[simem:s6], [sflag:s4] =	dma.local [hbm:s3], $0xF7A  }
0x26: {  	[smem:$0x3F9F] =	sst s1;
	(tag) =	ssettag s2;
	_ =	strace s9  }
0x27: {  	s1 =	sld [smem:$0x3FAF]  }
0x28: {  	s2 =	sld [smem:$0x3FB0]  }
0x29: {  	s4 =	sld [smem:$0x3FB2]  }
0x2a: {  	p0 =	seq.s32 s5, $0x0;
	s5 =	sld [smem:$0x3FB3]  }
0x2b: {  	s6 =	sld [smem:$0x3FB4]  }
0x2c: {  	s7 =	sld [smem:$0x3FB5]  }
0x2d: {  	s3 =	simm.s32 $0x108;
	s8 =	sld [smem:$0x3FB6]  }
0x2e: {  	s3 =	simm.s32 @!p0 $0x1082;
	s9 =	sld [smem:$0x3FB7]  }
0x2f: {  	lr =	sadd.s32 s0, s3;
	s0 =	sld [smem:$0x3FAE]  }
0x30: {  	s3 =	sld [smem:$0x3FB1]  }
0x31: {  	[smem:$0x3FBA] =	sst s10  }
0x32: {  	s10 =	sld [smem:$0x3FB8];
	_ =	sdelay $0x3  }
0x33: {  	p0 =	seq.s32 s10, $0x1;
	s10 =	sld [smem:$0x3FBA];
	_ =	sdelay $0x3  }
0x34: {  	[smem:$0x3FBA] =	sst s10  }
0x35: {  	s10 =	sld [smem:$0x3FB9];
	_ =	sdelay $0x3  }
0x36: {  	p1 =	seq.s32 s10, $0x1;
	s10 =	sld [smem:$0x3FBA];
	_ =	sdelay $0x3  }
0x37: {  	[smem:$0x3FBA] =	sst s10  }
0x38: {  	s10 =	sld [smem:$0x3FBB]  }
0x39: {  	_ = 	snop;
	(pc) =	sbr.ind lr, $3  }
0x3a: {  	_ = 	snop  }
0x3b: {  	_ = 	snop  }
0x3c: {  	p2 =	seq.s32 s10, $0x1;
	s10 =	sld [smem:$0x3FBA]  }
0x3d: {  	_ =	shalt  }
0x3e: {  	_ =	shalt  }
0x3f: {  	_ =	shalt  }
0x40: {  	_ =	shalt  }
0x41: {  	_ =	shalt  }
0x42: {  	_ =	shalt  }
0x43: {  	_ =	shalt  }
0x44: {  	_ =	shalt  }
0x45: {  	_ =	shalt  }
0x46: {  	_ =	shalt  }
0x47: {  	_ =	shalt  }
0x48: {  	_ =	shalt  }
0x49: {  	_ =	shalt  }
0x4a: {  	_ =	shalt  }
0x4b: {  	_ =	shalt  }
0x4c: {  	_ =	shalt  }
0x4d: {  	_ =	shalt  }
0x4e: {  	_ =	shalt  }
0x4f: {  	_ =	shalt  }
0x50: {  	_ =	shalt  }
0x51: {  	_ =	shalt  }
0x52: {  	_ =	shalt  }
0x53: {  	_ =	shalt  }
0x54: {  	_ =	shalt  }
0x55: {  	_ =	shalt  }
0x56: {  	_ =	shalt  }
0x57: {  	_ =	shalt  }
0x58: {  	_ =	shalt  }
0x59: {  	_ =	shalt  }
0x5a: {  	_ =	shalt  }
0x5b: {  	_ =	shalt  }
0x5c: {  	_ =	shalt  }
0x5d: {  	_ =	shalt  }
0x5e: {  	_ =	shalt  }
0x5f: {  	_ =	shalt  }
0x60: {  	_ =	shalt  }
0x61: {  	_ =	shalt  }
0x62: {  	_ =	shalt  }
0x63: {  	_ =	shalt  }
0x64: {  	_ =	shalt  }
0x65: {  	_ =	shalt  }
0x66: {  	_ =	shalt  }
0x67: {  	_ =	shalt  }
0x68: {  	_ =	shalt  }
0x69: {  	_ =	shalt  }
0x6a: {  	_ =	shalt  }
0x6b: {  	_ =	shalt  }
0x6c: {  	_ =	shalt  }
0x6d: {  	_ =	shalt  }
0x6e: {  	_ =	shalt  }
0x6f: {  	_ =	shalt  }
0x70: {  	_ =	shalt  }
0x71: {  	_ =	shalt  }
0x72: {  	_ =	shalt  }
0x73: {  	_ =	shalt  }
0x74: {  	_ =	shalt  }
0x75: {  	_ =	shalt  }
0x76: {  	_ =	shalt  }
0x77: {  	_ =	shalt  }
0x78: {  	_ =	shalt  }
0x79: {  	_ =	shalt  }
0x7a: {  	_ =	shalt  }
0x7b: {  	_ =	shalt  }
0x7c: {  	_ =	shalt  }
0x7d: {  	_ =	shalt  }
0x7e: {  	_ =	shalt  }
0x7f: {  	_ =	shalt  }
0x80: {  	_ =	shalt  }
0x81: {  	_ =	shalt  }
0x82: {  	_ =	shalt  }
0x83: {  	_ =	shalt  }
0x84: {  	_ =	shalt  }
0x85: {  	_ =	shalt  }
0x86: {  	_ =	shalt  }
0x87: {  	_ =	shalt  }
.Lfunc_end0:
.L_simem_size_0:
called_computation_lowered:
.L_overlay_start_0:
0x88: {  	s2 =	sld [smem:$0x3FD9]  }
0x89: {  	s3 =	sld [smem:$0x3FFE];
	_ =	sdelay $0x1  }
0x8a: {  	s1 =	srdreg.scid  }
0x8b: {  	s0 =	sand.u32 $0x1, s1  }
0x8c: {  	s17 =	sshll.u32 s0, $0xA;
	s2 =	sadd.s32 s3, s2  }
0x8d: {  	s2 =	sadd.s32 s2, s17  }
0x8e: {  	[smem:$0x3FC6] =	sst s2  }
0x8f: {  	_ = 	snop  }
0x90: {  	s2 =	sld [smem:$0x3FD0];
	(tm) =	ssettm $0x1  }
0x91: {  	s18 =	sld [smem:$0x3FFB];
	_ =	sdelay $0x3  }
0x92: {  	_ =	strace s18  }
0x93: {  	s3 =	sld [smem:$0x3FFC];
	_ =	sdelay $0x3  }
0x94: {  	_ =	strace s3  }
0x95: {  	s3 =	sld [smem:$0x3FFD];
	_ =	sdelay $0x3  }
0x96: {  	_ =	strace s3  }
0x97: {  	_ =	strace $0x8FFFFFFF  }
0x98: {  	s19 =	sld [smem:$0x3FDB];
	_ =	sdelay $0x1  }
0x99: {  	s4 =	simm.s32 $_scs_section_size  }
0x9a: {  	s5 =	simm.s32 $_size__tile_overlayer_lowered;
	s6 =	simm.s32 $_tile_overlayer_lowered  }
0x9b: {  	s22 =	simm.s32 $0x1BFF;
	s21 =	sshll.u32 s6, $0x1;
	s3 =	sadd.s32 s4, s19  }
0x9c: {  	s7 =	simm.s32 $0x0;
	s20 =	sshll.u32 s5, $0x1;
	s5 =	sadd.s32 s21, s3  }
0x9d: {  	[timem:s7], [sflag:s22] =	dma.local [hbm:s5], s20  }
0x9e: {  	_ =	swait.ge [sflag:s22], s20  }
0x9f: {  	s4 =	ssub.s32 $0x0, s20;
	[sflag:s22] =	ssyncset.done $0x0  }
0xa0: {  	[sflag:s22] =	ssyncadd.s32 s4;
	_ =	sdelay $0x1  }
0xa1: {  	s23 =	simm.s32 $0x1B8B  }
0xa2: {  	_ =	swait.ge [sflag:s23], $0x1  }
0xa3: {  	[sflag:s23] =	ssyncset.done $0x0  }
0xa4: {  	s25 =	simm.s32 $0x1B8E;
	s24 =	sld [smem:$0x3FFE];
	[sflag:s23] =	ssyncadd.s32 $0xFFFFFFFF  }
0xa5: {  	s26 =	simm.s32 $execute0_lowered;
	[smem:$0x3FD2] =	sst s25  }
0xa6: {  	s5 =	sshll.u32 s26, $0x1;
	_ =	strace $0x80000046;
	[dreg:$0x1] =	wrdreg $0xFFFFFFFF  }
0xa7: {  	s28 =	simm.s32 $_size_execute0_lowered;
	s3 =	sadd.s32 s3, s5;
	[dreg:$0x0] =	wrdreg $0x0  }
0xa8: {  	s5 =	sshll.u32 s28, $0x1;
	[dreg:$0x2] =	wrdreg s3  }
0xa9: {  	[dreg:$0x3] =	wrdreg s5  }
0xaa: {  	[dreg:$0x4] =	wrdreg $0xC0  }
0xab: {  	_ =	task [dreg:s7], $0x5FFFF  }
0xac: {  	[dreg:$0x1] =	wrdreg $0xFFFFFFFF  }
0xad: {  	[dreg:$0x0] =	wrdreg $0x60  }
0xae: {  	[dreg:$0x2] =	wrdreg s24  }
0xaf: {  	[dreg:$0x3] =	wrdreg s2  }
0xb0: {  	[dreg:$0x4] =	wrdreg $0x9  }
0xb1: {  	_ =	task.clear_ibuf [dreg:s7], $0x5FFFF;
	_ =	strace $0x90000046  }
0xb2: {  	s29 =	simm.s32 $0x9;
	_ =	strace $0x80000048  }
0xb3: {  	_ =	swait.ge [sflag:s29], $0x1  }
0xb4: {  	[sflag:s29] =	ssyncadd.s32 $0xFFFFFFFF  }
0xb5: {  	_ =	strace $0x90000048  }
0xb6: {  	_ =	sfence  }
0xb7: {  	s30 =	sld [smem:$0x0];
	_ =	sdelay $0x2  }
0xb8: {  	s31 =	sshll.u32 s1, $0xD;
	s1 =	sshrl.u32 s1, $0x2  }
0xb9: {  	s3 =	sand.u32 $0x4000, s31;
	s1 =	sadd.s32 s1, s30  }
0xba: {  	s0 =	sor.u32 s3, s0;
	s1 =	sshll.u32 s1, $0x11  }
0xbb: {  	s0 =	sor.u32 s1, s0  }
0xbc: {  	s0 =	sadd.s32 $0x8F2B, s0  }
0xbd: {  	[sflag:s0] =	ssyncadd.remote.s32 $0x1  }
0xbe: {  	_ =	sfence.sel $0xFFFF  }
0xbf: {  	[dreg:$0x0] =	wrdreg $0xFFFFFFFF;
	(pc) =	sbr.abs _section_cstart, $3  }
0xc0: {  	[dreg:$0x1] =	wrdreg $0xFFFFFFFF  }
0xc1: {  	_ =	task.clear_ibuf [dreg:s7], $0x2FFFF;
	_ =	strace $0x9FFFFFFF  }
0xc2: {  	(tm) =	ssettm $0x7FFFFFFF  }
0xc3: {  	_ =	shalt  }
tec
execute0_lowered:
.L_overlay_start_1:
0x0: {  	(tag) =	ssettag $0x1  }
0x1: {  	s0 =	srdreg.scid;
	s29 =	stileid.u32  }
0x2: {  	s3 =	sand.u32 $0x1, s0;
	s26 =	sshll.u32 s29, $0x1  }
0x3: {  	s1 =	simm.s32 $0x0;
	s0 =	sor.u32 s3, s26  }
0x4: {  	s28 =	rddreg [dreg:$0x0];
	s31 =	ssub.s32 $0x2, s3;
	s4 =	smul.u32 $0x6400, s0  }
0x5: {  	[smem:$0x7FF] =	sst s1;
	s29 =	smul.u32 $0xC800, s29;
	s8 =	sshrl.u32 s31, $0x1  }
0x6: {  	s0 =	ssub.s32 s31, s8;
	s2 =	sshrl.u32 s4, $0xE;
	s5 =	sshrl.u32 s4, $0x7  }
0x7: {  	s4 =	sshrl.u32 s4, $0x3;
	s0 =	smax.u32 s0, $0x1;
	s6 =	sshll.u32 s2, $0x7  }
0x8: {  	s9 =	sshll.u32 s2, $0x14;
	s2 =	sshll.u32 s2, $0xA;
	s12 =	sor.u32 $0x1, s5  }
0x9: {  	s7 =	ssub.s32 s5, s6;
	s15 =	sor.u32 $0x100, s2;
	s11 =	sor.u32 $0x180, s2  }
0xa: {  	s13 =	sor.u32 $0x200, s2;
	s20 =	sor.u32 $0x280, s2;
	s6 =	ssub.s32 s12, s6  }
0xb: {  	s23 =	sor.u32 $0x300, s2;
	s10 =	sshll.u32 s7, $0xA;
	s18 =	sadd.s32 s7, s15  }
0xc: {  	s19 =	sadd.s32 s7, s11;
	s21 =	sadd.s32 s7, s13;
	s22 =	sadd.s32 s7, s20  }
0xd: {  	s12 =	sshll.u32 s6, $0xA;
	s24 =	sadd.s32 s7, s23;
	s15 =	sadd.s32 s6, s15  }
0xe: {  	s13 =	sadd.s32 s6, s13;
	s16 =	sadd.s32 s9, s10;
	s10 =	sor.u32 $0x80, s2  }
0xf: {  	s2 =	sor.u32 $0x380, s2;
	s14 =	sadd.s32 s9, s12;
	s12 =	sadd.s32 s6, s11  }
0x10: {  	s9 =	sadd.s32 $0xC6, s5;
	s5 =	sadd.s32 $0xC7, s5;
	s24 =	sshll.u32 s24, $0x7  }
0x11: {  	s15 =	sshll.u32 s15, $0x7;
	s13 =	sshll.u32 s13, $0x7;
	s17 =	sadd.s32 s7, s10  }
0x12: {  	s25 =	sadd.s32 s7, s2;
	s26 =	sadd.s32 s6, s10;
	s10 =	sadd.s32 s6, s20  }
0x13: {  	s7 =	sadd.s32 s6, s23;
	s20 =	sand.u32 $0x7E, s9;
	s31 =	sshll.u32 s9, $0xD  }
0x14: {  	s8 =	sadd.s32 s6, s2;
	s9 =	sshll.u32 s9, $0xA;
	s16 =	sshrl.u32 s16, $0x3  }
0x15: {  	s14 =	sshrl.u32 s14, $0x3;
	s12 =	sshll.u32 s12, $0x7;
	s13 =	sand.u32 $0x1FFFFC80, s13  }
0x16: {  	s23 =	sand.u32 $0xFFF00000, s31;
	s31 =	sshll.u32 s20, $0xA;
	s2 =	sand.u32 $0x1FFE0000, s9  }
0x17: {  	s17 =	sshll.u32 s17, $0x7;
	s12 =	sand.u32 $0x1FFFFC80, s12;
	s10 =	sshll.u32 s10, $0x7  }
0x18: {  	s7 =	sshll.u32 s7, $0x7;
	s11 =	sor.u32 s31, s23;
	s23 =	sshll.u32 s20, $0x7  }
0x19: {  	s31 =	sand.u32 $0x7F, s5;
	s20 =	sshll.u32 s5, $0xD;
	s5 =	sshll.u32 s5, $0xA  }
0x1a: {  	s8 =	sshll.u32 s8, $0x7;
	s17 =	sand.u32 $0x1FFFFC00, s17;
	s10 =	sand.u32 $0x1FFFFC80, s10  }
0x1b: {  	s7 =	sand.u32 $0x1FFFFC80, s7;
	s8 =	sand.u32 $0x1FFFFC80, s8;
	s2 =	sor.u32 s23, s2  }
0x1c: {  	s9 =	sand.u32 $0xFFF00000, s20;
	s23 =	sshll.u32 s31, $0xA;
	s6 =	sshll.u32 s31, $0x7  }
0x1d: {  	s31 =	smul.u32 $0x6400, s3;
	s5 =	sand.u32 $0x1FFE0000, s5;
	s3 =	rddreg [dreg:$0x1]  }
0x1e: {  	_ =	strace $0x80000047;
	[smem:$0x7FC] =	sst s0;
	s9 =	sor.u32 s23, s9  }
0x1f: {  	s5 =	sor.u32 s6, s5;
	s16 =	sadd.s32 s3, s16;
	s17 =	sadd.s32 s3, s17  }
0x20: {  	s23 =	sshll.u32 s19, $0x7;
	s14 =	sadd.s32 s3, s14;
	[dreg:$0x4] =	wrdreg s16  }
0x21: {  	s12 =	sadd.s32 s3, s12;
	s10 =	sadd.s32 s3, s10;
	[dreg:$0x5] =	wrdreg s17  }
0x22: {  	s7 =	sadd.s32 s3, s7;
	s6 =	sadd.s32 s31, s29;
	[dreg:$0xc] =	wrdreg s14  }
0x23: {  	s31 =	sadd.s32 s4, s28;
	s4 =	sadd.s32 $0xF42A00, s28;
	[dreg:$0xf] =	wrdreg s12  }
0x24: {  	s19 =	sand.u32 $0x1FFFFC00, s23;
	s23 =	sshll.u32 s22, $0x7;
	[dreg:$0x11] =	wrdreg s10  }
0x25: {  	s22 =	sand.u32 $0x1FFFFC80, s15;
	[dreg:$0x12] =	wrdreg s7;
	s20 =	sadd.s32 $0x600, s31  }
0x26: {  	s28 =	sadd.s32 $0x14000, s3;
	s14 =	sadd.s32 s3, s22;
	[dreg:$0x3] =	wrdreg s20  }
0x27: {  	s12 =	sadd.s32 s2, s28;
	s20 =	sshll.u32 s18, $0x7;
	[dreg:$0xe] =	wrdreg s14  }
0x28: {  	s31 =	sshll.u32 s21, $0x7;
	[dreg:$0x19] =	wrdreg s12;
	s16 =	sand.u32 $0x1FFFFC00, s20  }
0x29: {  	s20 =	sand.u32 $0x1FFFFC00, s31;
	s31 =	sshll.u32 s25, $0x7;
	s25 =	sadd.s32 s3, s8  }
0x2a: {  	s17 =	sand.u32 $0x1FFFFC00, s24;
	s16 =	sadd.s32 s3, s16;
	[dreg:$0x13] =	wrdreg s25  }
0x2b: {  	s24 =	sshrl.u32 s11, $0x3;
	s21 =	sadd.s32 s3, s20;
	[dreg:$0x6] =	wrdreg s16  }
0x2c: {  	s20 =	sshll.u32 s26, $0x7;
	s26 =	sadd.s32 s3, s24;
	[dreg:$0x8] =	wrdreg s21  }
0x2d: {  	s18 =	sand.u32 $0x1FFFFC00, s31;
	s16 =	sadd.s32 s3, s19;
	[dreg:$0x14] =	wrdreg s26  }
0x2e: {  	s24 =	sadd.s32 $0x8000, s3;
	s19 =	sadd.s32 s3, s18;
	[dreg:$0x7] =	wrdreg s16  }
0x2f: {  	s25 =	sadd.s32 $0xC000, s3;
	s8 =	sadd.s32 s2, s24;
	[dreg:$0xb] =	wrdreg s19  }
0x30: {  	s26 =	sadd.s32 $0x10000, s3;
	s10 =	sadd.s32 s2, s25;
	[dreg:$0x16] =	wrdreg s8  }
0x31: {  	s16 =	sand.u32 $0x1FFFFC00, s23;
	s23 =	sadd.s32 s3, s13;
	[dreg:$0x17] =	wrdreg s10  }
0x32: {  	s29 =	sadd.s32 $0x18000, s3;
	s11 =	sadd.s32 s2, s26;
	[dreg:$0x10] =	wrdreg s23  }
0x33: {  	s13 =	sadd.s32 s2, s29;
	[dreg:$0x18] =	wrdreg s11  }
0x34: {  	s18 =	sadd.s32 s5, s26;
	[dreg:$0x1a] =	wrdreg s13  }
0x35: {  	s19 =	sadd.s32 s5, s28;
	[smem:$0x7F8] =	sst s18  }
0x36: {  	s16 =	sadd.s32 s3, s16;
	[smem:$0x7F9] =	sst s19  }
0x37: {  	s23 =	sadd.s32 $0x4000, s3;
	[dreg:$0x9] =	wrdreg s16;
	s16 =	sadd.s32 s3, s17  }
0x38: {  	s30 =	sadd.s32 $0x1C000, s3;
	s31 =	sadd.s32 s2, s23;
	[dreg:$0xa] =	wrdreg s16  }
0x39: {  	s7 =	simm.s32 $0x2;
	s2 =	sadd.s32 s2, s30;
	[dreg:$0x15] =	wrdreg s31  }
0x3a: {  	s22 =	sshrl.u32 s6, $0x7;
	s15 =	sadd.s32 s5, s23;
	[dreg:$0x1b] =	wrdreg s2  }
0x3b: {  	s14 =	sshrl.u32 s9, $0x3;
	s17 =	sadd.s32 s5, s25;
	[dreg:$0x1d] =	wrdreg s15  }
0x3c: {  	s8 =	simm.s32 $0x6400;
	s2 =	sadd.s32 s3, s14;
	[dreg:$0x1f] =	wrdreg s17  }
0x3d: {  	s16 =	sand.u32 $0x1FFFFC80, s20;
	s20 =	sadd.s32 s5, s29;
	[dreg:$0x1c] =	wrdreg s2  }
0x3e: {  	s18 =	simm.s32 $0xE778;
	s31 =	sor.u32 $0x2, s22;
	[smem:$0x7FA] =	sst s20  }
0x3f: {  	s19 =	simm.s32 $0x3;
	s21 =	sadd.s32 s3, s16;
	[smem:$0x7FD] =	sst s31  }
0x40: {  	s17 =	simm.s32 $0x80;
	s16 =	sadd.s32 s5, s24;
	[dreg:$0xd] =	wrdreg s21  }
0x41: {  	s20 =	simm.s32 $0x1;
	[dreg:$0x1e] =	wrdreg s16;
	s21 =	sadd.s32 s5, s30  }
0x42: {  	s2 =	simm.s32 $0x0;
	[smem:$0x7FB] =	sst s21;
	s21 =	simm.s32 $0x4  }
.LBB2_1:
0x43: {  	[smem:$0x7F7] =	sst s2  }
0x44: {  	s0 =	rddreg [dreg:$0x3];
	s15 =	simm.s32 $0x5  }
0x45: {  	[tilespmem:s1], [sflag:$0x5] =	stream.linear.gather [hbm4b:s0+s1], $0x6400, $0x38;
	[tilespmem:$0xE800] =	vst v63  }
0x46: {  	_ =	swait.ge [sflag:s15], $0x6400  }
0x47: {  	[sflag:s15] =	ssyncset.done $0x0  }
0x48: {  	[sflag:s15] =	ssyncadd.s32 $0xFFFF9C00  }
0x49: {  	[tilespmem:s8], [sflag:$0x1] =	stream.indirect.gather [hbm4b:s4+s17], $0x40, s1, s17, $0xb8;
	[tilespmem:$0xE800] =	vst v63  }
0x4a: {  	s5 =	simm.s32 $0x8400  }
0x4b: {  	[tilespmem:s5], [sflag:$0x2] =	stream.indirect.gather [hbm4b:s4+s17], $0x40, s17, s17, $0xb8;
	[tilespmem:$0xE800] =	vst v63  }
0x4c: {  	_ =	swait.ge [sflag:s20], $0x2000  }
0x4d: {  	[sflag:s20] =	ssyncset.done $0x0  }
0x4e: {  	s9 =	simm.s32 $0xA400;
	s2 =	rddreg [dreg:$0x4];
	[sflag:s20] =	ssyncadd.s32 $0xFFFFE000  }
0x4f: {  	[hbm4b:s2+s1] =	stream.linear.scatter [tilespmem:s9], [sflag:$0x3], $0x80, $0x38;
	[tilespmem:$0xE800] =	vst v63  }
0x50: {  	s22 =	simm.s32 $0xA488;
	s16 =	sadd.s32 $0x10, s2  }
0x51: {  	[hbm4b:s16+s1] =	stream.linear.scatter [tilespmem:s22], [sflag:$0x3], $0x80, $0x38;
	[tilespmem:$0xE800] =	vst v63  }
0x52: {  	s31 =	simm.s32 $0xA510;
	s6 =	sadd.s32 $0x20, s2  }
0x53: {  	[hbm4b:s6+s1] =	stream.linear.scatter [tilespmem:s31], [sflag:$0x3], $0x80, $0x38;
	[tilespmem:$0xE800] =	vst v63  }
0x54: {  	s10 =	sadd.s32 $0x30, s2;
	s6 =	simm.s32 $0xA598  }
0x55: {  	[hbm4b:s10+s1] =	stream.linear.scatter [tilespmem:s6], [sflag:$0x3], $0x80, $0x38;
	[tilespmem:$0xE800] =	vst v63  }
0x56: {  	s12 =	simm.s32 $0xA620;
	s11 =	sadd.s32 $0x40, s2  }
0x57: {  	[hbm4b:s11+s1] =	stream.linear.scatter [tilespmem:s12], [sflag:$0x3], $0x80, $0x38;
	[tilespmem:$0xE800] =	vst v63  }
0x58: {  	s14 =	simm.s32 $0xA6A8;
	s13 =	sadd.s32 $0x50, s2  }
0x59: {  	[hbm4b:s13+s1] =	stream.linear.scatter [tilespmem:s14], [sflag:$0x3], $0x80, $0x38;
	[tilespmem:$0xE800] =	vst v63  }
0x5a: {  	s15 =	sadd.s32 $0x60, s2;
	s16 =	simm.s32 $0xA730  }
0x5b: {  	[hbm4b:s15+s1] =	stream.linear.scatter [tilespmem:s16], [sflag:$0x3], $0x80, $0x38;
	[tilespmem:$0xE800] =	vst v63  }
0x5c: {  	s10 =	sadd.s32 $0x70, s2;
	s11 =	simm.s32 $0xA7B8  }
0x5d: {  	[hbm4b:s10+s1] =	stream.linear.scatter [tilespmem:s11], [sflag:$0x3], $0x80, $0x38;
	[tilespmem:$0xE800] =	vst v63  }
0x5e: {  	s2 =	rddreg [dreg:$0x5];
	s12 =	simm.s32 $0xA840  }
0x5f: {  	[hbm4b:s2+s1] =	stream.linear.scatter [tilespmem:s12], [sflag:$0x3], $0x80, $0x38;
	[tilespmem:$0xE800] =	vst v63  }
0x60: {  	s13 =	sadd.s32 $0x10, s2;
	s14 =	simm.s32 $0xA8C8  }
0x61: {  	[hbm4b:s13+s1] =	stream.linear.scatter [tilespmem:s14], [sflag:$0x3], $0x80, $0x38;
	[tilespmem:$0xE800] =	vst v63  }
0x62: {  	s15 =	sadd.s32 $0x20, s2;
	s16 =	simm.s32 $0xA950  }
0x63: {  	[hbm4b:s15+s1] =	stream.linear.scatter [tilespmem:s16], [sflag:$0x3], $0x80, $0x38;
	[tilespmem:$0xE800] =	vst v63  }
0x64: {  	s6 =	sadd.s32 $0x30, s2;
	s10 =	simm.s32 $0xA9D8  }
0x65: {  	[hbm4b:s6+s1] =	stream.linear.scatter [tilespmem:s10], [sflag:$0x3], $0x80, $0x38;
	[tilespmem:$0xE800] =	vst v63  }
0x66: {  	s11 =	sadd.s32 $0x40, s2;
	s12 =	simm.s32 $0xAA60  }
0x67: {  	[hbm4b:s11+s1] =	stream.linear.scatter [tilespmem:s12], [sflag:$0x3], $0x80, $0x38;
	[tilespmem:$0xE800] =	vst v63  }
0x68: {  	s13 =	sadd.s32 $0x50, s2;
	s14 =	simm.s32 $0xAAE8  }
0x69: {  	[hbm4b:s13+s1] =	stream.linear.scatter [tilespmem:s14], [sflag:$0x3], $0x80, $0x38;
	[tilespmem:$0xE800] =	vst v63  }
0x6a: {  	s15 =	sadd.s32 $0x60, s2;
	s16 =	simm.s32 $0xAB70  }
0x6b: {  	[hbm4b:s15+s1] =	stream.linear.scatter [tilespmem:s16], [sflag:$0x3], $0x80, $0x38;
	[tilespmem:$0xE800] =	vst v63  }
0x6c: {  	s10 =	sadd.s32 $0x70, s2;
	s11 =	simm.s32 $0xABF8  }
0x6d: {  	[hbm4b:s10+s1] =	stream.linear.scatter [tilespmem:s11], [sflag:$0x3], $0x80, $0x38;
	[tilespmem:$0xE800] =	vst v63  }
0x6e: {  	s2 =	rddreg [dreg:$0x6];
	s12 =	simm.s32 $0xAC80  }
0x6f: {  	[hbm4b:s2+s1] =	stream.linear.scatter [tilespmem:s12], [sflag:$0x3], $0x80, $0x38;
	[tilespmem:$0xE800] =	vst v63  }
0x70: {  	s13 =	sadd.s32 $0x10, s2;
	s14 =	simm.s32 $0xAD08  }
0x71: {  	[hbm4b:s13+s1] =	stream.linear.scatter [tilespmem:s14], [sflag:$0x3], $0x80, $0x38;
	[tilespmem:$0xE800] =	vst v63  }
0x72: {  	s15 =	sadd.s32 $0x20, s2;
	s16 =	simm.s32 $0xAD90  }
0x73: {  	[hbm4b:s15+s1] =	stream.linear.scatter [tilespmem:s16], [sflag:$0x3], $0x80, $0x38;
	[tilespmem:$0xE800] =	vst v63  }
0x74: {  	s6 =	sadd.s32 $0x30, s2;
	s10 =	simm.s32 $0xAE18  }
0x75: {  	[hbm4b:s6+s1] =	stream.linear.scatter [tilespmem:s10], [sflag:$0x3], $0x80, $0x38;
	[tilespmem:$0xE800] =	vst v63  }
0x76: {  	s11 =	sadd.s32 $0x40, s2;
	s12 =	simm.s32 $0xAEA0  }
0x77: {  	[hbm4b:s11+s1] =	stream.linear.scatter [tilespmem:s12], [sflag:$0x3], $0x80, $0x38;
	[tilespmem:$0xE800] =	vst v63  }
0x78: {  	s13 =	sadd.s32 $0x50, s2;
	s14 =	simm.s32 $0xAF28  }
0x79: {  	[hbm4b:s13+s1] =	stream.linear.scatter [tilespmem:s14], [sflag:$0x3], $0x80, $0x38;
	[tilespmem:$0xE800] =	vst v63  }
0x7a: {  	s15 =	sadd.s32 $0x60, s2;
	s16 =	simm.s32 $0xAFB0  }
0x7b: {  	[hbm4b:s15+s1] =	stream.linear.scatter [tilespmem:s16], [sflag:$0x3], $0x80, $0x38;
	[tilespmem:$0xE800] =	vst v63  }
0x7c: {  	s10 =	sadd.s32 $0x70, s2;
	s11 =	simm.s32 $0xB038  }
0x7d: {  	[hbm4b:s10+s1] =	stream.linear.scatter [tilespmem:s11], [sflag:$0x3], $0x80, $0x38;
	[tilespmem:$0xE800] =	vst v63  }
0x7e: {  	s2 =	rddreg [dreg:$0x7];
	s12 =	simm.s32 $0xB0C0  }
0x7f: {  	[hbm4b:s2+s1] =	stream.linear.scatter [tilespmem:s12], [sflag:$0x3], $0x80, $0x38;
	[tilespmem:$0xE800] =	vst v63  }
0x80: {  	s13 =	sadd.s32 $0x10, s2;
	s14 =	simm.s32 $0xB148  }
0x81: {  	[hbm4b:s13+s1] =	stream.linear.scatter [tilespmem:s14], [sflag:$0x3], $0x80, $0x38;
	[tilespmem:$0xE800] =	vst v63  }
0x82: {  	s15 =	sadd.s32 $0x20, s2;
	s16 =	simm.s32 $0xB1D0  }
0x83: {  	[hbm4b:s15+s1] =	stream.linear.scatter [tilespmem:s16], [sflag:$0x3], $0x80, $0x38;
	[tilespmem:$0xE800] =	vst v63  }
0x84: {  	s6 =	sadd.s32 $0x30, s2;
	s10 =	simm.s32 $0xB258  }
0x85: {  	[hbm4b:s6+s1] =	stream.linear.scatter [tilespmem:s10], [sflag:$0x3], $0x80, $0x38;
	[tilespmem:$0xE800] =	vst v63  }
0x86: {  	s11 =	sadd.s32 $0x40, s2;
	s12 =	simm.s32 $0xB2E0  }
0x87: {  	[hbm4b:s11+s1] =	stream.linear.scatter [tilespmem:s12], [sflag:$0x3], $0x80, $0x38;
	[tilespmem:$0xE800] =	vst v63  }
0x88: {  	s13 =	sadd.s32 $0x50, s2;
	s14 =	simm.s32 $0xB368  }
0x89: {  	[hbm4b:s13+s1] =	stream.linear.scatter [tilespmem:s14], [sflag:$0x3], $0x80, $0x38;
	[tilespmem:$0xE800] =	vst v63  }
0x8a: {  	s15 =	sadd.s32 $0x60, s2;
	s16 =	simm.s32 $0xB3F0  }
0x8b: {  	[hbm4b:s15+s1] =	stream.linear.scatter [tilespmem:s16], [sflag:$0x3], $0x80, $0x38;
	[tilespmem:$0xE800] =	vst v63  }
0x8c: {  	s10 =	sadd.s32 $0x70, s2;
	s11 =	simm.s32 $0xB478  }
0x8d: {  	[hbm4b:s10+s1] =	stream.linear.scatter [tilespmem:s11], [sflag:$0x3], $0x80, $0x38;
	[tilespmem:$0xE800] =	vst v63  }
0x8e: {  	s2 =	rddreg [dreg:$0x8];
	s12 =	simm.s32 $0xB500  }
0x8f: {  	[hbm4b:s2+s1] =	stream.linear.scatter [tilespmem:s12], [sflag:$0x3], $0x80, $0x38;
	[tilespmem:$0xE800] =	vst v63  }
0x90: {  	s13 =	sadd.s32 $0x10, s2;
	s14 =	simm.s32 $0xB588  }
0x91: {  	[hbm4b:s13+s1] =	stream.linear.scatter [tilespmem:s14], [sflag:$0x3], $0x80, $0x38;
	[tilespmem:$0xE800] =	vst v63  }
0x92: {  	s15 =	sadd.s32 $0x20, s2;
	s16 =	simm.s32 $0xB610  }
0x93: {  	[hbm4b:s15+s1] =	stream.linear.scatter [tilespmem:s16], [sflag:$0x3], $0x80, $0x38;
	[tilespmem:$0xE800] =	vst v63  }
0x94: {  	s6 =	sadd.s32 $0x30, s2;
	s10 =	simm.s32 $0xB698  }
0x95: {  	[hbm4b:s6+s1] =	stream.linear.scatter [tilespmem:s10], [sflag:$0x3], $0x80, $0x38;
	[tilespmem:$0xE800] =	vst v63  }
0x96: {  	s11 =	sadd.s32 $0x40, s2;
	s12 =	simm.s32 $0xB720  }
0x97: {  	[hbm4b:s11+s1] =	stream.linear.scatter [tilespmem:s12], [sflag:$0x3], $0x80, $0x38;
	[tilespmem:$0xE800] =	vst v63  }
0x98: {  	s13 =	sadd.s32 $0x50, s2;
	s14 =	simm.s32 $0xB7A8  }
0x99: {  	[hbm4b:s13+s1] =	stream.linear.scatter [tilespmem:s14], [sflag:$0x3], $0x80, $0x38;
	[tilespmem:$0xE800] =	vst v63  }
0x9a: {  	s15 =	sadd.s32 $0x60, s2;
	s16 =	simm.s32 $0xB830  }
0x9b: {  	[hbm4b:s15+s1] =	stream.linear.scatter [tilespmem:s16], [sflag:$0x3], $0x80, $0x38;
	[tilespmem:$0xE800] =	vst v63  }
0x9c: {  	s10 =	sadd.s32 $0x70, s2;
	s11 =	simm.s32 $0xB8B8  }
0x9d: {  	[hbm4b:s10+s1] =	stream.linear.scatter [tilespmem:s11], [sflag:$0x3], $0x80, $0x38;
	[tilespmem:$0xE800] =	vst v63  }
0x9e: {  	s2 =	rddreg [dreg:$0x9];
	s12 =	simm.s32 $0xB940  }
0x9f: {  	[hbm4b:s2+s1] =	stream.linear.scatter [tilespmem:s12], [sflag:$0x3], $0x80, $0x38;
	[tilespmem:$0xE800] =	vst v63  }
0xa0: {  	s13 =	sadd.s32 $0x10, s2;
	s14 =	simm.s32 $0xB9C8  }
0xa1: {  	[hbm4b:s13+s1] =	stream.linear.scatter [tilespmem:s14], [sflag:$0x3], $0x80, $0x38;
	[tilespmem:$0xE800] =	vst v63  }
0xa2: {  	s15 =	sadd.s32 $0x20, s2;
	s16 =	simm.s32 $0xBA50  }
0xa3: {  	[hbm4b:s15+s1] =	stream.linear.scatter [tilespmem:s16], [sflag:$0x3], $0x80, $0x38;
	[tilespmem:$0xE800] =	vst v63  }
0xa4: {  	s6 =	sadd.s32 $0x30, s2;
	s10 =	simm.s32 $0xBAD8  }
0xa5: {  	[hbm4b:s6+s1] =	stream.linear.scatter [tilespmem:s10], [sflag:$0x3], $0x80, $0x38;
	[tilespmem:$0xE800] =	vst v63  }
0xa6: {  	s11 =	sadd.s32 $0x40, s2;
	s12 =	simm.s32 $0xBB60  }
0xa7: {  	[hbm4b:s11+s1] =	stream.linear.scatter [tilespmem:s12], [sflag:$0x3], $0x80, $0x38;
	[tilespmem:$0xE800] =	vst v63  }
0xa8: {  	s13 =	sadd.s32 $0x50, s2;
	s14 =	simm.s32 $0xBBE8  }
0xa9: {  	[hbm4b:s13+s1] =	stream.linear.scatter [tilespmem:s14], [sflag:$0x3], $0x80, $0x38;
	[tilespmem:$0xE800] =	vst v63  }
0xaa: {  	s15 =	sadd.s32 $0x60, s2;
	s16 =	simm.s32 $0xBC70  }
0xab: {  	[hbm4b:s15+s1] =	stream.linear.scatter [tilespmem:s16], [sflag:$0x3], $0x80, $0x38;
	[tilespmem:$0xE800] =	vst v63  }
0xac: {  	s10 =	sadd.s32 $0x70, s2;
	s11 =	simm.s32 $0xBCF8  }
0xad: {  	[hbm4b:s10+s1] =	stream.linear.scatter [tilespmem:s11], [sflag:$0x3], $0x80, $0x38;
	[tilespmem:$0xE800] =	vst v63  }
0xae: {  	s2 =	rddreg [dreg:$0xa];
	s12 =	simm.s32 $0xBD80  }
0xaf: {  	[hbm4b:s2+s1] =	stream.linear.scatter [tilespmem:s12], [sflag:$0x3], $0x80, $0x38;
	[tilespmem:$0xE800] =	vst v63  }
0xb0: {  	s13 =	sadd.s32 $0x10, s2;
	s14 =	simm.s32 $0xBE08  }
0xb1: {  	[hbm4b:s13+s1] =	stream.linear.scatter [tilespmem:s14], [sflag:$0x3], $0x80, $0x38;
	[tilespmem:$0xE800] =	vst v63  }
0xb2: {  	s15 =	sadd.s32 $0x20, s2;
	s16 =	simm.s32 $0xBE90  }
0xb3: {  	[hbm4b:s15+s1] =	stream.linear.scatter [tilespmem:s16], [sflag:$0x3], $0x80, $0x38;
	[tilespmem:$0xE800] =	vst v63  }
0xb4: {  	s6 =	sadd.s32 $0x30, s2;
	s10 =	simm.s32 $0xBF18  }
0xb5: {  	[hbm4b:s6+s1] =	stream.linear.scatter [tilespmem:s10], [sflag:$0x3], $0x80, $0x38;
	[tilespmem:$0xE800] =	vst v63  }
0xb6: {  	s11 =	sadd.s32 $0x40, s2;
	s12 =	simm.s32 $0xBFA0  }
0xb7: {  	[hbm4b:s11+s1] =	stream.linear.scatter [tilespmem:s12], [sflag:$0x3], $0x80, $0x38;
	[tilespmem:$0xE800] =	vst v63  }
0xb8: {  	s13 =	sadd.s32 $0x50, s2;
	s14 =	simm.s32 $0xC028  }
0xb9: {  	[hbm4b:s13+s1] =	stream.linear.scatter [tilespmem:s14], [sflag:$0x3], $0x80, $0x38;
	[tilespmem:$0xE800] =	vst v63  }
0xba: {  	s15 =	sadd.s32 $0x60, s2;
	s16 =	simm.s32 $0xC0B0  }
0xbb: {  	[hbm4b:s15+s1] =	stream.linear.scatter [tilespmem:s16], [sflag:$0x3], $0x80, $0x38;
	[tilespmem:$0xE800] =	vst v63  }
0xbc: {  	s10 =	sadd.s32 $0x70, s2;
	s11 =	simm.s32 $0xC138  }
0xbd: {  	[hbm4b:s10+s1] =	stream.linear.scatter [tilespmem:s11], [sflag:$0x3], $0x80, $0x38;
	[tilespmem:$0xE800] =	vst v63  }
0xbe: {  	s2 =	rddreg [dreg:$0xb];
	s12 =	simm.s32 $0xC1C0  }
0xbf: {  	[hbm4b:s2+s1] =	stream.linear.scatter [tilespmem:s12], [sflag:$0x3], $0x80, $0x38;
	[tilespmem:$0xE800] =	vst v63  }
0xc0: {  	s13 =	sadd.s32 $0x10, s2;
	s14 =	simm.s32 $0xC248  }
0xc1: {  	[hbm4b:s13+s1] =	stream.linear.scatter [tilespmem:s14], [sflag:$0x3], $0x80, $0x38;
	[tilespmem:$0xE800] =	vst v63  }
0xc2: {  	s15 =	sadd.s32 $0x20, s2;
	s16 =	simm.s32 $0xC2D0  }
0xc3: {  	[hbm4b:s15+s1] =	stream.linear.scatter [tilespmem:s16], [sflag:$0x3], $0x80, $0x38;
	[tilespmem:$0xE800] =	vst v63  }
0xc4: {  	s6 =	sadd.s32 $0x30, s2;
	s10 =	simm.s32 $0xC358  }
0xc5: {  	[hbm4b:s6+s1] =	stream.linear.scatter [tilespmem:s10], [sflag:$0x3], $0x80, $0x38;
	[tilespmem:$0xE800] =	vst v63  }
0xc6: {  	s11 =	sadd.s32 $0x40, s2;
	s12 =	simm.s32 $0xC3E0  }
0xc7: {  	[hbm4b:s11+s1] =	stream.linear.scatter [tilespmem:s12], [sflag:$0x3], $0x80, $0x38;
	[tilespmem:$0xE800] =	vst v63  }
0xc8: {  	s13 =	sadd.s32 $0x50, s2;
	s14 =	simm.s32 $0xC468  }
0xc9: {  	[hbm4b:s13+s1] =	stream.linear.scatter [tilespmem:s14], [sflag:$0x3], $0x80, $0x38;
	[tilespmem:$0xE800] =	vst v63  }
0xca: {  	s15 =	sadd.s32 $0x60, s2;
	s16 =	simm.s32 $0xC4F0  }
0xcb: {  	[hbm4b:s15+s1] =	stream.linear.scatter [tilespmem:s16], [sflag:$0x3], $0x80, $0x38;
	[tilespmem:$0xE800] =	vst v63  }
0xcc: {  	s6 =	sadd.s32 $0x70, s2;
	s10 =	simm.s32 $0xC578  }
0xcd: {  	[hbm4b:s6+s1] =	stream.linear.scatter [tilespmem:s10], [sflag:$0x3], $0x80, $0x38;
	[tilespmem:$0xE800] =	vst v63  }
0xce: {  	s11 =	simm.s32 $0x100  }
0xcf: {  	[tilespmem:s8], [sflag:$0x1] =	stream.indirect.gather [hbm4b:s4+s17], $0x40, s11, s17, $0xb8;
	[tilespmem:$0xE800] =	vst v63  }
0xd0: {  	_ =	swait.ge [sflag:s7], $0x2000  }
0xd1: {  	[sflag:s7] =	ssyncset.done $0x0  }
0xd2: {  	s12 =	simm.s32 $0xC600;
	s2 =	rddreg [dreg:$0xc];
	[sflag:s7] =	ssyncadd.s32 $0xFFFFE000  }
0xd3: {  	[hbm4b:s2+s1] =	stream.linear.scatter [tilespmem:s12], [sflag:$0x4], $0x80, $0x38;
	[tilespmem:$0xE800] =	vst v63  }
0xd4: {  	s14 =	simm.s32 $0xC688;
	s13 =	sadd.s32 $0x10, s2  }
0xd5: {  	[hbm4b:s13+s1] =	stream.linear.scatter [tilespmem:s14], [sflag:$0x4], $0x80, $0x38;
	[tilespmem:$0xE800] =	vst v63  }
0xd6: {  	s16 =	simm.s32 $0xC710;
	s15 =	sadd.s32 $0x20, s2  }
0xd7: {  	[hbm4b:s15+s1] =	stream.linear.scatter [tilespmem:s16], [sflag:$0x4], $0x80, $0x38;
	[tilespmem:$0xE800] =	vst v63  }
0xd8: {  	s10 =	simm.s32 $0xC798;
	s6 =	sadd.s32 $0x30, s2  }
0xd9: {  	[hbm4b:s6+s1] =	stream.linear.scatter [tilespmem:s10], [sflag:$0x4], $0x80, $0x38;
	[tilespmem:$0xE800] =	vst v63  }
0xda: {  	s11 =	sadd.s32 $0x40, s2;
	s12 =	simm.s32 $0xC820  }
0xdb: {  	[hbm4b:s11+s1] =	stream.linear.scatter [tilespmem:s12], [sflag:$0x4], $0x80, $0x38;
	[tilespmem:$0xE800] =	vst v63  }
0xdc: {  	s13 =	sadd.s32 $0x50, s2;
	s14 =	simm.s32 $0xC8A8  }
0xdd: {  	[hbm4b:s13+s1] =	stream.linear.scatter [tilespmem:s14], [sflag:$0x4], $0x80, $0x38;
	[tilespmem:$0xE800] =	vst v63  }
0xde: {  	s15 =	sadd.s32 $0x60, s2;
	s16 =	simm.s32 $0xC930  }
0xdf: {  	[hbm4b:s15+s1] =	stream.linear.scatter [tilespmem:s16], [sflag:$0x4], $0x80, $0x38;
	[tilespmem:$0xE800] =	vst v63  }
0xe0: {  	s10 =	sadd.s32 $0x70, s2;
	s11 =	simm.s32 $0xC9B8  }
0xe1: {  	[hbm4b:s10+s1] =	stream.linear.scatter [tilespmem:s11], [sflag:$0x4], $0x80, $0x38;
	[tilespmem:$0xE800] =	vst v63  }
0xe2: {  	s2 =	rddreg [dreg:$0xd];
	s12 =	simm.s32 $0xCA40  }
0xe3: {  	[hbm4b:s2+s1] =	stream.linear.scatter [tilespmem:s12], [sflag:$0x4], $0x80, $0x38;
	[tilespmem:$0xE800] =	vst v63  }
0xe4: {  	s13 =	sadd.s32 $0x10, s2;
	s14 =	simm.s32 $0xCAC8  }
0xe5: {  	[hbm4b:s13+s1] =	stream.linear.scatter [tilespmem:s14], [sflag:$0x4], $0x80, $0x38;
	[tilespmem:$0xE800] =	vst v63  }
0xe6: {  	s15 =	sadd.s32 $0x20, s2;
	s16 =	simm.s32 $0xCB50  }
0xe7: {  	[hbm4b:s15+s1] =	stream.linear.scatter [tilespmem:s16], [sflag:$0x4], $0x80, $0x38;
	[tilespmem:$0xE800] =	vst v63  }
0xe8: {  	s6 =	sadd.s32 $0x30, s2;
	s10 =	simm.s32 $0xCBD8  }
0xe9: {  	[hbm4b:s6+s1] =	stream.linear.scatter [tilespmem:s10], [sflag:$0x4], $0x80, $0x38;
	[tilespmem:$0xE800] =	vst v63  }
0xea: {  	s11 =	sadd.s32 $0x40, s2;
	s12 =	simm.s32 $0xCC60  }
0xeb: {  	[hbm4b:s11+s1] =	stream.linear.scatter [tilespmem:s12], [sflag:$0x4], $0x80, $0x38;
	[tilespmem:$0xE800] =	vst v63  }
0xec: {  	s13 =	sadd.s32 $0x50, s2;
	s14 =	simm.s32 $0xCCE8  }
0xed: {  	[hbm4b:s13+s1] =	stream.linear.scatter [tilespmem:s14], [sflag:$0x4], $0x80, $0x38;
	[tilespmem:$0xE800] =	vst v63  }
0xee: {  	s15 =	sadd.s32 $0x60, s2;
	s16 =	simm.s32 $0xCD70  }
0xef: {  	[hbm4b:s15+s1] =	stream.linear.scatter [tilespmem:s16], [sflag:$0x4], $0x80, $0x38;
	[tilespmem:$0xE800] =	vst v63  }
0xf0: {  	s10 =	sadd.s32 $0x70, s2;
	s11 =	simm.s32 $0xCDF8  }
0xf1: {  	[hbm4b:s10+s1] =	stream.linear.scatter [tilespmem:s11], [sflag:$0x4], $0x80, $0x38;
	[tilespmem:$0xE800] =	vst v63  }
0xf2: {  	s2 =	rddreg [dreg:$0xe];
	s12 =	simm.s32 $0xCE80  }
0xf3: {  	[hbm4b:s2+s1] =	stream.linear.scatter [tilespmem:s12], [sflag:$0x4], $0x80, $0x38;
	[tilespmem:$0xE800] =	vst v63  }
0xf4: {  	s13 =	sadd.s32 $0x10, s2;
	s14 =	simm.s32 $0xCF08  }
0xf5: {  	[hbm4b:s13+s1] =	stream.linear.scatter [tilespmem:s14], [sflag:$0x4], $0x80, $0x38;
	[tilespmem:$0xE800] =	vst v63  }
0xf6: {  	s15 =	sadd.s32 $0x20, s2;
	s16 =	simm.s32 $0xCF90  }
0xf7: {  	[hbm4b:s15+s1] =	stream.linear.scatter [tilespmem:s16], [sflag:$0x4], $0x80, $0x38;
	[tilespmem:$0xE800] =	vst v63  }
0xf8: {  	s6 =	sadd.s32 $0x30, s2;
	s10 =	simm.s32 $0xD018  }
0xf9: {  	[hbm4b:s6+s1] =	stream.linear.scatter [tilespmem:s10], [sflag:$0x4], $0x80, $0x38;
	[tilespmem:$0xE800] =	vst v63  }
0xfa: {  	s11 =	sadd.s32 $0x40, s2;
	s12 =	simm.s32 $0xD0A0  }
0xfb: {  	[hbm4b:s11+s1] =	stream.linear.scatter [tilespmem:s12], [sflag:$0x4], $0x80, $0x38;
	[tilespmem:$0xE800] =	vst v63  }
0xfc: {  	s13 =	sadd.s32 $0x50, s2;
	s14 =	simm.s32 $0xD128  }
0xfd: {  	[hbm4b:s13+s1] =	stream.linear.scatter [tilespmem:s14], [sflag:$0x4], $0x80, $0x38;
	[tilespmem:$0xE800] =	vst v63  }
0xfe: {  	s15 =	sadd.s32 $0x60, s2;
	s16 =	simm.s32 $0xD1B0  }
0xff: {  	[hbm4b:s15+s1] =	stream.linear.scatter [tilespmem:s16], [sflag:$0x4], $0x80, $0x38;
	[tilespmem:$0xE800] =	vst v63  }
0x100: {  	s10 =	sadd.s32 $0x70, s2;
	s11 =	simm.s32 $0xD238  }
0x101: {  	[hbm4b:s10+s1] =	stream.linear.scatter [tilespmem:s11], [sflag:$0x4], $0x80, $0x38;
	[tilespmem:$0xE800] =	vst v63  }
0x102: {  	s2 =	rddreg [dreg:$0xf];
	s12 =	simm.s32 $0xD2C0  }
0x103: {  	[hbm4b:s2+s1] =	stream.linear.scatter [tilespmem:s12], [sflag:$0x4], $0x80, $0x38;
	[tilespmem:$0xE800] =	vst v63  }
0x104: {  	s13 =	sadd.s32 $0x10, s2;
	s14 =	simm.s32 $0xD348  }
0x105: {  	[hbm4b:s13+s1] =	stream.linear.scatter [tilespmem:s14], [sflag:$0x4], $0x80, $0x38;
	[tilespmem:$0xE800] =	vst v63  }
0x106: {  	s15 =	sadd.s32 $0x20, s2;
	s16 =	simm.s32 $0xD3D0  }
0x107: {  	[hbm4b:s15+s1] =	stream.linear.scatter [tilespmem:s16], [sflag:$0x4], $0x80, $0x38;
	[tilespmem:$0xE800] =	vst v63  }
0x108: {  	s6 =	sadd.s32 $0x30, s2;
	s10 =	simm.s32 $0xD458  }
0x109: {  	[hbm4b:s6+s1] =	stream.linear.scatter [tilespmem:s10], [sflag:$0x4], $0x80, $0x38;
	[tilespmem:$0xE800] =	vst v63  }
0x10a: {  	s11 =	sadd.s32 $0x40, s2;
	s12 =	simm.s32 $0xD4E0  }
0x10b: {  	[hbm4b:s11+s1] =	stream.linear.scatter [tilespmem:s12], [sflag:$0x4], $0x80, $0x38;
	[tilespmem:$0xE800] =	vst v63  }
0x10c: {  	s13 =	sadd.s32 $0x50, s2;
	s14 =	simm.s32 $0xD568  }
0x10d: {  	[hbm4b:s13+s1] =	stream.linear.scatter [tilespmem:s14], [sflag:$0x4], $0x80, $0x38;
	[tilespmem:$0xE800] =	vst v63  }
0x10e: {  	s15 =	sadd.s32 $0x60, s2;
	s16 =	simm.s32 $0xD5F0  }
0x10f: {  	[hbm4b:s15+s1] =	stream.linear.scatter [tilespmem:s16], [sflag:$0x4], $0x80, $0x38;
	[tilespmem:$0xE800] =	vst v63  }
0x110: {  	s10 =	sadd.s32 $0x70, s2;
	s11 =	simm.s32 $0xD678  }
0x111: {  	[hbm4b:s10+s1] =	stream.linear.scatter [tilespmem:s11], [sflag:$0x4], $0x80, $0x38;
	[tilespmem:$0xE800] =	vst v63  }
0x112: {  	s2 =	rddreg [dreg:$0x10];
	s12 =	simm.s32 $0xD700  }
0x113: {  	[hbm4b:s2+s1] =	stream.linear.scatter [tilespmem:s12], [sflag:$0x4], $0x80, $0x38;
	[tilespmem:$0xE800] =	vst v63  }
0x114: {  	s13 =	sadd.s32 $0x10, s2;
	s14 =	simm.s32 $0xD788  }
0x115: {  	[hbm4b:s13+s1] =	stream.linear.scatter [tilespmem:s14], [sflag:$0x4], $0x80, $0x38;
	[tilespmem:$0xE800] =	vst v63  }
0x116: {  	s15 =	sadd.s32 $0x20, s2;
	s16 =	simm.s32 $0xD810  }
0x117: {  	[hbm4b:s15+s1] =	stream.linear.scatter [tilespmem:s16], [sflag:$0x4], $0x80, $0x38;
	[tilespmem:$0xE800] =	vst v63  }
0x118: {  	s6 =	sadd.s32 $0x30, s2;
	s10 =	simm.s32 $0xD898  }
0x119: {  	[hbm4b:s6+s1] =	stream.linear.scatter [tilespmem:s10], [sflag:$0x4], $0x80, $0x38;
	[tilespmem:$0xE800] =	vst v63  }
0x11a: {  	s11 =	sadd.s32 $0x40, s2;
	s12 =	simm.s32 $0xD920  }
0x11b: {  	[hbm4b:s11+s1] =	stream.linear.scatter [tilespmem:s12], [sflag:$0x4], $0x80, $0x38;
	[tilespmem:$0xE800] =	vst v63  }
0x11c: {  	s13 =	sadd.s32 $0x50, s2;
	s14 =	simm.s32 $0xD9A8  }
0x11d: {  	[hbm4b:s13+s1] =	stream.linear.scatter [tilespmem:s14], [sflag:$0x4], $0x80, $0x38;
	[tilespmem:$0xE800] =	vst v63  }
0x11e: {  	s15 =	sadd.s32 $0x60, s2;
	s16 =	simm.s32 $0xDA30  }
0x11f: {  	[hbm4b:s15+s1] =	stream.linear.scatter [tilespmem:s16], [sflag:$0x4], $0x80, $0x38;
	[tilespmem:$0xE800] =	vst v63  }
0x120: {  	s10 =	sadd.s32 $0x70, s2;
	s11 =	simm.s32 $0xDAB8  }
0x121: {  	[hbm4b:s10+s1] =	stream.linear.scatter [tilespmem:s11], [sflag:$0x4], $0x80, $0x38;
	[tilespmem:$0xE800] =	vst v63  }
0x122: {  	s2 =	rddreg [dreg:$0x11];
	s12 =	simm.s32 $0xDB40  }
0x123: {  	[hbm4b:s2+s1] =	stream.linear.scatter [tilespmem:s12], [sflag:$0x4], $0x80, $0x38;
	[tilespmem:$0xE800] =	vst v63  }
0x124: {  	s13 =	sadd.s32 $0x10, s2;
	s14 =	simm.s32 $0xDBC8  }
0x125: {  	[hbm4b:s13+s1] =	stream.linear.scatter [tilespmem:s14], [sflag:$0x4], $0x80, $0x38;
	[tilespmem:$0xE800] =	vst v63  }
0x126: {  	s15 =	sadd.s32 $0x20, s2;
	s16 =	simm.s32 $0xDC50  }
0x127: {  	[hbm4b:s15+s1] =	stream.linear.scatter [tilespmem:s16], [sflag:$0x4], $0x80, $0x38;
	[tilespmem:$0xE800] =	vst v63  }
0x128: {  	s6 =	sadd.s32 $0x30, s2;
	s10 =	simm.s32 $0xDCD8  }
0x129: {  	[hbm4b:s6+s1] =	stream.linear.scatter [tilespmem:s10], [sflag:$0x4], $0x80, $0x38;
	[tilespmem:$0xE800] =	vst v63  }
0x12a: {  	s11 =	sadd.s32 $0x40, s2;
	s12 =	simm.s32 $0xDD60  }
0x12b: {  	[hbm4b:s11+s1] =	stream.linear.scatter [tilespmem:s12], [sflag:$0x4], $0x80, $0x38;
	[tilespmem:$0xE800] =	vst v63  }
0x12c: {  	s13 =	sadd.s32 $0x50, s2;
	s14 =	simm.s32 $0xDDE8  }
0x12d: {  	[hbm4b:s13+s1] =	stream.linear.scatter [tilespmem:s14], [sflag:$0x4], $0x80, $0x38;
	[tilespmem:$0xE800] =	vst v63  }
0x12e: {  	s15 =	sadd.s32 $0x60, s2;
	s16 =	simm.s32 $0xDE70  }
0x12f: {  	[hbm4b:s15+s1] =	stream.linear.scatter [tilespmem:s16], [sflag:$0x4], $0x80, $0x38;
	[tilespmem:$0xE800] =	vst v63  }
0x130: {  	s6 =	sadd.s32 $0x70, s2;
	s10 =	simm.s32 $0xDEF8  }
0x131: {  	[hbm4b:s6+s1] =	stream.linear.scatter [tilespmem:s10], [sflag:$0x4], $0x80, $0x38;
	[tilespmem:$0xE800] =	vst v63  }
0x132: {  	s2 =	rddreg [dreg:$0x12];
	s11 =	simm.s32 $0xDF80  }
0x133: {  	[hbm4b:s2+s1] =	stream.linear.scatter [tilespmem:s11], [sflag:$0x4], $0x80, $0x38;
	[tilespmem:$0xE800] =	vst v63  }
0x134: {  	s12 =	sadd.s32 $0x10, s2;
	s10 =	simm.s32 $0xE008  }
0x135: {  	[hbm4b:s12+s1] =	stream.linear.scatter [tilespmem:s10], [sflag:$0x4], $0x80, $0x38;
	[tilespmem:$0xE800] =	vst v63  }
0x136: {  	s13 =	sadd.s32 $0x20, s2;
	s14 =	simm.s32 $0xE090  }
0x137: {  	[hbm4b:s13+s1] =	stream.linear.scatter [tilespmem:s14], [sflag:$0x4], $0x80, $0x38;
	[tilespmem:$0xE800] =	vst v63  }
0x138: {  	s15 =	sadd.s32 $0x30, s2;
	s16 =	simm.s32 $0xE118  }
0x139: {  	[hbm4b:s15+s1] =	stream.linear.scatter [tilespmem:s16], [sflag:$0x4], $0x80, $0x38;
	[tilespmem:$0xE800] =	vst v63  }
0x13a: {  	s11 =	sadd.s32 $0x40, s2;
	s12 =	simm.s32 $0xE1A0  }
0x13b: {  	[hbm4b:s11+s1] =	stream.linear.scatter [tilespmem:s12], [sflag:$0x4], $0x80, $0x38;
	[tilespmem:$0xE800] =	vst v63  }
0x13c: {  	s13 =	sadd.s32 $0x50, s2;
	s14 =	simm.s32 $0xE228  }
0x13d: {  	[hbm4b:s13+s1] =	stream.linear.scatter [tilespmem:s14], [sflag:$0x4], $0x80, $0x38;
	[tilespmem:$0xE800] =	vst v63  }
0x13e: {  	s15 =	sadd.s32 $0x60, s2;
	s16 =	simm.s32 $0xE2B0  }
0x13f: {  	[hbm4b:s15+s1] =	stream.linear.scatter [tilespmem:s16], [sflag:$0x4], $0x80, $0x38;
	[tilespmem:$0xE800] =	vst v63  }
0x140: {  	s11 =	sadd.s32 $0x70, s2;
	s12 =	simm.s32 $0xE338  }
0x141: {  	[hbm4b:s11+s1] =	stream.linear.scatter [tilespmem:s12], [sflag:$0x4], $0x80, $0x38;
	[tilespmem:$0xE800] =	vst v63  }
0x142: {  	s2 =	rddreg [dreg:$0x13];
	s11 =	simm.s32 $0xE3C0  }
0x143: {  	[hbm4b:s2+s1] =	stream.linear.scatter [tilespmem:s11], [sflag:$0x4], $0x80, $0x38;
	[tilespmem:$0xE800] =	vst v63  }
0x144: {  	s13 =	sadd.s32 $0x10, s2;
	s12 =	simm.s32 $0xE448  }
0x145: {  	[hbm4b:s13+s1] =	stream.linear.scatter [tilespmem:s12], [sflag:$0x4], $0x80, $0x38;
	[tilespmem:$0xE800] =	vst v63  }
0x146: {  	s14 =	sadd.s32 $0x20, s2;
	s13 =	simm.s32 $0xE4D0  }
0x147: {  	[hbm4b:s14+s1] =	stream.linear.scatter [tilespmem:s13], [sflag:$0x4], $0x80, $0x38;
	[tilespmem:$0xE800] =	vst v63  }
0x148: {  	s15 =	sadd.s32 $0x30, s2;
	s14 =	simm.s32 $0xE558  }
0x149: {  	[hbm4b:s15+s1] =	stream.linear.scatter [tilespmem:s14], [sflag:$0x4], $0x80, $0x38;
	[tilespmem:$0xE800] =	vst v63  }
0x14a: {  	s16 =	sadd.s32 $0x40, s2;
	s15 =	simm.s32 $0xE5E0  }
0x14b: {  	[hbm4b:s16+s1] =	stream.linear.scatter [tilespmem:s15], [sflag:$0x4], $0x80, $0x38;
	[tilespmem:$0xE800] =	vst v63  }
0x14c: {  	s6 =	sadd.s32 $0x50, s2;
	s16 =	simm.s32 $0xE668  }
0x14d: {  	[hbm4b:s6+s1] =	stream.linear.scatter [tilespmem:s16], [sflag:$0x4], $0x80, $0x38;
	[tilespmem:$0xE800] =	vst v63  }
0x14e: {  	s0 =	sadd.s32 $0x60, s2;
	s6 =	simm.s32 $0xE6F0  }
0x14f: {  	[hbm4b:s0+s1] =	stream.linear.scatter [tilespmem:s6], [sflag:$0x4], $0x80, $0x38;
	[tilespmem:$0xE800] =	vst v63  }
0x150: {  	s6 =	sadd.s32 $0x70, s2  }
0x151: {  	[hbm4b:s6+s1] =	stream.linear.scatter [tilespmem:s18], [sflag:$0x4], $0x80, $0x38;
	[tilespmem:$0xE800] =	vst v63  }
0x152: {  	s2 =	simm.s32 $0x180  }
0x153: {  	[tilespmem:s5], [sflag:$0x2] =	stream.indirect.gather [hbm4b:s4+s17], $0x40, s2, s17, $0xb8;
	[tilespmem:$0xE800] =	vst v63  }
0x154: {  	_ =	swait.ge [sflag:s20], $0x2000  }
0x155: {  	[sflag:s20] =	ssyncset.done $0x0  }
0x156: {  	[sflag:s20] =	ssyncadd.s32 $0xFFFFE000  }
0x157: {  	_ =	swait.ge [sflag:s19], $0x400  }
0x158: {  	[sflag:s19] =	ssyncset.done $0x0  }
0x159: {  	[sflag:s19] =	ssyncadd.s32 $0xFFFFFC00  }
0x15a: {  	_ =	swait.ge [sflag:s19], $0x400  }
0x15b: {  	[sflag:s19] =	ssyncset.done $0x0  }
0x15c: {  	[sflag:s19] =	ssyncadd.s32 $0xFFFFFC00  }
0x15d: {  	_ =	swait.ge [sflag:s19], $0x400  }
0x15e: {  	[sflag:s19] =	ssyncset.done $0x0  }
0x15f: {  	[sflag:s19] =	ssyncadd.s32 $0xFFFFFC00  }
0x160: {  	_ =	swait.ge [sflag:s19], $0x400  }
0x161: {  	[sflag:s19] =	ssyncset.done $0x0  }
0x162: {  	[sflag:s19] =	ssyncadd.s32 $0xFFFFFC00  }
0x163: {  	_ =	swait.ge [sflag:s19], $0x400  }
0x164: {  	[sflag:s19] =	ssyncset.done $0x0  }
0x165: {  	[sflag:s19] =	ssyncadd.s32 $0xFFFFFC00  }
0x166: {  	_ =	swait.ge [sflag:s19], $0x400  }
0x167: {  	[sflag:s19] =	ssyncset.done $0x0  }
0x168: {  	[sflag:s19] =	ssyncadd.s32 $0xFFFFFC00  }
0x169: {  	_ =	swait.ge [sflag:s19], $0x400  }
0x16a: {  	s6 =	sld [smem:$0x7FD];
	_ =	sdelay $0x2  }
0x16b: {  	[sflag:s19] =	ssyncset.done $0x0;
	s5 =	sshll.u32 s6, $0xD;
	s2 =	sand.u32 $0x7E, s6  }
0x16c: {  	[sflag:s19] =	ssyncadd.s32 $0xFFFFFC00;
	s0 =	sand.u32 $0xFFF00000, s5;
	s5 =	sshll.u32 s2, $0xA  }
0x16d: {  	_ =	swait.ge [sflag:s19], $0x400;
	s0 =	sor.u32 s5, s0  }
0x16e: {  	[sflag:s19] =	ssyncset.done $0x0;
	s0 =	sshrl.u32 s0, $0x3  }
0x16f: {  	[sflag:s19] =	ssyncadd.s32 $0xFFFFFC00;
	s5 =	sadd.s32 s3, s0  }
0x170: {  	[hbm4b:s5+s1] =	stream.linear.scatter [tilespmem:s9], [sflag:$0x3], $0x80, $0x38;
	[tilespmem:$0xE800] =	vst v63  }
0x171: {  	s0 =	sadd.s32 $0x10, s5  }
0x172: {  	[hbm4b:s0+s1] =	stream.linear.scatter [tilespmem:s22], [sflag:$0x3], $0x80, $0x38;
	[tilespmem:$0xE800] =	vst v63  }
0x173: {  	s22 =	sadd.s32 $0x20, s5  }
0x174: {  	[hbm4b:s22+s1] =	stream.linear.scatter [tilespmem:s31], [sflag:$0x3], $0x80, $0x38;
	[tilespmem:$0xE800] =	vst v63  }
0x175: {  	s9 =	sadd.s32 $0x30, s5;
	s22 =	simm.s32 $0xA598  }
0x176: {  	[hbm4b:s9+s1] =	stream.linear.scatter [tilespmem:s22], [sflag:$0x3], $0x80, $0x38;
	[tilespmem:$0xE800] =	vst v63  }
0x177: {  	s2 =	sshll.u32 s2, $0x7;
	s9 =	sadd.s32 $0x40, s5;
	s22 =	simm.s32 $0xA620  }
0x178: {  	[hbm4b:s9+s1] =	stream.linear.scatter [tilespmem:s22], [sflag:$0x3], $0x80, $0x38;
	[tilespmem:$0xE800] =	vst v63  }
0x179: {  	s0 =	sshll.u32 s6, $0xA;
	s22 =	sadd.s32 $0x50, s5;
	s9 =	simm.s32 $0xA6A8  }
0x17a: {  	[hbm4b:s22+s1] =	stream.linear.scatter [tilespmem:s9], [sflag:$0x3], $0x80, $0x38;
	[tilespmem:$0xE800] =	vst v63  }
0x17b: {  	s0 =	sand.u32 $0x1FFE0000, s0;
	s22 =	sadd.s32 $0x60, s5;
	s9 =	simm.s32 $0xA730  }
0x17c: {  	[hbm4b:s22+s1] =	stream.linear.scatter [tilespmem:s9], [sflag:$0x3], $0x80, $0x38;
	[tilespmem:$0xE800] =	vst v63  }
0x17d: {  	s0 =	sor.u32 s2, s0;
	s5 =	sadd.s32 $0x70, s5;
	s9 =	simm.s32 $0xA7B8  }
0x17e: {  	[hbm4b:s5+s1] =	stream.linear.scatter [tilespmem:s9], [sflag:$0x3], $0x80, $0x38;
	[tilespmem:$0xE800] =	vst v63  }
0x17f: {  	s2 =	sadd.s32 s0, s23;
	s22 =	simm.s32 $0xA840  }
0x180: {  	[hbm4b:s2+s1] =	stream.linear.scatter [tilespmem:s22], [sflag:$0x3], $0x80, $0x38;
	[tilespmem:$0xE800] =	vst v63  }
0x181: {  	s9 =	sadd.s32 $0x10, s2;
	s22 =	simm.s32 $0xA8C8  }
0x182: {  	[hbm4b:s9+s1] =	stream.linear.scatter [tilespmem:s22], [sflag:$0x3], $0x80, $0x38;
	[tilespmem:$0xE800] =	vst v63  }
0x183: {  	s9 =	sadd.s32 $0x20, s2;
	s22 =	simm.s32 $0xA950  }
0x184: {  	[hbm4b:s9+s1] =	stream.linear.scatter [tilespmem:s22], [sflag:$0x3], $0x80, $0x38;
	[tilespmem:$0xE800] =	vst v63  }
0x185: {  	s9 =	sadd.s32 $0x30, s2;
	s22 =	simm.s32 $0xA9D8  }
0x186: {  	[hbm4b:s9+s1] =	stream.linear.scatter [tilespmem:s22], [sflag:$0x3], $0x80, $0x38;
	[tilespmem:$0xE800] =	vst v63  }
0x187: {  	s9 =	sadd.s32 $0x40, s2;
	s22 =	simm.s32 $0xAA60  }
0x188: {  	[hbm4b:s9+s1] =	stream.linear.scatter [tilespmem:s22], [sflag:$0x3], $0x80, $0x38;
	[tilespmem:$0xE800] =	vst v63  }
0x189: {  	s9 =	sadd.s32 $0x50, s2;
	s22 =	simm.s32 $0xAAE8  }
0x18a: {  	[hbm4b:s9+s1] =	stream.linear.scatter [tilespmem:s22], [sflag:$0x3], $0x80, $0x38;
	[tilespmem:$0xE800] =	vst v63  }
0x18b: {  	s9 =	sadd.s32 $0x60, s2;
	s22 =	simm.s32 $0xAB70  }
0x18c: {  	[hbm4b:s9+s1] =	stream.linear.scatter [tilespmem:s22], [sflag:$0x3], $0x80, $0x38;
	[tilespmem:$0xE800] =	vst v63  }
0x18d: {  	s2 =	sadd.s32 $0x70, s2;
	s9 =	simm.s32 $0xABF8  }
0x18e: {  	[hbm4b:s2+s1] =	stream.linear.scatter [tilespmem:s9], [sflag:$0x3], $0x80, $0x38;
	[tilespmem:$0xE800] =	vst v63  }
0x18f: {  	s22 =	simm.s32 $0xAC80;
	s2 =	sadd.s32 s0, s24  }
0x190: {  	[hbm4b:s2+s1] =	stream.linear.scatter [tilespmem:s22], [sflag:$0x3], $0x80, $0x38;
	[tilespmem:$0xE800] =	vst v63  }
0x191: {  	s9 =	sadd.s32 $0x10, s2;
	s22 =	simm.s32 $0xAD08  }
0x192: {  	[hbm4b:s9+s1] =	stream.linear.scatter [tilespmem:s22], [sflag:$0x3], $0x80, $0x38;
	[tilespmem:$0xE800] =	vst v63  }
0x193: {  	s9 =	sadd.s32 $0x20, s2;
	s22 =	simm.s32 $0xAD90  }
0x194: {  	[hbm4b:s9+s1] =	stream.linear.scatter [tilespmem:s22], [sflag:$0x3], $0x80, $0x38;
	[tilespmem:$0xE800] =	vst v63  }
0x195: {  	s9 =	sadd.s32 $0x30, s2;
	s22 =	simm.s32 $0xAE18  }
0x196: {  	[hbm4b:s9+s1] =	stream.linear.scatter [tilespmem:s22], [sflag:$0x3], $0x80, $0x38;
	[tilespmem:$0xE800] =	vst v63  }
0x197: {  	s9 =	sadd.s32 $0x40, s2;
	s22 =	simm.s32 $0xAEA0  }
0x198: {  	[hbm4b:s9+s1] =	stream.linear.scatter [tilespmem:s22], [sflag:$0x3], $0x80, $0x38;
	[tilespmem:$0xE800] =	vst v63  }
0x199: {  	s9 =	sadd.s32 $0x50, s2;
	s22 =	simm.s32 $0xAF28  }
0x19a: {  	[hbm4b:s9+s1] =	stream.linear.scatter [tilespmem:s22], [sflag:$0x3], $0x80, $0x38;
	[tilespmem:$0xE800] =	vst v63  }
0x19b: {  	s9 =	sadd.s32 $0x60, s2;
	s22 =	simm.s32 $0xAFB0  }
0x19c: {  	[hbm4b:s9+s1] =	stream.linear.scatter [tilespmem:s22], [sflag:$0x3], $0x80, $0x38;
	[tilespmem:$0xE800] =	vst v63  }
0x19d: {  	s2 =	sadd.s32 $0x70, s2;
	s9 =	simm.s32 $0xB038  }
0x19e: {  	[hbm4b:s2+s1] =	stream.linear.scatter [tilespmem:s9], [sflag:$0x3], $0x80, $0x38;
	[tilespmem:$0xE800] =	vst v63  }
0x19f: {  	s22 =	simm.s32 $0xB0C0;
	s2 =	sadd.s32 s0, s25  }
0x1a0: {  	[hbm4b:s2+s1] =	stream.linear.scatter [tilespmem:s22], [sflag:$0x3], $0x80, $0x38;
	[tilespmem:$0xE800] =	vst v63  }
0x1a1: {  	s9 =	sadd.s32 $0x10, s2;
	s22 =	simm.s32 $0xB148  }
0x1a2: {  	[hbm4b:s9+s1] =	stream.linear.scatter [tilespmem:s22], [sflag:$0x3], $0x80, $0x38;
	[tilespmem:$0xE800] =	vst v63  }
0x1a3: {  	s9 =	sadd.s32 $0x20, s2;
	s22 =	simm.s32 $0xB1D0  }
0x1a4: {  	[hbm4b:s9+s1] =	stream.linear.scatter [tilespmem:s22], [sflag:$0x3], $0x80, $0x38;
	[tilespmem:$0xE800] =	vst v63  }
0x1a5: {  	s9 =	sadd.s32 $0x30, s2;
	s22 =	simm.s32 $0xB258  }
0x1a6: {  	[hbm4b:s9+s1] =	stream.linear.scatter [tilespmem:s22], [sflag:$0x3], $0x80, $0x38;
	[tilespmem:$0xE800] =	vst v63  }
0x1a7: {  	s9 =	sadd.s32 $0x40, s2;
	s22 =	simm.s32 $0xB2E0  }
0x1a8: {  	[hbm4b:s9+s1] =	stream.linear.scatter [tilespmem:s22], [sflag:$0x3], $0x80, $0x38;
	[tilespmem:$0xE800] =	vst v63  }
0x1a9: {  	s9 =	sadd.s32 $0x50, s2;
	s22 =	simm.s32 $0xB368  }
0x1aa: {  	[hbm4b:s9+s1] =	stream.linear.scatter [tilespmem:s22], [sflag:$0x3], $0x80, $0x38;
	[tilespmem:$0xE800] =	vst v63  }
0x1ab: {  	s9 =	sadd.s32 $0x60, s2;
	s22 =	simm.s32 $0xB3F0  }
0x1ac: {  	[hbm4b:s9+s1] =	stream.linear.scatter [tilespmem:s22], [sflag:$0x3], $0x80, $0x38;
	[tilespmem:$0xE800] =	vst v63  }
0x1ad: {  	s2 =	sadd.s32 $0x70, s2;
	s9 =	simm.s32 $0xB478  }
0x1ae: {  	[hbm4b:s2+s1] =	stream.linear.scatter [tilespmem:s9], [sflag:$0x3], $0x80, $0x38;
	[tilespmem:$0xE800] =	vst v63  }
0x1af: {  	s22 =	simm.s32 $0xB500;
	s2 =	sadd.s32 s0, s26  }
0x1b0: {  	[hbm4b:s2+s1] =	stream.linear.scatter [tilespmem:s22], [sflag:$0x3], $0x80, $0x38;
	[tilespmem:$0xE800] =	vst v63  }
0x1b1: {  	s9 =	sadd.s32 $0x10, s2;
	s22 =	simm.s32 $0xB588  }
0x1b2: {  	[hbm4b:s9+s1] =	stream.linear.scatter [tilespmem:s22], [sflag:$0x3], $0x80, $0x38;
	[tilespmem:$0xE800] =	vst v63  }
0x1b3: {  	s9 =	sadd.s32 $0x20, s2;
	s22 =	simm.s32 $0xB610  }
0x1b4: {  	[hbm4b:s9+s1] =	stream.linear.scatter [tilespmem:s22], [sflag:$0x3], $0x80, $0x38;
	[tilespmem:$0xE800] =	vst v63  }
0x1b5: {  	s9 =	sadd.s32 $0x30, s2;
	s22 =	simm.s32 $0xB698  }
0x1b6: {  	[hbm4b:s9+s1] =	stream.linear.scatter [tilespmem:s22], [sflag:$0x3], $0x80, $0x38;
	[tilespmem:$0xE800] =	vst v63  }
0x1b7: {  	s9 =	sadd.s32 $0x40, s2;
	s22 =	simm.s32 $0xB720  }
0x1b8: {  	[hbm4b:s9+s1] =	stream.linear.scatter [tilespmem:s22], [sflag:$0x3], $0x80, $0x38;
	[tilespmem:$0xE800] =	vst v63  }
0x1b9: {  	s9 =	sadd.s32 $0x50, s2;
	s22 =	simm.s32 $0xB7A8  }
0x1ba: {  	[hbm4b:s9+s1] =	stream.linear.scatter [tilespmem:s22], [sflag:$0x3], $0x80, $0x38;
	[tilespmem:$0xE800] =	vst v63  }
0x1bb: {  	s9 =	sadd.s32 $0x60, s2;
	s22 =	simm.s32 $0xB830  }
0x1bc: {  	[hbm4b:s9+s1] =	stream.linear.scatter [tilespmem:s22], [sflag:$0x3], $0x80, $0x38;
	[tilespmem:$0xE800] =	vst v63  }
0x1bd: {  	s2 =	sadd.s32 $0x70, s2;
	s9 =	simm.s32 $0xB8B8  }
0x1be: {  	[hbm4b:s2+s1] =	stream.linear.scatter [tilespmem:s9], [sflag:$0x3], $0x80, $0x38;
	[tilespmem:$0xE800] =	vst v63  }
0x1bf: {  	s22 =	simm.s32 $0xB940;
	s2 =	sadd.s32 s0, s28  }
0x1c0: {  	[hbm4b:s2+s1] =	stream.linear.scatter [tilespmem:s22], [sflag:$0x3], $0x80, $0x38;
	[tilespmem:$0xE800] =	vst v63  }
0x1c1: {  	s9 =	sadd.s32 $0x10, s2;
	s22 =	simm.s32 $0xB9C8  }
0x1c2: {  	[hbm4b:s9+s1] =	stream.linear.scatter [tilespmem:s22], [sflag:$0x3], $0x80, $0x38;
	[tilespmem:$0xE800] =	vst v63  }
0x1c3: {  	s9 =	sadd.s32 $0x20, s2;
	s22 =	simm.s32 $0xBA50  }
0x1c4: {  	[hbm4b:s9+s1] =	stream.linear.scatter [tilespmem:s22], [sflag:$0x3], $0x80, $0x38;
	[tilespmem:$0xE800] =	vst v63  }
0x1c5: {  	s9 =	sadd.s32 $0x30, s2;
	s22 =	simm.s32 $0xBAD8  }
0x1c6: {  	[hbm4b:s9+s1] =	stream.linear.scatter [tilespmem:s22], [sflag:$0x3], $0x80, $0x38;
	[tilespmem:$0xE800] =	vst v63  }
0x1c7: {  	s9 =	sadd.s32 $0x40, s2;
	s22 =	simm.s32 $0xBB60  }
0x1c8: {  	[hbm4b:s9+s1] =	stream.linear.scatter [tilespmem:s22], [sflag:$0x3], $0x80, $0x38;
	[tilespmem:$0xE800] =	vst v63  }
0x1c9: {  	s9 =	sadd.s32 $0x50, s2;
	s22 =	simm.s32 $0xBBE8  }
0x1ca: {  	[hbm4b:s9+s1] =	stream.linear.scatter [tilespmem:s22], [sflag:$0x3], $0x80, $0x38;
	[tilespmem:$0xE800] =	vst v63  }
0x1cb: {  	s9 =	sadd.s32 $0x60, s2;
	s22 =	simm.s32 $0xBC70  }
0x1cc: {  	[hbm4b:s9+s1] =	stream.linear.scatter [tilespmem:s22], [sflag:$0x3], $0x80, $0x38;
	[tilespmem:$0xE800] =	vst v63  }
0x1cd: {  	s2 =	sadd.s32 $0x70, s2;
	s9 =	simm.s32 $0xBCF8  }
0x1ce: {  	[hbm4b:s2+s1] =	stream.linear.scatter [tilespmem:s9], [sflag:$0x3], $0x80, $0x38;
	[tilespmem:$0xE800] =	vst v63  }
0x1cf: {  	s22 =	simm.s32 $0xBD80;
	s2 =	sadd.s32 s0, s29  }
0x1d0: {  	[hbm4b:s2+s1] =	stream.linear.scatter [tilespmem:s22], [sflag:$0x3], $0x80, $0x38;
	[tilespmem:$0xE800] =	vst v63  }
0x1d1: {  	s9 =	sadd.s32 $0x10, s2;
	s22 =	simm.s32 $0xBE08  }
0x1d2: {  	[hbm4b:s9+s1] =	stream.linear.scatter [tilespmem:s22], [sflag:$0x3], $0x80, $0x38;
	[tilespmem:$0xE800] =	vst v63  }
0x1d3: {  	s9 =	sadd.s32 $0x20, s2;
	s22 =	simm.s32 $0xBE90  }
0x1d4: {  	[hbm4b:s9+s1] =	stream.linear.scatter [tilespmem:s22], [sflag:$0x3], $0x80, $0x38;
	[tilespmem:$0xE800] =	vst v63  }
0x1d5: {  	s9 =	sadd.s32 $0x30, s2;
	s22 =	simm.s32 $0xBF18  }
0x1d6: {  	[hbm4b:s9+s1] =	stream.linear.scatter [tilespmem:s22], [sflag:$0x3], $0x80, $0x38;
	[tilespmem:$0xE800] =	vst v63  }
0x1d7: {  	s9 =	sadd.s32 $0x40, s2;
	s22 =	simm.s32 $0xBFA0  }
0x1d8: {  	[hbm4b:s9+s1] =	stream.linear.scatter [tilespmem:s22], [sflag:$0x3], $0x80, $0x38;
	[tilespmem:$0xE800] =	vst v63  }
0x1d9: {  	s9 =	sadd.s32 $0x50, s2;
	s22 =	simm.s32 $0xC028  }
0x1da: {  	[hbm4b:s9+s1] =	stream.linear.scatter [tilespmem:s22], [sflag:$0x3], $0x80, $0x38;
	[tilespmem:$0xE800] =	vst v63  }
0x1db: {  	s9 =	sadd.s32 $0x60, s2;
	s22 =	simm.s32 $0xC0B0  }
0x1dc: {  	[hbm4b:s9+s1] =	stream.linear.scatter [tilespmem:s22], [sflag:$0x3], $0x80, $0x38;
	[tilespmem:$0xE800] =	vst v63  }
0x1dd: {  	s2 =	sadd.s32 $0x70, s2;
	s22 =	simm.s32 $0xC138  }
0x1de: {  	[hbm4b:s2+s1] =	stream.linear.scatter [tilespmem:s22], [sflag:$0x3], $0x80, $0x38;
	[tilespmem:$0xE800] =	vst v63  }
0x1df: {  	s5 =	simm.s32 $0xC1C0;
	s0 =	sadd.s32 s0, s30  }
0x1e0: {  	[hbm4b:s0+s1] =	stream.linear.scatter [tilespmem:s5], [sflag:$0x3], $0x80, $0x38;
	[tilespmem:$0xE800] =	vst v63  }
0x1e1: {  	s9 =	sadd.s32 $0x10, s0;
	s22 =	simm.s32 $0xC248  }
0x1e2: {  	[hbm4b:s9+s1] =	stream.linear.scatter [tilespmem:s22], [sflag:$0x3], $0x80, $0x38;
	[tilespmem:$0xE800] =	vst v63  }
0x1e3: {  	s9 =	sadd.s32 $0x20, s0;
	s22 =	simm.s32 $0xC2D0  }
0x1e4: {  	[hbm4b:s9+s1] =	stream.linear.scatter [tilespmem:s22], [sflag:$0x3], $0x80, $0x38;
	[tilespmem:$0xE800] =	vst v63  }
0x1e5: {  	s9 =	sadd.s32 $0x30, s0;
	s22 =	simm.s32 $0xC358  }
0x1e6: {  	[hbm4b:s9+s1] =	stream.linear.scatter [tilespmem:s22], [sflag:$0x3], $0x80, $0x38;
	[tilespmem:$0xE800] =	vst v63  }
0x1e7: {  	s9 =	sadd.s32 $0x40, s0;
	s22 =	simm.s32 $0xC3E0  }
0x1e8: {  	[hbm4b:s9+s1] =	stream.linear.scatter [tilespmem:s22], [sflag:$0x3], $0x80, $0x38;
	[tilespmem:$0xE800] =	vst v63  }
0x1e9: {  	s9 =	sadd.s32 $0x50, s0;
	s22 =	simm.s32 $0xC468  }
0x1ea: {  	[hbm4b:s9+s1] =	stream.linear.scatter [tilespmem:s22], [sflag:$0x3], $0x80, $0x38;
	[tilespmem:$0xE800] =	vst v63  }
0x1eb: {  	s5 =	sadd.s32 $0x60, s0;
	s9 =	simm.s32 $0xC4F0  }
0x1ec: {  	[hbm4b:s5+s1] =	stream.linear.scatter [tilespmem:s9], [sflag:$0x3], $0x80, $0x38;
	[tilespmem:$0xE800] =	vst v63  }
0x1ed: {  	s0 =	sadd.s32 $0x70, s0;
	s22 =	simm.s32 $0xC578  }
0x1ee: {  	[hbm4b:s0+s1] =	stream.linear.scatter [tilespmem:s22], [sflag:$0x3], $0x80, $0x38;
	[tilespmem:$0xE800] =	vst v63  }
0x1ef: {  	s5 =	simm.s32 $0x200  }
0x1f0: {  	[tilespmem:s8], [sflag:$0x1] =	stream.indirect.gather [hbm4b:s4+s17], $0x40, s5, s17, $0xb8;
	[tilespmem:$0xE800] =	vst v63  }
0x1f1: {  	_ =	swait.ge [sflag:s7], $0x2000  }
0x1f2: {  	[sflag:s7] =	ssyncset.done $0x0  }
0x1f3: {  	[sflag:s7] =	ssyncadd.s32 $0xFFFFE000  }
0x1f4: {  	_ =	swait.ge [sflag:s21], $0x400  }
0x1f5: {  	[sflag:s21] =	ssyncset.done $0x0  }
0x1f6: {  	[sflag:s21] =	ssyncadd.s32 $0xFFFFFC00  }
0x1f7: {  	_ =	swait.ge [sflag:s21], $0x400  }
0x1f8: {  	[sflag:s21] =	ssyncset.done $0x0  }
0x1f9: {  	[sflag:s21] =	ssyncadd.s32 $0xFFFFFC00  }
0x1fa: {  	_ =	swait.ge [sflag:s21], $0x400  }
0x1fb: {  	[sflag:s21] =	ssyncset.done $0x0  }
0x1fc: {  	[sflag:s21] =	ssyncadd.s32 $0xFFFFFC00  }
0x1fd: {  	_ =	swait.ge [sflag:s21], $0x400  }
0x1fe: {  	[sflag:s21] =	ssyncset.done $0x0  }
0x1ff: {  	[sflag:s21] =	ssyncadd.s32 $0xFFFFFC00  }
0x200: {  	_ =	swait.ge [sflag:s21], $0x400  }
0x201: {  	[sflag:s21] =	ssyncset.done $0x0  }
0x202: {  	[sflag:s21] =	ssyncadd.s32 $0xFFFFFC00  }
0x203: {  	_ =	swait.ge [sflag:s21], $0x400  }
0x204: {  	[sflag:s21] =	ssyncset.done $0x0  }
0x205: {  	[sflag:s21] =	ssyncadd.s32 $0xFFFFFC00  }
0x206: {  	s0 =	sadd.s32 $0x1, s6;
	_ =	swait.ge [sflag:s21], $0x400  }
0x207: {  	s2 =	sand.u32 $0x7F, s0;
	s8 =	sshll.u32 s0, $0xD;
	[sflag:s21] =	ssyncset.done $0x0  }
0x208: {  	s9 =	sshll.u32 s2, $0xA;
	s5 =	sand.u32 $0xFFF00000, s8;
	[sflag:s21] =	ssyncadd.s32 $0xFFFFFC00  }
0x209: {  	s5 =	sor.u32 s9, s5;
	_ =	swait.ge [sflag:s21], $0x400  }
0x20a: {  	s5 =	sshrl.u32 s5, $0x3;
	[sflag:s21] =	ssyncset.done $0x0  }
0x20b: {  	s22 =	simm.s32 $0xC600;
	s5 =	sadd.s32 s3, s5;
	[sflag:s21] =	ssyncadd.s32 $0xFFFFFC00  }
0x20c: {  	[hbm4b:s5+s1] =	stream.linear.scatter [tilespmem:s22], [sflag:$0x4], $0x80, $0x38;
	[tilespmem:$0xE800] =	vst v63  }
0x20d: {  	s9 =	simm.s32 $0xC688;
	s8 =	sadd.s32 $0x10, s5  }
0x20e: {  	[hbm4b:s8+s1] =	stream.linear.scatter [tilespmem:s9], [sflag:$0x4], $0x80, $0x38;
	[tilespmem:$0xE800] =	vst v63  }
0x20f: {  	s8 =	sadd.s32 $0x20, s5;
	s9 =	simm.s32 $0xC710  }
0x210: {  	[hbm4b:s8+s1] =	stream.linear.scatter [tilespmem:s9], [sflag:$0x4], $0x80, $0x38;
	[tilespmem:$0xE800] =	vst v63  }
0x211: {  	s8 =	sadd.s32 $0x30, s5;
	s9 =	simm.s32 $0xC798  }
0x212: {  	[hbm4b:s8+s1] =	stream.linear.scatter [tilespmem:s9], [sflag:$0x4], $0x80, $0x38;
	[tilespmem:$0xE800] =	vst v63  }
0x213: {  	s0 =	sshll.u32 s0, $0xA;
	s8 =	sadd.s32 $0x40, s5;
	s9 =	simm.s32 $0xC820  }
0x214: {  	[hbm4b:s8+s1] =	stream.linear.scatter [tilespmem:s9], [sflag:$0x4], $0x80, $0x38;
	[tilespmem:$0xE800] =	vst v63  }
0x215: {  	s2 =	sshll.u32 s2, $0x7;
	s8 =	sadd.s32 $0x50, s5;
	s9 =	simm.s32 $0xC8A8  }
0x216: {  	[hbm4b:s8+s1] =	stream.linear.scatter [tilespmem:s9], [sflag:$0x4], $0x80, $0x38;
	[tilespmem:$0xE800] =	vst v63  }
0x217: {  	s0 =	sand.u32 $0x1FFE0000, s0;
	s8 =	sadd.s32 $0x60, s5;
	s9 =	simm.s32 $0xC930  }
0x218: {  	[hbm4b:s8+s1] =	stream.linear.scatter [tilespmem:s9], [sflag:$0x4], $0x80, $0x38;
	[tilespmem:$0xE800] =	vst v63  }
0x219: {  	s0 =	sor.u32 s2, s0;
	s22 =	simm.s32 $0xC9B8;
	s9 =	sadd.s32 $0x70, s5  }
0x21a: {  	[hbm4b:s9+s1] =	stream.linear.scatter [tilespmem:s22], [sflag:$0x4], $0x80, $0x38;
	[tilespmem:$0xE800] =	vst v63  }
0x21b: {  	s2 =	sadd.s32 s0, s23;
	s8 =	simm.s32 $0xCA40  }
0x21c: {  	[hbm4b:s2+s1] =	stream.linear.scatter [tilespmem:s8], [sflag:$0x4], $0x80, $0x38;
	[tilespmem:$0xE800] =	vst v63  }
0x21d: {  	s9 =	sadd.s32 $0x10, s2;
	s22 =	simm.s32 $0xCAC8  }
0x21e: {  	[hbm4b:s9+s1] =	stream.linear.scatter [tilespmem:s22], [sflag:$0x4], $0x80, $0x38;
	[tilespmem:$0xE800] =	vst v63  }
0x21f: {  	s9 =	sadd.s32 $0x20, s2;
	s22 =	simm.s32 $0xCB50  }
0x220: {  	[hbm4b:s9+s1] =	stream.linear.scatter [tilespmem:s22], [sflag:$0x4], $0x80, $0x38;
	[tilespmem:$0xE800] =	vst v63  }
0x221: {  	s9 =	sadd.s32 $0x30, s2;
	s22 =	simm.s32 $0xCBD8  }
0x222: {  	[hbm4b:s9+s1] =	stream.linear.scatter [tilespmem:s22], [sflag:$0x4], $0x80, $0x38;
	[tilespmem:$0xE800] =	vst v63  }
0x223: {  	s9 =	sadd.s32 $0x40, s2;
	s22 =	simm.s32 $0xCC60  }
0x224: {  	[hbm4b:s9+s1] =	stream.linear.scatter [tilespmem:s22], [sflag:$0x4], $0x80, $0x38;
	[tilespmem:$0xE800] =	vst v63  }
0x225: {  	s9 =	sadd.s32 $0x50, s2;
	s22 =	simm.s32 $0xCCE8  }
0x226: {  	[hbm4b:s9+s1] =	stream.linear.scatter [tilespmem:s22], [sflag:$0x4], $0x80, $0x38;
	[tilespmem:$0xE800] =	vst v63  }
0x227: {  	s8 =	sadd.s32 $0x60, s2;
	s9 =	simm.s32 $0xCD70  }
0x228: {  	[hbm4b:s8+s1] =	stream.linear.scatter [tilespmem:s9], [sflag:$0x4], $0x80, $0x38;
	[tilespmem:$0xE800] =	vst v63  }
0x229: {  	s2 =	sadd.s32 $0x70, s2;
	s22 =	simm.s32 $0xCDF8  }
0x22a: {  	[hbm4b:s2+s1] =	stream.linear.scatter [tilespmem:s22], [sflag:$0x4], $0x80, $0x38;
	[tilespmem:$0xE800] =	vst v63  }
0x22b: {  	s8 =	simm.s32 $0xCE80;
	s2 =	sadd.s32 s0, s24  }
0x22c: {  	[hbm4b:s2+s1] =	stream.linear.scatter [tilespmem:s8], [sflag:$0x4], $0x80, $0x38;
	[tilespmem:$0xE800] =	vst v63  }
0x22d: {  	s22 =	simm.s32 $0xCF08;
	s9 =	sadd.s32 $0x10, s2  }
0x22e: {  	[hbm4b:s9+s1] =	stream.linear.scatter [tilespmem:s22], [sflag:$0x4], $0x80, $0x38;
	[tilespmem:$0xE800] =	vst v63  }
0x22f: {  	s9 =	sadd.s32 $0x20, s2;
	s22 =	simm.s32 $0xCF90  }
0x230: {  	[hbm4b:s9+s1] =	stream.linear.scatter [tilespmem:s22], [sflag:$0x4], $0x80, $0x38;
	[tilespmem:$0xE800] =	vst v63  }
0x231: {  	s9 =	sadd.s32 $0x30, s2;
	s22 =	simm.s32 $0xD018  }
0x232: {  	[hbm4b:s9+s1] =	stream.linear.scatter [tilespmem:s22], [sflag:$0x4], $0x80, $0x38;
	[tilespmem:$0xE800] =	vst v63  }
0x233: {  	s9 =	sadd.s32 $0x40, s2;
	s22 =	simm.s32 $0xD0A0  }
0x234: {  	[hbm4b:s9+s1] =	stream.linear.scatter [tilespmem:s22], [sflag:$0x4], $0x80, $0x38;
	[tilespmem:$0xE800] =	vst v63  }
0x235: {  	s9 =	sadd.s32 $0x50, s2;
	s22 =	simm.s32 $0xD128  }
0x236: {  	[hbm4b:s9+s1] =	stream.linear.scatter [tilespmem:s22], [sflag:$0x4], $0x80, $0x38;
	[tilespmem:$0xE800] =	vst v63  }
0x237: {  	s8 =	sadd.s32 $0x60, s2;
	s9 =	simm.s32 $0xD1B0  }
0x238: {  	[hbm4b:s8+s1] =	stream.linear.scatter [tilespmem:s9], [sflag:$0x4], $0x80, $0x38;
	[tilespmem:$0xE800] =	vst v63  }
0x239: {  	s2 =	sadd.s32 $0x70, s2;
	s22 =	simm.s32 $0xD238  }
0x23a: {  	[hbm4b:s2+s1] =	stream.linear.scatter [tilespmem:s22], [sflag:$0x4], $0x80, $0x38;
	[tilespmem:$0xE800] =	vst v63  }
0x23b: {  	s8 =	simm.s32 $0xD2C0;
	s2 =	sadd.s32 s0, s25  }
0x23c: {  	[hbm4b:s2+s1] =	stream.linear.scatter [tilespmem:s8], [sflag:$0x4], $0x80, $0x38;
	[tilespmem:$0xE800] =	vst v63  }
0x23d: {  	s22 =	simm.s32 $0xD348;
	s9 =	sadd.s32 $0x10, s2  }
0x23e: {  	[hbm4b:s9+s1] =	stream.linear.scatter [tilespmem:s22], [sflag:$0x4], $0x80, $0x38;
	[tilespmem:$0xE800] =	vst v63  }
0x23f: {  	s9 =	sadd.s32 $0x20, s2;
	s22 =	simm.s32 $0xD3D0  }
0x240: {  	[hbm4b:s9+s1] =	stream.linear.scatter [tilespmem:s22], [sflag:$0x4], $0x80, $0x38;
	[tilespmem:$0xE800] =	vst v63  }
0x241: {  	s9 =	sadd.s32 $0x30, s2;
	s22 =	simm.s32 $0xD458  }
0x242: {  	[hbm4b:s9+s1] =	stream.linear.scatter [tilespmem:s22], [sflag:$0x4], $0x80, $0x38;
	[tilespmem:$0xE800] =	vst v63  }
0x243: {  	s9 =	sadd.s32 $0x40, s2;
	s22 =	simm.s32 $0xD4E0  }
0x244: {  	[hbm4b:s9+s1] =	stream.linear.scatter [tilespmem:s22], [sflag:$0x4], $0x80, $0x38;
	[tilespmem:$0xE800] =	vst v63  }
0x245: {  	s9 =	sadd.s32 $0x50, s2;
	s22 =	simm.s32 $0xD568  }
0x246: {  	[hbm4b:s9+s1] =	stream.linear.scatter [tilespmem:s22], [sflag:$0x4], $0x80, $0x38;
	[tilespmem:$0xE800] =	vst v63  }
0x247: {  	s8 =	sadd.s32 $0x60, s2;
	s9 =	simm.s32 $0xD5F0  }
0x248: {  	[hbm4b:s8+s1] =	stream.linear.scatter [tilespmem:s9], [sflag:$0x4], $0x80, $0x38;
	[tilespmem:$0xE800] =	vst v63  }
0x249: {  	s2 =	sadd.s32 $0x70, s2;
	s22 =	simm.s32 $0xD678  }
0x24a: {  	[hbm4b:s2+s1] =	stream.linear.scatter [tilespmem:s22], [sflag:$0x4], $0x80, $0x38;
	[tilespmem:$0xE800] =	vst v63  }
0x24b: {  	s8 =	simm.s32 $0xD700;
	s2 =	sadd.s32 s0, s26  }
0x24c: {  	[hbm4b:s2+s1] =	stream.linear.scatter [tilespmem:s8], [sflag:$0x4], $0x80, $0x38;
	[tilespmem:$0xE800] =	vst v63  }
0x24d: {  	s22 =	simm.s32 $0xD788;
	s9 =	sadd.s32 $0x10, s2  }
0x24e: {  	[hbm4b:s9+s1] =	stream.linear.scatter [tilespmem:s22], [sflag:$0x4], $0x80, $0x38;
	[tilespmem:$0xE800] =	vst v63  }
0x24f: {  	s9 =	sadd.s32 $0x20, s2;
	s22 =	simm.s32 $0xD810  }
0x250: {  	[hbm4b:s9+s1] =	stream.linear.scatter [tilespmem:s22], [sflag:$0x4], $0x80, $0x38;
	[tilespmem:$0xE800] =	vst v63  }
0x251: {  	s9 =	sadd.s32 $0x30, s2;
	s22 =	simm.s32 $0xD898  }
0x252: {  	[hbm4b:s9+s1] =	stream.linear.scatter [tilespmem:s22], [sflag:$0x4], $0x80, $0x38;
	[tilespmem:$0xE800] =	vst v63  }
0x253: {  	s9 =	sadd.s32 $0x40, s2;
	s22 =	simm.s32 $0xD920  }
0x254: {  	[hbm4b:s9+s1] =	stream.linear.scatter [tilespmem:s22], [sflag:$0x4], $0x80, $0x38;
	[tilespmem:$0xE800] =	vst v63  }
0x255: {  	s9 =	sadd.s32 $0x50, s2;
	s22 =	simm.s32 $0xD9A8  }
0x256: {  	[hbm4b:s9+s1] =	stream.linear.scatter [tilespmem:s22], [sflag:$0x4], $0x80, $0x38;
	[tilespmem:$0xE800] =	vst v63  }
0x257: {  	s8 =	sadd.s32 $0x60, s2;
	s9 =	simm.s32 $0xDA30  }
0x258: {  	[hbm4b:s8+s1] =	stream.linear.scatter [tilespmem:s9], [sflag:$0x4], $0x80, $0x38;
	[tilespmem:$0xE800] =	vst v63  }
0x259: {  	s2 =	sadd.s32 $0x70, s2;
	s22 =	simm.s32 $0xDAB8  }
0x25a: {  	[hbm4b:s2+s1] =	stream.linear.scatter [tilespmem:s22], [sflag:$0x4], $0x80, $0x38;
	[tilespmem:$0xE800] =	vst v63  }
0x25b: {  	s8 =	simm.s32 $0xDB40;
	s2 =	sadd.s32 s0, s28  }
0x25c: {  	[hbm4b:s2+s1] =	stream.linear.scatter [tilespmem:s8], [sflag:$0x4], $0x80, $0x38;
	[tilespmem:$0xE800] =	vst v63  }
0x25d: {  	s22 =	simm.s32 $0xDBC8;
	s9 =	sadd.s32 $0x10, s2  }
0x25e: {  	[hbm4b:s9+s1] =	stream.linear.scatter [tilespmem:s22], [sflag:$0x4], $0x80, $0x38;
	[tilespmem:$0xE800] =	vst v63  }
0x25f: {  	s9 =	sadd.s32 $0x20, s2;
	s22 =	simm.s32 $0xDC50  }
0x260: {  	[hbm4b:s9+s1] =	stream.linear.scatter [tilespmem:s22], [sflag:$0x4], $0x80, $0x38;
	[tilespmem:$0xE800] =	vst v63  }
0x261: {  	s9 =	sadd.s32 $0x30, s2;
	s22 =	simm.s32 $0xDCD8  }
0x262: {  	[hbm4b:s9+s1] =	stream.linear.scatter [tilespmem:s22], [sflag:$0x4], $0x80, $0x38;
	[tilespmem:$0xE800] =	vst v63  }
0x263: {  	s9 =	sadd.s32 $0x40, s2;
	s22 =	simm.s32 $0xDD60  }
0x264: {  	[hbm4b:s9+s1] =	stream.linear.scatter [tilespmem:s22], [sflag:$0x4], $0x80, $0x38;
	[tilespmem:$0xE800] =	vst v63  }
0x265: {  	s9 =	sadd.s32 $0x50, s2;
	s22 =	simm.s32 $0xDDE8  }
0x266: {  	[hbm4b:s9+s1] =	stream.linear.scatter [tilespmem:s22], [sflag:$0x4], $0x80, $0x38;
	[tilespmem:$0xE800] =	vst v63  }
0x267: {  	s9 =	sadd.s32 $0x60, s2;
	s22 =	simm.s32 $0xDE70  }
0x268: {  	[hbm4b:s9+s1] =	stream.linear.scatter [tilespmem:s22], [sflag:$0x4], $0x80, $0x38;
	[tilespmem:$0xE800] =	vst v63  }
0x269: {  	s8 =	simm.s32 $0xDEF8;
	s2 =	sadd.s32 $0x70, s2  }
0x26a: {  	[hbm4b:s2+s1] =	stream.linear.scatter [tilespmem:s8], [sflag:$0x4], $0x80, $0x38;
	[tilespmem:$0xE800] =	vst v63  }
0x26b: {  	s9 =	simm.s32 $0xDF80;
	s2 =	sadd.s32 s0, s29  }
0x26c: {  	[hbm4b:s2+s1] =	stream.linear.scatter [tilespmem:s9], [sflag:$0x4], $0x80, $0x38;
	[tilespmem:$0xE800] =	vst v63  }
0x26d: {  	s22 =	sadd.s32 $0x10, s2  }
0x26e: {  	[hbm4b:s22+s1] =	stream.linear.scatter [tilespmem:s10], [sflag:$0x4], $0x80, $0x38;
	[tilespmem:$0xE800] =	vst v63  }
0x26f: {  	s8 =	sadd.s32 $0x20, s2;
	s9 =	simm.s32 $0xE090  }
0x270: {  	[hbm4b:s8+s1] =	stream.linear.scatter [tilespmem:s9], [sflag:$0x4], $0x80, $0x38;
	[tilespmem:$0xE800] =	vst v63  }
0x271: {  	s10 =	sadd.s32 $0x30, s2;
	s22 =	simm.s32 $0xE118  }
0x272: {  	[hbm4b:s10+s1] =	stream.linear.scatter [tilespmem:s22], [sflag:$0x4], $0x80, $0x38;
	[tilespmem:$0xE800] =	vst v63  }
0x273: {  	s8 =	sadd.s32 $0x40, s2;
	s9 =	simm.s32 $0xE1A0  }
0x274: {  	[hbm4b:s8+s1] =	stream.linear.scatter [tilespmem:s9], [sflag:$0x4], $0x80, $0x38;
	[tilespmem:$0xE800] =	vst v63  }
0x275: {  	s10 =	sadd.s32 $0x50, s2;
	s22 =	simm.s32 $0xE228  }
0x276: {  	[hbm4b:s10+s1] =	stream.linear.scatter [tilespmem:s22], [sflag:$0x4], $0x80, $0x38;
	[tilespmem:$0xE800] =	vst v63  }
0x277: {  	s9 =	sadd.s32 $0x60, s2;
	s10 =	simm.s32 $0xE2B0  }
0x278: {  	[hbm4b:s9+s1] =	stream.linear.scatter [tilespmem:s10], [sflag:$0x4], $0x80, $0x38;
	[tilespmem:$0xE800] =	vst v63  }
0x279: {  	s2 =	sadd.s32 $0x70, s2;
	s22 =	simm.s32 $0xE338  }
0x27a: {  	[hbm4b:s2+s1] =	stream.linear.scatter [tilespmem:s22], [sflag:$0x4], $0x80, $0x38;
	[tilespmem:$0xE800] =	vst v63  }
0x27b: {  	s0 =	sadd.s32 s0, s30  }
0x27c: {  	[hbm4b:s0+s1] =	stream.linear.scatter [tilespmem:s11], [sflag:$0x4], $0x80, $0x38;
	[tilespmem:$0xE800] =	vst v63  }
0x27d: {  	s8 =	sadd.s32 $0x10, s0  }
0x27e: {  	[hbm4b:s8+s1] =	stream.linear.scatter [tilespmem:s12], [sflag:$0x4], $0x80, $0x38;
	[tilespmem:$0xE800] =	vst v63  }
0x27f: {  	s31 =	simm.s32 $0xFFFE7C00;
	s9 =	sadd.s32 $0x20, s0  }
0x280: {  	[hbm4b:s9+s1] =	stream.linear.scatter [tilespmem:s13], [sflag:$0x4], $0x80, $0x38;
	[tilespmem:$0xE800] =	vst v63  }
0x281: {  	s5 =	sadd.s32 $0x40, s0;
	s10 =	simm.s32 $0xE3C0;
	s22 =	sadd.s32 $0x30, s0  }
0x282: {  	[hbm4b:s22+s1] =	stream.linear.scatter [tilespmem:s14], [sflag:$0x4], $0x80, $0x38;
	[tilespmem:$0xE800] =	vst v63  }
0x283: {  	s11 =	simm.s32 $0xE448;
	s12 =	simm.s32 $0xE4D0;
	s8 =	sadd.s32 $0x50, s0  }
0x284: {  	[hbm4b:s5+s1] =	stream.linear.scatter [tilespmem:s15], [sflag:$0x4], $0x80, $0x38;
	[tilespmem:$0xE800] =	vst v63  }
0x285: {  	s13 =	simm.s32 $0xE558;
	s9 =	sadd.s32 $0x60, s0;
	s0 =	sadd.s32 $0x70, s0  }
0x286: {  	[hbm4b:s8+s1] =	stream.linear.scatter [tilespmem:s16], [sflag:$0x4], $0x80, $0x38;
	[tilespmem:$0xE800] =	vst v63  }
0x287: {  	s14 =	simm.s32 $0xE5E0;
	s22 =	simm.s32 $0xE6F0;
	s15 =	simm.s32 $0xE668  }
0x288: {  	[hbm4b:s9+s1] =	stream.linear.scatter [tilespmem:s22], [sflag:$0x4], $0x80, $0x38;
	[tilespmem:$0xE800] =	vst v63  }
0x289: {  	s16 =	simm.s32 $0xE6F0;
	s22 =	smov.u32 s6;
	s9 =	simm.s32 $0x6400  }
.LBB2_2:
0x28a: {  	s5 =	smov.u32 s31  }
0x28b: {  	s2 =	sshra.s32 s31, $0x2;
	s22 =	sadd.s32 $0x2, s22;
	s5 =	sadd.s32 $0x400, s31  }
0x28c: {  	[hbm4b:s0+s1] =	stream.linear.scatter [tilespmem:s18], [sflag:$0x4], $0x80, $0x38;
	[tilespmem:$0xE800] =	vst v63  }
0x28d: {  	p0 =	sne.s32 s31, $0xFFFFFC00;
	s6 =	simm.s32 $0x8400;
	s0 =	sadd.s32 $0x6380, s2  }
0x28e: {  	[tilespmem:s6], [sflag:$0x2] =	stream.indirect.gather [hbm4b:s4+s17], $0x40, s0, s17, $0xb8;
	[tilespmem:$0xE800] =	vst v63  }
0x28f: {  	_ =	swait.ge [sflag:s20], $0x2000  }
0x290: {  	[sflag:s20] =	ssyncset.done $0x0  }
0x291: {  	[sflag:s20] =	ssyncadd.s32 $0xFFFFE000  }
0x292: {  	_ =	swait.ge [sflag:s19], $0x400  }
0x293: {  	[sflag:s19] =	ssyncset.done $0x0  }
0x294: {  	[sflag:s19] =	ssyncadd.s32 $0xFFFFFC00  }
0x295: {  	_ =	swait.ge [sflag:s19], $0x400  }
0x296: {  	[sflag:s19] =	ssyncset.done $0x0  }
0x297: {  	[sflag:s19] =	ssyncadd.s32 $0xFFFFFC00  }
0x298: {  	_ =	swait.ge [sflag:s19], $0x400  }
0x299: {  	[sflag:s19] =	ssyncset.done $0x0  }
0x29a: {  	[sflag:s19] =	ssyncadd.s32 $0xFFFFFC00  }
0x29b: {  	_ =	swait.ge [sflag:s19], $0x400  }
0x29c: {  	[sflag:s19] =	ssyncset.done $0x0  }
0x29d: {  	[sflag:s19] =	ssyncadd.s32 $0xFFFFFC00  }
0x29e: {  	_ =	swait.ge [sflag:s19], $0x400  }
0x29f: {  	[sflag:s19] =	ssyncset.done $0x0  }
0x2a0: {  	[sflag:s19] =	ssyncadd.s32 $0xFFFFFC00  }
0x2a1: {  	_ =	swait.ge [sflag:s19], $0x400  }
0x2a2: {  	[sflag:s19] =	ssyncset.done $0x0  }
0x2a3: {  	[sflag:s19] =	ssyncadd.s32 $0xFFFFFC00  }
0x2a4: {  	s31 =	sshll.u32 s22, $0xA;
	s0 =	sshll.u32 s22, $0xD;
	_ =	swait.ge [sflag:s19], $0x400  }
0x2a5: {  	s31 =	sand.u32 $0x1FFE0000, s31;
	s6 =	sand.u32 $0x7E, s22;
	[sflag:s19] =	ssyncset.done $0x0  }
0x2a6: {  	s0 =	sand.u32 $0xFFF00000, s0;
	s8 =	sshll.u32 s6, $0xA;
	[sflag:s19] =	ssyncadd.s32 $0xFFFFFC00  }
0x2a7: {  	s6 =	sshll.u32 s6, $0x7;
	s0 =	sor.u32 s8, s0;
	_ =	swait.ge [sflag:s19], $0x400  }
0x2a8: {  	s8 =	sshrl.u32 s0, $0x3;
	s0 =	sor.u32 s6, s31;
	[sflag:s19] =	ssyncset.done $0x0  }
0x2a9: {  	s6 =	sadd.s32 s3, s8;
	s8 =	simm.s32 $0xA400;
	[sflag:s19] =	ssyncadd.s32 $0xFFFFFC00  }
0x2aa: {  	[hbm4b:s6+s1] =	stream.linear.scatter [tilespmem:s8], [sflag:$0x3], $0x80, $0x38;
	[tilespmem:$0xE800] =	vst v63  }
0x2ab: {  	s31 =	simm.s32 $0xA488;
	s8 =	sadd.s32 $0x10, s6  }
0x2ac: {  	[hbm4b:s8+s1] =	stream.linear.scatter [tilespmem:s31], [sflag:$0x3], $0x80, $0x38;
	[tilespmem:$0xE800] =	vst v63  }
0x2ad: {  	s8 =	sadd.s32 $0x20, s6;
	s31 =	simm.s32 $0xA510  }
0x2ae: {  	[hbm4b:s8+s1] =	stream.linear.scatter [tilespmem:s31], [sflag:$0x3], $0x80, $0x38;
	[tilespmem:$0xE800] =	vst v63  }
0x2af: {  	s8 =	sadd.s32 $0x30, s6;
	s31 =	simm.s32 $0xA598  }
0x2b0: {  	[hbm4b:s8+s1] =	stream.linear.scatter [tilespmem:s31], [sflag:$0x3], $0x80, $0x38;
	[tilespmem:$0xE800] =	vst v63  }
0x2b1: {  	s8 =	sadd.s32 $0x40, s6;
	s31 =	simm.s32 $0xA620  }
0x2b2: {  	[hbm4b:s8+s1] =	stream.linear.scatter [tilespmem:s31], [sflag:$0x3], $0x80, $0x38;
	[tilespmem:$0xE800] =	vst v63  }
0x2b3: {  	s8 =	sadd.s32 $0x50, s6;
	s31 =	simm.s32 $0xA6A8  }
0x2b4: {  	[hbm4b:s8+s1] =	stream.linear.scatter [tilespmem:s31], [sflag:$0x3], $0x80, $0x38;
	[tilespmem:$0xE800] =	vst v63  }
0x2b5: {  	s8 =	sadd.s32 $0x60, s6;
	s31 =	simm.s32 $0xA730  }
0x2b6: {  	[hbm4b:s8+s1] =	stream.linear.scatter [tilespmem:s31], [sflag:$0x3], $0x80, $0x38;
	[tilespmem:$0xE800] =	vst v63  }
0x2b7: {  	s6 =	sadd.s32 $0x70, s6;
	s8 =	simm.s32 $0xA7B8  }
0x2b8: {  	[hbm4b:s6+s1] =	stream.linear.scatter [tilespmem:s8], [sflag:$0x3], $0x80, $0x38;
	[tilespmem:$0xE800] =	vst v63  }
0x2b9: {  	s6 =	sadd.s32 s0, s23;
	s8 =	simm.s32 $0xA840  }
0x2ba: {  	[hbm4b:s6+s1] =	stream.linear.scatter [tilespmem:s8], [sflag:$0x3], $0x80, $0x38;
	[tilespmem:$0xE800] =	vst v63  }
0x2bb: {  	s31 =	simm.s32 $0xA8C8;
	s8 =	sadd.s32 $0x10, s6  }
0x2bc: {  	[hbm4b:s8+s1] =	stream.linear.scatter [tilespmem:s31], [sflag:$0x3], $0x80, $0x38;
	[tilespmem:$0xE800] =	vst v63  }
0x2bd: {  	s8 =	sadd.s32 $0x20, s6;
	s31 =	simm.s32 $0xA950  }
0x2be: {  	[hbm4b:s8+s1] =	stream.linear.scatter [tilespmem:s31], [sflag:$0x3], $0x80, $0x38;
	[tilespmem:$0xE800] =	vst v63  }
0x2bf: {  	s8 =	sadd.s32 $0x30, s6;
	s31 =	simm.s32 $0xA9D8  }
0x2c0: {  	[hbm4b:s8+s1] =	stream.linear.scatter [tilespmem:s31], [sflag:$0x3], $0x80, $0x38;
	[tilespmem:$0xE800] =	vst v63  }
0x2c1: {  	s8 =	sadd.s32 $0x40, s6;
	s31 =	simm.s32 $0xAA60  }
0x2c2: {  	[hbm4b:s8+s1] =	stream.linear.scatter [tilespmem:s31], [sflag:$0x3], $0x80, $0x38;
	[tilespmem:$0xE800] =	vst v63  }
0x2c3: {  	s8 =	sadd.s32 $0x50, s6;
	s31 =	simm.s32 $0xAAE8  }
0x2c4: {  	[hbm4b:s8+s1] =	stream.linear.scatter [tilespmem:s31], [sflag:$0x3], $0x80, $0x38;
	[tilespmem:$0xE800] =	vst v63  }
0x2c5: {  	s8 =	sadd.s32 $0x60, s6;
	s31 =	simm.s32 $0xAB70  }
0x2c6: {  	[hbm4b:s8+s1] =	stream.linear.scatter [tilespmem:s31], [sflag:$0x3], $0x80, $0x38;
	[tilespmem:$0xE800] =	vst v63  }
0x2c7: {  	s6 =	sadd.s32 $0x70, s6;
	s8 =	simm.s32 $0xABF8  }
0x2c8: {  	[hbm4b:s6+s1] =	stream.linear.scatter [tilespmem:s8], [sflag:$0x3], $0x80, $0x38;
	[tilespmem:$0xE800] =	vst v63  }
0x2c9: {  	s6 =	sadd.s32 s0, s24;
	s8 =	simm.s32 $0xAC80  }
0x2ca: {  	[hbm4b:s6+s1] =	stream.linear.scatter [tilespmem:s8], [sflag:$0x3], $0x80, $0x38;
	[tilespmem:$0xE800] =	vst v63  }
0x2cb: {  	s31 =	simm.s32 $0xAD08;
	s8 =	sadd.s32 $0x10, s6  }
0x2cc: {  	[hbm4b:s8+s1] =	stream.linear.scatter [tilespmem:s31], [sflag:$0x3], $0x80, $0x38;
	[tilespmem:$0xE800] =	vst v63  }
0x2cd: {  	s8 =	sadd.s32 $0x20, s6;
	s31 =	simm.s32 $0xAD90  }
0x2ce: {  	[hbm4b:s8+s1] =	stream.linear.scatter [tilespmem:s31], [sflag:$0x3], $0x80, $0x38;
	[tilespmem:$0xE800] =	vst v63  }
0x2cf: {  	s8 =	sadd.s32 $0x30, s6;
	s31 =	simm.s32 $0xAE18  }
0x2d0: {  	[hbm4b:s8+s1] =	stream.linear.scatter [tilespmem:s31], [sflag:$0x3], $0x80, $0x38;
	[tilespmem:$0xE800] =	vst v63  }
0x2d1: {  	s8 =	sadd.s32 $0x40, s6;
	s31 =	simm.s32 $0xAEA0  }
0x2d2: {  	[hbm4b:s8+s1] =	stream.linear.scatter [tilespmem:s31], [sflag:$0x3], $0x80, $0x38;
	[tilespmem:$0xE800] =	vst v63  }
0x2d3: {  	s8 =	sadd.s32 $0x50, s6;
	s31 =	simm.s32 $0xAF28  }
0x2d4: {  	[hbm4b:s8+s1] =	stream.linear.scatter [tilespmem:s31], [sflag:$0x3], $0x80, $0x38;
	[tilespmem:$0xE800] =	vst v63  }
0x2d5: {  	s8 =	sadd.s32 $0x60, s6;
	s31 =	simm.s32 $0xAFB0  }
0x2d6: {  	[hbm4b:s8+s1] =	stream.linear.scatter [tilespmem:s31], [sflag:$0x3], $0x80, $0x38;
	[tilespmem:$0xE800] =	vst v63  }
0x2d7: {  	s6 =	sadd.s32 $0x70, s6;
	s8 =	simm.s32 $0xB038  }
0x2d8: {  	[hbm4b:s6+s1] =	stream.linear.scatter [tilespmem:s8], [sflag:$0x3], $0x80, $0x38;
	[tilespmem:$0xE800] =	vst v63  }
0x2d9: {  	s6 =	sadd.s32 s0, s25;
	s8 =	simm.s32 $0xB0C0  }
0x2da: {  	[hbm4b:s6+s1] =	stream.linear.scatter [tilespmem:s8], [sflag:$0x3], $0x80, $0x38;
	[tilespmem:$0xE800] =	vst v63  }
0x2db: {  	s31 =	simm.s32 $0xB148;
	s8 =	sadd.s32 $0x10, s6  }
0x2dc: {  	[hbm4b:s8+s1] =	stream.linear.scatter [tilespmem:s31], [sflag:$0x3], $0x80, $0x38;
	[tilespmem:$0xE800] =	vst v63  }
0x2dd: {  	s8 =	sadd.s32 $0x20, s6;
	s31 =	simm.s32 $0xB1D0  }
0x2de: {  	[hbm4b:s8+s1] =	stream.linear.scatter [tilespmem:s31], [sflag:$0x3], $0x80, $0x38;
	[tilespmem:$0xE800] =	vst v63  }
0x2df: {  	s8 =	sadd.s32 $0x30, s6;
	s31 =	simm.s32 $0xB258  }
0x2e0: {  	[hbm4b:s8+s1] =	stream.linear.scatter [tilespmem:s31], [sflag:$0x3], $0x80, $0x38;
	[tilespmem:$0xE800] =	vst v63  }
0x2e1: {  	s8 =	sadd.s32 $0x40, s6;
	s31 =	simm.s32 $0xB2E0  }
0x2e2: {  	[hbm4b:s8+s1] =	stream.linear.scatter [tilespmem:s31], [sflag:$0x3], $0x80, $0x38;
	[tilespmem:$0xE800] =	vst v63  }
0x2e3: {  	s8 =	sadd.s32 $0x50, s6;
	s31 =	simm.s32 $0xB368  }
0x2e4: {  	[hbm4b:s8+s1] =	stream.linear.scatter [tilespmem:s31], [sflag:$0x3], $0x80, $0x38;
	[tilespmem:$0xE800] =	vst v63  }
0x2e5: {  	s8 =	sadd.s32 $0x60, s6;
	s31 =	simm.s32 $0xB3F0  }
0x2e6: {  	[hbm4b:s8+s1] =	stream.linear.scatter [tilespmem:s31], [sflag:$0x3], $0x80, $0x38;
	[tilespmem:$0xE800] =	vst v63  }
0x2e7: {  	s6 =	sadd.s32 $0x70, s6;
	s8 =	simm.s32 $0xB478  }
0x2e8: {  	[hbm4b:s6+s1] =	stream.linear.scatter [tilespmem:s8], [sflag:$0x3], $0x80, $0x38;
	[tilespmem:$0xE800] =	vst v63  }
0x2e9: {  	s6 =	sadd.s32 s0, s26;
	s8 =	simm.s32 $0xB500  }
0x2ea: {  	[hbm4b:s6+s1] =	stream.linear.scatter [tilespmem:s8], [sflag:$0x3], $0x80, $0x38;
	[tilespmem:$0xE800] =	vst v63  }
0x2eb: {  	s31 =	simm.s32 $0xB588;
	s8 =	sadd.s32 $0x10, s6  }
0x2ec: {  	[hbm4b:s8+s1] =	stream.linear.scatter [tilespmem:s31], [sflag:$0x3], $0x80, $0x38;
	[tilespmem:$0xE800] =	vst v63  }
0x2ed: {  	s8 =	sadd.s32 $0x20, s6;
	s31 =	simm.s32 $0xB610  }
0x2ee: {  	[hbm4b:s8+s1] =	stream.linear.scatter [tilespmem:s31], [sflag:$0x3], $0x80, $0x38;
	[tilespmem:$0xE800] =	vst v63  }
0x2ef: {  	s8 =	sadd.s32 $0x30, s6;
	s31 =	simm.s32 $0xB698  }
0x2f0: {  	[hbm4b:s8+s1] =	stream.linear.scatter [tilespmem:s31], [sflag:$0x3], $0x80, $0x38;
	[tilespmem:$0xE800] =	vst v63  }
0x2f1: {  	s8 =	sadd.s32 $0x40, s6;
	s31 =	simm.s32 $0xB720  }
0x2f2: {  	[hbm4b:s8+s1] =	stream.linear.scatter [tilespmem:s31], [sflag:$0x3], $0x80, $0x38;
	[tilespmem:$0xE800] =	vst v63  }
0x2f3: {  	s8 =	sadd.s32 $0x50, s6;
	s31 =	simm.s32 $0xB7A8  }
0x2f4: {  	[hbm4b:s8+s1] =	stream.linear.scatter [tilespmem:s31], [sflag:$0x3], $0x80, $0x38;
	[tilespmem:$0xE800] =	vst v63  }
0x2f5: {  	s8 =	sadd.s32 $0x60, s6;
	s31 =	simm.s32 $0xB830  }
0x2f6: {  	[hbm4b:s8+s1] =	stream.linear.scatter [tilespmem:s31], [sflag:$0x3], $0x80, $0x38;
	[tilespmem:$0xE800] =	vst v63  }
0x2f7: {  	s6 =	sadd.s32 $0x70, s6;
	s8 =	simm.s32 $0xB8B8  }
0x2f8: {  	[hbm4b:s6+s1] =	stream.linear.scatter [tilespmem:s8], [sflag:$0x3], $0x80, $0x38;
	[tilespmem:$0xE800] =	vst v63  }
0x2f9: {  	s6 =	sadd.s32 s0, s28;
	s8 =	simm.s32 $0xB940  }
0x2fa: {  	[hbm4b:s6+s1] =	stream.linear.scatter [tilespmem:s8], [sflag:$0x3], $0x80, $0x38;
	[tilespmem:$0xE800] =	vst v63  }
0x2fb: {  	s31 =	simm.s32 $0xB9C8;
	s8 =	sadd.s32 $0x10, s6  }
0x2fc: {  	[hbm4b:s8+s1] =	stream.linear.scatter [tilespmem:s31], [sflag:$0x3], $0x80, $0x38;
	[tilespmem:$0xE800] =	vst v63  }
0x2fd: {  	s8 =	sadd.s32 $0x20, s6;
	s31 =	simm.s32 $0xBA50  }
0x2fe: {  	[hbm4b:s8+s1] =	stream.linear.scatter [tilespmem:s31], [sflag:$0x3], $0x80, $0x38;
	[tilespmem:$0xE800] =	vst v63  }
0x2ff: {  	s8 =	sadd.s32 $0x30, s6;
	s31 =	simm.s32 $0xBAD8  }
0x300: {  	[hbm4b:s8+s1] =	stream.linear.scatter [tilespmem:s31], [sflag:$0x3], $0x80, $0x38;
	[tilespmem:$0xE800] =	vst v63  }
0x301: {  	s8 =	sadd.s32 $0x40, s6;
	s31 =	simm.s32 $0xBB60  }
0x302: {  	[hbm4b:s8+s1] =	stream.linear.scatter [tilespmem:s31], [sflag:$0x3], $0x80, $0x38;
	[tilespmem:$0xE800] =	vst v63  }
0x303: {  	s8 =	sadd.s32 $0x50, s6;
	s31 =	simm.s32 $0xBBE8  }
0x304: {  	[hbm4b:s8+s1] =	stream.linear.scatter [tilespmem:s31], [sflag:$0x3], $0x80, $0x38;
	[tilespmem:$0xE800] =	vst v63  }
0x305: {  	s8 =	sadd.s32 $0x60, s6;
	s31 =	simm.s32 $0xBC70  }
0x306: {  	[hbm4b:s8+s1] =	stream.linear.scatter [tilespmem:s31], [sflag:$0x3], $0x80, $0x38;
	[tilespmem:$0xE800] =	vst v63  }
0x307: {  	s6 =	sadd.s32 $0x70, s6;
	s8 =	simm.s32 $0xBCF8  }
0x308: {  	[hbm4b:s6+s1] =	stream.linear.scatter [tilespmem:s8], [sflag:$0x3], $0x80, $0x38;
	[tilespmem:$0xE800] =	vst v63  }
0x309: {  	s6 =	sadd.s32 s0, s29;
	s8 =	simm.s32 $0xBD80  }
0x30a: {  	[hbm4b:s6+s1] =	stream.linear.scatter [tilespmem:s8], [sflag:$0x3], $0x80, $0x38;
	[tilespmem:$0xE800] =	vst v63  }
0x30b: {  	s31 =	simm.s32 $0xBE08;
	s8 =	sadd.s32 $0x10, s6  }
0x30c: {  	[hbm4b:s8+s1] =	stream.linear.scatter [tilespmem:s31], [sflag:$0x3], $0x80, $0x38;
	[tilespmem:$0xE800] =	vst v63  }
0x30d: {  	s8 =	sadd.s32 $0x20, s6;
	s31 =	simm.s32 $0xBE90  }
0x30e: {  	[hbm4b:s8+s1] =	stream.linear.scatter [tilespmem:s31], [sflag:$0x3], $0x80, $0x38;
	[tilespmem:$0xE800] =	vst v63  }
0x30f: {  	s8 =	sadd.s32 $0x30, s6;
	s31 =	simm.s32 $0xBF18  }
0x310: {  	[hbm4b:s8+s1] =	stream.linear.scatter [tilespmem:s31], [sflag:$0x3], $0x80, $0x38;
	[tilespmem:$0xE800] =	vst v63  }
0x311: {  	s8 =	sadd.s32 $0x40, s6;
	s31 =	simm.s32 $0xBFA0  }
0x312: {  	[hbm4b:s8+s1] =	stream.linear.scatter [tilespmem:s31], [sflag:$0x3], $0x80, $0x38;
	[tilespmem:$0xE800] =	vst v63  }
0x313: {  	s8 =	sadd.s32 $0x50, s6;
	s31 =	simm.s32 $0xC028  }
0x314: {  	[hbm4b:s8+s1] =	stream.linear.scatter [tilespmem:s31], [sflag:$0x3], $0x80, $0x38;
	[tilespmem:$0xE800] =	vst v63  }
0x315: {  	s8 =	sadd.s32 $0x60, s6;
	s31 =	simm.s32 $0xC0B0  }
0x316: {  	[hbm4b:s8+s1] =	stream.linear.scatter [tilespmem:s31], [sflag:$0x3], $0x80, $0x38;
	[tilespmem:$0xE800] =	vst v63  }
0x317: {  	s6 =	sadd.s32 $0x70, s6;
	s8 =	simm.s32 $0xC138  }
0x318: {  	[hbm4b:s6+s1] =	stream.linear.scatter [tilespmem:s8], [sflag:$0x3], $0x80, $0x38;
	[tilespmem:$0xE800] =	vst v63  }
0x319: {  	s0 =	sadd.s32 s0, s30;
	s6 =	simm.s32 $0xC1C0  }
0x31a: {  	[hbm4b:s0+s1] =	stream.linear.scatter [tilespmem:s6], [sflag:$0x3], $0x80, $0x38;
	[tilespmem:$0xE800] =	vst v63  }
0x31b: {  	s8 =	simm.s32 $0xC248;
	s6 =	sadd.s32 $0x10, s0  }
0x31c: {  	[hbm4b:s6+s1] =	stream.linear.scatter [tilespmem:s8], [sflag:$0x3], $0x80, $0x38;
	[tilespmem:$0xE800] =	vst v63  }
0x31d: {  	s6 =	sadd.s32 $0x20, s0;
	s8 =	simm.s32 $0xC2D0  }
0x31e: {  	[hbm4b:s6+s1] =	stream.linear.scatter [tilespmem:s8], [sflag:$0x3], $0x80, $0x38;
	[tilespmem:$0xE800] =	vst v63  }
0x31f: {  	s6 =	sadd.s32 $0x30, s0;
	s8 =	simm.s32 $0xC358  }
0x320: {  	[hbm4b:s6+s1] =	stream.linear.scatter [tilespmem:s8], [sflag:$0x3], $0x80, $0x38;
	[tilespmem:$0xE800] =	vst v63  }
0x321: {  	s6 =	sadd.s32 $0x40, s0;
	s8 =	simm.s32 $0xC3E0  }
0x322: {  	[hbm4b:s6+s1] =	stream.linear.scatter [tilespmem:s8], [sflag:$0x3], $0x80, $0x38;
	[tilespmem:$0xE800] =	vst v63  }
0x323: {  	s6 =	sadd.s32 $0x50, s0;
	s8 =	simm.s32 $0xC468  }
0x324: {  	[hbm4b:s6+s1] =	stream.linear.scatter [tilespmem:s8], [sflag:$0x3], $0x80, $0x38;
	[tilespmem:$0xE800] =	vst v63  }
0x325: {  	s6 =	sadd.s32 $0x60, s0;
	s8 =	simm.s32 $0xC4F0  }
0x326: {  	[hbm4b:s6+s1] =	stream.linear.scatter [tilespmem:s8], [sflag:$0x3], $0x80, $0x38;
	[tilespmem:$0xE800] =	vst v63  }
0x327: {  	s0 =	sadd.s32 $0x70, s0;
	s6 =	simm.s32 $0xC578  }
0x328: {  	[hbm4b:s0+s1] =	stream.linear.scatter [tilespmem:s6], [sflag:$0x3], $0x80, $0x38;
	[tilespmem:$0xE800] =	vst v63  }
0x329: {  	s0 =	sadd.s32 $0x6400, s2  }
0x32a: {  	[tilespmem:s9], [sflag:$0x1] =	stream.indirect.gather [hbm4b:s4+s17], $0x40, s0, s17, $0xb8;
	[tilespmem:$0xE800] =	vst v63  }
0x32b: {  	_ =	swait.ge [sflag:s7], $0x2000  }
0x32c: {  	[sflag:s7] =	ssyncset.done $0x0  }
0x32d: {  	[sflag:s7] =	ssyncadd.s32 $0xFFFFE000  }
0x32e: {  	_ =	swait.ge [sflag:s21], $0x400  }
0x32f: {  	[sflag:s21] =	ssyncset.done $0x0  }
0x330: {  	[sflag:s21] =	ssyncadd.s32 $0xFFFFFC00  }
0x331: {  	_ =	swait.ge [sflag:s21], $0x400  }
0x332: {  	[sflag:s21] =	ssyncset.done $0x0  }
0x333: {  	[sflag:s21] =	ssyncadd.s32 $0xFFFFFC00  }
0x334: {  	_ =	swait.ge [sflag:s21], $0x400  }
0x335: {  	[sflag:s21] =	ssyncset.done $0x0  }
0x336: {  	[sflag:s21] =	ssyncadd.s32 $0xFFFFFC00  }
0x337: {  	_ =	swait.ge [sflag:s21], $0x400  }
0x338: {  	[sflag:s21] =	ssyncset.done $0x0  }
0x339: {  	[sflag:s21] =	ssyncadd.s32 $0xFFFFFC00  }
0x33a: {  	_ =	swait.ge [sflag:s21], $0x400  }
0x33b: {  	[sflag:s21] =	ssyncset.done $0x0  }
0x33c: {  	[sflag:s21] =	ssyncadd.s32 $0xFFFFFC00  }
0x33d: {  	_ =	swait.ge [sflag:s21], $0x400  }
0x33e: {  	[sflag:s21] =	ssyncset.done $0x0  }
0x33f: {  	[sflag:s21] =	ssyncadd.s32 $0xFFFFFC00  }
0x340: {  	s0 =	sadd.s32 $0x1, s22;
	_ =	swait.ge [sflag:s21], $0x400  }
0x341: {  	s2 =	sand.u32 $0x7F, s0;
	s6 =	sshll.u32 s0, $0xD;
	[sflag:s21] =	ssyncset.done $0x0  }
0x342: {  	s0 =	sshll.u32 s0, $0xA;
	s6 =	sand.u32 $0xFFF00000, s6;
	[sflag:s21] =	ssyncadd.s32 $0xFFFFFC00  }
0x343: {  	s8 =	sshll.u32 s2, $0xA;
	s2 =	sshll.u32 s2, $0x7;
	_ =	swait.ge [sflag:s21], $0x400  }
0x344: {  	s0 =	sand.u32 $0x1FFE0000, s0;
	s6 =	sor.u32 s8, s6;
	[sflag:s21] =	ssyncset.done $0x0  }
0x345: {  	s0 =	sor.u32 s2, s0;
	s6 =	sshrl.u32 s6, $0x3;
	[sflag:s21] =	ssyncadd.s32 $0xFFFFFC00  }
0x346: {  	s2 =	sadd.s32 s3, s6;
	s6 =	simm.s32 $0xC600  }
0x347: {  	[hbm4b:s2+s1] =	stream.linear.scatter [tilespmem:s6], [sflag:$0x4], $0x80, $0x38;
	[tilespmem:$0xE800] =	vst v63  }
0x348: {  	s31 =	simm.s32 $0xC688;
	s8 =	sadd.s32 $0x20, s2;
	s6 =	sadd.s32 $0x10, s2  }
0x349: {  	[hbm4b:s6+s1] =	stream.linear.scatter [tilespmem:s31], [sflag:$0x4], $0x80, $0x38;
	[tilespmem:$0xE800] =	vst v63  }
0x34a: {  	s6 =	sadd.s32 $0x30, s2;
	s31 =	simm.s32 $0xC710  }
0x34b: {  	[hbm4b:s8+s1] =	stream.linear.scatter [tilespmem:s31], [sflag:$0x4], $0x80, $0x38;
	[tilespmem:$0xE800] =	vst v63  }
0x34c: {  	s8 =	sadd.s32 $0x40, s2;
	s31 =	simm.s32 $0xC798  }
0x34d: {  	[hbm4b:s6+s1] =	stream.linear.scatter [tilespmem:s31], [sflag:$0x4], $0x80, $0x38;
	[tilespmem:$0xE800] =	vst v63  }
0x34e: {  	s6 =	sadd.s32 $0x50, s2;
	s31 =	simm.s32 $0xC820  }
0x34f: {  	[hbm4b:s8+s1] =	stream.linear.scatter [tilespmem:s31], [sflag:$0x4], $0x80, $0x38;
	[tilespmem:$0xE800] =	vst v63  }
0x350: {  	s8 =	sadd.s32 $0x60, s2;
	s31 =	simm.s32 $0xC8A8  }
0x351: {  	[hbm4b:s6+s1] =	stream.linear.scatter [tilespmem:s31], [sflag:$0x4], $0x80, $0x38;
	[tilespmem:$0xE800] =	vst v63  }
0x352: {  	s2 =	sadd.s32 $0x70, s2;
	s6 =	simm.s32 $0xC930  }
0x353: {  	[hbm4b:s8+s1] =	stream.linear.scatter [tilespmem:s6], [sflag:$0x4], $0x80, $0x38;
	[tilespmem:$0xE800] =	vst v63  }
0x354: {  	s6 =	sadd.s32 s0, s23;
	s8 =	simm.s32 $0xC9B8  }
0x355: {  	[hbm4b:s2+s1] =	stream.linear.scatter [tilespmem:s8], [sflag:$0x4], $0x80, $0x38;
	[tilespmem:$0xE800] =	vst v63  }
0x356: {  	s2 =	sadd.s32 $0x10, s6;
	s8 =	simm.s32 $0xCA40  }
0x357: {  	[hbm4b:s6+s1] =	stream.linear.scatter [tilespmem:s8], [sflag:$0x4], $0x80, $0x38;
	[tilespmem:$0xE800] =	vst v63  }
0x358: {  	s31 =	simm.s32 $0xCAC8;
	s8 =	sadd.s32 $0x20, s6  }
0x359: {  	[hbm4b:s2+s1] =	stream.linear.scatter [tilespmem:s31], [sflag:$0x4], $0x80, $0x38;
	[tilespmem:$0xE800] =	vst v63  }
0x35a: {  	s2 =	sadd.s32 $0x30, s6;
	s31 =	simm.s32 $0xCB50  }
0x35b: {  	[hbm4b:s8+s1] =	stream.linear.scatter [tilespmem:s31], [sflag:$0x4], $0x80, $0x38;
	[tilespmem:$0xE800] =	vst v63  }
0x35c: {  	s8 =	sadd.s32 $0x40, s6;
	s31 =	simm.s32 $0xCBD8  }
0x35d: {  	[hbm4b:s2+s1] =	stream.linear.scatter [tilespmem:s31], [sflag:$0x4], $0x80, $0x38;
	[tilespmem:$0xE800] =	vst v63  }
0x35e: {  	s2 =	sadd.s32 $0x50, s6;
	s31 =	simm.s32 $0xCC60  }
0x35f: {  	[hbm4b:s8+s1] =	stream.linear.scatter [tilespmem:s31], [sflag:$0x4], $0x80, $0x38;
	[tilespmem:$0xE800] =	vst v63  }
0x360: {  	s8 =	sadd.s32 $0x60, s6;
	s31 =	simm.s32 $0xCCE8  }
0x361: {  	[hbm4b:s2+s1] =	stream.linear.scatter [tilespmem:s31], [sflag:$0x4], $0x80, $0x38;
	[tilespmem:$0xE800] =	vst v63  }
0x362: {  	s2 =	sadd.s32 $0x70, s6;
	s6 =	simm.s32 $0xCD70  }
0x363: {  	[hbm4b:s8+s1] =	stream.linear.scatter [tilespmem:s6], [sflag:$0x4], $0x80, $0x38;
	[tilespmem:$0xE800] =	vst v63  }
0x364: {  	s6 =	sadd.s32 s0, s24;
	s8 =	simm.s32 $0xCDF8  }
0x365: {  	[hbm4b:s2+s1] =	stream.linear.scatter [tilespmem:s8], [sflag:$0x4], $0x80, $0x38;
	[tilespmem:$0xE800] =	vst v63  }
0x366: {  	s2 =	sadd.s32 $0x10, s6;
	s8 =	simm.s32 $0xCE80  }
0x367: {  	[hbm4b:s6+s1] =	stream.linear.scatter [tilespmem:s8], [sflag:$0x4], $0x80, $0x38;
	[tilespmem:$0xE800] =	vst v63  }
0x368: {  	s31 =	simm.s32 $0xCF08;
	s8 =	sadd.s32 $0x20, s6  }
0x369: {  	[hbm4b:s2+s1] =	stream.linear.scatter [tilespmem:s31], [sflag:$0x4], $0x80, $0x38;
	[tilespmem:$0xE800] =	vst v63  }
0x36a: {  	s2 =	sadd.s32 $0x30, s6;
	s31 =	simm.s32 $0xCF90  }
0x36b: {  	[hbm4b:s8+s1] =	stream.linear.scatter [tilespmem:s31], [sflag:$0x4], $0x80, $0x38;
	[tilespmem:$0xE800] =	vst v63  }
0x36c: {  	s8 =	sadd.s32 $0x40, s6;
	s31 =	simm.s32 $0xD018  }
0x36d: {  	[hbm4b:s2+s1] =	stream.linear.scatter [tilespmem:s31], [sflag:$0x4], $0x80, $0x38;
	[tilespmem:$0xE800] =	vst v63  }
0x36e: {  	s2 =	sadd.s32 $0x50, s6;
	s31 =	simm.s32 $0xD0A0  }
0x36f: {  	[hbm4b:s8+s1] =	stream.linear.scatter [tilespmem:s31], [sflag:$0x4], $0x80, $0x38;
	[tilespmem:$0xE800] =	vst v63  }
0x370: {  	s8 =	sadd.s32 $0x60, s6;
	s31 =	simm.s32 $0xD128  }
0x371: {  	[hbm4b:s2+s1] =	stream.linear.scatter [tilespmem:s31], [sflag:$0x4], $0x80, $0x38;
	[tilespmem:$0xE800] =	vst v63  }
0x372: {  	s2 =	sadd.s32 $0x70, s6;
	s6 =	simm.s32 $0xD1B0  }
0x373: {  	[hbm4b:s8+s1] =	stream.linear.scatter [tilespmem:s6], [sflag:$0x4], $0x80, $0x38;
	[tilespmem:$0xE800] =	vst v63  }
0x374: {  	s6 =	sadd.s32 s0, s25;
	s8 =	simm.s32 $0xD238  }
0x375: {  	[hbm4b:s2+s1] =	stream.linear.scatter [tilespmem:s8], [sflag:$0x4], $0x80, $0x38;
	[tilespmem:$0xE800] =	vst v63  }
0x376: {  	s2 =	sadd.s32 $0x10, s6;
	s8 =	simm.s32 $0xD2C0  }
0x377: {  	[hbm4b:s6+s1] =	stream.linear.scatter [tilespmem:s8], [sflag:$0x4], $0x80, $0x38;
	[tilespmem:$0xE800] =	vst v63  }
0x378: {  	s31 =	simm.s32 $0xD348;
	s8 =	sadd.s32 $0x20, s6  }
0x379: {  	[hbm4b:s2+s1] =	stream.linear.scatter [tilespmem:s31], [sflag:$0x4], $0x80, $0x38;
	[tilespmem:$0xE800] =	vst v63  }
0x37a: {  	s2 =	sadd.s32 $0x30, s6;
	s31 =	simm.s32 $0xD3D0  }
0x37b: {  	[hbm4b:s8+s1] =	stream.linear.scatter [tilespmem:s31], [sflag:$0x4], $0x80, $0x38;
	[tilespmem:$0xE800] =	vst v63  }
0x37c: {  	s8 =	sadd.s32 $0x40, s6;
	s31 =	simm.s32 $0xD458  }
0x37d: {  	[hbm4b:s2+s1] =	stream.linear.scatter [tilespmem:s31], [sflag:$0x4], $0x80, $0x38;
	[tilespmem:$0xE800] =	vst v63  }
0x37e: {  	s2 =	sadd.s32 $0x50, s6;
	s31 =	simm.s32 $0xD4E0  }
0x37f: {  	[hbm4b:s8+s1] =	stream.linear.scatter [tilespmem:s31], [sflag:$0x4], $0x80, $0x38;
	[tilespmem:$0xE800] =	vst v63  }
0x380: {  	s8 =	sadd.s32 $0x60, s6;
	s31 =	simm.s32 $0xD568  }
0x381: {  	[hbm4b:s2+s1] =	stream.linear.scatter [tilespmem:s31], [sflag:$0x4], $0x80, $0x38;
	[tilespmem:$0xE800] =	vst v63  }
0x382: {  	s2 =	sadd.s32 $0x70, s6;
	s6 =	simm.s32 $0xD5F0  }
0x383: {  	[hbm4b:s8+s1] =	stream.linear.scatter [tilespmem:s6], [sflag:$0x4], $0x80, $0x38;
	[tilespmem:$0xE800] =	vst v63  }
0x384: {  	s6 =	sadd.s32 s0, s26;
	s8 =	simm.s32 $0xD678  }
0x385: {  	[hbm4b:s2+s1] =	stream.linear.scatter [tilespmem:s8], [sflag:$0x4], $0x80, $0x38;
	[tilespmem:$0xE800] =	vst v63  }
0x386: {  	s2 =	sadd.s32 $0x10, s6;
	s8 =	simm.s32 $0xD700  }
0x387: {  	[hbm4b:s6+s1] =	stream.linear.scatter [tilespmem:s8], [sflag:$0x4], $0x80, $0x38;
	[tilespmem:$0xE800] =	vst v63  }
0x388: {  	s31 =	simm.s32 $0xD788;
	s8 =	sadd.s32 $0x20, s6  }
0x389: {  	[hbm4b:s2+s1] =	stream.linear.scatter [tilespmem:s31], [sflag:$0x4], $0x80, $0x38;
	[tilespmem:$0xE800] =	vst v63  }
0x38a: {  	s2 =	sadd.s32 $0x30, s6;
	s31 =	simm.s32 $0xD810  }
0x38b: {  	[hbm4b:s8+s1] =	stream.linear.scatter [tilespmem:s31], [sflag:$0x4], $0x80, $0x38;
	[tilespmem:$0xE800] =	vst v63  }
0x38c: {  	s8 =	sadd.s32 $0x40, s6;
	s31 =	simm.s32 $0xD898  }
0x38d: {  	[hbm4b:s2+s1] =	stream.linear.scatter [tilespmem:s31], [sflag:$0x4], $0x80, $0x38;
	[tilespmem:$0xE800] =	vst v63  }
0x38e: {  	s2 =	sadd.s32 $0x50, s6;
	s31 =	simm.s32 $0xD920  }
0x38f: {  	[hbm4b:s8+s1] =	stream.linear.scatter [tilespmem:s31], [sflag:$0x4], $0x80, $0x38;
	[tilespmem:$0xE800] =	vst v63  }
0x390: {  	s8 =	sadd.s32 $0x60, s6;
	s31 =	simm.s32 $0xD9A8  }
0x391: {  	[hbm4b:s2+s1] =	stream.linear.scatter [tilespmem:s31], [sflag:$0x4], $0x80, $0x38;
	[tilespmem:$0xE800] =	vst v63  }
0x392: {  	s2 =	sadd.s32 $0x70, s6;
	s6 =	simm.s32 $0xDA30  }
0x393: {  	[hbm4b:s8+s1] =	stream.linear.scatter [tilespmem:s6], [sflag:$0x4], $0x80, $0x38;
	[tilespmem:$0xE800] =	vst v63  }
0x394: {  	s6 =	sadd.s32 s0, s28;
	s8 =	simm.s32 $0xDAB8  }
0x395: {  	[hbm4b:s2+s1] =	stream.linear.scatter [tilespmem:s8], [sflag:$0x4], $0x80, $0x38;
	[tilespmem:$0xE800] =	vst v63  }
0x396: {  	s2 =	sadd.s32 $0x10, s6;
	s8 =	simm.s32 $0xDB40  }
0x397: {  	[hbm4b:s6+s1] =	stream.linear.scatter [tilespmem:s8], [sflag:$0x4], $0x80, $0x38;
	[tilespmem:$0xE800] =	vst v63  }
0x398: {  	s31 =	simm.s32 $0xDBC8;
	s8 =	sadd.s32 $0x20, s6  }
0x399: {  	[hbm4b:s2+s1] =	stream.linear.scatter [tilespmem:s31], [sflag:$0x4], $0x80, $0x38;
	[tilespmem:$0xE800] =	vst v63  }
0x39a: {  	s2 =	sadd.s32 $0x30, s6;
	s31 =	simm.s32 $0xDC50  }
0x39b: {  	[hbm4b:s8+s1] =	stream.linear.scatter [tilespmem:s31], [sflag:$0x4], $0x80, $0x38;
	[tilespmem:$0xE800] =	vst v63  }
0x39c: {  	s8 =	sadd.s32 $0x40, s6;
	s31 =	simm.s32 $0xDCD8  }
0x39d: {  	[hbm4b:s2+s1] =	stream.linear.scatter [tilespmem:s31], [sflag:$0x4], $0x80, $0x38;
	[tilespmem:$0xE800] =	vst v63  }
0x39e: {  	s2 =	sadd.s32 $0x50, s6;
	s31 =	simm.s32 $0xDD60  }
0x39f: {  	[hbm4b:s8+s1] =	stream.linear.scatter [tilespmem:s31], [sflag:$0x4], $0x80, $0x38;
	[tilespmem:$0xE800] =	vst v63  }
0x3a0: {  	s8 =	sadd.s32 $0x60, s6;
	s31 =	simm.s32 $0xDDE8  }
0x3a1: {  	[hbm4b:s2+s1] =	stream.linear.scatter [tilespmem:s31], [sflag:$0x4], $0x80, $0x38;
	[tilespmem:$0xE800] =	vst v63  }
0x3a2: {  	s2 =	sadd.s32 $0x70, s6;
	s6 =	simm.s32 $0xDE70  }
0x3a3: {  	[hbm4b:s8+s1] =	stream.linear.scatter [tilespmem:s6], [sflag:$0x4], $0x80, $0x38;
	[tilespmem:$0xE800] =	vst v63  }
0x3a4: {  	s6 =	sadd.s32 s0, s29;
	s8 =	simm.s32 $0xDEF8  }
0x3a5: {  	[hbm4b:s2+s1] =	stream.linear.scatter [tilespmem:s8], [sflag:$0x4], $0x80, $0x38;
	[tilespmem:$0xE800] =	vst v63  }
0x3a6: {  	s2 =	sadd.s32 $0x10, s6;
	s8 =	simm.s32 $0xDF80  }
0x3a7: {  	[hbm4b:s6+s1] =	stream.linear.scatter [tilespmem:s8], [sflag:$0x4], $0x80, $0x38;
	[tilespmem:$0xE800] =	vst v63  }
0x3a8: {  	s31 =	simm.s32 $0xE008;
	s8 =	sadd.s32 $0x20, s6  }
0x3a9: {  	[hbm4b:s2+s1] =	stream.linear.scatter [tilespmem:s31], [sflag:$0x4], $0x80, $0x38;
	[tilespmem:$0xE800] =	vst v63  }
0x3aa: {  	s2 =	sadd.s32 $0x30, s6;
	s31 =	simm.s32 $0xE090  }
0x3ab: {  	[hbm4b:s8+s1] =	stream.linear.scatter [tilespmem:s31], [sflag:$0x4], $0x80, $0x38;
	[tilespmem:$0xE800] =	vst v63  }
0x3ac: {  	s8 =	sadd.s32 $0x40, s6;
	s31 =	simm.s32 $0xE118  }
0x3ad: {  	[hbm4b:s2+s1] =	stream.linear.scatter [tilespmem:s31], [sflag:$0x4], $0x80, $0x38;
	[tilespmem:$0xE800] =	vst v63  }
0x3ae: {  	s2 =	sadd.s32 $0x50, s6;
	s31 =	simm.s32 $0xE1A0  }
0x3af: {  	[hbm4b:s8+s1] =	stream.linear.scatter [tilespmem:s31], [sflag:$0x4], $0x80, $0x38;
	[tilespmem:$0xE800] =	vst v63  }
0x3b0: {  	s8 =	sadd.s32 $0x60, s6;
	s31 =	simm.s32 $0xE228  }
0x3b1: {  	[hbm4b:s2+s1] =	stream.linear.scatter [tilespmem:s31], [sflag:$0x4], $0x80, $0x38;
	[tilespmem:$0xE800] =	vst v63  }
0x3b2: {  	s2 =	sadd.s32 $0x70, s6;
	s6 =	simm.s32 $0xE2B0  }
0x3b3: {  	[hbm4b:s8+s1] =	stream.linear.scatter [tilespmem:s6], [sflag:$0x4], $0x80, $0x38;
	[tilespmem:$0xE800] =	vst v63  }
0x3b4: {  	s0 =	sadd.s32 s0, s30;
	s6 =	simm.s32 $0xE338  }
0x3b5: {  	[hbm4b:s2+s1] =	stream.linear.scatter [tilespmem:s6], [sflag:$0x4], $0x80, $0x38;
	[tilespmem:$0xE800] =	vst v63  }
0x3b6: {  	s2 =	sadd.s32 $0x10, s0  }
0x3b7: {  	[hbm4b:s0+s1] =	stream.linear.scatter [tilespmem:s10], [sflag:$0x4], $0x80, $0x38;
	[tilespmem:$0xE800] =	vst v63  }
0x3b8: {  	s6 =	sadd.s32 $0x20, s0  }
0x3b9: {  	[hbm4b:s2+s1] =	stream.linear.scatter [tilespmem:s11], [sflag:$0x4], $0x80, $0x38;
	[tilespmem:$0xE800] =	vst v63  }
0x3ba: {  	s2 =	sadd.s32 $0x30, s0  }
0x3bb: {  	[hbm4b:s6+s1] =	stream.linear.scatter [tilespmem:s12], [sflag:$0x4], $0x80, $0x38;
	[tilespmem:$0xE800] =	vst v63  }
0x3bc: {  	s6 =	sadd.s32 $0x40, s0  }
0x3bd: {  	[hbm4b:s2+s1] =	stream.linear.scatter [tilespmem:s13], [sflag:$0x4], $0x80, $0x38;
	[tilespmem:$0xE800] =	vst v63  }
0x3be: {  	s2 =	sadd.s32 $0x50, s0  }
0x3bf: {  	[hbm4b:s6+s1] =	stream.linear.scatter [tilespmem:s14], [sflag:$0x4], $0x80, $0x38;
	[tilespmem:$0xE800] =	vst v63  }
.Ltmp0:
0x3c0: {  	_ = 	snop;
	(pc) =	sbr.rel @p0 .LBB2_2-.Ltmp0, $4  }
0x3c1: {  	s6 =	sadd.s32 $0x60, s0  }
0x3c2: {  	[hbm4b:s2+s1] =	stream.linear.scatter [tilespmem:s15], [sflag:$0x4], $0x80, $0x38;
	[tilespmem:$0xE800] =	vst v63  }
0x3c3: {  	s31 =	smov.u32 s5;
	s0 =	sadd.s32 $0x70, s0  }
0x3c4: {  	[hbm4b:s6+s1] =	stream.linear.scatter [tilespmem:s16], [sflag:$0x4], $0x80, $0x38;
	[tilespmem:$0xE800] =	vst v63  }
0x3c5: {  	s6 =	simm.s32 $0xE778  }
0x3c6: {  	[hbm4b:s0+s1] =	stream.linear.scatter [tilespmem:s6], [sflag:$0x4], $0x80, $0x38;
	[tilespmem:$0xE800] =	vst v63  }
0x3c7: {  	s31 =	simm.s32 $0x8400;
	s2 =	simm.s32 $0x6380  }
0x3c8: {  	[tilespmem:s31], [sflag:$0x2] =	stream.indirect.gather [hbm4b:s4+s17], $0x40, s2, s17, $0xb8;
	[tilespmem:$0xE800] =	vst v63  }
0x3c9: {  	_ =	swait.ge [sflag:s20], $0x2000  }
0x3ca: {  	[sflag:s20] =	ssyncset.done $0x0  }
0x3cb: {  	[sflag:s20] =	ssyncadd.s32 $0xFFFFE000  }
0x3cc: {  	_ =	swait.ge [sflag:s19], $0x400  }
0x3cd: {  	[sflag:s19] =	ssyncset.done $0x0  }
0x3ce: {  	[sflag:s19] =	ssyncadd.s32 $0xFFFFFC00  }
0x3cf: {  	_ =	swait.ge [sflag:s19], $0x400  }
0x3d0: {  	[sflag:s19] =	ssyncset.done $0x0  }
0x3d1: {  	[sflag:s19] =	ssyncadd.s32 $0xFFFFFC00  }
0x3d2: {  	_ =	swait.ge [sflag:s19], $0x400  }
0x3d3: {  	[sflag:s19] =	ssyncset.done $0x0  }
0x3d4: {  	[sflag:s19] =	ssyncadd.s32 $0xFFFFFC00  }
0x3d5: {  	_ =	swait.ge [sflag:s19], $0x400  }
0x3d6: {  	[sflag:s19] =	ssyncset.done $0x0  }
0x3d7: {  	[sflag:s19] =	ssyncadd.s32 $0xFFFFFC00  }
0x3d8: {  	_ =	swait.ge [sflag:s19], $0x400  }
0x3d9: {  	[sflag:s19] =	ssyncset.done $0x0  }
0x3da: {  	[sflag:s19] =	ssyncadd.s32 $0xFFFFFC00  }
0x3db: {  	_ =	swait.ge [sflag:s19], $0x400  }
0x3dc: {  	[sflag:s19] =	ssyncset.done $0x0  }
0x3dd: {  	[sflag:s19] =	ssyncadd.s32 $0xFFFFFC00  }
0x3de: {  	_ =	swait.ge [sflag:s19], $0x400  }
0x3df: {  	[sflag:s19] =	ssyncset.done $0x0  }
0x3e0: {  	[sflag:s19] =	ssyncadd.s32 $0xFFFFFC00  }
0x3e1: {  	_ =	swait.ge [sflag:s19], $0x400  }
0x3e2: {  	[sflag:s19] =	ssyncset.done $0x0  }
0x3e3: {  	s5 =	simm.s32 $0xA400;
	s2 =	rddreg [dreg:$0x14];
	[sflag:s19] =	ssyncadd.s32 $0xFFFFFC00  }
0x3e4: {  	[hbm4b:s2+s1] =	stream.linear.scatter [tilespmem:s5], [sflag:$0x3], $0x80, $0x38;
	[tilespmem:$0xE800] =	vst v63  }
0x3e5: {  	s8 =	sadd.s32 $0x10, s2;
	s5 =	simm.s32 $0xA488  }
0x3e6: {  	[hbm4b:s8+s1] =	stream.linear.scatter [tilespmem:s5], [sflag:$0x3], $0x80, $0x38;
	[tilespmem:$0xE800] =	vst v63  }
0x3e7: {  	s18 =	simm.s32 $0xA510;
	s9 =	sadd.s32 $0x20, s2  }
0x3e8: {  	[hbm4b:s9+s1] =	stream.linear.scatter [tilespmem:s18], [sflag:$0x3], $0x80, $0x38;
	[tilespmem:$0xE800] =	vst v63  }
0x3e9: {  	s31 =	simm.s32 $0xA598;
	s22 =	sadd.s32 $0x30, s2  }
0x3ea: {  	[hbm4b:s22+s1] =	stream.linear.scatter [tilespmem:s31], [sflag:$0x3], $0x80, $0x38;
	[tilespmem:$0xE800] =	vst v63  }
0x3eb: {  	s5 =	sadd.s32 $0x40, s2;
	s8 =	simm.s32 $0xA620  }
0x3ec: {  	[hbm4b:s5+s1] =	stream.linear.scatter [tilespmem:s8], [sflag:$0x3], $0x80, $0x38;
	[tilespmem:$0xE800] =	vst v63  }
0x3ed: {  	s9 =	sadd.s32 $0x50, s2;
	s18 =	simm.s32 $0xA6A8  }
0x3ee: {  	[hbm4b:s9+s1] =	stream.linear.scatter [tilespmem:s18], [sflag:$0x3], $0x80, $0x38;
	[tilespmem:$0xE800] =	vst v63  }
0x3ef: {  	s22 =	sadd.s32 $0x60, s2;
	s31 =	simm.s32 $0xA730  }
0x3f0: {  	[hbm4b:s22+s1] =	stream.linear.scatter [tilespmem:s31], [sflag:$0x3], $0x80, $0x38;
	[tilespmem:$0xE800] =	vst v63  }
0x3f1: {  	s2 =	sadd.s32 $0x70, s2;
	s5 =	simm.s32 $0xA7B8  }
0x3f2: {  	[hbm4b:s2+s1] =	stream.linear.scatter [tilespmem:s5], [sflag:$0x3], $0x80, $0x38;
	[tilespmem:$0xE800] =	vst v63  }
0x3f3: {  	s8 =	simm.s32 $0xA840;
	s2 =	rddreg [dreg:$0x15]  }
0x3f4: {  	[hbm4b:s2+s1] =	stream.linear.scatter [tilespmem:s8], [sflag:$0x3], $0x80, $0x38;
	[tilespmem:$0xE800] =	vst v63  }
0x3f5: {  	s18 =	simm.s32 $0xA8C8;
	s9 =	sadd.s32 $0x10, s2  }
0x3f6: {  	[hbm4b:s9+s1] =	stream.linear.scatter [tilespmem:s18], [sflag:$0x3], $0x80, $0x38;
	[tilespmem:$0xE800] =	vst v63  }
0x3f7: {  	s31 =	simm.s32 $0xA950;
	s22 =	sadd.s32 $0x20, s2  }
0x3f8: {  	[hbm4b:s22+s1] =	stream.linear.scatter [tilespmem:s31], [sflag:$0x3], $0x80, $0x38;
	[tilespmem:$0xE800] =	vst v63  }
0x3f9: {  	s5 =	sadd.s32 $0x30, s2;
	s8 =	simm.s32 $0xA9D8  }
0x3fa: {  	[hbm4b:s5+s1] =	stream.linear.scatter [tilespmem:s8], [sflag:$0x3], $0x80, $0x38;
	[tilespmem:$0xE800] =	vst v63  }
0x3fb: {  	s9 =	sadd.s32 $0x40, s2;
	s18 =	simm.s32 $0xAA60  }
0x3fc: {  	[hbm4b:s9+s1] =	stream.linear.scatter [tilespmem:s18], [sflag:$0x3], $0x80, $0x38;
	[tilespmem:$0xE800] =	vst v63  }
0x3fd: {  	s22 =	sadd.s32 $0x50, s2;
	s31 =	simm.s32 $0xAAE8  }
0x3fe: {  	[hbm4b:s22+s1] =	stream.linear.scatter [tilespmem:s31], [sflag:$0x3], $0x80, $0x38;
	[tilespmem:$0xE800] =	vst v63  }
0x3ff: {  	s8 =	sadd.s32 $0x60, s2;
	s9 =	simm.s32 $0xAB70  }
0x400: {  	[hbm4b:s8+s1] =	stream.linear.scatter [tilespmem:s9], [sflag:$0x3], $0x80, $0x38;
	[tilespmem:$0xE800] =	vst v63  }
0x401: {  	s18 =	sadd.s32 $0x70, s2;
	s22 =	simm.s32 $0xABF8  }
0x402: {  	[hbm4b:s18+s1] =	stream.linear.scatter [tilespmem:s22], [sflag:$0x3], $0x80, $0x38;
	[tilespmem:$0xE800] =	vst v63  }
0x403: {  	s2 =	rddreg [dreg:$0x16];
	s31 =	simm.s32 $0xAC80  }
0x404: {  	[hbm4b:s2+s1] =	stream.linear.scatter [tilespmem:s31], [sflag:$0x3], $0x80, $0x38;
	[tilespmem:$0xE800] =	vst v63  }
0x405: {  	s5 =	sadd.s32 $0x10, s2;
	s8 =	simm.s32 $0xAD08  }
0x406: {  	[hbm4b:s5+s1] =	stream.linear.scatter [tilespmem:s8], [sflag:$0x3], $0x80, $0x38;
	[tilespmem:$0xE800] =	vst v63  }
0x407: {  	s9 =	sadd.s32 $0x20, s2;
	s18 =	simm.s32 $0xAD90  }
0x408: {  	[hbm4b:s9+s1] =	stream.linear.scatter [tilespmem:s18], [sflag:$0x3], $0x80, $0x38;
	[tilespmem:$0xE800] =	vst v63  }
0x409: {  	s22 =	sadd.s32 $0x30, s2;
	s31 =	simm.s32 $0xAE18  }
0x40a: {  	[hbm4b:s22+s1] =	stream.linear.scatter [tilespmem:s31], [sflag:$0x3], $0x80, $0x38;
	[tilespmem:$0xE800] =	vst v63  }
0x40b: {  	s5 =	sadd.s32 $0x40, s2;
	s8 =	simm.s32 $0xAEA0  }
0x40c: {  	[hbm4b:s5+s1] =	stream.linear.scatter [tilespmem:s8], [sflag:$0x3], $0x80, $0x38;
	[tilespmem:$0xE800] =	vst v63  }
0x40d: {  	s9 =	sadd.s32 $0x50, s2;
	s18 =	simm.s32 $0xAF28  }
0x40e: {  	[hbm4b:s9+s1] =	stream.linear.scatter [tilespmem:s18], [sflag:$0x3], $0x80, $0x38;
	[tilespmem:$0xE800] =	vst v63  }
0x40f: {  	s22 =	sadd.s32 $0x60, s2;
	s31 =	simm.s32 $0xAFB0  }
0x410: {  	[hbm4b:s22+s1] =	stream.linear.scatter [tilespmem:s31], [sflag:$0x3], $0x80, $0x38;
	[tilespmem:$0xE800] =	vst v63  }
0x411: {  	s2 =	sadd.s32 $0x70, s2;
	s5 =	simm.s32 $0xB038  }
0x412: {  	[hbm4b:s2+s1] =	stream.linear.scatter [tilespmem:s5], [sflag:$0x3], $0x80, $0x38;
	[tilespmem:$0xE800] =	vst v63  }
0x413: {  	s8 =	simm.s32 $0xB0C0;
	s2 =	rddreg [dreg:$0x17]  }
0x414: {  	[hbm4b:s2+s1] =	stream.linear.scatter [tilespmem:s8], [sflag:$0x3], $0x80, $0x38;
	[tilespmem:$0xE800] =	vst v63  }
0x415: {  	s18 =	simm.s32 $0xB148;
	s9 =	sadd.s32 $0x10, s2  }
0x416: {  	[hbm4b:s9+s1] =	stream.linear.scatter [tilespmem:s18], [sflag:$0x3], $0x80, $0x38;
	[tilespmem:$0xE800] =	vst v63  }
0x417: {  	s31 =	simm.s32 $0xB1D0;
	s22 =	sadd.s32 $0x20, s2  }
0x418: {  	[hbm4b:s22+s1] =	stream.linear.scatter [tilespmem:s31], [sflag:$0x3], $0x80, $0x38;
	[tilespmem:$0xE800] =	vst v63  }
0x419: {  	s5 =	sadd.s32 $0x30, s2;
	s8 =	simm.s32 $0xB258  }
0x41a: {  	[hbm4b:s5+s1] =	stream.linear.scatter [tilespmem:s8], [sflag:$0x3], $0x80, $0x38;
	[tilespmem:$0xE800] =	vst v63  }
0x41b: {  	s9 =	sadd.s32 $0x40, s2;
	s18 =	simm.s32 $0xB2E0  }
0x41c: {  	[hbm4b:s9+s1] =	stream.linear.scatter [tilespmem:s18], [sflag:$0x3], $0x80, $0x38;
	[tilespmem:$0xE800] =	vst v63  }
0x41d: {  	s22 =	sadd.s32 $0x50, s2;
	s31 =	simm.s32 $0xB368  }
0x41e: {  	[hbm4b:s22+s1] =	stream.linear.scatter [tilespmem:s31], [sflag:$0x3], $0x80, $0x38;
	[tilespmem:$0xE800] =	vst v63  }
0x41f: {  	s8 =	sadd.s32 $0x60, s2;
	s9 =	simm.s32 $0xB3F0  }
0x420: {  	[hbm4b:s8+s1] =	stream.linear.scatter [tilespmem:s9], [sflag:$0x3], $0x80, $0x38;
	[tilespmem:$0xE800] =	vst v63  }
0x421: {  	s18 =	sadd.s32 $0x70, s2;
	s22 =	simm.s32 $0xB478  }
0x422: {  	[hbm4b:s18+s1] =	stream.linear.scatter [tilespmem:s22], [sflag:$0x3], $0x80, $0x38;
	[tilespmem:$0xE800] =	vst v63  }
0x423: {  	s2 =	rddreg [dreg:$0x18];
	s31 =	simm.s32 $0xB500  }
0x424: {  	[hbm4b:s2+s1] =	stream.linear.scatter [tilespmem:s31], [sflag:$0x3], $0x80, $0x38;
	[tilespmem:$0xE800] =	vst v63  }
0x425: {  	s5 =	sadd.s32 $0x10, s2;
	s8 =	simm.s32 $0xB588  }
0x426: {  	[hbm4b:s5+s1] =	stream.linear.scatter [tilespmem:s8], [sflag:$0x3], $0x80, $0x38;
	[tilespmem:$0xE800] =	vst v63  }
0x427: {  	s9 =	sadd.s32 $0x20, s2;
	s18 =	simm.s32 $0xB610  }
0x428: {  	[hbm4b:s9+s1] =	stream.linear.scatter [tilespmem:s18], [sflag:$0x3], $0x80, $0x38;
	[tilespmem:$0xE800] =	vst v63  }
0x429: {  	s22 =	sadd.s32 $0x30, s2;
	s31 =	simm.s32 $0xB698  }
0x42a: {  	[hbm4b:s22+s1] =	stream.linear.scatter [tilespmem:s31], [sflag:$0x3], $0x80, $0x38;
	[tilespmem:$0xE800] =	vst v63  }
0x42b: {  	s5 =	sadd.s32 $0x40, s2;
	s8 =	simm.s32 $0xB720  }
0x42c: {  	[hbm4b:s5+s1] =	stream.linear.scatter [tilespmem:s8], [sflag:$0x3], $0x80, $0x38;
	[tilespmem:$0xE800] =	vst v63  }
0x42d: {  	s9 =	sadd.s32 $0x50, s2;
	s18 =	simm.s32 $0xB7A8  }
0x42e: {  	[hbm4b:s9+s1] =	stream.linear.scatter [tilespmem:s18], [sflag:$0x3], $0x80, $0x38;
	[tilespmem:$0xE800] =	vst v63  }
0x42f: {  	s22 =	sadd.s32 $0x60, s2;
	s31 =	simm.s32 $0xB830  }
0x430: {  	[hbm4b:s22+s1] =	stream.linear.scatter [tilespmem:s31], [sflag:$0x3], $0x80, $0x38;
	[tilespmem:$0xE800] =	vst v63  }
0x431: {  	s2 =	sadd.s32 $0x70, s2;
	s5 =	simm.s32 $0xB8B8  }
0x432: {  	[hbm4b:s2+s1] =	stream.linear.scatter [tilespmem:s5], [sflag:$0x3], $0x80, $0x38;
	[tilespmem:$0xE800] =	vst v63  }
0x433: {  	s8 =	simm.s32 $0xB940;
	s2 =	rddreg [dreg:$0x19]  }
0x434: {  	[hbm4b:s2+s1] =	stream.linear.scatter [tilespmem:s8], [sflag:$0x3], $0x80, $0x38;
	[tilespmem:$0xE800] =	vst v63  }
0x435: {  	s18 =	simm.s32 $0xB9C8;
	s9 =	sadd.s32 $0x10, s2  }
0x436: {  	[hbm4b:s9+s1] =	stream.linear.scatter [tilespmem:s18], [sflag:$0x3], $0x80, $0x38;
	[tilespmem:$0xE800] =	vst v63  }
0x437: {  	s31 =	simm.s32 $0xBA50;
	s22 =	sadd.s32 $0x20, s2  }
0x438: {  	[hbm4b:s22+s1] =	stream.linear.scatter [tilespmem:s31], [sflag:$0x3], $0x80, $0x38;
	[tilespmem:$0xE800] =	vst v63  }
0x439: {  	s5 =	sadd.s32 $0x30, s2;
	s8 =	simm.s32 $0xBAD8  }
0x43a: {  	[hbm4b:s5+s1] =	stream.linear.scatter [tilespmem:s8], [sflag:$0x3], $0x80, $0x38;
	[tilespmem:$0xE800] =	vst v63  }
0x43b: {  	s9 =	sadd.s32 $0x40, s2;
	s18 =	simm.s32 $0xBB60  }
0x43c: {  	[hbm4b:s9+s1] =	stream.linear.scatter [tilespmem:s18], [sflag:$0x3], $0x80, $0x38;
	[tilespmem:$0xE800] =	vst v63  }
0x43d: {  	s22 =	sadd.s32 $0x50, s2;
	s31 =	simm.s32 $0xBBE8  }
0x43e: {  	[hbm4b:s22+s1] =	stream.linear.scatter [tilespmem:s31], [sflag:$0x3], $0x80, $0x38;
	[tilespmem:$0xE800] =	vst v63  }
0x43f: {  	s8 =	sadd.s32 $0x60, s2;
	s9 =	simm.s32 $0xBC70  }
0x440: {  	[hbm4b:s8+s1] =	stream.linear.scatter [tilespmem:s9], [sflag:$0x3], $0x80, $0x38;
	[tilespmem:$0xE800] =	vst v63  }
0x441: {  	s18 =	sadd.s32 $0x70, s2;
	s22 =	simm.s32 $0xBCF8  }
0x442: {  	[hbm4b:s18+s1] =	stream.linear.scatter [tilespmem:s22], [sflag:$0x3], $0x80, $0x38;
	[tilespmem:$0xE800] =	vst v63  }
0x443: {  	s2 =	rddreg [dreg:$0x1a];
	s31 =	simm.s32 $0xBD80  }
0x444: {  	[hbm4b:s2+s1] =	stream.linear.scatter [tilespmem:s31], [sflag:$0x3], $0x80, $0x38;
	[tilespmem:$0xE800] =	vst v63  }
0x445: {  	s5 =	sadd.s32 $0x10, s2;
	s8 =	simm.s32 $0xBE08  }
0x446: {  	[hbm4b:s5+s1] =	stream.linear.scatter [tilespmem:s8], [sflag:$0x3], $0x80, $0x38;
	[tilespmem:$0xE800] =	vst v63  }
0x447: {  	s9 =	sadd.s32 $0x20, s2;
	s18 =	simm.s32 $0xBE90  }
0x448: {  	[hbm4b:s9+s1] =	stream.linear.scatter [tilespmem:s18], [sflag:$0x3], $0x80, $0x38;
	[tilespmem:$0xE800] =	vst v63  }
0x449: {  	s22 =	sadd.s32 $0x30, s2;
	s31 =	simm.s32 $0xBF18  }
0x44a: {  	[hbm4b:s22+s1] =	stream.linear.scatter [tilespmem:s31], [sflag:$0x3], $0x80, $0x38;
	[tilespmem:$0xE800] =	vst v63  }
0x44b: {  	s5 =	sadd.s32 $0x40, s2;
	s8 =	simm.s32 $0xBFA0  }
0x44c: {  	[hbm4b:s5+s1] =	stream.linear.scatter [tilespmem:s8], [sflag:$0x3], $0x80, $0x38;
	[tilespmem:$0xE800] =	vst v63  }
0x44d: {  	s9 =	sadd.s32 $0x50, s2;
	s18 =	simm.s32 $0xC028  }
0x44e: {  	[hbm4b:s9+s1] =	stream.linear.scatter [tilespmem:s18], [sflag:$0x3], $0x80, $0x38;
	[tilespmem:$0xE800] =	vst v63  }
0x44f: {  	s22 =	sadd.s32 $0x60, s2;
	s31 =	simm.s32 $0xC0B0  }
0x450: {  	[hbm4b:s22+s1] =	stream.linear.scatter [tilespmem:s31], [sflag:$0x3], $0x80, $0x38;
	[tilespmem:$0xE800] =	vst v63  }
0x451: {  	s2 =	sadd.s32 $0x70, s2;
	s5 =	simm.s32 $0xC138  }
0x452: {  	[hbm4b:s2+s1] =	stream.linear.scatter [tilespmem:s5], [sflag:$0x3], $0x80, $0x38;
	[tilespmem:$0xE800] =	vst v63  }
0x453: {  	s8 =	simm.s32 $0xC1C0;
	s2 =	rddreg [dreg:$0x1b]  }
0x454: {  	[hbm4b:s2+s1] =	stream.linear.scatter [tilespmem:s8], [sflag:$0x3], $0x80, $0x38;
	[tilespmem:$0xE800] =	vst v63  }
0x455: {  	s18 =	simm.s32 $0xC248;
	s9 =	sadd.s32 $0x10, s2  }
0x456: {  	[hbm4b:s9+s1] =	stream.linear.scatter [tilespmem:s18], [sflag:$0x3], $0x80, $0x38;
	[tilespmem:$0xE800] =	vst v63  }
0x457: {  	s31 =	simm.s32 $0xC2D0;
	s22 =	sadd.s32 $0x20, s2  }
0x458: {  	[hbm4b:s22+s1] =	stream.linear.scatter [tilespmem:s31], [sflag:$0x3], $0x80, $0x38;
	[tilespmem:$0xE800] =	vst v63  }
0x459: {  	s5 =	sadd.s32 $0x30, s2;
	s8 =	simm.s32 $0xC358  }
0x45a: {  	[hbm4b:s5+s1] =	stream.linear.scatter [tilespmem:s8], [sflag:$0x3], $0x80, $0x38;
	[tilespmem:$0xE800] =	vst v63  }
0x45b: {  	s9 =	sadd.s32 $0x40, s2;
	s18 =	simm.s32 $0xC3E0  }
0x45c: {  	[hbm4b:s9+s1] =	stream.linear.scatter [tilespmem:s18], [sflag:$0x3], $0x80, $0x38;
	[tilespmem:$0xE800] =	vst v63  }
0x45d: {  	s22 =	sadd.s32 $0x50, s2;
	s31 =	simm.s32 $0xC468  }
0x45e: {  	[hbm4b:s22+s1] =	stream.linear.scatter [tilespmem:s31], [sflag:$0x3], $0x80, $0x38;
	[tilespmem:$0xE800] =	vst v63  }
0x45f: {  	s8 =	sadd.s32 $0x60, s2;
	s9 =	simm.s32 $0xC4F0  }
0x460: {  	[hbm4b:s8+s1] =	stream.linear.scatter [tilespmem:s9], [sflag:$0x3], $0x80, $0x38;
	[tilespmem:$0xE800] =	vst v63  }
0x461: {  	s18 =	sadd.s32 $0x70, s2;
	s22 =	simm.s32 $0xC578  }
0x462: {  	[hbm4b:s18+s1] =	stream.linear.scatter [tilespmem:s22], [sflag:$0x3], $0x80, $0x38;
	[tilespmem:$0xE800] =	vst v63  }
0x463: {  	_ =	swait.ge [sflag:s7], $0x2000  }
0x464: {  	[sflag:s7] =	ssyncset.done $0x0  }
0x465: {  	[sflag:s7] =	ssyncadd.s32 $0xFFFFE000  }
0x466: {  	_ =	swait.ge [sflag:s21], $0x400  }
0x467: {  	[sflag:s21] =	ssyncset.done $0x0  }
0x468: {  	[sflag:s21] =	ssyncadd.s32 $0xFFFFFC00  }
0x469: {  	_ =	swait.ge [sflag:s21], $0x400  }
0x46a: {  	[sflag:s21] =	ssyncset.done $0x0  }
0x46b: {  	[sflag:s21] =	ssyncadd.s32 $0xFFFFFC00  }
0x46c: {  	_ =	swait.ge [sflag:s21], $0x400  }
0x46d: {  	[sflag:s21] =	ssyncset.done $0x0  }
0x46e: {  	[sflag:s21] =	ssyncadd.s32 $0xFFFFFC00  }
0x46f: {  	_ =	swait.ge [sflag:s21], $0x400  }
0x470: {  	[sflag:s21] =	ssyncset.done $0x0  }
0x471: {  	[sflag:s21] =	ssyncadd.s32 $0xFFFFFC00  }
0x472: {  	_ =	swait.ge [sflag:s21], $0x400  }
0x473: {  	[sflag:s21] =	ssyncset.done $0x0  }
0x474: {  	[sflag:s21] =	ssyncadd.s32 $0xFFFFFC00  }
0x475: {  	_ =	swait.ge [sflag:s21], $0x400  }
0x476: {  	[sflag:s21] =	ssyncset.done $0x0  }
0x477: {  	[sflag:s21] =	ssyncadd.s32 $0xFFFFFC00  }
0x478: {  	_ =	swait.ge [sflag:s21], $0x400  }
0x479: {  	[sflag:s21] =	ssyncset.done $0x0  }
0x47a: {  	[sflag:s21] =	ssyncadd.s32 $0xFFFFFC00  }
0x47b: {  	_ =	swait.ge [sflag:s21], $0x400  }
0x47c: {  	[sflag:s21] =	ssyncset.done $0x0  }
0x47d: {  	s31 =	simm.s32 $0xC600;
	s2 =	rddreg [dreg:$0x1c];
	[sflag:s21] =	ssyncadd.s32 $0xFFFFFC00  }
0x47e: {  	[hbm4b:s2+s1] =	stream.linear.scatter [tilespmem:s31], [sflag:$0x4], $0x80, $0x38;
	[tilespmem:$0xE800] =	vst v63  }
0x47f: {  	s8 =	simm.s32 $0xC688;
	s5 =	sadd.s32 $0x10, s2  }
0x480: {  	[hbm4b:s5+s1] =	stream.linear.scatter [tilespmem:s8], [sflag:$0x4], $0x80, $0x38;
	[tilespmem:$0xE800] =	vst v63  }
0x481: {  	s18 =	simm.s32 $0xC710;
	s9 =	sadd.s32 $0x20, s2  }
0x482: {  	[hbm4b:s9+s1] =	stream.linear.scatter [tilespmem:s18], [sflag:$0x4], $0x80, $0x38;
	[tilespmem:$0xE800] =	vst v63  }
0x483: {  	s22 =	sadd.s32 $0x30, s2;
	s31 =	simm.s32 $0xC798  }
0x484: {  	[hbm4b:s22+s1] =	stream.linear.scatter [tilespmem:s31], [sflag:$0x4], $0x80, $0x38;
	[tilespmem:$0xE800] =	vst v63  }
0x485: {  	s5 =	sadd.s32 $0x40, s2;
	s8 =	simm.s32 $0xC820  }
0x486: {  	[hbm4b:s5+s1] =	stream.linear.scatter [tilespmem:s8], [sflag:$0x4], $0x80, $0x38;
	[tilespmem:$0xE800] =	vst v63  }
0x487: {  	s9 =	sadd.s32 $0x50, s2;
	s18 =	simm.s32 $0xC8A8  }
0x488: {  	[hbm4b:s9+s1] =	stream.linear.scatter [tilespmem:s18], [sflag:$0x4], $0x80, $0x38;
	[tilespmem:$0xE800] =	vst v63  }
0x489: {  	s22 =	sadd.s32 $0x60, s2;
	s31 =	simm.s32 $0xC930  }
0x48a: {  	[hbm4b:s22+s1] =	stream.linear.scatter [tilespmem:s31], [sflag:$0x4], $0x80, $0x38;
	[tilespmem:$0xE800] =	vst v63  }
0x48b: {  	s2 =	sadd.s32 $0x70, s2;
	s5 =	simm.s32 $0xC9B8  }
0x48c: {  	[hbm4b:s2+s1] =	stream.linear.scatter [tilespmem:s5], [sflag:$0x4], $0x80, $0x38;
	[tilespmem:$0xE800] =	vst v63  }
0x48d: {  	s8 =	simm.s32 $0xCA40;
	s2 =	rddreg [dreg:$0x1d]  }
0x48e: {  	[hbm4b:s2+s1] =	stream.linear.scatter [tilespmem:s8], [sflag:$0x4], $0x80, $0x38;
	[tilespmem:$0xE800] =	vst v63  }
0x48f: {  	s18 =	simm.s32 $0xCAC8;
	s9 =	sadd.s32 $0x10, s2  }
0x490: {  	[hbm4b:s9+s1] =	stream.linear.scatter [tilespmem:s18], [sflag:$0x4], $0x80, $0x38;
	[tilespmem:$0xE800] =	vst v63  }
0x491: {  	s31 =	simm.s32 $0xCB50;
	s22 =	sadd.s32 $0x20, s2  }
0x492: {  	[hbm4b:s22+s1] =	stream.linear.scatter [tilespmem:s31], [sflag:$0x4], $0x80, $0x38;
	[tilespmem:$0xE800] =	vst v63  }
0x493: {  	s5 =	sadd.s32 $0x30, s2;
	s8 =	simm.s32 $0xCBD8  }
0x494: {  	[hbm4b:s5+s1] =	stream.linear.scatter [tilespmem:s8], [sflag:$0x4], $0x80, $0x38;
	[tilespmem:$0xE800] =	vst v63  }
0x495: {  	s9 =	sadd.s32 $0x40, s2;
	s18 =	simm.s32 $0xCC60  }
0x496: {  	[hbm4b:s9+s1] =	stream.linear.scatter [tilespmem:s18], [sflag:$0x4], $0x80, $0x38;
	[tilespmem:$0xE800] =	vst v63  }
0x497: {  	s22 =	sadd.s32 $0x50, s2;
	s31 =	simm.s32 $0xCCE8  }
0x498: {  	[hbm4b:s22+s1] =	stream.linear.scatter [tilespmem:s31], [sflag:$0x4], $0x80, $0x38;
	[tilespmem:$0xE800] =	vst v63  }
0x499: {  	s8 =	sadd.s32 $0x60, s2;
	s9 =	simm.s32 $0xCD70  }
0x49a: {  	[hbm4b:s8+s1] =	stream.linear.scatter [tilespmem:s9], [sflag:$0x4], $0x80, $0x38;
	[tilespmem:$0xE800] =	vst v63  }
0x49b: {  	s18 =	sadd.s32 $0x70, s2;
	s22 =	simm.s32 $0xCDF8  }
0x49c: {  	[hbm4b:s18+s1] =	stream.linear.scatter [tilespmem:s22], [sflag:$0x4], $0x80, $0x38;
	[tilespmem:$0xE800] =	vst v63  }
0x49d: {  	s2 =	rddreg [dreg:$0x1e];
	s31 =	simm.s32 $0xCE80  }
0x49e: {  	[hbm4b:s2+s1] =	stream.linear.scatter [tilespmem:s31], [sflag:$0x4], $0x80, $0x38;
	[tilespmem:$0xE800] =	vst v63  }
0x49f: {  	s5 =	sadd.s32 $0x10, s2;
	s8 =	simm.s32 $0xCF08  }
0x4a0: {  	[hbm4b:s5+s1] =	stream.linear.scatter [tilespmem:s8], [sflag:$0x4], $0x80, $0x38;
	[tilespmem:$0xE800] =	vst v63  }
0x4a1: {  	s9 =	sadd.s32 $0x20, s2;
	s18 =	simm.s32 $0xCF90  }
0x4a2: {  	[hbm4b:s9+s1] =	stream.linear.scatter [tilespmem:s18], [sflag:$0x4], $0x80, $0x38;
	[tilespmem:$0xE800] =	vst v63  }
0x4a3: {  	s22 =	sadd.s32 $0x30, s2;
	s31 =	simm.s32 $0xD018  }
0x4a4: {  	[hbm4b:s22+s1] =	stream.linear.scatter [tilespmem:s31], [sflag:$0x4], $0x80, $0x38;
	[tilespmem:$0xE800] =	vst v63  }
0x4a5: {  	s5 =	sadd.s32 $0x40, s2;
	s8 =	simm.s32 $0xD0A0  }
0x4a6: {  	[hbm4b:s5+s1] =	stream.linear.scatter [tilespmem:s8], [sflag:$0x4], $0x80, $0x38;
	[tilespmem:$0xE800] =	vst v63  }
0x4a7: {  	s9 =	sadd.s32 $0x50, s2;
	s18 =	simm.s32 $0xD128  }
0x4a8: {  	[hbm4b:s9+s1] =	stream.linear.scatter [tilespmem:s18], [sflag:$0x4], $0x80, $0x38;
	[tilespmem:$0xE800] =	vst v63  }
0x4a9: {  	s22 =	sadd.s32 $0x60, s2;
	s31 =	simm.s32 $0xD1B0  }
0x4aa: {  	[hbm4b:s22+s1] =	stream.linear.scatter [tilespmem:s31], [sflag:$0x4], $0x80, $0x38;
	[tilespmem:$0xE800] =	vst v63  }
0x4ab: {  	s2 =	sadd.s32 $0x70, s2;
	s5 =	simm.s32 $0xD238  }
0x4ac: {  	[hbm4b:s2+s1] =	stream.linear.scatter [tilespmem:s5], [sflag:$0x4], $0x80, $0x38;
	[tilespmem:$0xE800] =	vst v63  }
0x4ad: {  	s8 =	simm.s32 $0xD2C0;
	s2 =	rddreg [dreg:$0x1f]  }
0x4ae: {  	[hbm4b:s2+s1] =	stream.linear.scatter [tilespmem:s8], [sflag:$0x4], $0x80, $0x38;
	[tilespmem:$0xE800] =	vst v63  }
0x4af: {  	s18 =	simm.s32 $0xD348;
	s9 =	sadd.s32 $0x10, s2  }
0x4b0: {  	[hbm4b:s9+s1] =	stream.linear.scatter [tilespmem:s18], [sflag:$0x4], $0x80, $0x38;
	[tilespmem:$0xE800] =	vst v63  }
0x4b1: {  	s31 =	simm.s32 $0xD3D0;
	s22 =	sadd.s32 $0x20, s2  }
0x4b2: {  	[hbm4b:s22+s1] =	stream.linear.scatter [tilespmem:s31], [sflag:$0x4], $0x80, $0x38;
	[tilespmem:$0xE800] =	vst v63  }
0x4b3: {  	s5 =	sadd.s32 $0x30, s2;
	s8 =	simm.s32 $0xD458  }
0x4b4: {  	[hbm4b:s5+s1] =	stream.linear.scatter [tilespmem:s8], [sflag:$0x4], $0x80, $0x38;
	[tilespmem:$0xE800] =	vst v63  }
0x4b5: {  	s9 =	sadd.s32 $0x40, s2;
	s18 =	simm.s32 $0xD4E0  }
0x4b6: {  	[hbm4b:s9+s1] =	stream.linear.scatter [tilespmem:s18], [sflag:$0x4], $0x80, $0x38;
	[tilespmem:$0xE800] =	vst v63  }
0x4b7: {  	s22 =	sadd.s32 $0x50, s2;
	s31 =	simm.s32 $0xD568  }
0x4b8: {  	[hbm4b:s22+s1] =	stream.linear.scatter [tilespmem:s31], [sflag:$0x4], $0x80, $0x38;
	[tilespmem:$0xE800] =	vst v63  }
0x4b9: {  	s8 =	sadd.s32 $0x60, s2;
	s9 =	simm.s32 $0xD5F0  }
0x4ba: {  	[hbm4b:s8+s1] =	stream.linear.scatter [tilespmem:s9], [sflag:$0x4], $0x80, $0x38;
	[tilespmem:$0xE800] =	vst v63  }
0x4bb: {  	s18 =	sadd.s32 $0x70, s2;
	s2 =	sld [smem:$0x7F8];
	s22 =	simm.s32 $0xD678  }
0x4bc: {  	[hbm4b:s18+s1] =	stream.linear.scatter [tilespmem:s22], [sflag:$0x4], $0x80, $0x38;
	[tilespmem:$0xE800] =	vst v63  }
0x4bd: {  	s31 =	simm.s32 $0xD700  }
0x4be: {  	[hbm4b:s2+s1] =	stream.linear.scatter [tilespmem:s31], [sflag:$0x4], $0x80, $0x38;
	[tilespmem:$0xE800] =	vst v63  }
0x4bf: {  	s5 =	sadd.s32 $0x10, s2;
	s8 =	simm.s32 $0xD788  }
0x4c0: {  	[hbm4b:s5+s1] =	stream.linear.scatter [tilespmem:s8], [sflag:$0x4], $0x80, $0x38;
	[tilespmem:$0xE800] =	vst v63  }
0x4c1: {  	s9 =	sadd.s32 $0x20, s2;
	s18 =	simm.s32 $0xD810  }
0x4c2: {  	[hbm4b:s9+s1] =	stream.linear.scatter [tilespmem:s18], [sflag:$0x4], $0x80, $0x38;
	[tilespmem:$0xE800] =	vst v63  }
0x4c3: {  	s22 =	sadd.s32 $0x30, s2;
	s31 =	simm.s32 $0xD898  }
0x4c4: {  	[hbm4b:s22+s1] =	stream.linear.scatter [tilespmem:s31], [sflag:$0x4], $0x80, $0x38;
	[tilespmem:$0xE800] =	vst v63  }
0x4c5: {  	s5 =	sadd.s32 $0x40, s2;
	s8 =	simm.s32 $0xD920  }
0x4c6: {  	[hbm4b:s5+s1] =	stream.linear.scatter [tilespmem:s8], [sflag:$0x4], $0x80, $0x38;
	[tilespmem:$0xE800] =	vst v63  }
0x4c7: {  	s9 =	sadd.s32 $0x50, s2;
	s18 =	simm.s32 $0xD9A8  }
0x4c8: {  	[hbm4b:s9+s1] =	stream.linear.scatter [tilespmem:s18], [sflag:$0x4], $0x80, $0x38;
	[tilespmem:$0xE800] =	vst v63  }
0x4c9: {  	s22 =	sadd.s32 $0x60, s2;
	s31 =	simm.s32 $0xDA30  }
0x4ca: {  	[hbm4b:s22+s1] =	stream.linear.scatter [tilespmem:s31], [sflag:$0x4], $0x80, $0x38;
	[tilespmem:$0xE800] =	vst v63  }
0x4cb: {  	s2 =	sadd.s32 $0x70, s2;
	s5 =	simm.s32 $0xDAB8  }
0x4cc: {  	[hbm4b:s2+s1] =	stream.linear.scatter [tilespmem:s5], [sflag:$0x4], $0x80, $0x38;
	[tilespmem:$0xE800] =	vst v63  }
0x4cd: {  	s2 =	sld [smem:$0x7F9];
	_ =	sdelay $0x1  }
0x4ce: {  	s8 =	simm.s32 $0xDB40  }
0x4cf: {  	[hbm4b:s2+s1] =	stream.linear.scatter [tilespmem:s8], [sflag:$0x4], $0x80, $0x38;
	[tilespmem:$0xE800] =	vst v63  }
0x4d0: {  	s18 =	simm.s32 $0xDBC8;
	s9 =	sadd.s32 $0x10, s2  }
0x4d1: {  	[hbm4b:s9+s1] =	stream.linear.scatter [tilespmem:s18], [sflag:$0x4], $0x80, $0x38;
	[tilespmem:$0xE800] =	vst v63  }
0x4d2: {  	s31 =	simm.s32 $0xDC50;
	s22 =	sadd.s32 $0x20, s2  }
0x4d3: {  	[hbm4b:s22+s1] =	stream.linear.scatter [tilespmem:s31], [sflag:$0x4], $0x80, $0x38;
	[tilespmem:$0xE800] =	vst v63  }
0x4d4: {  	s5 =	sadd.s32 $0x30, s2;
	s8 =	simm.s32 $0xDCD8  }
0x4d5: {  	[hbm4b:s5+s1] =	stream.linear.scatter [tilespmem:s8], [sflag:$0x4], $0x80, $0x38;
	[tilespmem:$0xE800] =	vst v63  }
0x4d6: {  	s9 =	sadd.s32 $0x40, s2;
	s18 =	simm.s32 $0xDD60  }
0x4d7: {  	[hbm4b:s9+s1] =	stream.linear.scatter [tilespmem:s18], [sflag:$0x4], $0x80, $0x38;
	[tilespmem:$0xE800] =	vst v63  }
0x4d8: {  	s22 =	sadd.s32 $0x50, s2;
	s31 =	simm.s32 $0xDDE8  }
0x4d9: {  	[hbm4b:s22+s1] =	stream.linear.scatter [tilespmem:s31], [sflag:$0x4], $0x80, $0x38;
	[tilespmem:$0xE800] =	vst v63  }
0x4da: {  	s8 =	sadd.s32 $0x60, s2;
	s9 =	simm.s32 $0xDE70  }
0x4db: {  	[hbm4b:s8+s1] =	stream.linear.scatter [tilespmem:s9], [sflag:$0x4], $0x80, $0x38;
	[tilespmem:$0xE800] =	vst v63  }
0x4dc: {  	s18 =	sadd.s32 $0x70, s2;
	s2 =	sld [smem:$0x7FA];
	s22 =	simm.s32 $0xDEF8  }
0x4dd: {  	[hbm4b:s18+s1] =	stream.linear.scatter [tilespmem:s22], [sflag:$0x4], $0x80, $0x38;
	[tilespmem:$0xE800] =	vst v63  }
0x4de: {  	s31 =	simm.s32 $0xDF80  }
0x4df: {  	[hbm4b:s2+s1] =	stream.linear.scatter [tilespmem:s31], [sflag:$0x4], $0x80, $0x38;
	[tilespmem:$0xE800] =	vst v63  }
0x4e0: {  	s5 =	sadd.s32 $0x10, s2;
	s8 =	simm.s32 $0xE008  }
0x4e1: {  	[hbm4b:s5+s1] =	stream.linear.scatter [tilespmem:s8], [sflag:$0x4], $0x80, $0x38;
	[tilespmem:$0xE800] =	vst v63  }
0x4e2: {  	s9 =	sadd.s32 $0x20, s2;
	s18 =	simm.s32 $0xE090  }
0x4e3: {  	[hbm4b:s9+s1] =	stream.linear.scatter [tilespmem:s18], [sflag:$0x4], $0x80, $0x38;
	[tilespmem:$0xE800] =	vst v63  }
0x4e4: {  	s22 =	sadd.s32 $0x30, s2;
	s31 =	simm.s32 $0xE118  }
0x4e5: {  	[hbm4b:s22+s1] =	stream.linear.scatter [tilespmem:s31], [sflag:$0x4], $0x80, $0x38;
	[tilespmem:$0xE800] =	vst v63  }
0x4e6: {  	s5 =	sadd.s32 $0x40, s2;
	s8 =	simm.s32 $0xE1A0  }
0x4e7: {  	[hbm4b:s5+s1] =	stream.linear.scatter [tilespmem:s8], [sflag:$0x4], $0x80, $0x38;
	[tilespmem:$0xE800] =	vst v63  }
0x4e8: {  	s9 =	sadd.s32 $0x50, s2;
	s18 =	simm.s32 $0xE228  }
0x4e9: {  	[hbm4b:s9+s1] =	stream.linear.scatter [tilespmem:s18], [sflag:$0x4], $0x80, $0x38;
	[tilespmem:$0xE800] =	vst v63  }
0x4ea: {  	s22 =	sadd.s32 $0x60, s2;
	s31 =	simm.s32 $0xE2B0  }
0x4eb: {  	[hbm4b:s22+s1] =	stream.linear.scatter [tilespmem:s31], [sflag:$0x4], $0x80, $0x38;
	[tilespmem:$0xE800] =	vst v63  }
0x4ec: {  	s5 =	sadd.s32 $0x70, s2;
	s8 =	simm.s32 $0xE338;
	s9 =	sld [smem:$0x7FB]  }
0x4ed: {  	[hbm4b:s5+s1] =	stream.linear.scatter [tilespmem:s8], [sflag:$0x4], $0x80, $0x38;
	[tilespmem:$0xE800] =	vst v63  }
0x4ee: {  	_ = 	snop  }
0x4ef: {  	[hbm4b:s9+s1] =	stream.linear.scatter [tilespmem:s10], [sflag:$0x4], $0x80, $0x38;
	[tilespmem:$0xE800] =	vst v63  }
0x4f0: {  	s10 =	sadd.s32 $0x10, s9  }
0x4f1: {  	[hbm4b:s10+s1] =	stream.linear.scatter [tilespmem:s11], [sflag:$0x4], $0x80, $0x38;
	[tilespmem:$0xE800] =	vst v63  }
0x4f2: {  	s11 =	sadd.s32 $0x20, s9  }
0x4f3: {  	[hbm4b:s11+s1] =	stream.linear.scatter [tilespmem:s12], [sflag:$0x4], $0x80, $0x38;
	[tilespmem:$0xE800] =	vst v63  }
0x4f4: {  	s12 =	sadd.s32 $0x30, s9  }
0x4f5: {  	[hbm4b:s12+s1] =	stream.linear.scatter [tilespmem:s13], [sflag:$0x4], $0x80, $0x38;
	[tilespmem:$0xE800] =	vst v63  }
0x4f6: {  	s13 =	sadd.s32 $0x40, s9  }
0x4f7: {  	[hbm4b:s13+s1] =	stream.linear.scatter [tilespmem:s14], [sflag:$0x4], $0x80, $0x38;
	[tilespmem:$0xE800] =	vst v63  }
0x4f8: {  	s14 =	sadd.s32 $0x50, s9  }
0x4f9: {  	[hbm4b:s14+s1] =	stream.linear.scatter [tilespmem:s15], [sflag:$0x4], $0x80, $0x38;
	[tilespmem:$0xE800] =	vst v63  }
0x4fa: {  	s15 =	sadd.s32 $0x60, s9  }
0x4fb: {  	[hbm4b:s15+s1] =	stream.linear.scatter [tilespmem:s16], [sflag:$0x4], $0x80, $0x38;
	[tilespmem:$0xE800] =	vst v63  }
0x4fc: {  	s16 =	sadd.s32 $0x70, s9  }
0x4fd: {  	[hbm4b:s16+s1] =	stream.linear.scatter [tilespmem:s6], [sflag:$0x4], $0x80, $0x38;
	[tilespmem:$0xE800] =	vst v63  }
0x4fe: {  	_ =	swait.ge [sflag:s19], $0x400  }
0x4ff: {  	[sflag:s19] =	ssyncset.done $0x0  }
0x500: {  	[sflag:s19] =	ssyncadd.s32 $0xFFFFFC00  }
0x501: {  	_ =	swait.ge [sflag:s19], $0x400  }
0x502: {  	[sflag:s19] =	ssyncset.done $0x0  }
0x503: {  	[sflag:s19] =	ssyncadd.s32 $0xFFFFFC00  }
0x504: {  	_ =	swait.ge [sflag:s19], $0x400  }
0x505: {  	[sflag:s19] =	ssyncset.done $0x0  }
0x506: {  	[sflag:s19] =	ssyncadd.s32 $0xFFFFFC00  }
0x507: {  	_ =	swait.ge [sflag:s19], $0x400  }
0x508: {  	[sflag:s19] =	ssyncset.done $0x0  }
0x509: {  	[sflag:s19] =	ssyncadd.s32 $0xFFFFFC00  }
0x50a: {  	_ =	swait.ge [sflag:s19], $0x400  }
0x50b: {  	[sflag:s19] =	ssyncset.done $0x0  }
0x50c: {  	[sflag:s19] =	ssyncadd.s32 $0xFFFFFC00  }
0x50d: {  	_ =	swait.ge [sflag:s19], $0x400  }
0x50e: {  	[sflag:s19] =	ssyncset.done $0x0  }
0x50f: {  	[sflag:s19] =	ssyncadd.s32 $0xFFFFFC00  }
0x510: {  	_ =	swait.ge [sflag:s19], $0x400  }
0x511: {  	[sflag:s19] =	ssyncset.done $0x0  }
0x512: {  	[sflag:s19] =	ssyncadd.s32 $0xFFFFFC00  }
0x513: {  	_ =	swait.ge [sflag:s19], $0x400  }
0x514: {  	[sflag:s19] =	ssyncset.done $0x0  }
0x515: {  	[sflag:s19] =	ssyncadd.s32 $0xFFFFFC00  }
0x516: {  	_ =	swait.ge [sflag:s21], $0x400  }
0x517: {  	[sflag:s21] =	ssyncset.done $0x0  }
0x518: {  	[sflag:s21] =	ssyncadd.s32 $0xFFFFFC00  }
0x519: {  	_ =	swait.ge [sflag:s21], $0x400  }
0x51a: {  	[sflag:s21] =	ssyncset.done $0x0  }
0x51b: {  	[sflag:s21] =	ssyncadd.s32 $0xFFFFFC00  }
0x51c: {  	_ =	swait.ge [sflag:s21], $0x400  }
0x51d: {  	[sflag:s21] =	ssyncset.done $0x0  }
0x51e: {  	[sflag:s21] =	ssyncadd.s32 $0xFFFFFC00  }
0x51f: {  	_ =	swait.ge [sflag:s21], $0x400  }
0x520: {  	[sflag:s21] =	ssyncset.done $0x0  }
0x521: {  	[sflag:s21] =	ssyncadd.s32 $0xFFFFFC00  }
0x522: {  	_ =	swait.ge [sflag:s21], $0x400  }
0x523: {  	[sflag:s21] =	ssyncset.done $0x0  }
0x524: {  	[sflag:s21] =	ssyncadd.s32 $0xFFFFFC00  }
0x525: {  	_ =	swait.ge [sflag:s21], $0x400  }
0x526: {  	[sflag:s21] =	ssyncset.done $0x0  }
0x527: {  	[sflag:s21] =	ssyncadd.s32 $0xFFFFFC00  }
0x528: {  	_ =	swait.ge [sflag:s21], $0x400  }
0x529: {  	[sflag:s21] =	ssyncset.done $0x0  }
0x52a: {  	[sflag:s21] =	ssyncadd.s32 $0xFFFFFC00  }
0x52b: {  	_ =	swait.ge [sflag:s21], $0x400  }
0x52c: {  	s22 =	sld [smem:$0x7F7]  }
0x52d: {  	s31 =	sld [smem:$0x7FC];
	_ =	sdelay $0x1  }
0x52e: {  	s2 =	sadd.s32 $0x1, s22  }
0x52f: {  	p0 =	sne.s32 s2, s31  }
.Ltmp1:
0x530: {  	_ = 	snop;
	(pc) =	sbr.rel @p0 .LBB2_1-.Ltmp1, $3  }
0x531: {  	_ =	sdelay $0x1  }
0x532: {  	[sflag:s21] =	ssyncset.done $0x0  }
0x533: {  	s18 =	simm.s32 $0xE778;
	s8 =	simm.s32 $0x6400;
	[sflag:s21] =	ssyncadd.s32 $0xFFFFFC00  }
0x534: {  	_ =	sfence.sel $0x180000  }
0x535: {  	[bflag:$0x0] =	sbarrier.arrive $0xFFFF  }
0x536: {  	_ =	strace $0x90000047  }
0x537: {  	s0 =	stileid.u32;
	[bflag:$0x2] =	sbarrier.arrive $0xFFFF  }
0x538: {  	p0 =	sne.s32 s0, $0x0;
	s0 =	rddreg [dreg:$0x2]  }
0x539: {  	s0 =	sadd.s32 @!p0 $0x100000, s0  }
0x53a: {  	[sflag:s0] =	ssyncadd.tile.s32 @!p0 $0x1;
	_ =	shalt  }
.Lfunc_end2:
_tile_overlayer_lowered:
.L_overlay_start_2:
0x53b: {  	(tag) =	ssettag $0x2  }
0x53c: {  	s0 =	rddreg [dreg:$0x0];
	s2 =	stileid.u32  }
0x53d: {  	s1 =	rddreg [dreg:$0x1];
	p0 =	sne.s32 s2, $0x0  }
0x53e: {  	s3 =	rddreg [dreg:$0x2];
	[bflag:$0x3] =	sbarrier.arrive $0xFFFF;
	s2 =	simm.s32 @!p0 $0x1C05  }
0x53f: {  	[timem:s3], [sflag:s2] =	dma.local @!p0 [hbm:s0], s1  }
0x540: {  	s0 =	simm.s32 @!p0 $0x5  }
0x541: {  	_ =	swait.ge @!p0 [sflag:s0], s1  }
0x542: {  	s1 =	ssub.s32 @!p0 $0x0, s1;
	[sflag:s0] =	ssyncset.done @!p0 $0x0  }
0x543: {  	[sflag:s0] =	ssyncadd.s32 @!p0 s1  }
0x544: {  	[bflag:$0x3] =	sbarrier.arrive $0xFFFF  }
0x545: {  	_ =	shalt  }

</sc_bundles>
